<compile_context>
chip_gen: v7x
topology: tpu7x:2x2x1
jax: 0.10.2.dev20260603
libtpu: 0.0.44.dev20260713+nightly
codegen_flags: <defaults>
</compile_context>

<pallas_src>
import functools

import jax
import jax.numpy as jnp
from jax import lax
from jax.experimental import pallas as pl
from jax.experimental.pallas import tpu as pltpu
from jax.experimental.pallas import tpu_sc as plsc

N = 10000
E = 320000
D = 128
HD = 64
ED = 16
NT = 5
DW = 80
NC = 2
NS = 16
NW = NC * NS
EW = E // NW
KB = 80
NB = EW // KB
ROWS_W = N // NS


def _prep_body(h_ref, w_ref, al_ref, ar_ref, rw_ref, rb_ref, wr2_ref, eeb_ref,
               ae_ref, lo_ref, hi_ref, res_ref, hl_ref, hr_ref, he_ref):
    h = h_ref[...]
    emb = jnp.dot(h, w_ref[...], preferred_element_type=jnp.float32)
    emb = jnp.where(jnp.isnan(emb), 0.0, emb)
    nrows = emb.shape[0]
    ones_pad = jnp.where(
        lax.broadcasted_iota(jnp.int32, (nrows, ED), 1) == 0, 1.0, 0.0)
    lo_ref[...] = jnp.concatenate([emb[:, :HD], ones_pad], axis=1)
    hi_ref[...] = jnp.concatenate([emb[:, HD:], jnp.zeros((nrows, ED),
                                                          jnp.float32)], axis=1)
    res_ref[...] = (jnp.dot(h, rw_ref[...], preferred_element_type=jnp.float32)
                    + rb_ref[...])
    hl_ref[...] = jnp.sum(emb * al_ref[...], axis=1, keepdims=True)
    hr_ref[...] = jnp.sum(emb * ar_ref[...], axis=1, keepdims=True)
    tmp = wr2_ref[...] * eeb_ref[...] * ae_ref[...]
    rowsum = jnp.sum(tmp, axis=1, keepdims=True)
    ii = lax.broadcasted_iota(jnp.int32, (ED, NT * ED), 0)
    jj = lax.broadcasted_iota(jnp.int32, (ED, NT * ED), 1) // ED
    m = jnp.where(ii == jj, 1.0, 0.0)
    he_ref[...] = jnp.dot(m, rowsum, preferred_element_type=jnp.float32)


def _prep(h, W, a_l, a_r, res_W, res_b, wr2, eeb, ae):
    blk = 1000
    grid = (N // blk,)
    return pl.pallas_call(
        _prep_body,
        grid=grid,
        in_specs=[
            pl.BlockSpec((blk, D), lambda j: (j, 0)),
            pl.BlockSpec((D, D), lambda j: (0, 0)),
            pl.BlockSpec((1, D), lambda j: (0, 0)),
            pl.BlockSpec((1, D), lambda j: (0, 0)),
            pl.BlockSpec((D, D), lambda j: (0, 0)),
            pl.BlockSpec((1, D), lambda j: (0, 0)),
            pl.BlockSpec((NT * ED, ED), lambda j: (0, 0)),
            pl.BlockSpec((NT * ED, 1), lambda j: (0, 0)),
            pl.BlockSpec((1, ED), lambda j: (0, 0)),
        ],
        out_specs=[
            pl.BlockSpec((blk, DW), lambda j: (j, 0)),
            pl.BlockSpec((blk, DW), lambda j: (j, 0)),
            pl.BlockSpec((blk, D), lambda j: (j, 0)),
            pl.BlockSpec((blk, 1), lambda j: (j, 0)),
            pl.BlockSpec((blk, 1), lambda j: (j, 0)),
            pl.BlockSpec((ED, 1), lambda j: (0, 0)),
        ],
        out_shape=[
            jax.ShapeDtypeStruct((N, DW), jnp.float32),
            jax.ShapeDtypeStruct((N, DW), jnp.float32),
            jax.ShapeDtypeStruct((N, D), jnp.float32),
            jax.ShapeDtypeStruct((N, 1), jnp.float32),
            jax.ShapeDtypeStruct((N, 1), jnp.float32),
            jax.ShapeDtypeStruct((ED, 1), jnp.float32),
        ],
    )(h, W, a_l, a_r, res_W, res_b, wr2, eeb, ae)


def _sc_call(row4, col4, et4, hl, hr, het, emb_lo, emb_hi):
    mesh = plsc.VectorSubcoreMesh(core_axis_name="c", subcore_axis_name="s",
                                  num_cores=NC, num_subcores=NS)

    @functools.partial(
        pl.kernel,
        out_type=[
            jax.ShapeDtypeStruct((NC, N, DW), jnp.float32),
            jax.ShapeDtypeStruct((NC, N, DW), jnp.float32),
        ],
        mesh=mesh,
        compiler_params=pltpu.CompilerParams(use_tc_tiling_on_sc=False,
                                             needs_layout_passes=False),
        scratch_types=[
            pltpu.VMEM((NB, KB), jnp.int32),
            pltpu.VMEM((NB, KB), jnp.int32),
            pltpu.VMEM((NB, KB), jnp.int32),
            pltpu.VMEM((N,), jnp.float32),
            pltpu.VMEM((N,), jnp.float32),
            pltpu.VMEM((ED,), jnp.float32),
            pltpu.VMEM((NB, KB), jnp.float32),
            pltpu.VMEM((KB, DW), jnp.float32),
            pltpu.VMEM((KB, DW), jnp.float32),
            pltpu.VMEM((KB, DW), jnp.float32),
            pltpu.VMEM_SHARED((N, DW), jnp.float32),
            pltpu.SemaphoreType.DMA,
            pltpu.SemaphoreType.DMA,
            pltpu.SemaphoreType.DMA,
            pltpu.SemaphoreType.DMA,
        ],
    )
    def k(row_hbm, col_hbm, et_hbm, hl_hbm, hr_hbm, het_hbm,
          lo_hbm, hi_hbm, out_lo_hbm, out_hi_hbm,
          row_v, col_v, et_v, hl_v, hr_v, het_v, p_v, g0, g1, g2, hacc,
          sem0, sem1, ssem0, ssem1):
        c = lax.axis_index("c")
        s = lax.axis_index("s")
        base_rows = s * ROWS_W

        pltpu.sync_copy(row_hbm.at[c, s], row_v)
        pltpu.sync_copy(col_hbm.at[c, s], col_v)
        pltpu.sync_copy(et_hbm.at[c, s], et_v)
        pltpu.sync_copy(hl_hbm, hl_v)
        pltpu.sync_copy(hr_hbm, hr_v)
        pltpu.sync_copy(het_hbm, het_v)

        def _zero_acc():
            def _z(r, carry):
                for v in range(DW // 16):
                    g0[r, pl.ds(v * 16, 16)] = jnp.zeros((16,), jnp.float32)
                return carry
            lax.fori_loop(0, KB, _z, 0)
            for k2 in range(ROWS_W // KB):
                pltpu.sync_copy(g0, hacc.at[pl.ds(base_rows + k2 * KB, KB)])
            rem = ROWS_W % KB
            if rem:
                pltpu.sync_copy(
                    g0.at[pl.ds(0, rem)],
                    hacc.at[pl.ds(base_rows + (ROWS_W // KB) * KB, rem)])

        def _att_all():
            @plsc.parallel_loop(0, NB, unroll=2)
            def _att(j):
                for v in range(KB // 16):
                    sl = pl.ds(v * 16, 16)
                    att = (plsc.load_gather(hl_v, [row_v[j, sl]])
                           + plsc.load_gather(hr_v, [col_v[j, sl]])
                           + plsc.load_gather(het_v, [et_v[j, sl]]))
                    att = jnp.where(att >= 0.0, att, 0.2 * att)
                    p_v[j, sl] = jnp.exp(att)

        def _do_block(j, g, nv):
            @plsc.parallel_loop(0, KB, unroll=8)
            def _scale(e):
                pe = plsc.load_gather(
                    p_v, [jnp.full((16,), j, jnp.int32),
                          jnp.full((16,), e, jnp.int32)])
                for v in range(nv):
                    sl = pl.ds(v * 16, 16)
                    g[e, sl] = g[e, sl] * pe
            pltpu.sync_copy(g, hacc.at[col_v.at[j]], add=True)

        def _pass(src_hbm, nv):
            pltpu.async_copy(src_hbm.at[row_v.at[0]], g0, sem0)
            pltpu.async_copy(src_hbm.at[row_v.at[1]], g1, sem1)

            def _outer(j3, carry):
                b = 3 * j3
                pltpu.async_copy(src_hbm.at[row_v.at[b + 2]], g2, ssem0)
                pltpu.make_async_copy(src_hbm.at[row_v.at[b]], g0, sem0).wait()
                _do_block(b, g0, nv)
                pltpu.async_copy(src_hbm.at[row_v.at[b + 3]], g0, sem0)
                pltpu.make_async_copy(src_hbm.at[row_v.at[b + 1]], g1,
                                      sem1).wait()
                _do_block(b + 1, g1, nv)
                pltpu.async_copy(src_hbm.at[row_v.at[b + 4]], g1, sem1)
                pltpu.make_async_copy(src_hbm.at[row_v.at[b + 2]], g2,
                                      ssem0).wait()
                _do_block(b + 2, g2, nv)
                return carry
            lax.fori_loop(0, (NB - 2) // 3, _outer, 0)
            pltpu.make_async_copy(src_hbm.at[row_v.at[NB - 2]], g0,
                                  sem0).wait()
            _do_block(NB - 2, g0, nv)
            pltpu.make_async_copy(src_hbm.at[row_v.at[NB - 1]], g1,
                                  sem1).wait()
            _do_block(NB - 1, g1, nv)

        _zero_acc()
        _att_all()
        plsc.subcore_barrier()

        _pass(lo_hbm, DW // 16)
        plsc.subcore_barrier()
        pltpu.sync_copy(hacc.at[pl.ds(base_rows, ROWS_W)],
                        out_lo_hbm.at[c, pl.ds(base_rows, ROWS_W)])
        plsc.subcore_barrier()

        _zero_acc()
        plsc.subcore_barrier()

        _pass(hi_hbm, HD // 16)
        plsc.subcore_barrier()
        pltpu.sync_copy(hacc.at[pl.ds(base_rows, ROWS_W)],
                        out_hi_hbm.at[c, pl.ds(base_rows, ROWS_W)])

    return k(row4, col4, et4, hl, hr, het, emb_lo, emb_hi)


def _final_body(lo0_ref, lo1_ref, hi0_ref, hi1_ref, res_ref, out_ref):
    lo = lo0_ref[...] + lo1_ref[...]
    hi = hi0_ref[...] + hi1_ref[...]
    denom = lo[:, HD:HD + 1] + 1e-9
    numer = jnp.concatenate([lo[:, :HD], hi[:, :HD]], axis=1)
    x = numer / denom + res_ref[...]
    out_ref[...] = jnp.where(x > 0.0, x, jnp.exp(x) - 1.0)


def _final(lo0, lo1, hi0, hi1, res):
    blk = 1000
    return pl.pallas_call(
        _final_body,
        grid=(N // blk,),
        in_specs=[
            pl.BlockSpec((blk, DW), lambda j: (j, 0)),
            pl.BlockSpec((blk, DW), lambda j: (j, 0)),
            pl.BlockSpec((blk, DW), lambda j: (j, 0)),
            pl.BlockSpec((blk, DW), lambda j: (j, 0)),
            pl.BlockSpec((blk, D), lambda j: (j, 0)),
        ],
        out_specs=pl.BlockSpec((blk, D), lambda j: (j, 0)),
        out_shape=jax.ShapeDtypeStruct((N, D), jnp.float32),
    )(lo0, lo1, hi0, hi1, res)


def kernel(h, edge_index, etype, W, edge_emb_table, W_r, a_l, a_r, a_e,
           res_W, res_b):
    row = edge_index[0].astype(jnp.int32)
    col = edge_index[1].astype(jnp.int32)
    et = etype.astype(jnp.int32)

    emb_lo, emb_hi, res, hl2, hr2, he2 = _prep(
        h, W,
        a_l.reshape(1, D), a_r.reshape(1, D),
        res_W, res_b.reshape(1, D),
        W_r.reshape(NT * ED, ED),
        edge_emb_table.reshape(NT * ED, 1),
        a_e.reshape(1, ED),
    )

    out_lo, out_hi = _sc_call(
        row.reshape(NC, NS, NB, KB),
        col.reshape(NC, NS, NB, KB),
        et.reshape(NC, NS, NB, KB),
        hl2.reshape(N), hr2.reshape(N), he2.reshape(ED),
        emb_lo, emb_hi,
    )

    return _final(out_lo[0], out_lo[1], out_hi[0], out_hi[1], res)

# --- scband reference (transcript-rebuilt; emitter-appended) ---
"""Pipeline reference for scband-simple-hgn-82952998355817 (READ-ONLY COPY).

The authoritative reference and input builder live on the scoring server;
editing this copy changes nothing except your own understanding.
"""

import jax, jax.numpy as jnp
import numpy as np

N = 10000
E = 320000
D_IN = 128
D_OUT = 128
H = 1
ED = 16
NT = 5


def setup_inputs(seed: int = 0) -> dict:
    key = jax.random.key(seed)
    ks = jax.random.split(key, 12)
    h = jax.random.normal(ks[0], (N, D_IN), dtype=jnp.float32)
    edge_index = jax.random.randint(ks[1], (2, E), 0, N)
    etype = jax.random.randint(ks[2], (E,), 0, NT)
    # learned parameters (xavier-ish scaling)
    W = jax.random.normal(ks[3], (D_IN, D_OUT * H), dtype=jnp.float32) * (1.414 / np.sqrt(D_IN + D_OUT * H))
    edge_emb_table = jax.random.normal(ks[4], (NT, ED), dtype=jnp.float32) * (1.414 / np.sqrt(NT + ED))
    W_r = jax.random.normal(ks[5], (NT, ED, ED * H), dtype=jnp.float32) * (1.414 / np.sqrt(ED + ED * H))
    a_l = jax.random.normal(ks[6], (1, H, D_OUT), dtype=jnp.float32) * 0.1
    a_r = jax.random.normal(ks[7], (1, H, D_OUT), dtype=jnp.float32) * 0.1
    a_e = jax.random.normal(ks[8], (1, H, ED), dtype=jnp.float32) * 0.1
    res_W = jax.random.normal(ks[9], (D_IN, D_OUT * H), dtype=jnp.float32) * (1.0 / np.sqrt(D_IN))
    res_b = jnp.zeros((D_OUT * H,), dtype=jnp.float32)
    return {"h": h, "edge_index": edge_index, "etype": etype, "W": W,
            "edge_emb_table": edge_emb_table, "W_r": W_r, "a_l": a_l,
            "a_r": a_r, "a_e": a_e, "res_W": res_W, "res_b": res_b}


def reference(h, edge_index, etype, W, edge_emb_table, W_r, a_l, a_r, a_e, res_W, res_b):
    # emb = feat_drop(h) @ W -> [N, H, D_OUT]; drop rate 0 at inference
    emb = jnp.matmul(h, W).reshape(-1, H, D_OUT)
    emb = jnp.where(jnp.isnan(emb), 0.0, emb)
    # edge embedding: gather per-edge type embedding, TypedLinear per etype
    ee = jnp.take(edge_emb_table, etype, axis=0)            # [E, ED]
    Wr_e = jnp.take(W_r, etype, axis=0)                     # [E, ED, ED*H]
    edge_emb = jnp.einsum('ed,edk->ek', ee, Wr_e).reshape(-1, H, ED)  # [E, H, ED]
    row = edge_index[0]
    col = edge_index[1]
    hl = (a_l * emb).sum(axis=-1)                           # [N, H]
    hr = (a_r * emb).sum(axis=-1)                           # [N, H]
    he = (a_e * edge_emb).sum(axis=-1)                      # [E, H]
    att = jnp.take(hl, row, axis=0) + he + jnp.take(hr, col, axis=0)  # [E, H]
    att = jax.nn.leaky_relu(att, negative_slope=0.2)
    # edge_softmax grouped by destination node
    amax = jax.ops.segment_max(att, col, num_segments=N)
    att = jnp.exp(att - jnp.take(amax, col, axis=0))
    asum = jax.ops.segment_sum(att, col, num_segments=N)
    alpha = att / (jnp.take(asum, col, axis=0) + 1e-9)      # [E, H]
    # message passing: u_mul_e then sum onto dst
    m = jnp.take(emb, row, axis=0) * alpha[:, :, None]      # [E, H, D_OUT]
    h_out = jax.ops.segment_sum(m, col, num_segments=N).reshape(-1, D_OUT * H)
    # residual + activation (elu)
    h_out = h_out + jnp.matmul(h, res_W) + res_b
    h_out = jax.nn.elu(h_out)
    return h_out

if __name__ == "__main__":
    import jax
    _d = setup_inputs()
    print(jax.jit(kernel)(*tuple(_d.values())))

</pallas_src>

<mosaic_0001>
#map = affine_map<(d0, d1) -> (0, 0, 0, 0)>
#map1 = affine_map<(d0, d1) -> (0)>
#map2 = affine_map<(d0, d1) -> (0, 0)>
#map3 = affine_map<(d0, d1) -> (0, 0, 0)>
module attributes {stable_mosaic.version = 14 : i64} {
  func.func @k(%arg0: i32, %arg1: i32, %arg2: memref<2x16x125x80xi32, #tpu.memory_space<hbm>>, %arg3: memref<2x16x125x80xi32, #tpu.memory_space<hbm>>, %arg4: memref<2x16x125x80xi32, #tpu.memory_space<hbm>>, %arg5: memref<10000xf32, #tpu.memory_space<hbm>>, %arg6: memref<10000xf32, #tpu.memory_space<hbm>>, %arg7: memref<16xf32, #tpu.memory_space<hbm>>, %arg8: memref<10000x80xf32, #tpu.memory_space<hbm>>, %arg9: memref<10000x80xf32, #tpu.memory_space<hbm>>, %arg10: memref<2x10000x80xf32, #tpu.memory_space<hbm>>, %arg11: memref<2x10000x80xf32, #tpu.memory_space<hbm>>, %arg12: memref<125x80xi32, #tpu.memory_space<vmem>>, %arg13: memref<125x80xi32, #tpu.memory_space<vmem>>, %arg14: memref<125x80xi32, #tpu.memory_space<vmem>>, %arg15: memref<10000xf32, #tpu.memory_space<vmem>>, %arg16: memref<10000xf32, #tpu.memory_space<vmem>>, %arg17: memref<16xf32, #tpu.memory_space<vmem>>, %arg18: memref<125x80xf32, #tpu.memory_space<vmem>>, %arg19: memref<80x80xf32, #tpu.memory_space<vmem>>, %arg20: memref<80x80xf32, #tpu.memory_space<vmem>>, %arg21: memref<80x80xf32, #tpu.memory_space<vmem>>, %arg22: memref<10000x80xf32, #tpu.memory_space<vmem_shared>>, %arg23: memref<!tpu.dma_semaphore, #tpu.memory_space<semaphore_mem>>, %arg24: memref<!tpu.dma_semaphore, #tpu.memory_space<semaphore_mem>>, %arg25: memref<!tpu.dma_semaphore, #tpu.memory_space<semaphore_mem>>, %arg26: memref<!tpu.dma_semaphore, #tpu.memory_space<semaphore_mem>>) attributes {dimension_semantics = [#tpu.dimension_semantics<core_parallel>, #tpu.dimension_semantics<subcore_parallel>], iteration_bounds = array<i64: 2, 16>, scalar_prefetch = 0 : i64, scratch_operands = 15 : i64, tpu.core_type = #tpu.core_type<sc_vector_subcore>, window_params = [{transform_indices = #map}, {transform_indices = #map}, {transform_indices = #map}, {transform_indices = #map1}, {transform_indices = #map1}, {transform_indices = #map1}, {transform_indices = #map2}, {transform_indices = #map2}, {transform_indices = #map3}, {transform_indices = #map3}]} {
    %mul3A = arith.constant 625 : i32
    %mul3A_0 = arith.muli %arg1, %mul3A : i32
    "tpu.region"() ({
      %run_scoped3A_130 = tpu.sem_alloc : memref<!tpu.dma_semaphore, #tpu.memory_space<semaphore_mem>>
      %dma_start3A_131 = arith.constant 0 : i32
      %dma_start3A_132 = arith.constant 0 : i32
      %dma_start3A_133 = tpu.memref_slice %arg2[%arg0, %arg1, %dma_start3A_131, %dma_start3A_132] : memref<2x16x125x80xi32, #tpu.memory_space<hbm>> -> memref<1x1x125x80xi32, #tpu.memory_space<hbm>>
      %dma_start3A_134 = tpu.memref_squeeze %dma_start3A_133 : memref<1x1x125x80xi32, #tpu.memory_space<hbm>> -> memref<125x80xi32, #tpu.memory_space<hbm>>
      %dma_start3A_135 = arith.constant 0 : i32
      %dma_start3A_136 = arith.constant 0 : i32
      %dma_start3A_137 = tpu.memref_slice %arg2[%arg0, %arg1, %dma_start3A_135, %dma_start3A_136] : memref<2x16x125x80xi32, #tpu.memory_space<hbm>> -> memref<1x1x125x80xi32, #tpu.memory_space<hbm>>
      %dma_start3A_138 = tpu.memref_squeeze %dma_start3A_137 : memref<1x1x125x80xi32, #tpu.memory_space<hbm>> -> memref<125x80xi32, #tpu.memory_space<hbm>>
      tpu.enqueue_dma source(%dma_start3A_138 : memref<125x80xi32, #tpu.memory_space<hbm>>) target(%arg12 : memref<125x80xi32, #tpu.memory_space<vmem>>) target_semaphore(%run_scoped3A_130 : memref<!tpu.dma_semaphore, #tpu.memory_space<semaphore_mem>>)
      %dma_wait3A_139 = arith.constant 0 : i32
      %dma_wait3A_140 = arith.constant 0 : i32
      %dma_wait3A_141 = tpu.memref_slice %arg2[%arg0, %arg1, %dma_wait3A_139, %dma_wait3A_140] : memref<2x16x125x80xi32, #tpu.memory_space<hbm>> -> memref<1x1x125x80xi32, #tpu.memory_space<hbm>>
      %dma_wait3A_142 = tpu.memref_squeeze %dma_wait3A_141 : memref<1x1x125x80xi32, #tpu.memory_space<hbm>> -> memref<125x80xi32, #tpu.memory_space<hbm>>
      %dma_wait3A_143 = arith.constant 0 : i32
      %dma_wait3A_144 = arith.constant 0 : i32
      %dma_wait3A_145 = tpu.memref_slice %arg2[%arg0, %arg1, %dma_wait3A_143, %dma_wait3A_144] : memref<2x16x125x80xi32, #tpu.memory_space<hbm>> -> memref<1x1x125x80xi32, #tpu.memory_space<hbm>>
      %dma_wait3A_146 = tpu.memref_squeeze %dma_wait3A_145 : memref<1x1x125x80xi32, #tpu.memory_space<hbm>> -> memref<125x80xi32, #tpu.memory_space<hbm>>
      tpu.wait_dma2 semaphore(%run_scoped3A_130 : memref<!tpu.dma_semaphore, #tpu.memory_space<semaphore_mem>>) src(%dma_wait3A_146 : memref<125x80xi32, #tpu.memory_space<hbm>>) dst(%arg12 : memref<125x80xi32, #tpu.memory_space<vmem>>)
      tpu.yield
    }) : () -> ()
    "tpu.region"() ({
      %run_scoped3A_130 = tpu.sem_alloc : memref<!tpu.dma_semaphore, #tpu.memory_space<semaphore_mem>>
      %dma_start3A_131 = arith.constant 0 : i32
      %dma_start3A_132 = arith.constant 0 : i32
      %dma_start3A_133 = tpu.memref_slice %arg3[%arg0, %arg1, %dma_start3A_131, %dma_start3A_132] : memref<2x16x125x80xi32, #tpu.memory_space<hbm>> -> memref<1x1x125x80xi32, #tpu.memory_space<hbm>>
      %dma_start3A_134 = tpu.memref_squeeze %dma_start3A_133 : memref<1x1x125x80xi32, #tpu.memory_space<hbm>> -> memref<125x80xi32, #tpu.memory_space<hbm>>
      %dma_start3A_135 = arith.constant 0 : i32
      %dma_start3A_136 = arith.constant 0 : i32
      %dma_start3A_137 = tpu.memref_slice %arg3[%arg0, %arg1, %dma_start3A_135, %dma_start3A_136] : memref<2x16x125x80xi32, #tpu.memory_space<hbm>> -> memref<1x1x125x80xi32, #tpu.memory_space<hbm>>
      %dma_start3A_138 = tpu.memref_squeeze %dma_start3A_137 : memref<1x1x125x80xi32, #tpu.memory_space<hbm>> -> memref<125x80xi32, #tpu.memory_space<hbm>>
      tpu.enqueue_dma source(%dma_start3A_138 : memref<125x80xi32, #tpu.memory_space<hbm>>) target(%arg13 : memref<125x80xi32, #tpu.memory_space<vmem>>) target_semaphore(%run_scoped3A_130 : memref<!tpu.dma_semaphore, #tpu.memory_space<semaphore_mem>>)
      %dma_wait3A_139 = arith.constant 0 : i32
      %dma_wait3A_140 = arith.constant 0 : i32
      %dma_wait3A_141 = tpu.memref_slice %arg3[%arg0, %arg1, %dma_wait3A_139, %dma_wait3A_140] : memref<2x16x125x80xi32, #tpu.memory_space<hbm>> -> memref<1x1x125x80xi32, #tpu.memory_space<hbm>>
      %dma_wait3A_142 = tpu.memref_squeeze %dma_wait3A_141 : memref<1x1x125x80xi32, #tpu.memory_space<hbm>> -> memref<125x80xi32, #tpu.memory_space<hbm>>
      %dma_wait3A_143 = arith.constant 0 : i32
      %dma_wait3A_144 = arith.constant 0 : i32
      %dma_wait3A_145 = tpu.memref_slice %arg3[%arg0, %arg1, %dma_wait3A_143, %dma_wait3A_144] : memref<2x16x125x80xi32, #tpu.memory_space<hbm>> -> memref<1x1x125x80xi32, #tpu.memory_space<hbm>>
      %dma_wait3A_146 = tpu.memref_squeeze %dma_wait3A_145 : memref<1x1x125x80xi32, #tpu.memory_space<hbm>> -> memref<125x80xi32, #tpu.memory_space<hbm>>
      tpu.wait_dma2 semaphore(%run_scoped3A_130 : memref<!tpu.dma_semaphore, #tpu.memory_space<semaphore_mem>>) src(%dma_wait3A_146 : memref<125x80xi32, #tpu.memory_space<hbm>>) dst(%arg13 : memref<125x80xi32, #tpu.memory_space<vmem>>)
      tpu.yield
    }) : () -> ()
    "tpu.region"() ({
      %run_scoped3A_130 = tpu.sem_alloc : memref<!tpu.dma_semaphore, #tpu.memory_space<semaphore_mem>>
      %dma_start3A_131 = arith.constant 0 : i32
      %dma_start3A_132 = arith.constant 0 : i32
      %dma_start3A_133 = tpu.memref_slice %arg4[%arg0, %arg1, %dma_start3A_131, %dma_start3A_132] : memref<2x16x125x80xi32, #tpu.memory_space<hbm>> -> memref<1x1x125x80xi32, #tpu.memory_space<hbm>>
      %dma_start3A_134 = tpu.memref_squeeze %dma_start3A_133 : memref<1x1x125x80xi32, #tpu.memory_space<hbm>> -> memref<125x80xi32, #tpu.memory_space<hbm>>
      %dma_start3A_135 = arith.constant 0 : i32
      %dma_start3A_136 = arith.constant 0 : i32
      %dma_start3A_137 = tpu.memref_slice %arg4[%arg0, %arg1, %dma_start3A_135, %dma_start3A_136] : memref<2x16x125x80xi32, #tpu.memory_space<hbm>> -> memref<1x1x125x80xi32, #tpu.memory_space<hbm>>
      %dma_start3A_138 = tpu.memref_squeeze %dma_start3A_137 : memref<1x1x125x80xi32, #tpu.memory_space<hbm>> -> memref<125x80xi32, #tpu.memory_space<hbm>>
      tpu.enqueue_dma source(%dma_start3A_138 : memref<125x80xi32, #tpu.memory_space<hbm>>) target(%arg14 : memref<125x80xi32, #tpu.memory_space<vmem>>) target_semaphore(%run_scoped3A_130 : memref<!tpu.dma_semaphore, #tpu.memory_space<semaphore_mem>>)
      %dma_wait3A_139 = arith.constant 0 : i32
      %dma_wait3A_140 = arith.constant 0 : i32
      %dma_wait3A_141 = tpu.memref_slice %arg4[%arg0, %arg1, %dma_wait3A_139, %dma_wait3A_140] : memref<2x16x125x80xi32, #tpu.memory_space<hbm>> -> memref<1x1x125x80xi32, #tpu.memory_space<hbm>>
      %dma_wait3A_142 = tpu.memref_squeeze %dma_wait3A_141 : memref<1x1x125x80xi32, #tpu.memory_space<hbm>> -> memref<125x80xi32, #tpu.memory_space<hbm>>
      %dma_wait3A_143 = arith.constant 0 : i32
      %dma_wait3A_144 = arith.constant 0 : i32
      %dma_wait3A_145 = tpu.memref_slice %arg4[%arg0, %arg1, %dma_wait3A_143, %dma_wait3A_144] : memref<2x16x125x80xi32, #tpu.memory_space<hbm>> -> memref<1x1x125x80xi32, #tpu.memory_space<hbm>>
      %dma_wait3A_146 = tpu.memref_squeeze %dma_wait3A_145 : memref<1x1x125x80xi32, #tpu.memory_space<hbm>> -> memref<125x80xi32, #tpu.memory_space<hbm>>
      tpu.wait_dma2 semaphore(%run_scoped3A_130 : memref<!tpu.dma_semaphore, #tpu.memory_space<semaphore_mem>>) src(%dma_wait3A_146 : memref<125x80xi32, #tpu.memory_space<hbm>>) dst(%arg14 : memref<125x80xi32, #tpu.memory_space<vmem>>)
      tpu.yield
    }) : () -> ()
    "tpu.region"() ({
      %run_scoped3A_130 = tpu.sem_alloc : memref<!tpu.dma_semaphore, #tpu.memory_space<semaphore_mem>>
      tpu.enqueue_dma source(%arg5 : memref<10000xf32, #tpu.memory_space<hbm>>) target(%arg15 : memref<10000xf32, #tpu.memory_space<vmem>>) target_semaphore(%run_scoped3A_130 : memref<!tpu.dma_semaphore, #tpu.memory_space<semaphore_mem>>)
      tpu.wait_dma2 semaphore(%run_scoped3A_130 : memref<!tpu.dma_semaphore, #tpu.memory_space<semaphore_mem>>) src(%arg5 : memref<10000xf32, #tpu.memory_space<hbm>>) dst(%arg15 : memref<10000xf32, #tpu.memory_space<vmem>>)
      tpu.yield
    }) : () -> ()
    "tpu.region"() ({
      %run_scoped3A_130 = tpu.sem_alloc : memref<!tpu.dma_semaphore, #tpu.memory_space<semaphore_mem>>
      tpu.enqueue_dma source(%arg6 : memref<10000xf32, #tpu.memory_space<hbm>>) target(%arg16 : memref<10000xf32, #tpu.memory_space<vmem>>) target_semaphore(%run_scoped3A_130 : memref<!tpu.dma_semaphore, #tpu.memory_space<semaphore_mem>>)
      tpu.wait_dma2 semaphore(%run_scoped3A_130 : memref<!tpu.dma_semaphore, #tpu.memory_space<semaphore_mem>>) src(%arg6 : memref<10000xf32, #tpu.memory_space<hbm>>) dst(%arg16 : memref<10000xf32, #tpu.memory_space<vmem>>)
      tpu.yield
    }) : () -> ()
    "tpu.region"() ({
      %run_scoped3A_130 = tpu.sem_alloc : memref<!tpu.dma_semaphore, #tpu.memory_space<semaphore_mem>>
      tpu.enqueue_dma source(%arg7 : memref<16xf32, #tpu.memory_space<hbm>>) target(%arg17 : memref<16xf32, #tpu.memory_space<vmem>>) target_semaphore(%run_scoped3A_130 : memref<!tpu.dma_semaphore, #tpu.memory_space<semaphore_mem>>)
      tpu.wait_dma2 semaphore(%run_scoped3A_130 : memref<!tpu.dma_semaphore, #tpu.memory_space<semaphore_mem>>) src(%arg7 : memref<16xf32, #tpu.memory_space<hbm>>) dst(%arg17 : memref<16xf32, #tpu.memory_space<vmem>>)
      tpu.yield
    }) : () -> ()
    %scan3A = arith.constant 0 : i32
    %scan3A_1 = arith.constant 0 : i32
    %scan3A_2 = arith.constant 80 : i32
    %scan3A_3 = arith.addi %scan3A_1, %scan3A_2 : i32
    %scan3A_4 = arith.constant 1 : i32
    scf.for %scan3A_130 = %scan3A_1 to %scan3A_3 step %scan3A_4  : i32 {
      %broadcast_in_dim3A = arith.constant 0.000000e+00 : f32
      %broadcast_in_dim3A_131 = vector.broadcast %broadcast_in_dim3A : f32 to vector<16xf32>
      %swap3A = arith.index_cast %scan3A_130 : i32 to index
      %swap3A_132 = arith.constant 0 : index
      %swap3A_133 = tpu.vector_load %arg19[%swap3A, %swap3A_132] {strides = array<i32>} : memref<80x80xf32, #tpu.memory_space<vmem>>, vector<16xf32>,
      tpu.vector_store %arg19[%swap3A, %swap3A_132], %broadcast_in_dim3A_131 {strides = array<i32>} : memref<80x80xf32, #tpu.memory_space<vmem>>, vector<16xf32>,
      %broadcast_in_dim3A_134 = arith.constant 0.000000e+00 : f32
      %broadcast_in_dim3A_135 = vector.broadcast %broadcast_in_dim3A_134 : f32 to vector<16xf32>
      %swap3A_136 = arith.index_cast %scan3A_130 : i32 to index
      %swap3A_137 = arith.constant 16 : index
      %swap3A_138 = tpu.vector_load %arg19[%swap3A_136, %swap3A_137] {strides = array<i32>} : memref<80x80xf32, #tpu.memory_space<vmem>>, vector<16xf32>,
      tpu.vector_store %arg19[%swap3A_136, %swap3A_137], %broadcast_in_dim3A_135 {strides = array<i32>} : memref<80x80xf32, #tpu.memory_space<vmem>>, vector<16xf32>,
      %broadcast_in_dim3A_139 = arith.constant 0.000000e+00 : f32
      %broadcast_in_dim3A_140 = vector.broadcast %broadcast_in_dim3A_139 : f32 to vector<16xf32>
      %swap3A_141 = arith.index_cast %scan3A_130 : i32 to index
      %swap3A_142 = arith.constant 32 : index
      %swap3A_143 = tpu.vector_load %arg19[%swap3A_141, %swap3A_142] {strides = array<i32>} : memref<80x80xf32, #tpu.memory_space<vmem>>, vector<16xf32>,
      tpu.vector_store %arg19[%swap3A_141, %swap3A_142], %broadcast_in_dim3A_140 {strides = array<i32>} : memref<80x80xf32, #tpu.memory_space<vmem>>, vector<16xf32>,
      %broadcast_in_dim3A_144 = arith.constant 0.000000e+00 : f32
      %broadcast_in_dim3A_145 = vector.broadcast %broadcast_in_dim3A_144 : f32 to vector<16xf32>
      %swap3A_146 = arith.index_cast %scan3A_130 : i32 to index
      %swap3A_147 = arith.constant 48 : index
      %swap3A_148 = tpu.vector_load %arg19[%swap3A_146, %swap3A_147] {strides = array<i32>} : memref<80x80xf32, #tpu.memory_space<vmem>>, vector<16xf32>,
      tpu.vector_store %arg19[%swap3A_146, %swap3A_147], %broadcast_in_dim3A_145 {strides = array<i32>} : memref<80x80xf32, #tpu.memory_space<vmem>>, vector<16xf32>,
      %broadcast_in_dim3A_149 = arith.constant 0.000000e+00 : f32
      %broadcast_in_dim3A_150 = vector.broadcast %broadcast_in_dim3A_149 : f32 to vector<16xf32>
      %swap3A_151 = arith.index_cast %scan3A_130 : i32 to index
      %swap3A_152 = arith.constant 64 : index
      %swap3A_153 = tpu.vector_load %arg19[%swap3A_151, %swap3A_152] {strides = array<i32>} : memref<80x80xf32, #tpu.memory_space<vmem>>, vector<16xf32>,
      tpu.vector_store %arg19[%swap3A_151, %swap3A_152], %broadcast_in_dim3A_150 {strides = array<i32>} : memref<80x80xf32, #tpu.memory_space<vmem>>, vector<16xf32>,
    }
    %scan3A_5 = arith.constant 80 : i32
    %add3A = arith.constant 0 : i32
    %add3A_6 = arith.addi %mul3A_0, %add3A : i32
    "tpu.region"() ({
      %run_scoped3A_130 = tpu.sem_alloc : memref<!tpu.dma_semaphore, #tpu.memory_space<semaphore_mem>>
      %dma_start3A_131 = arith.constant 0 : i32
      %dma_start3A_132 = tpu.memref_slice %arg22[%add3A_6, %dma_start3A_131] : memref<10000x80xf32, #tpu.memory_space<vmem_shared>> -> memref<80x80xf32, #tpu.memory_space<vmem_shared>>
      %dma_start3A_133 = arith.constant 0 : i32
      %dma_start3A_134 = tpu.memref_slice %arg22[%add3A_6, %dma_start3A_133] : memref<10000x80xf32, #tpu.memory_space<vmem_shared>> -> memref<80x80xf32, #tpu.memory_space<vmem_shared>>
      tpu.enqueue_dma source(%arg19 : memref<80x80xf32, #tpu.memory_space<vmem>>) target(%dma_start3A_134 : memref<80x80xf32, #tpu.memory_space<vmem_shared>>) target_semaphore(%run_scoped3A_130 : memref<!tpu.dma_semaphore, #tpu.memory_space<semaphore_mem>>)
      %dma_wait3A_135 = arith.constant 0 : i32
      %dma_wait3A_136 = tpu.memref_slice %arg22[%add3A_6, %dma_wait3A_135] : memref<10000x80xf32, #tpu.memory_space<vmem_shared>> -> memref<80x80xf32, #tpu.memory_space<vmem_shared>>
      %dma_wait3A_137 = arith.constant 0 : i32
      %dma_wait3A_138 = tpu.memref_slice %arg22[%add3A_6, %dma_wait3A_137] : memref<10000x80xf32, #tpu.memory_space<vmem_shared>> -> memref<80x80xf32, #tpu.memory_space<vmem_shared>>
      tpu.wait_dma2 semaphore(%run_scoped3A_130 : memref<!tpu.dma_semaphore, #tpu.memory_space<semaphore_mem>>) src(%arg19 : memref<80x80xf32, #tpu.memory_space<vmem>>) dst(%dma_wait3A_138 : memref<80x80xf32, #tpu.memory_space<vmem_shared>>)
      tpu.yield
    }) : () -> ()
    %add3A_7 = arith.constant 80 : i32
    %add3A_8 = arith.addi %mul3A_0, %add3A_7 : i32
    "tpu.region"() ({
      %run_scoped3A_130 = tpu.sem_alloc : memref<!tpu.dma_semaphore, #tpu.memory_space<semaphore_mem>>
      %dma_start3A_131 = arith.constant 0 : i32
      %dma_start3A_132 = tpu.memref_slice %arg22[%add3A_8, %dma_start3A_131] : memref<10000x80xf32, #tpu.memory_space<vmem_shared>> -> memref<80x80xf32, #tpu.memory_space<vmem_shared>>
      %dma_start3A_133 = arith.constant 0 : i32
      %dma_start3A_134 = tpu.memref_slice %arg22[%add3A_8, %dma_start3A_133] : memref<10000x80xf32, #tpu.memory_space<vmem_shared>> -> memref<80x80xf32, #tpu.memory_space<vmem_shared>>
      tpu.enqueue_dma source(%arg19 : memref<80x80xf32, #tpu.memory_space<vmem>>) target(%dma_start3A_134 : memref<80x80xf32, #tpu.memory_space<vmem_shared>>) target_semaphore(%run_scoped3A_130 : memref<!tpu.dma_semaphore, #tpu.memory_space<semaphore_mem>>)
      %dma_wait3A_135 = arith.constant 0 : i32
      %dma_wait3A_136 = tpu.memref_slice %arg22[%add3A_8, %dma_wait3A_135] : memref<10000x80xf32, #tpu.memory_space<vmem_shared>> -> memref<80x80xf32, #tpu.memory_space<vmem_shared>>
      %dma_wait3A_137 = arith.constant 0 : i32
      %dma_wait3A_138 = tpu.memref_slice %arg22[%add3A_8, %dma_wait3A_137] : memref<10000x80xf32, #tpu.memory_space<vmem_shared>> -> memref<80x80xf32, #tpu.memory_space<vmem_shared>>
      tpu.wait_dma2 semaphore(%run_scoped3A_130 : memref<!tpu.dma_semaphore, #tpu.memory_space<semaphore_mem>>) src(%arg19 : memref<80x80xf32, #tpu.memory_space<vmem>>) dst(%dma_wait3A_138 : memref<80x80xf32, #tpu.memory_space<vmem_shared>>)
      tpu.yield
    }) : () -> ()
    %add3A_9 = arith.constant 160 : i32
    %add3A_10 = arith.addi %mul3A_0, %add3A_9 : i32
    "tpu.region"() ({
      %run_scoped3A_130 = tpu.sem_alloc : memref<!tpu.dma_semaphore, #tpu.memory_space<semaphore_mem>>
      %dma_start3A_131 = arith.constant 0 : i32
      %dma_start3A_132 = tpu.memref_slice %arg22[%add3A_10, %dma_start3A_131] : memref<10000x80xf32, #tpu.memory_space<vmem_shared>> -> memref<80x80xf32, #tpu.memory_space<vmem_shared>>
      %dma_start3A_133 = arith.constant 0 : i32
      %dma_start3A_134 = tpu.memref_slice %arg22[%add3A_10, %dma_start3A_133] : memref<10000x80xf32, #tpu.memory_space<vmem_shared>> -> memref<80x80xf32, #tpu.memory_space<vmem_shared>>
      tpu.enqueue_dma source(%arg19 : memref<80x80xf32, #tpu.memory_space<vmem>>) target(%dma_start3A_134 : memref<80x80xf32, #tpu.memory_space<vmem_shared>>) target_semaphore(%run_scoped3A_130 : memref<!tpu.dma_semaphore, #tpu.memory_space<semaphore_mem>>)
      %dma_wait3A_135 = arith.constant 0 : i32
      %dma_wait3A_136 = tpu.memref_slice %arg22[%add3A_10, %dma_wait3A_135] : memref<10000x80xf32, #tpu.memory_space<vmem_shared>> -> memref<80x80xf32, #tpu.memory_space<vmem_shared>>
      %dma_wait3A_137 = arith.constant 0 : i32
      %dma_wait3A_138 = tpu.memref_slice %arg22[%add3A_10, %dma_wait3A_137] : memref<10000x80xf32, #tpu.memory_space<vmem_shared>> -> memref<80x80xf32, #tpu.memory_space<vmem_shared>>
      tpu.wait_dma2 semaphore(%run_scoped3A_130 : memref<!tpu.dma_semaphore, #tpu.memory_space<semaphore_mem>>) src(%arg19 : memref<80x80xf32, #tpu.memory_space<vmem>>) dst(%dma_wait3A_138 : memref<80x80xf32, #tpu.memory_space<vmem_shared>>)
      tpu.yield
    }) : () -> ()
    %add3A_11 = arith.constant 240 : i32
    %add3A_12 = arith.addi %mul3A_0, %add3A_11 : i32
    "tpu.region"() ({
      %run_scoped3A_130 = tpu.sem_alloc : memref<!tpu.dma_semaphore, #tpu.memory_space<semaphore_mem>>
      %dma_start3A_131 = arith.constant 0 : i32
      %dma_start3A_132 = tpu.memref_slice %arg22[%add3A_12, %dma_start3A_131] : memref<10000x80xf32, #tpu.memory_space<vmem_shared>> -> memref<80x80xf32, #tpu.memory_space<vmem_shared>>
      %dma_start3A_133 = arith.constant 0 : i32
      %dma_start3A_134 = tpu.memref_slice %arg22[%add3A_12, %dma_start3A_133] : memref<10000x80xf32, #tpu.memory_space<vmem_shared>> -> memref<80x80xf32, #tpu.memory_space<vmem_shared>>
      tpu.enqueue_dma source(%arg19 : memref<80x80xf32, #tpu.memory_space<vmem>>) target(%dma_start3A_134 : memref<80x80xf32, #tpu.memory_space<vmem_shared>>) target_semaphore(%run_scoped3A_130 : memref<!tpu.dma_semaphore, #tpu.memory_space<semaphore_mem>>)
      %dma_wait3A_135 = arith.constant 0 : i32
      %dma_wait3A_136 = tpu.memref_slice %arg22[%add3A_12, %dma_wait3A_135] : memref<10000x80xf32, #tpu.memory_space<vmem_shared>> -> memref<80x80xf32, #tpu.memory_space<vmem_shared>>
      %dma_wait3A_137 = arith.constant 0 : i32
      %dma_wait3A_138 = tpu.memref_slice %arg22[%add3A_12, %dma_wait3A_137] : memref<10000x80xf32, #tpu.memory_space<vmem_shared>> -> memref<80x80xf32, #tpu.memory_space<vmem_shared>>
      tpu.wait_dma2 semaphore(%run_scoped3A_130 : memref<!tpu.dma_semaphore, #tpu.memory_space<semaphore_mem>>) src(%arg19 : memref<80x80xf32, #tpu.memory_space<vmem>>) dst(%dma_wait3A_138 : memref<80x80xf32, #tpu.memory_space<vmem_shared>>)
      tpu.yield
    }) : () -> ()
    %add3A_13 = arith.constant 320 : i32
    %add3A_14 = arith.addi %mul3A_0, %add3A_13 : i32
    "tpu.region"() ({
      %run_scoped3A_130 = tpu.sem_alloc : memref<!tpu.dma_semaphore, #tpu.memory_space<semaphore_mem>>
      %dma_start3A_131 = arith.constant 0 : i32
      %dma_start3A_132 = tpu.memref_slice %arg22[%add3A_14, %dma_start3A_131] : memref<10000x80xf32, #tpu.memory_space<vmem_shared>> -> memref<80x80xf32, #tpu.memory_space<vmem_shared>>
      %dma_start3A_133 = arith.constant 0 : i32
      %dma_start3A_134 = tpu.memref_slice %arg22[%add3A_14, %dma_start3A_133] : memref<10000x80xf32, #tpu.memory_space<vmem_shared>> -> memref<80x80xf32, #tpu.memory_space<vmem_shared>>
      tpu.enqueue_dma source(%arg19 : memref<80x80xf32, #tpu.memory_space<vmem>>) target(%dma_start3A_134 : memref<80x80xf32, #tpu.memory_space<vmem_shared>>) target_semaphore(%run_scoped3A_130 : memref<!tpu.dma_semaphore, #tpu.memory_space<semaphore_mem>>)
      %dma_wait3A_135 = arith.constant 0 : i32
      %dma_wait3A_136 = tpu.memref_slice %arg22[%add3A_14, %dma_wait3A_135] : memref<10000x80xf32, #tpu.memory_space<vmem_shared>> -> memref<80x80xf32, #tpu.memory_space<vmem_shared>>
      %dma_wait3A_137 = arith.constant 0 : i32
      %dma_wait3A_138 = tpu.memref_slice %arg22[%add3A_14, %dma_wait3A_137] : memref<10000x80xf32, #tpu.memory_space<vmem_shared>> -> memref<80x80xf32, #tpu.memory_space<vmem_shared>>
      tpu.wait_dma2 semaphore(%run_scoped3A_130 : memref<!tpu.dma_semaphore, #tpu.memory_space<semaphore_mem>>) src(%arg19 : memref<80x80xf32, #tpu.memory_space<vmem>>) dst(%dma_wait3A_138 : memref<80x80xf32, #tpu.memory_space<vmem_shared>>)
      tpu.yield
    }) : () -> ()
    %add3A_15 = arith.constant 400 : i32
    %add3A_16 = arith.addi %mul3A_0, %add3A_15 : i32
    "tpu.region"() ({
      %run_scoped3A_130 = tpu.sem_alloc : memref<!tpu.dma_semaphore, #tpu.memory_space<semaphore_mem>>
      %dma_start3A_131 = arith.constant 0 : i32
      %dma_start3A_132 = tpu.memref_slice %arg22[%add3A_16, %dma_start3A_131] : memref<10000x80xf32, #tpu.memory_space<vmem_shared>> -> memref<80x80xf32, #tpu.memory_space<vmem_shared>>
      %dma_start3A_133 = arith.constant 0 : i32
      %dma_start3A_134 = tpu.memref_slice %arg22[%add3A_16, %dma_start3A_133] : memref<10000x80xf32, #tpu.memory_space<vmem_shared>> -> memref<80x80xf32, #tpu.memory_space<vmem_shared>>
      tpu.enqueue_dma source(%arg19 : memref<80x80xf32, #tpu.memory_space<vmem>>) target(%dma_start3A_134 : memref<80x80xf32, #tpu.memory_space<vmem_shared>>) target_semaphore(%run_scoped3A_130 : memref<!tpu.dma_semaphore, #tpu.memory_space<semaphore_mem>>)
      %dma_wait3A_135 = arith.constant 0 : i32
      %dma_wait3A_136 = tpu.memref_slice %arg22[%add3A_16, %dma_wait3A_135] : memref<10000x80xf32, #tpu.memory_space<vmem_shared>> -> memref<80x80xf32, #tpu.memory_space<vmem_shared>>
      %dma_wait3A_137 = arith.constant 0 : i32
      %dma_wait3A_138 = tpu.memref_slice %arg22[%add3A_16, %dma_wait3A_137] : memref<10000x80xf32, #tpu.memory_space<vmem_shared>> -> memref<80x80xf32, #tpu.memory_space<vmem_shared>>
      tpu.wait_dma2 semaphore(%run_scoped3A_130 : memref<!tpu.dma_semaphore, #tpu.memory_space<semaphore_mem>>) src(%arg19 : memref<80x80xf32, #tpu.memory_space<vmem>>) dst(%dma_wait3A_138 : memref<80x80xf32, #tpu.memory_space<vmem_shared>>)
      tpu.yield
    }) : () -> ()
    %add3A_17 = arith.constant 480 : i32
    %add3A_18 = arith.addi %mul3A_0, %add3A_17 : i32
    "tpu.region"() ({
      %run_scoped3A_130 = tpu.sem_alloc : memref<!tpu.dma_semaphore, #tpu.memory_space<semaphore_mem>>
      %dma_start3A_131 = arith.constant 0 : i32
      %dma_start3A_132 = tpu.memref_slice %arg22[%add3A_18, %dma_start3A_131] : memref<10000x80xf32, #tpu.memory_space<vmem_shared>> -> memref<80x80xf32, #tpu.memory_space<vmem_shared>>
      %dma_start3A_133 = arith.constant 0 : i32
      %dma_start3A_134 = tpu.memref_slice %arg22[%add3A_18, %dma_start3A_133] : memref<10000x80xf32, #tpu.memory_space<vmem_shared>> -> memref<80x80xf32, #tpu.memory_space<vmem_shared>>
      tpu.enqueue_dma source(%arg19 : memref<80x80xf32, #tpu.memory_space<vmem>>) target(%dma_start3A_134 : memref<80x80xf32, #tpu.memory_space<vmem_shared>>) target_semaphore(%run_scoped3A_130 : memref<!tpu.dma_semaphore, #tpu.memory_space<semaphore_mem>>)
      %dma_wait3A_135 = arith.constant 0 : i32
      %dma_wait3A_136 = tpu.memref_slice %arg22[%add3A_18, %dma_wait3A_135] : memref<10000x80xf32, #tpu.memory_space<vmem_shared>> -> memref<80x80xf32, #tpu.memory_space<vmem_shared>>
      %dma_wait3A_137 = arith.constant 0 : i32
      %dma_wait3A_138 = tpu.memref_slice %arg22[%add3A_18, %dma_wait3A_137] : memref<10000x80xf32, #tpu.memory_space<vmem_shared>> -> memref<80x80xf32, #tpu.memory_space<vmem_shared>>
      tpu.wait_dma2 semaphore(%run_scoped3A_130 : memref<!tpu.dma_semaphore, #tpu.memory_space<semaphore_mem>>) src(%arg19 : memref<80x80xf32, #tpu.memory_space<vmem>>) dst(%dma_wait3A_138 : memref<80x80xf32, #tpu.memory_space<vmem_shared>>)
      tpu.yield
    }) : () -> ()
    %add3A_19 = arith.constant 560 : i32
    %add3A_20 = arith.addi %mul3A_0, %add3A_19 : i32
    "tpu.region"() ({
      %run_scoped3A_130 = tpu.sem_alloc : memref<!tpu.dma_semaphore, #tpu.memory_space<semaphore_mem>>
      %dma_start3A_131 = arith.constant 0 : i32
      %dma_start3A_132 = arith.constant 0 : i32
      %dma_start3A_133 = tpu.memref_slice %arg19[%dma_start3A_131, %dma_start3A_132] : memref<80x80xf32, #tpu.memory_space<vmem>> -> memref<65x80xf32, #tpu.memory_space<vmem>>
      %dma_start3A_134 = arith.constant 0 : i32
      %dma_start3A_135 = tpu.memref_slice %arg22[%add3A_20, %dma_start3A_134] : memref<10000x80xf32, #tpu.memory_space<vmem_shared>> -> memref<65x80xf32, #tpu.memory_space<vmem_shared>>
      %dma_start3A_136 = arith.constant 0 : i32
      %dma_start3A_137 = tpu.memref_slice %arg22[%add3A_20, %dma_start3A_136] : memref<10000x80xf32, #tpu.memory_space<vmem_shared>> -> memref<65x80xf32, #tpu.memory_space<vmem_shared>>
      %dma_start3A_138 = arith.constant 0 : i32
      %dma_start3A_139 = arith.constant 0 : i32
      %dma_start3A_140 = tpu.memref_slice %arg19[%dma_start3A_138, %dma_start3A_139] : memref<80x80xf32, #tpu.memory_space<vmem>> -> memref<65x80xf32, #tpu.memory_space<vmem>>
      tpu.enqueue_dma source(%dma_start3A_140 : memref<65x80xf32, #tpu.memory_space<vmem>>) target(%dma_start3A_137 : memref<65x80xf32, #tpu.memory_space<vmem_shared>>) target_semaphore(%run_scoped3A_130 : memref<!tpu.dma_semaphore, #tpu.memory_space<semaphore_mem>>)
      %dma_wait3A_141 = arith.constant 0 : i32
      %dma_wait3A_142 = arith.constant 0 : i32
      %dma_wait3A_143 = tpu.memref_slice %arg19[%dma_wait3A_141, %dma_wait3A_142] : memref<80x80xf32, #tpu.memory_space<vmem>> -> memref<65x80xf32, #tpu.memory_space<vmem>>
      %dma_wait3A_144 = arith.constant 0 : i32
      %dma_wait3A_145 = tpu.memref_slice %arg22[%add3A_20, %dma_wait3A_144] : memref<10000x80xf32, #tpu.memory_space<vmem_shared>> -> memref<65x80xf32, #tpu.memory_space<vmem_shared>>
      %dma_wait3A_146 = arith.constant 0 : i32
      %dma_wait3A_147 = tpu.memref_slice %arg22[%add3A_20, %dma_wait3A_146] : memref<10000x80xf32, #tpu.memory_space<vmem_shared>> -> memref<65x80xf32, #tpu.memory_space<vmem_shared>>
      %dma_wait3A_148 = arith.constant 0 : i32
      %dma_wait3A_149 = arith.constant 0 : i32
      %dma_wait3A_150 = tpu.memref_slice %arg19[%dma_wait3A_148, %dma_wait3A_149] : memref<80x80xf32, #tpu.memory_space<vmem>> -> memref<65x80xf32, #tpu.memory_space<vmem>>
      tpu.wait_dma2 semaphore(%run_scoped3A_130 : memref<!tpu.dma_semaphore, #tpu.memory_space<semaphore_mem>>) src(%dma_wait3A_150 : memref<65x80xf32, #tpu.memory_space<vmem>>) dst(%dma_wait3A_147 : memref<65x80xf32, #tpu.memory_space<vmem_shared>>)
      tpu.yield
    }) : () -> ()
    %parallel_loop3A = arith.constant 0 : i32
    %parallel_loop3A_21 = arith.constant 125 : i32
    %parallel_loop3A_22 = arith.constant 1 : i32
    scf.for %parallel_loop3A_130 = %parallel_loop3A to %parallel_loop3A_21 step %parallel_loop3A_22  : i32 {
      %parallel_loop3A_131 = arith.index_cast %parallel_loop3A_130 : i32 to index
      %parallel_loop3A_132 = arith.constant 0 : index
      %parallel_loop3A_133 = tpu.vector_load %arg12[%parallel_loop3A_131, %parallel_loop3A_132] {strides = array<i32>} : memref<125x80xi32, #tpu.memory_space<vmem>>, vector<16xi32>,
      %parallel_loop3A_134 = tpu.vector_load_idx %arg15[%parallel_loop3A_133] : memref<10000xf32, #tpu.memory_space<vmem>>[vector<16xi32>], vector<16xf32>,
      %parallel_loop3A_135 = arith.index_cast %parallel_loop3A_130 : i32 to index
      %parallel_loop3A_136 = arith.constant 0 : index
      %parallel_loop3A_137 = tpu.vector_load %arg13[%parallel_loop3A_135, %parallel_loop3A_136] {strides = array<i32>} : memref<125x80xi32, #tpu.memory_space<vmem>>, vector<16xi32>,
      %parallel_loop3A_138 = tpu.vector_load_idx %arg16[%parallel_loop3A_137] : memref<10000xf32, #tpu.memory_space<vmem>>[vector<16xi32>], vector<16xf32>,
      %parallel_loop3A_139 = arith.addf %parallel_loop3A_134, %parallel_loop3A_138 : vector<16xf32>
      %parallel_loop3A_140 = arith.index_cast %parallel_loop3A_130 : i32 to index
      %parallel_loop3A_141 = arith.constant 0 : index
      %parallel_loop3A_142 = tpu.vector_load %arg14[%parallel_loop3A_140, %parallel_loop3A_141] {strides = array<i32>} : memref<125x80xi32, #tpu.memory_space<vmem>>, vector<16xi32>,
      %parallel_loop3A_143 = tpu.vector_load_idx %arg17[%parallel_loop3A_142] : memref<16xf32, #tpu.memory_space<vmem>>[vector<16xi32>], vector<16xf32>,
      %parallel_loop3A_144 = arith.addf %parallel_loop3A_139, %parallel_loop3A_143 : vector<16xf32>
      %parallel_loop3A_145 = arith.constant 0.000000e+00 : f32
      %parallel_loop3A_146 = vector.broadcast %parallel_loop3A_145 : f32 to vector<16xf32>
      %parallel_loop3A_147 = arith.cmpf oge, %parallel_loop3A_144, %parallel_loop3A_146 : vector<16xf32>
      %parallel_loop3A_148 = arith.constant 2.000000e-01 : f32
      %parallel_loop3A_149 = vector.broadcast %parallel_loop3A_148 : f32 to vector<16xf32>
      %parallel_loop3A_150 = arith.mulf %parallel_loop3A_149, %parallel_loop3A_144 : vector<16xf32>
      %parallel_loop3A_151 = arith.select %parallel_loop3A_147, %parallel_loop3A_144, %parallel_loop3A_150 : vector<16xi1>, vector<16xf32>
      %parallel_loop3A_152 = math.exp %parallel_loop3A_151 : vector<16xf32>
      %parallel_loop3A_153 = arith.index_cast %parallel_loop3A_130 : i32 to index
      %parallel_loop3A_154 = arith.constant 0 : index
      %parallel_loop3A_155 = tpu.vector_load %arg18[%parallel_loop3A_153, %parallel_loop3A_154] {strides = array<i32>} : memref<125x80xf32, #tpu.memory_space<vmem>>, vector<16xf32>,
      tpu.vector_store %arg18[%parallel_loop3A_153, %parallel_loop3A_154], %parallel_loop3A_152 {strides = array<i32>} : memref<125x80xf32, #tpu.memory_space<vmem>>, vector<16xf32>,
      %parallel_loop3A_156 = arith.index_cast %parallel_loop3A_130 : i32 to index
      %parallel_loop3A_157 = arith.constant 16 : index
      %parallel_loop3A_158 = tpu.vector_load %arg12[%parallel_loop3A_156, %parallel_loop3A_157] {strides = array<i32>} : memref<125x80xi32, #tpu.memory_space<vmem>>, vector<16xi32>,
      %parallel_loop3A_159 = tpu.vector_load_idx %arg15[%parallel_loop3A_158] : memref<10000xf32, #tpu.memory_space<vmem>>[vector<16xi32>], vector<16xf32>,
      %parallel_loop3A_160 = arith.index_cast %parallel_loop3A_130 : i32 to index
      %parallel_loop3A_161 = arith.constant 16 : index
      %parallel_loop3A_162 = tpu.vector_load %arg13[%parallel_loop3A_160, %parallel_loop3A_161] {strides = array<i32>} : memref<125x80xi32, #tpu.memory_space<vmem>>, vector<16xi32>,
      %parallel_loop3A_163 = tpu.vector_load_idx %arg16[%parallel_loop3A_162] : memref<10000xf32, #tpu.memory_space<vmem>>[vector<16xi32>], vector<16xf32>,
      %parallel_loop3A_164 = arith.addf %parallel_loop3A_159, %parallel_loop3A_163 : vector<16xf32>
      %parallel_loop3A_165 = arith.index_cast %parallel_loop3A_130 : i32 to index
      %parallel_loop3A_166 = arith.constant 16 : index
      %parallel_loop3A_167 = tpu.vector_load %arg14[%parallel_loop3A_165, %parallel_loop3A_166] {strides = array<i32>} : memref<125x80xi32, #tpu.memory_space<vmem>>, vector<16xi32>,
      %parallel_loop3A_168 = tpu.vector_load_idx %arg17[%parallel_loop3A_167] : memref<16xf32, #tpu.memory_space<vmem>>[vector<16xi32>], vector<16xf32>,
      %parallel_loop3A_169 = arith.addf %parallel_loop3A_164, %parallel_loop3A_168 : vector<16xf32>
      %parallel_loop3A_170 = arith.constant 0.000000e+00 : f32
      %parallel_loop3A_171 = vector.broadcast %parallel_loop3A_170 : f32 to vector<16xf32>
      %parallel_loop3A_172 = arith.cmpf oge, %parallel_loop3A_169, %parallel_loop3A_171 : vector<16xf32>
      %parallel_loop3A_173 = arith.constant 2.000000e-01 : f32
      %parallel_loop3A_174 = vector.broadcast %parallel_loop3A_173 : f32 to vector<16xf32>
      %parallel_loop3A_175 = arith.mulf %parallel_loop3A_174, %parallel_loop3A_169 : vector<16xf32>
      %parallel_loop3A_176 = arith.select %parallel_loop3A_172, %parallel_loop3A_169, %parallel_loop3A_175 : vector<16xi1>, vector<16xf32>
      %parallel_loop3A_177 = math.exp %parallel_loop3A_176 : vector<16xf32>
      %parallel_loop3A_178 = arith.index_cast %parallel_loop3A_130 : i32 to index
      %parallel_loop3A_179 = arith.constant 16 : index
      %parallel_loop3A_180 = tpu.vector_load %arg18[%parallel_loop3A_178, %parallel_loop3A_179] {strides = array<i32>} : memref<125x80xf32, #tpu.memory_space<vmem>>, vector<16xf32>,
      tpu.vector_store %arg18[%parallel_loop3A_178, %parallel_loop3A_179], %parallel_loop3A_177 {strides = array<i32>} : memref<125x80xf32, #tpu.memory_space<vmem>>, vector<16xf32>,
      %parallel_loop3A_181 = arith.index_cast %parallel_loop3A_130 : i32 to index
      %parallel_loop3A_182 = arith.constant 32 : index
      %parallel_loop3A_183 = tpu.vector_load %arg12[%parallel_loop3A_181, %parallel_loop3A_182] {strides = array<i32>} : memref<125x80xi32, #tpu.memory_space<vmem>>, vector<16xi32>,
      %parallel_loop3A_184 = tpu.vector_load_idx %arg15[%parallel_loop3A_183] : memref<10000xf32, #tpu.memory_space<vmem>>[vector<16xi32>], vector<16xf32>,
      %parallel_loop3A_185 = arith.index_cast %parallel_loop3A_130 : i32 to index
      %parallel_loop3A_186 = arith.constant 32 : index
      %parallel_loop3A_187 = tpu.vector_load %arg13[%parallel_loop3A_185, %parallel_loop3A_186] {strides = array<i32>} : memref<125x80xi32, #tpu.memory_space<vmem>>, vector<16xi32>,
      %parallel_loop3A_188 = tpu.vector_load_idx %arg16[%parallel_loop3A_187] : memref<10000xf32, #tpu.memory_space<vmem>>[vector<16xi32>], vector<16xf32>,
      %parallel_loop3A_189 = arith.addf %parallel_loop3A_184, %parallel_loop3A_188 : vector<16xf32>
      %parallel_loop3A_190 = arith.index_cast %parallel_loop3A_130 : i32 to index
      %parallel_loop3A_191 = arith.constant 32 : index
      %parallel_loop3A_192 = tpu.vector_load %arg14[%parallel_loop3A_190, %parallel_loop3A_191] {strides = array<i32>} : memref<125x80xi32, #tpu.memory_space<vmem>>, vector<16xi32>,
      %parallel_loop3A_193 = tpu.vector_load_idx %arg17[%parallel_loop3A_192] : memref<16xf32, #tpu.memory_space<vmem>>[vector<16xi32>], vector<16xf32>,
      %parallel_loop3A_194 = arith.addf %parallel_loop3A_189, %parallel_loop3A_193 : vector<16xf32>
      %parallel_loop3A_195 = arith.constant 0.000000e+00 : f32
      %parallel_loop3A_196 = vector.broadcast %parallel_loop3A_195 : f32 to vector<16xf32>
      %parallel_loop3A_197 = arith.cmpf oge, %parallel_loop3A_194, %parallel_loop3A_196 : vector<16xf32>
      %parallel_loop3A_198 = arith.constant 2.000000e-01 : f32
      %parallel_loop3A_199 = vector.broadcast %parallel_loop3A_198 : f32 to vector<16xf32>
      %parallel_loop3A_200 = arith.mulf %parallel_loop3A_199, %parallel_loop3A_194 : vector<16xf32>
      %parallel_loop3A_201 = arith.select %parallel_loop3A_197, %parallel_loop3A_194, %parallel_loop3A_200 : vector<16xi1>, vector<16xf32>
      %parallel_loop3A_202 = math.exp %parallel_loop3A_201 : vector<16xf32>
      %parallel_loop3A_203 = arith.index_cast %parallel_loop3A_130 : i32 to index
      %parallel_loop3A_204 = arith.constant 32 : index
      %parallel_loop3A_205 = tpu.vector_load %arg18[%parallel_loop3A_203, %parallel_loop3A_204] {strides = array<i32>} : memref<125x80xf32, #tpu.memory_space<vmem>>, vector<16xf32>,
      tpu.vector_store %arg18[%parallel_loop3A_203, %parallel_loop3A_204], %parallel_loop3A_202 {strides = array<i32>} : memref<125x80xf32, #tpu.memory_space<vmem>>, vector<16xf32>,
      %parallel_loop3A_206 = arith.index_cast %parallel_loop3A_130 : i32 to index
      %parallel_loop3A_207 = arith.constant 48 : index
      %parallel_loop3A_208 = tpu.vector_load %arg12[%parallel_loop3A_206, %parallel_loop3A_207] {strides = array<i32>} : memref<125x80xi32, #tpu.memory_space<vmem>>, vector<16xi32>,
      %parallel_loop3A_209 = tpu.vector_load_idx %arg15[%parallel_loop3A_208] : memref<10000xf32, #tpu.memory_space<vmem>>[vector<16xi32>], vector<16xf32>,
      %parallel_loop3A_210 = arith.index_cast %parallel_loop3A_130 : i32 to index
      %parallel_loop3A_211 = arith.constant 48 : index
      %parallel_loop3A_212 = tpu.vector_load %arg13[%parallel_loop3A_210, %parallel_loop3A_211] {strides = array<i32>} : memref<125x80xi32, #tpu.memory_space<vmem>>, vector<16xi32>,
      %parallel_loop3A_213 = tpu.vector_load_idx %arg16[%parallel_loop3A_212] : memref<10000xf32, #tpu.memory_space<vmem>>[vector<16xi32>], vector<16xf32>,
      %parallel_loop3A_214 = arith.addf %parallel_loop3A_209, %parallel_loop3A_213 : vector<16xf32>
      %parallel_loop3A_215 = arith.index_cast %parallel_loop3A_130 : i32 to index
      %parallel_loop3A_216 = arith.constant 48 : index
      %parallel_loop3A_217 = tpu.vector_load %arg14[%parallel_loop3A_215, %parallel_loop3A_216] {strides = array<i32>} : memref<125x80xi32, #tpu.memory_space<vmem>>, vector<16xi32>,
      %parallel_loop3A_218 = tpu.vector_load_idx %arg17[%parallel_loop3A_217] : memref<16xf32, #tpu.memory_space<vmem>>[vector<16xi32>], vector<16xf32>,
      %parallel_loop3A_219 = arith.addf %parallel_loop3A_214, %parallel_loop3A_218 : vector<16xf32>
      %parallel_loop3A_220 = arith.constant 0.000000e+00 : f32
      %parallel_loop3A_221 = vector.broadcast %parallel_loop3A_220 : f32 to vector<16xf32>
      %parallel_loop3A_222 = arith.cmpf oge, %parallel_loop3A_219, %parallel_loop3A_221 : vector<16xf32>
      %parallel_loop3A_223 = arith.constant 2.000000e-01 : f32
      %parallel_loop3A_224 = vector.broadcast %parallel_loop3A_223 : f32 to vector<16xf32>
      %parallel_loop3A_225 = arith.mulf %parallel_loop3A_224, %parallel_loop3A_219 : vector<16xf32>
      %parallel_loop3A_226 = arith.select %parallel_loop3A_222, %parallel_loop3A_219, %parallel_loop3A_225 : vector<16xi1>, vector<16xf32>
      %parallel_loop3A_227 = math.exp %parallel_loop3A_226 : vector<16xf32>
      %parallel_loop3A_228 = arith.index_cast %parallel_loop3A_130 : i32 to index
      %parallel_loop3A_229 = arith.constant 48 : index
      %parallel_loop3A_230 = tpu.vector_load %arg18[%parallel_loop3A_228, %parallel_loop3A_229] {strides = array<i32>} : memref<125x80xf32, #tpu.memory_space<vmem>>, vector<16xf32>,
      tpu.vector_store %arg18[%parallel_loop3A_228, %parallel_loop3A_229], %parallel_loop3A_227 {strides = array<i32>} : memref<125x80xf32, #tpu.memory_space<vmem>>, vector<16xf32>,
      %parallel_loop3A_231 = arith.index_cast %parallel_loop3A_130 : i32 to index
      %parallel_loop3A_232 = arith.constant 64 : index
      %parallel_loop3A_233 = tpu.vector_load %arg12[%parallel_loop3A_231, %parallel_loop3A_232] {strides = array<i32>} : memref<125x80xi32, #tpu.memory_space<vmem>>, vector<16xi32>,
      %parallel_loop3A_234 = tpu.vector_load_idx %arg15[%parallel_loop3A_233] : memref<10000xf32, #tpu.memory_space<vmem>>[vector<16xi32>], vector<16xf32>,
      %parallel_loop3A_235 = arith.index_cast %parallel_loop3A_130 : i32 to index
      %parallel_loop3A_236 = arith.constant 64 : index
      %parallel_loop3A_237 = tpu.vector_load %arg13[%parallel_loop3A_235, %parallel_loop3A_236] {strides = array<i32>} : memref<125x80xi32, #tpu.memory_space<vmem>>, vector<16xi32>,
      %parallel_loop3A_238 = tpu.vector_load_idx %arg16[%parallel_loop3A_237] : memref<10000xf32, #tpu.memory_space<vmem>>[vector<16xi32>], vector<16xf32>,
      %parallel_loop3A_239 = arith.addf %parallel_loop3A_234, %parallel_loop3A_238 : vector<16xf32>
      %parallel_loop3A_240 = arith.index_cast %parallel_loop3A_130 : i32 to index
      %parallel_loop3A_241 = arith.constant 64 : index
      %parallel_loop3A_242 = tpu.vector_load %arg14[%parallel_loop3A_240, %parallel_loop3A_241] {strides = array<i32>} : memref<125x80xi32, #tpu.memory_space<vmem>>, vector<16xi32>,
      %parallel_loop3A_243 = tpu.vector_load_idx %arg17[%parallel_loop3A_242] : memref<16xf32, #tpu.memory_space<vmem>>[vector<16xi32>], vector<16xf32>,
      %parallel_loop3A_244 = arith.addf %parallel_loop3A_239, %parallel_loop3A_243 : vector<16xf32>
      %parallel_loop3A_245 = arith.constant 0.000000e+00 : f32
      %parallel_loop3A_246 = vector.broadcast %parallel_loop3A_245 : f32 to vector<16xf32>
      %parallel_loop3A_247 = arith.cmpf oge, %parallel_loop3A_244, %parallel_loop3A_246 : vector<16xf32>
      %parallel_loop3A_248 = arith.constant 2.000000e-01 : f32
      %parallel_loop3A_249 = vector.broadcast %parallel_loop3A_248 : f32 to vector<16xf32>
      %parallel_loop3A_250 = arith.mulf %parallel_loop3A_249, %parallel_loop3A_244 : vector<16xf32>
      %parallel_loop3A_251 = arith.select %parallel_loop3A_247, %parallel_loop3A_244, %parallel_loop3A_250 : vector<16xi1>, vector<16xf32>
      %parallel_loop3A_252 = math.exp %parallel_loop3A_251 : vector<16xf32>
      %parallel_loop3A_253 = arith.index_cast %parallel_loop3A_130 : i32 to index
      %parallel_loop3A_254 = arith.constant 64 : index
      %parallel_loop3A_255 = tpu.vector_load %arg18[%parallel_loop3A_253, %parallel_loop3A_254] {strides = array<i32>} : memref<125x80xf32, #tpu.memory_space<vmem>>, vector<16xf32>,
      tpu.vector_store %arg18[%parallel_loop3A_253, %parallel_loop3A_254], %parallel_loop3A_252 {strides = array<i32>} : memref<125x80xf32, #tpu.memory_space<vmem>>, vector<16xf32>,
    } {sc.loop_unroll_factor = 2 : i64, sc.parallel_access}
    %barrier3A = arith.constant 0 : index
    tpu.barrier barrier_id(%barrier3A)
    %dma_start3A = arith.constant 0 : i32
    %dma_start3A_23 = arith.constant 0 : i32
    %dma_start3A_24 = tpu.memref_slice %arg12[%dma_start3A, %dma_start3A_23] : memref<125x80xi32, #tpu.memory_space<vmem>> -> memref<1x80xi32, #tpu.memory_space<vmem>>
    %dma_start3A_25 = tpu.memref_squeeze %dma_start3A_24 : memref<1x80xi32, #tpu.memory_space<vmem>> -> memref<80xi32, #tpu.memory_space<vmem>>
    %dma_start3A_26 = arith.constant 0 : i32
    %dma_start3A_27 = arith.constant 0 : i32
    %dma_start3A_28 = tpu.memref_slice %arg8[%dma_start3A_26, %dma_start3A_27] : memref<10000x80xf32, #tpu.memory_space<hbm>> -> memref<10000x80xf32, #tpu.memory_space<hbm>>
    tpu.enqueue_indirect_dma source(%dma_start3A_28 : memref<10000x80xf32, #tpu.memory_space<hbm>>) target(%arg19 : memref<80x80xf32, #tpu.memory_space<vmem>>) offsets(%dma_start3A_25 : memref<80xi32, #tpu.memory_space<vmem>>) semaphore(%arg23 : memref<!tpu.dma_semaphore, #tpu.memory_space<semaphore_mem>>)
    %dma_start3A_29 = arith.constant 1 : i32
    %dma_start3A_30 = arith.constant 0 : i32
    %dma_start3A_31 = tpu.memref_slice %arg12[%dma_start3A_29, %dma_start3A_30] : memref<125x80xi32, #tpu.memory_space<vmem>> -> memref<1x80xi32, #tpu.memory_space<vmem>>
    %dma_start3A_32 = tpu.memref_squeeze %dma_start3A_31 : memref<1x80xi32, #tpu.memory_space<vmem>> -> memref<80xi32, #tpu.memory_space<vmem>>
    %dma_start3A_33 = arith.constant 0 : i32
    %dma_start3A_34 = arith.constant 0 : i32
    %dma_start3A_35 = tpu.memref_slice %arg8[%dma_start3A_33, %dma_start3A_34] : memref<10000x80xf32, #tpu.memory_space<hbm>> -> memref<10000x80xf32, #tpu.memory_space<hbm>>
    tpu.enqueue_indirect_dma source(%dma_start3A_35 : memref<10000x80xf32, #tpu.memory_space<hbm>>) target(%arg20 : memref<80x80xf32, #tpu.memory_space<vmem>>) offsets(%dma_start3A_32 : memref<80xi32, #tpu.memory_space<vmem>>) semaphore(%arg24 : memref<!tpu.dma_semaphore, #tpu.memory_space<semaphore_mem>>)
    %scan3A_36 = arith.constant 0 : i32
    %scan3A_37 = arith.constant 0 : i32
    %scan3A_38 = arith.constant 41 : i32
    %scan3A_39 = arith.addi %scan3A_37, %scan3A_38 : i32
    %scan3A_40 = arith.constant 1 : i32
    scf.for %scan3A_130 = %scan3A_37 to %scan3A_39 step %scan3A_40  : i32 {
      %mul3A_131 = arith.constant 3 : i32
      %mul3A_132 = arith.muli %mul3A_131, %scan3A_130 : i32
      %add3A_133 = arith.constant 2 : i32
      %add3A_134 = arith.addi %mul3A_132, %add3A_133 : i32
      %dma_start3A_135 = arith.constant 0 : i32
      %dma_start3A_136 = tpu.memref_slice %arg12[%add3A_134, %dma_start3A_135] : memref<125x80xi32, #tpu.memory_space<vmem>> -> memref<1x80xi32, #tpu.memory_space<vmem>>
      %dma_start3A_137 = tpu.memref_squeeze %dma_start3A_136 : memref<1x80xi32, #tpu.memory_space<vmem>> -> memref<80xi32, #tpu.memory_space<vmem>>
      %dma_start3A_138 = arith.constant 0 : i32
      %dma_start3A_139 = arith.constant 0 : i32
      %dma_start3A_140 = tpu.memref_slice %arg8[%dma_start3A_138, %dma_start3A_139] : memref<10000x80xf32, #tpu.memory_space<hbm>> -> memref<10000x80xf32, #tpu.memory_space<hbm>>
      tpu.enqueue_indirect_dma source(%dma_start3A_140 : memref<10000x80xf32, #tpu.memory_space<hbm>>) target(%arg21 : memref<80x80xf32, #tpu.memory_space<vmem>>) offsets(%dma_start3A_137 : memref<80xi32, #tpu.memory_space<vmem>>) semaphore(%arg25 : memref<!tpu.dma_semaphore, #tpu.memory_space<semaphore_mem>>)
      %dma_wait3A_141 = arith.constant 0 : i32
      %dma_wait3A_142 = tpu.memref_slice %arg12[%mul3A_132, %dma_wait3A_141] : memref<125x80xi32, #tpu.memory_space<vmem>> -> memref<1x80xi32, #tpu.memory_space<vmem>>
      %dma_wait3A_143 = tpu.memref_squeeze %dma_wait3A_142 : memref<1x80xi32, #tpu.memory_space<vmem>> -> memref<80xi32, #tpu.memory_space<vmem>>
      %dma_wait3A_144 = arith.constant 0 : i32
      %dma_wait3A_145 = arith.constant 0 : i32
      %dma_wait3A_146 = tpu.memref_slice %arg8[%dma_wait3A_144, %dma_wait3A_145] : memref<10000x80xf32, #tpu.memory_space<hbm>> -> memref<10000x80xf32, #tpu.memory_space<hbm>>
      tpu.wait_indirect_dma semaphore(%arg23 : memref<!tpu.dma_semaphore, #tpu.memory_space<semaphore_mem>>) src(%dma_wait3A_146 : memref<10000x80xf32, #tpu.memory_space<hbm>>) dst(%arg19 : memref<80x80xf32, #tpu.memory_space<vmem>>)
      %parallel_loop3A_147 = arith.constant 0 : i32
      %parallel_loop3A_148 = arith.constant 80 : i32
      %parallel_loop3A_149 = arith.constant 1 : i32
      scf.for %parallel_loop3A_192 = %parallel_loop3A_147 to %parallel_loop3A_148 step %parallel_loop3A_149  : i32 {
        %parallel_loop3A_193 = vector.broadcast %mul3A_132 : i32 to vector<16xi32>
        %parallel_loop3A_194 = vector.broadcast %parallel_loop3A_192 : i32 to vector<16xi32>
        %parallel_loop3A_195 = tpu.vector_load_idx %arg18[%parallel_loop3A_193, %parallel_loop3A_194] : memref<125x80xf32, #tpu.memory_space<vmem>>[vector<16xi32>, vector<16xi32>], vector<16xf32>,
        %parallel_loop3A_196 = arith.index_cast %parallel_loop3A_192 : i32 to index
        %parallel_loop3A_197 = arith.constant 0 : index
        %parallel_loop3A_198 = tpu.vector_load %arg19[%parallel_loop3A_196, %parallel_loop3A_197] {strides = array<i32>} : memref<80x80xf32, #tpu.memory_space<vmem>>, vector<16xf32>,
        %parallel_loop3A_199 = arith.mulf %parallel_loop3A_198, %parallel_loop3A_195 : vector<16xf32>
        %parallel_loop3A_200 = arith.index_cast %parallel_loop3A_192 : i32 to index
        %parallel_loop3A_201 = arith.constant 0 : index
        %parallel_loop3A_202 = tpu.vector_load %arg19[%parallel_loop3A_200, %parallel_loop3A_201] {strides = array<i32>} : memref<80x80xf32, #tpu.memory_space<vmem>>, vector<16xf32>,
        tpu.vector_store %arg19[%parallel_loop3A_200, %parallel_loop3A_201], %parallel_loop3A_199 {strides = array<i32>} : memref<80x80xf32, #tpu.memory_space<vmem>>, vector<16xf32>,
        %parallel_loop3A_203 = arith.index_cast %parallel_loop3A_192 : i32 to index
        %parallel_loop3A_204 = arith.constant 16 : index
        %parallel_loop3A_205 = tpu.vector_load %arg19[%parallel_loop3A_203, %parallel_loop3A_204] {strides = array<i32>} : memref<80x80xf32, #tpu.memory_space<vmem>>, vector<16xf32>,
        %parallel_loop3A_206 = arith.mulf %parallel_loop3A_205, %parallel_loop3A_195 : vector<16xf32>
        %parallel_loop3A_207 = arith.index_cast %parallel_loop3A_192 : i32 to index
        %parallel_loop3A_208 = arith.constant 16 : index
        %parallel_loop3A_209 = tpu.vector_load %arg19[%parallel_loop3A_207, %parallel_loop3A_208] {strides = array<i32>} : memref<80x80xf32, #tpu.memory_space<vmem>>, vector<16xf32>,
        tpu.vector_store %arg19[%parallel_loop3A_207, %parallel_loop3A_208], %parallel_loop3A_206 {strides = array<i32>} : memref<80x80xf32, #tpu.memory_space<vmem>>, vector<16xf32>,
        %parallel_loop3A_210 = arith.index_cast %parallel_loop3A_192 : i32 to index
        %parallel_loop3A_211 = arith.constant 32 : index
        %parallel_loop3A_212 = tpu.vector_load %arg19[%parallel_loop3A_210, %parallel_loop3A_211] {strides = array<i32>} : memref<80x80xf32, #tpu.memory_space<vmem>>, vector<16xf32>,
        %parallel_loop3A_213 = arith.mulf %parallel_loop3A_212, %parallel_loop3A_195 : vector<16xf32>
        %parallel_loop3A_214 = arith.index_cast %parallel_loop3A_192 : i32 to index
        %parallel_loop3A_215 = arith.constant 32 : index
        %parallel_loop3A_216 = tpu.vector_load %arg19[%parallel_loop3A_214, %parallel_loop3A_215] {strides = array<i32>} : memref<80x80xf32, #tpu.memory_space<vmem>>, vector<16xf32>,
        tpu.vector_store %arg19[%parallel_loop3A_214, %parallel_loop3A_215], %parallel_loop3A_213 {strides = array<i32>} : memref<80x80xf32, #tpu.memory_space<vmem>>, vector<16xf32>,
        %parallel_loop3A_217 = arith.index_cast %parallel_loop3A_192 : i32 to index
        %parallel_loop3A_218 = arith.constant 48 : index
        %parallel_loop3A_219 = tpu.vector_load %arg19[%parallel_loop3A_217, %parallel_loop3A_218] {strides = array<i32>} : memref<80x80xf32, #tpu.memory_space<vmem>>, vector<16xf32>,
        %parallel_loop3A_220 = arith.mulf %parallel_loop3A_219, %parallel_loop3A_195 : vector<16xf32>
        %parallel_loop3A_221 = arith.index_cast %parallel_loop3A_192 : i32 to index
        %parallel_loop3A_222 = arith.constant 48 : index
        %parallel_loop3A_223 = tpu.vector_load %arg19[%parallel_loop3A_221, %parallel_loop3A_222] {strides = array<i32>} : memref<80x80xf32, #tpu.memory_space<vmem>>, vector<16xf32>,
        tpu.vector_store %arg19[%parallel_loop3A_221, %parallel_loop3A_222], %parallel_loop3A_220 {strides = array<i32>} : memref<80x80xf32, #tpu.memory_space<vmem>>, vector<16xf32>,
        %parallel_loop3A_224 = arith.index_cast %parallel_loop3A_192 : i32 to index
        %parallel_loop3A_225 = arith.constant 64 : index
        %parallel_loop3A_226 = tpu.vector_load %arg19[%parallel_loop3A_224, %parallel_loop3A_225] {strides = array<i32>} : memref<80x80xf32, #tpu.memory_space<vmem>>, vector<16xf32>,
        %parallel_loop3A_227 = arith.mulf %parallel_loop3A_226, %parallel_loop3A_195 : vector<16xf32>
        %parallel_loop3A_228 = arith.index_cast %parallel_loop3A_192 : i32 to index
        %parallel_loop3A_229 = arith.constant 64 : index
        %parallel_loop3A_230 = tpu.vector_load %arg19[%parallel_loop3A_228, %parallel_loop3A_229] {strides = array<i32>} : memref<80x80xf32, #tpu.memory_space<vmem>>, vector<16xf32>,
        tpu.vector_store %arg19[%parallel_loop3A_228, %parallel_loop3A_229], %parallel_loop3A_227 {strides = array<i32>} : memref<80x80xf32, #tpu.memory_space<vmem>>, vector<16xf32>,
      } {sc.loop_unroll_factor = 8 : i64, sc.parallel_access}
      "tpu.region"() ({
        %run_scoped3A_192 = tpu.sem_alloc : memref<!tpu.dma_semaphore, #tpu.memory_space<semaphore_mem>>
        %dma_start3A_193 = arith.constant 0 : i32
        %dma_start3A_194 = tpu.memref_slice %arg13[%mul3A_132, %dma_start3A_193] : memref<125x80xi32, #tpu.memory_space<vmem>> -> memref<1x80xi32, #tpu.memory_space<vmem>>
        %dma_start3A_195 = tpu.memref_squeeze %dma_start3A_194 : memref<1x80xi32, #tpu.memory_space<vmem>> -> memref<80xi32, #tpu.memory_space<vmem>>
        %dma_start3A_196 = arith.constant 0 : i32
        %dma_start3A_197 = arith.constant 0 : i32
        %dma_start3A_198 = tpu.memref_slice %arg22[%dma_start3A_196, %dma_start3A_197] : memref<10000x80xf32, #tpu.memory_space<vmem_shared>> -> memref<10000x80xf32, #tpu.memory_space<vmem_shared>>
        tpu.enqueue_indirect_dma source(%arg19 : memref<80x80xf32, #tpu.memory_space<vmem>>) target(%dma_start3A_198 : memref<10000x80xf32, #tpu.memory_space<vmem_shared>>) offsets(%dma_start3A_195 : memref<80xi32, #tpu.memory_space<vmem>>) semaphore(%run_scoped3A_192 : memref<!tpu.dma_semaphore, #tpu.memory_space<semaphore_mem>>) {add = true}
        %dma_wait3A_199 = arith.constant 0 : i32
        %dma_wait3A_200 = tpu.memref_slice %arg13[%mul3A_132, %dma_wait3A_199] : memref<125x80xi32, #tpu.memory_space<vmem>> -> memref<1x80xi32, #tpu.memory_space<vmem>>
        %dma_wait3A_201 = tpu.memref_squeeze %dma_wait3A_200 : memref<1x80xi32, #tpu.memory_space<vmem>> -> memref<80xi32, #tpu.memory_space<vmem>>
        %dma_wait3A_202 = arith.constant 0 : i32
        %dma_wait3A_203 = arith.constant 0 : i32
        %dma_wait3A_204 = tpu.memref_slice %arg22[%dma_wait3A_202, %dma_wait3A_203] : memref<10000x80xf32, #tpu.memory_space<vmem_shared>> -> memref<10000x80xf32, #tpu.memory_space<vmem_shared>>
        tpu.wait_indirect_dma semaphore(%run_scoped3A_192 : memref<!tpu.dma_semaphore, #tpu.memory_space<semaphore_mem>>) src(%arg19 : memref<80x80xf32, #tpu.memory_space<vmem>>) dst(%dma_wait3A_204 : memref<10000x80xf32, #tpu.memory_space<vmem_shared>>)
        tpu.yield
      }) : () -> ()
      %add3A_150 = arith.constant 3 : i32
      %add3A_151 = arith.addi %mul3A_132, %add3A_150 : i32
      %dma_start3A_152 = arith.constant 0 : i32
      %dma_start3A_153 = tpu.memref_slice %arg12[%add3A_151, %dma_start3A_152] : memref<125x80xi32, #tpu.memory_space<vmem>> -> memref<1x80xi32, #tpu.memory_space<vmem>>
      %dma_start3A_154 = tpu.memref_squeeze %dma_start3A_153 : memref<1x80xi32, #tpu.memory_space<vmem>> -> memref<80xi32, #tpu.memory_space<vmem>>
      %dma_start3A_155 = arith.constant 0 : i32
      %dma_start3A_156 = arith.constant 0 : i32
      %dma_start3A_157 = tpu.memref_slice %arg8[%dma_start3A_155, %dma_start3A_156] : memref<10000x80xf32, #tpu.memory_space<hbm>> -> memref<10000x80xf32, #tpu.memory_space<hbm>>
      tpu.enqueue_indirect_dma source(%dma_start3A_157 : memref<10000x80xf32, #tpu.memory_space<hbm>>) target(%arg19 : memref<80x80xf32, #tpu.memory_space<vmem>>) offsets(%dma_start3A_154 : memref<80xi32, #tpu.memory_space<vmem>>) semaphore(%arg23 : memref<!tpu.dma_semaphore, #tpu.memory_space<semaphore_mem>>)
      %add3A_158 = arith.constant 1 : i32
      %add3A_159 = arith.addi %mul3A_132, %add3A_158 : i32
      %dma_wait3A_160 = arith.constant 0 : i32
      %dma_wait3A_161 = tpu.memref_slice %arg12[%add3A_159, %dma_wait3A_160] : memref<125x80xi32, #tpu.memory_space<vmem>> -> memref<1x80xi32, #tpu.memory_space<vmem>>
      %dma_wait3A_162 = tpu.memref_squeeze %dma_wait3A_161 : memref<1x80xi32, #tpu.memory_space<vmem>> -> memref<80xi32, #tpu.memory_space<vmem>>
      %dma_wait3A_163 = arith.constant 0 : i32
      %dma_wait3A_164 = arith.constant 0 : i32
      %dma_wait3A_165 = tpu.memref_slice %arg8[%dma_wait3A_163, %dma_wait3A_164] : memref<10000x80xf32, #tpu.memory_space<hbm>> -> memref<10000x80xf32, #tpu.memory_space<hbm>>
      tpu.wait_indirect_dma semaphore(%arg24 : memref<!tpu.dma_semaphore, #tpu.memory_space<semaphore_mem>>) src(%dma_wait3A_165 : memref<10000x80xf32, #tpu.memory_space<hbm>>) dst(%arg20 : memref<80x80xf32, #tpu.memory_space<vmem>>)
      %add3A_166 = arith.constant 1 : i32
      %add3A_167 = arith.addi %mul3A_132, %add3A_166 : i32
      %parallel_loop3A_168 = arith.constant 0 : i32
      %parallel_loop3A_169 = arith.constant 80 : i32
      %parallel_loop3A_170 = arith.constant 1 : i32
      scf.for %parallel_loop3A_192 = %parallel_loop3A_168 to %parallel_loop3A_169 step %parallel_loop3A_170  : i32 {
        %parallel_loop3A_193 = vector.broadcast %add3A_167 : i32 to vector<16xi32>
        %parallel_loop3A_194 = vector.broadcast %parallel_loop3A_192 : i32 to vector<16xi32>
        %parallel_loop3A_195 = tpu.vector_load_idx %arg18[%parallel_loop3A_193, %parallel_loop3A_194] : memref<125x80xf32, #tpu.memory_space<vmem>>[vector<16xi32>, vector<16xi32>], vector<16xf32>,
        %parallel_loop3A_196 = arith.index_cast %parallel_loop3A_192 : i32 to index
        %parallel_loop3A_197 = arith.constant 0 : index
        %parallel_loop3A_198 = tpu.vector_load %arg20[%parallel_loop3A_196, %parallel_loop3A_197] {strides = array<i32>} : memref<80x80xf32, #tpu.memory_space<vmem>>, vector<16xf32>,
        %parallel_loop3A_199 = arith.mulf %parallel_loop3A_198, %parallel_loop3A_195 : vector<16xf32>
        %parallel_loop3A_200 = arith.index_cast %parallel_loop3A_192 : i32 to index
        %parallel_loop3A_201 = arith.constant 0 : index
        %parallel_loop3A_202 = tpu.vector_load %arg20[%parallel_loop3A_200, %parallel_loop3A_201] {strides = array<i32>} : memref<80x80xf32, #tpu.memory_space<vmem>>, vector<16xf32>,
        tpu.vector_store %arg20[%parallel_loop3A_200, %parallel_loop3A_201], %parallel_loop3A_199 {strides = array<i32>} : memref<80x80xf32, #tpu.memory_space<vmem>>, vector<16xf32>,
        %parallel_loop3A_203 = arith.index_cast %parallel_loop3A_192 : i32 to index
        %parallel_loop3A_204 = arith.constant 16 : index
        %parallel_loop3A_205 = tpu.vector_load %arg20[%parallel_loop3A_203, %parallel_loop3A_204] {strides = array<i32>} : memref<80x80xf32, #tpu.memory_space<vmem>>, vector<16xf32>,
        %parallel_loop3A_206 = arith.mulf %parallel_loop3A_205, %parallel_loop3A_195 : vector<16xf32>
        %parallel_loop3A_207 = arith.index_cast %parallel_loop3A_192 : i32 to index
        %parallel_loop3A_208 = arith.constant 16 : index
        %parallel_loop3A_209 = tpu.vector_load %arg20[%parallel_loop3A_207, %parallel_loop3A_208] {strides = array<i32>} : memref<80x80xf32, #tpu.memory_space<vmem>>, vector<16xf32>,
        tpu.vector_store %arg20[%parallel_loop3A_207, %parallel_loop3A_208], %parallel_loop3A_206 {strides = array<i32>} : memref<80x80xf32, #tpu.memory_space<vmem>>, vector<16xf32>,
        %parallel_loop3A_210 = arith.index_cast %parallel_loop3A_192 : i32 to index
        %parallel_loop3A_211 = arith.constant 32 : index
        %parallel_loop3A_212 = tpu.vector_load %arg20[%parallel_loop3A_210, %parallel_loop3A_211] {strides = array<i32>} : memref<80x80xf32, #tpu.memory_space<vmem>>, vector<16xf32>,
        %parallel_loop3A_213 = arith.mulf %parallel_loop3A_212, %parallel_loop3A_195 : vector<16xf32>
        %parallel_loop3A_214 = arith.index_cast %parallel_loop3A_192 : i32 to index
        %parallel_loop3A_215 = arith.constant 32 : index
        %parallel_loop3A_216 = tpu.vector_load %arg20[%parallel_loop3A_214, %parallel_loop3A_215] {strides = array<i32>} : memref<80x80xf32, #tpu.memory_space<vmem>>, vector<16xf32>,
        tpu.vector_store %arg20[%parallel_loop3A_214, %parallel_loop3A_215], %parallel_loop3A_213 {strides = array<i32>} : memref<80x80xf32, #tpu.memory_space<vmem>>, vector<16xf32>,
        %parallel_loop3A_217 = arith.index_cast %parallel_loop3A_192 : i32 to index
        %parallel_loop3A_218 = arith.constant 48 : index
        %parallel_loop3A_219 = tpu.vector_load %arg20[%parallel_loop3A_217, %parallel_loop3A_218] {strides = array<i32>} : memref<80x80xf32, #tpu.memory_space<vmem>>, vector<16xf32>,
        %parallel_loop3A_220 = arith.mulf %parallel_loop3A_219, %parallel_loop3A_195 : vector<16xf32>
        %parallel_loop3A_221 = arith.index_cast %parallel_loop3A_192 : i32 to index
        %parallel_loop3A_222 = arith.constant 48 : index
        %parallel_loop3A_223 = tpu.vector_load %arg20[%parallel_loop3A_221, %parallel_loop3A_222] {strides = array<i32>} : memref<80x80xf32, #tpu.memory_space<vmem>>, vector<16xf32>,
        tpu.vector_store %arg20[%parallel_loop3A_221, %parallel_loop3A_222], %parallel_loop3A_220 {strides = array<i32>} : memref<80x80xf32, #tpu.memory_space<vmem>>, vector<16xf32>,
        %parallel_loop3A_224 = arith.index_cast %parallel_loop3A_192 : i32 to index
        %parallel_loop3A_225 = arith.constant 64 : index
        %parallel_loop3A_226 = tpu.vector_load %arg20[%parallel_loop3A_224, %parallel_loop3A_225] {strides = array<i32>} : memref<80x80xf32, #tpu.memory_space<vmem>>, vector<16xf32>,
        %parallel_loop3A_227 = arith.mulf %parallel_loop3A_226, %parallel_loop3A_195 : vector<16xf32>
        %parallel_loop3A_228 = arith.index_cast %parallel_loop3A_192 : i32 to index
        %parallel_loop3A_229 = arith.constant 64 : index
        %parallel_loop3A_230 = tpu.vector_load %arg20[%parallel_loop3A_228, %parallel_loop3A_229] {strides = array<i32>} : memref<80x80xf32, #tpu.memory_space<vmem>>, vector<16xf32>,
        tpu.vector_store %arg20[%parallel_loop3A_228, %parallel_loop3A_229], %parallel_loop3A_227 {strides = array<i32>} : memref<80x80xf32, #tpu.memory_space<vmem>>, vector<16xf32>,
      } {sc.loop_unroll_factor = 8 : i64, sc.parallel_access}
      "tpu.region"() ({
        %run_scoped3A_192 = tpu.sem_alloc : memref<!tpu.dma_semaphore, #tpu.memory_space<semaphore_mem>>
        %dma_start3A_193 = arith.constant 0 : i32
        %dma_start3A_194 = tpu.memref_slice %arg13[%add3A_167, %dma_start3A_193] : memref<125x80xi32, #tpu.memory_space<vmem>> -> memref<1x80xi32, #tpu.memory_space<vmem>>
        %dma_start3A_195 = tpu.memref_squeeze %dma_start3A_194 : memref<1x80xi32, #tpu.memory_space<vmem>> -> memref<80xi32, #tpu.memory_space<vmem>>
        %dma_start3A_196 = arith.constant 0 : i32
        %dma_start3A_197 = arith.constant 0 : i32
        %dma_start3A_198 = tpu.memref_slice %arg22[%dma_start3A_196, %dma_start3A_197] : memref<10000x80xf32, #tpu.memory_space<vmem_shared>> -> memref<10000x80xf32, #tpu.memory_space<vmem_shared>>
        tpu.enqueue_indirect_dma source(%arg20 : memref<80x80xf32, #tpu.memory_space<vmem>>) target(%dma_start3A_198 : memref<10000x80xf32, #tpu.memory_space<vmem_shared>>) offsets(%dma_start3A_195 : memref<80xi32, #tpu.memory_space<vmem>>) semaphore(%run_scoped3A_192 : memref<!tpu.dma_semaphore, #tpu.memory_space<semaphore_mem>>) {add = true}
        %dma_wait3A_199 = arith.constant 0 : i32
        %dma_wait3A_200 = tpu.memref_slice %arg13[%add3A_167, %dma_wait3A_199] : memref<125x80xi32, #tpu.memory_space<vmem>> -> memref<1x80xi32, #tpu.memory_space<vmem>>
        %dma_wait3A_201 = tpu.memref_squeeze %dma_wait3A_200 : memref<1x80xi32, #tpu.memory_space<vmem>> -> memref<80xi32, #tpu.memory_space<vmem>>
        %dma_wait3A_202 = arith.constant 0 : i32
        %dma_wait3A_203 = arith.constant 0 : i32
        %dma_wait3A_204 = tpu.memref_slice %arg22[%dma_wait3A_202, %dma_wait3A_203] : memref<10000x80xf32, #tpu.memory_space<vmem_shared>> -> memref<10000x80xf32, #tpu.memory_space<vmem_shared>>
        tpu.wait_indirect_dma semaphore(%run_scoped3A_192 : memref<!tpu.dma_semaphore, #tpu.memory_space<semaphore_mem>>) src(%arg20 : memref<80x80xf32, #tpu.memory_space<vmem>>) dst(%dma_wait3A_204 : memref<10000x80xf32, #tpu.memory_space<vmem_shared>>)
        tpu.yield
      }) : () -> ()
      %add3A_171 = arith.constant 4 : i32
      %add3A_172 = arith.addi %mul3A_132, %add3A_171 : i32
      %dma_start3A_173 = arith.constant 0 : i32
      %dma_start3A_174 = tpu.memref_slice %arg12[%add3A_172, %dma_start3A_173] : memref<125x80xi32, #tpu.memory_space<vmem>> -> memref<1x80xi32, #tpu.memory_space<vmem>>
      %dma_start3A_175 = tpu.memref_squeeze %dma_start3A_174 : memref<1x80xi32, #tpu.memory_space<vmem>> -> memref<80xi32, #tpu.memory_space<vmem>>
      %dma_start3A_176 = arith.constant 0 : i32
      %dma_start3A_177 = arith.constant 0 : i32
      %dma_start3A_178 = tpu.memref_slice %arg8[%dma_start3A_176, %dma_start3A_177] : memref<10000x80xf32, #tpu.memory_space<hbm>> -> memref<10000x80xf32, #tpu.memory_space<hbm>>
      tpu.enqueue_indirect_dma source(%dma_start3A_178 : memref<10000x80xf32, #tpu.memory_space<hbm>>) target(%arg20 : memref<80x80xf32, #tpu.memory_space<vmem>>) offsets(%dma_start3A_175 : memref<80xi32, #tpu.memory_space<vmem>>) semaphore(%arg24 : memref<!tpu.dma_semaphore, #tpu.memory_space<semaphore_mem>>)
      %add3A_179 = arith.constant 2 : i32
      %add3A_180 = arith.addi %mul3A_132, %add3A_179 : i32
      %dma_wait3A_181 = arith.constant 0 : i32
      %dma_wait3A_182 = tpu.memref_slice %arg12[%add3A_180, %dma_wait3A_181] : memref<125x80xi32, #tpu.memory_space<vmem>> -> memref<1x80xi32, #tpu.memory_space<vmem>>
      %dma_wait3A_183 = tpu.memref_squeeze %dma_wait3A_182 : memref<1x80xi32, #tpu.memory_space<vmem>> -> memref<80xi32, #tpu.memory_space<vmem>>
      %dma_wait3A_184 = arith.constant 0 : i32
      %dma_wait3A_185 = arith.constant 0 : i32
      %dma_wait3A_186 = tpu.memref_slice %arg8[%dma_wait3A_184, %dma_wait3A_185] : memref<10000x80xf32, #tpu.memory_space<hbm>> -> memref<10000x80xf32, #tpu.memory_space<hbm>>
      tpu.wait_indirect_dma semaphore(%arg25 : memref<!tpu.dma_semaphore, #tpu.memory_space<semaphore_mem>>) src(%dma_wait3A_186 : memref<10000x80xf32, #tpu.memory_space<hbm>>) dst(%arg21 : memref<80x80xf32, #tpu.memory_space<vmem>>)
      %add3A_187 = arith.constant 2 : i32
      %add3A_188 = arith.addi %mul3A_132, %add3A_187 : i32
      %parallel_loop3A_189 = arith.constant 0 : i32
      %parallel_loop3A_190 = arith.constant 80 : i32
      %parallel_loop3A_191 = arith.constant 1 : i32
      scf.for %parallel_loop3A_192 = %parallel_loop3A_189 to %parallel_loop3A_190 step %parallel_loop3A_191  : i32 {
        %parallel_loop3A_193 = vector.broadcast %add3A_188 : i32 to vector<16xi32>
        %parallel_loop3A_194 = vector.broadcast %parallel_loop3A_192 : i32 to vector<16xi32>
        %parallel_loop3A_195 = tpu.vector_load_idx %arg18[%parallel_loop3A_193, %parallel_loop3A_194] : memref<125x80xf32, #tpu.memory_space<vmem>>[vector<16xi32>, vector<16xi32>], vector<16xf32>,
        %parallel_loop3A_196 = arith.index_cast %parallel_loop3A_192 : i32 to index
        %parallel_loop3A_197 = arith.constant 0 : index
        %parallel_loop3A_198 = tpu.vector_load %arg21[%parallel_loop3A_196, %parallel_loop3A_197] {strides = array<i32>} : memref<80x80xf32, #tpu.memory_space<vmem>>, vector<16xf32>,
        %parallel_loop3A_199 = arith.mulf %parallel_loop3A_198, %parallel_loop3A_195 : vector<16xf32>
        %parallel_loop3A_200 = arith.index_cast %parallel_loop3A_192 : i32 to index
        %parallel_loop3A_201 = arith.constant 0 : index
        %parallel_loop3A_202 = tpu.vector_load %arg21[%parallel_loop3A_200, %parallel_loop3A_201] {strides = array<i32>} : memref<80x80xf32, #tpu.memory_space<vmem>>, vector<16xf32>,
        tpu.vector_store %arg21[%parallel_loop3A_200, %parallel_loop3A_201], %parallel_loop3A_199 {strides = array<i32>} : memref<80x80xf32, #tpu.memory_space<vmem>>, vector<16xf32>,
        %parallel_loop3A_203 = arith.index_cast %parallel_loop3A_192 : i32 to index
        %parallel_loop3A_204 = arith.constant 16 : index
        %parallel_loop3A_205 = tpu.vector_load %arg21[%parallel_loop3A_203, %parallel_loop3A_204] {strides = array<i32>} : memref<80x80xf32, #tpu.memory_space<vmem>>, vector<16xf32>,
        %parallel_loop3A_206 = arith.mulf %parallel_loop3A_205, %parallel_loop3A_195 : vector<16xf32>
        %parallel_loop3A_207 = arith.index_cast %parallel_loop3A_192 : i32 to index
        %parallel_loop3A_208 = arith.constant 16 : index
        %parallel_loop3A_209 = tpu.vector_load %arg21[%parallel_loop3A_207, %parallel_loop3A_208] {strides = array<i32>} : memref<80x80xf32, #tpu.memory_space<vmem>>, vector<16xf32>,
        tpu.vector_store %arg21[%parallel_loop3A_207, %parallel_loop3A_208], %parallel_loop3A_206 {strides = array<i32>} : memref<80x80xf32, #tpu.memory_space<vmem>>, vector<16xf32>,
        %parallel_loop3A_210 = arith.index_cast %parallel_loop3A_192 : i32 to index
        %parallel_loop3A_211 = arith.constant 32 : index
        %parallel_loop3A_212 = tpu.vector_load %arg21[%parallel_loop3A_210, %parallel_loop3A_211] {strides = array<i32>} : memref<80x80xf32, #tpu.memory_space<vmem>>, vector<16xf32>,
        %parallel_loop3A_213 = arith.mulf %parallel_loop3A_212, %parallel_loop3A_195 : vector<16xf32>
        %parallel_loop3A_214 = arith.index_cast %parallel_loop3A_192 : i32 to index
        %parallel_loop3A_215 = arith.constant 32 : index
        %parallel_loop3A_216 = tpu.vector_load %arg21[%parallel_loop3A_214, %parallel_loop3A_215] {strides = array<i32>} : memref<80x80xf32, #tpu.memory_space<vmem>>, vector<16xf32>,
        tpu.vector_store %arg21[%parallel_loop3A_214, %parallel_loop3A_215], %parallel_loop3A_213 {strides = array<i32>} : memref<80x80xf32, #tpu.memory_space<vmem>>, vector<16xf32>,
        %parallel_loop3A_217 = arith.index_cast %parallel_loop3A_192 : i32 to index
        %parallel_loop3A_218 = arith.constant 48 : index
        %parallel_loop3A_219 = tpu.vector_load %arg21[%parallel_loop3A_217, %parallel_loop3A_218] {strides = array<i32>} : memref<80x80xf32, #tpu.memory_space<vmem>>, vector<16xf32>,
        %parallel_loop3A_220 = arith.mulf %parallel_loop3A_219, %parallel_loop3A_195 : vector<16xf32>
        %parallel_loop3A_221 = arith.index_cast %parallel_loop3A_192 : i32 to index
        %parallel_loop3A_222 = arith.constant 48 : index
        %parallel_loop3A_223 = tpu.vector_load %arg21[%parallel_loop3A_221, %parallel_loop3A_222] {strides = array<i32>} : memref<80x80xf32, #tpu.memory_space<vmem>>, vector<16xf32>,
        tpu.vector_store %arg21[%parallel_loop3A_221, %parallel_loop3A_222], %parallel_loop3A_220 {strides = array<i32>} : memref<80x80xf32, #tpu.memory_space<vmem>>, vector<16xf32>,
        %parallel_loop3A_224 = arith.index_cast %parallel_loop3A_192 : i32 to index
        %parallel_loop3A_225 = arith.constant 64 : index
        %parallel_loop3A_226 = tpu.vector_load %arg21[%parallel_loop3A_224, %parallel_loop3A_225] {strides = array<i32>} : memref<80x80xf32, #tpu.memory_space<vmem>>, vector<16xf32>,
        %parallel_loop3A_227 = arith.mulf %parallel_loop3A_226, %parallel_loop3A_195 : vector<16xf32>
        %parallel_loop3A_228 = arith.index_cast %parallel_loop3A_192 : i32 to index
        %parallel_loop3A_229 = arith.constant 64 : index
        %parallel_loop3A_230 = tpu.vector_load %arg21[%parallel_loop3A_228, %parallel_loop3A_229] {strides = array<i32>} : memref<80x80xf32, #tpu.memory_space<vmem>>, vector<16xf32>,
        tpu.vector_store %arg21[%parallel_loop3A_228, %parallel_loop3A_229], %parallel_loop3A_227 {strides = array<i32>} : memref<80x80xf32, #tpu.memory_space<vmem>>, vector<16xf32>,
      } {sc.loop_unroll_factor = 8 : i64, sc.parallel_access}
      "tpu.region"() ({
        %run_scoped3A_192 = tpu.sem_alloc : memref<!tpu.dma_semaphore, #tpu.memory_space<semaphore_mem>>
        %dma_start3A_193 = arith.constant 0 : i32
        %dma_start3A_194 = tpu.memref_slice %arg13[%add3A_188, %dma_start3A_193] : memref<125x80xi32, #tpu.memory_space<vmem>> -> memref<1x80xi32, #tpu.memory_space<vmem>>
        %dma_start3A_195 = tpu.memref_squeeze %dma_start3A_194 : memref<1x80xi32, #tpu.memory_space<vmem>> -> memref<80xi32, #tpu.memory_space<vmem>>
        %dma_start3A_196 = arith.constant 0 : i32
        %dma_start3A_197 = arith.constant 0 : i32
        %dma_start3A_198 = tpu.memref_slice %arg22[%dma_start3A_196, %dma_start3A_197] : memref<10000x80xf32, #tpu.memory_space<vmem_shared>> -> memref<10000x80xf32, #tpu.memory_space<vmem_shared>>
        tpu.enqueue_indirect_dma source(%arg21 : memref<80x80xf32, #tpu.memory_space<vmem>>) target(%dma_start3A_198 : memref<10000x80xf32, #tpu.memory_space<vmem_shared>>) offsets(%dma_start3A_195 : memref<80xi32, #tpu.memory_space<vmem>>) semaphore(%run_scoped3A_192 : memref<!tpu.dma_semaphore, #tpu.memory_space<semaphore_mem>>) {add = true}
        %dma_wait3A_199 = arith.constant 0 : i32
        %dma_wait3A_200 = tpu.memref_slice %arg13[%add3A_188, %dma_wait3A_199] : memref<125x80xi32, #tpu.memory_space<vmem>> -> memref<1x80xi32, #tpu.memory_space<vmem>>
        %dma_wait3A_201 = tpu.memref_squeeze %dma_wait3A_200 : memref<1x80xi32, #tpu.memory_space<vmem>> -> memref<80xi32, #tpu.memory_space<vmem>>
        %dma_wait3A_202 = arith.constant 0 : i32
        %dma_wait3A_203 = arith.constant 0 : i32
        %dma_wait3A_204 = tpu.memref_slice %arg22[%dma_wait3A_202, %dma_wait3A_203] : memref<10000x80xf32, #tpu.memory_space<vmem_shared>> -> memref<10000x80xf32, #tpu.memory_space<vmem_shared>>
        tpu.wait_indirect_dma semaphore(%run_scoped3A_192 : memref<!tpu.dma_semaphore, #tpu.memory_space<semaphore_mem>>) src(%arg21 : memref<80x80xf32, #tpu.memory_space<vmem>>) dst(%dma_wait3A_204 : memref<10000x80xf32, #tpu.memory_space<vmem_shared>>)
        tpu.yield
      }) : () -> ()
    }
    %scan3A_41 = arith.constant 41 : i32
    %dma_wait3A = arith.constant 123 : i32
    %dma_wait3A_42 = arith.constant 0 : i32
    %dma_wait3A_43 = tpu.memref_slice %arg12[%dma_wait3A, %dma_wait3A_42] : memref<125x80xi32, #tpu.memory_space<vmem>> -> memref<1x80xi32, #tpu.memory_space<vmem>>
    %dma_wait3A_44 = tpu.memref_squeeze %dma_wait3A_43 : memref<1x80xi32, #tpu.memory_space<vmem>> -> memref<80xi32, #tpu.memory_space<vmem>>
    %dma_wait3A_45 = arith.constant 0 : i32
    %dma_wait3A_46 = arith.constant 0 : i32
    %dma_wait3A_47 = tpu.memref_slice %arg8[%dma_wait3A_45, %dma_wait3A_46] : memref<10000x80xf32, #tpu.memory_space<hbm>> -> memref<10000x80xf32, #tpu.memory_space<hbm>>
    tpu.wait_indirect_dma semaphore(%arg23 : memref<!tpu.dma_semaphore, #tpu.memory_space<semaphore_mem>>) src(%dma_wait3A_47 : memref<10000x80xf32, #tpu.memory_space<hbm>>) dst(%arg19 : memref<80x80xf32, #tpu.memory_space<vmem>>)
    %parallel_loop3A_48 = arith.constant 0 : i32
    %parallel_loop3A_49 = arith.constant 80 : i32
    %parallel_loop3A_50 = arith.constant 1 : i32
    scf.for %parallel_loop3A_130 = %parallel_loop3A_48 to %parallel_loop3A_49 step %parallel_loop3A_50  : i32 {
      %parallel_loop3A_131 = arith.constant 123 : i32
      %parallel_loop3A_132 = vector.broadcast %parallel_loop3A_131 : i32 to vector<16xi32>
      %parallel_loop3A_133 = vector.broadcast %parallel_loop3A_130 : i32 to vector<16xi32>
      %parallel_loop3A_134 = tpu.vector_load_idx %arg18[%parallel_loop3A_132, %parallel_loop3A_133] : memref<125x80xf32, #tpu.memory_space<vmem>>[vector<16xi32>, vector<16xi32>], vector<16xf32>,
      %parallel_loop3A_135 = arith.index_cast %parallel_loop3A_130 : i32 to index
      %parallel_loop3A_136 = arith.constant 0 : index
      %parallel_loop3A_137 = tpu.vector_load %arg19[%parallel_loop3A_135, %parallel_loop3A_136] {strides = array<i32>} : memref<80x80xf32, #tpu.memory_space<vmem>>, vector<16xf32>,
      %parallel_loop3A_138 = arith.mulf %parallel_loop3A_137, %parallel_loop3A_134 : vector<16xf32>
      %parallel_loop3A_139 = arith.index_cast %parallel_loop3A_130 : i32 to index
      %parallel_loop3A_140 = arith.constant 0 : index
      %parallel_loop3A_141 = tpu.vector_load %arg19[%parallel_loop3A_139, %parallel_loop3A_140] {strides = array<i32>} : memref<80x80xf32, #tpu.memory_space<vmem>>, vector<16xf32>,
      tpu.vector_store %arg19[%parallel_loop3A_139, %parallel_loop3A_140], %parallel_loop3A_138 {strides = array<i32>} : memref<80x80xf32, #tpu.memory_space<vmem>>, vector<16xf32>,
      %parallel_loop3A_142 = arith.index_cast %parallel_loop3A_130 : i32 to index
      %parallel_loop3A_143 = arith.constant 16 : index
      %parallel_loop3A_144 = tpu.vector_load %arg19[%parallel_loop3A_142, %parallel_loop3A_143] {strides = array<i32>} : memref<80x80xf32, #tpu.memory_space<vmem>>, vector<16xf32>,
      %parallel_loop3A_145 = arith.mulf %parallel_loop3A_144, %parallel_loop3A_134 : vector<16xf32>
      %parallel_loop3A_146 = arith.index_cast %parallel_loop3A_130 : i32 to index
      %parallel_loop3A_147 = arith.constant 16 : index
      %parallel_loop3A_148 = tpu.vector_load %arg19[%parallel_loop3A_146, %parallel_loop3A_147] {strides = array<i32>} : memref<80x80xf32, #tpu.memory_space<vmem>>, vector<16xf32>,
      tpu.vector_store %arg19[%parallel_loop3A_146, %parallel_loop3A_147], %parallel_loop3A_145 {strides = array<i32>} : memref<80x80xf32, #tpu.memory_space<vmem>>, vector<16xf32>,
      %parallel_loop3A_149 = arith.index_cast %parallel_loop3A_130 : i32 to index
      %parallel_loop3A_150 = arith.constant 32 : index
      %parallel_loop3A_151 = tpu.vector_load %arg19[%parallel_loop3A_149, %parallel_loop3A_150] {strides = array<i32>} : memref<80x80xf32, #tpu.memory_space<vmem>>, vector<16xf32>,
      %parallel_loop3A_152 = arith.mulf %parallel_loop3A_151, %parallel_loop3A_134 : vector<16xf32>
      %parallel_loop3A_153 = arith.index_cast %parallel_loop3A_130 : i32 to index
      %parallel_loop3A_154 = arith.constant 32 : index
      %parallel_loop3A_155 = tpu.vector_load %arg19[%parallel_loop3A_153, %parallel_loop3A_154] {strides = array<i32>} : memref<80x80xf32, #tpu.memory_space<vmem>>, vector<16xf32>,
      tpu.vector_store %arg19[%parallel_loop3A_153, %parallel_loop3A_154], %parallel_loop3A_152 {strides = array<i32>} : memref<80x80xf32, #tpu.memory_space<vmem>>, vector<16xf32>,
      %parallel_loop3A_156 = arith.index_cast %parallel_loop3A_130 : i32 to index
      %parallel_loop3A_157 = arith.constant 48 : index
      %parallel_loop3A_158 = tpu.vector_load %arg19[%parallel_loop3A_156, %parallel_loop3A_157] {strides = array<i32>} : memref<80x80xf32, #tpu.memory_space<vmem>>, vector<16xf32>,
      %parallel_loop3A_159 = arith.mulf %parallel_loop3A_158, %parallel_loop3A_134 : vector<16xf32>
      %parallel_loop3A_160 = arith.index_cast %parallel_loop3A_130 : i32 to index
      %parallel_loop3A_161 = arith.constant 48 : index
      %parallel_loop3A_162 = tpu.vector_load %arg19[%parallel_loop3A_160, %parallel_loop3A_161] {strides = array<i32>} : memref<80x80xf32, #tpu.memory_space<vmem>>, vector<16xf32>,
      tpu.vector_store %arg19[%parallel_loop3A_160, %parallel_loop3A_161], %parallel_loop3A_159 {strides = array<i32>} : memref<80x80xf32, #tpu.memory_space<vmem>>, vector<16xf32>,
      %parallel_loop3A_163 = arith.index_cast %parallel_loop3A_130 : i32 to index
      %parallel_loop3A_164 = arith.constant 64 : index
      %parallel_loop3A_165 = tpu.vector_load %arg19[%parallel_loop3A_163, %parallel_loop3A_164] {strides = array<i32>} : memref<80x80xf32, #tpu.memory_space<vmem>>, vector<16xf32>,
      %parallel_loop3A_166 = arith.mulf %parallel_loop3A_165, %parallel_loop3A_134 : vector<16xf32>
      %parallel_loop3A_167 = arith.index_cast %parallel_loop3A_130 : i32 to index
      %parallel_loop3A_168 = arith.constant 64 : index
      %parallel_loop3A_169 = tpu.vector_load %arg19[%parallel_loop3A_167, %parallel_loop3A_168] {strides = array<i32>} : memref<80x80xf32, #tpu.memory_space<vmem>>, vector<16xf32>,
      tpu.vector_store %arg19[%parallel_loop3A_167, %parallel_loop3A_168], %parallel_loop3A_166 {strides = array<i32>} : memref<80x80xf32, #tpu.memory_space<vmem>>, vector<16xf32>,
    } {sc.loop_unroll_factor = 8 : i64, sc.parallel_access}
    %run_scoped3A = arith.constant 123 : i32
    "tpu.region"() ({
      %run_scoped3A_130 = tpu.sem_alloc : memref<!tpu.dma_semaphore, #tpu.memory_space<semaphore_mem>>
      %dma_start3A_131 = arith.constant 0 : i32
      %dma_start3A_132 = tpu.memref_slice %arg13[%run_scoped3A, %dma_start3A_131] : memref<125x80xi32, #tpu.memory_space<vmem>> -> memref<1x80xi32, #tpu.memory_space<vmem>>
      %dma_start3A_133 = tpu.memref_squeeze %dma_start3A_132 : memref<1x80xi32, #tpu.memory_space<vmem>> -> memref<80xi32, #tpu.memory_space<vmem>>
      %dma_start3A_134 = arith.constant 0 : i32
      %dma_start3A_135 = arith.constant 0 : i32
      %dma_start3A_136 = tpu.memref_slice %arg22[%dma_start3A_134, %dma_start3A_135] : memref<10000x80xf32, #tpu.memory_space<vmem_shared>> -> memref<10000x80xf32, #tpu.memory_space<vmem_shared>>
      tpu.enqueue_indirect_dma source(%arg19 : memref<80x80xf32, #tpu.memory_space<vmem>>) target(%dma_start3A_136 : memref<10000x80xf32, #tpu.memory_space<vmem_shared>>) offsets(%dma_start3A_133 : memref<80xi32, #tpu.memory_space<vmem>>) semaphore(%run_scoped3A_130 : memref<!tpu.dma_semaphore, #tpu.memory_space<semaphore_mem>>) {add = true}
      %dma_wait3A_137 = arith.constant 0 : i32
      %dma_wait3A_138 = tpu.memref_slice %arg13[%run_scoped3A, %dma_wait3A_137] : memref<125x80xi32, #tpu.memory_space<vmem>> -> memref<1x80xi32, #tpu.memory_space<vmem>>
      %dma_wait3A_139 = tpu.memref_squeeze %dma_wait3A_138 : memref<1x80xi32, #tpu.memory_space<vmem>> -> memref<80xi32, #tpu.memory_space<vmem>>
      %dma_wait3A_140 = arith.constant 0 : i32
      %dma_wait3A_141 = arith.constant 0 : i32
      %dma_wait3A_142 = tpu.memref_slice %arg22[%dma_wait3A_140, %dma_wait3A_141] : memref<10000x80xf32, #tpu.memory_space<vmem_shared>> -> memref<10000x80xf32, #tpu.memory_space<vmem_shared>>
      tpu.wait_indirect_dma semaphore(%run_scoped3A_130 : memref<!tpu.dma_semaphore, #tpu.memory_space<semaphore_mem>>) src(%arg19 : memref<80x80xf32, #tpu.memory_space<vmem>>) dst(%dma_wait3A_142 : memref<10000x80xf32, #tpu.memory_space<vmem_shared>>)
      tpu.yield
    }) : () -> ()
    %dma_wait3A_51 = arith.constant 124 : i32
    %dma_wait3A_52 = arith.constant 0 : i32
    %dma_wait3A_53 = tpu.memref_slice %arg12[%dma_wait3A_51, %dma_wait3A_52] : memref<125x80xi32, #tpu.memory_space<vmem>> -> memref<1x80xi32, #tpu.memory_space<vmem>>
    %dma_wait3A_54 = tpu.memref_squeeze %dma_wait3A_53 : memref<1x80xi32, #tpu.memory_space<vmem>> -> memref<80xi32, #tpu.memory_space<vmem>>
    %dma_wait3A_55 = arith.constant 0 : i32
    %dma_wait3A_56 = arith.constant 0 : i32
    %dma_wait3A_57 = tpu.memref_slice %arg8[%dma_wait3A_55, %dma_wait3A_56] : memref<10000x80xf32, #tpu.memory_space<hbm>> -> memref<10000x80xf32, #tpu.memory_space<hbm>>
    tpu.wait_indirect_dma semaphore(%arg24 : memref<!tpu.dma_semaphore, #tpu.memory_space<semaphore_mem>>) src(%dma_wait3A_57 : memref<10000x80xf32, #tpu.memory_space<hbm>>) dst(%arg20 : memref<80x80xf32, #tpu.memory_space<vmem>>)
    %parallel_loop3A_58 = arith.constant 0 : i32
    %parallel_loop3A_59 = arith.constant 80 : i32
    %parallel_loop3A_60 = arith.constant 1 : i32
    scf.for %parallel_loop3A_130 = %parallel_loop3A_58 to %parallel_loop3A_59 step %parallel_loop3A_60  : i32 {
      %parallel_loop3A_131 = arith.constant 124 : i32
      %parallel_loop3A_132 = vector.broadcast %parallel_loop3A_131 : i32 to vector<16xi32>
      %parallel_loop3A_133 = vector.broadcast %parallel_loop3A_130 : i32 to vector<16xi32>
      %parallel_loop3A_134 = tpu.vector_load_idx %arg18[%parallel_loop3A_132, %parallel_loop3A_133] : memref<125x80xf32, #tpu.memory_space<vmem>>[vector<16xi32>, vector<16xi32>], vector<16xf32>,
      %parallel_loop3A_135 = arith.index_cast %parallel_loop3A_130 : i32 to index
      %parallel_loop3A_136 = arith.constant 0 : index
      %parallel_loop3A_137 = tpu.vector_load %arg20[%parallel_loop3A_135, %parallel_loop3A_136] {strides = array<i32>} : memref<80x80xf32, #tpu.memory_space<vmem>>, vector<16xf32>,
      %parallel_loop3A_138 = arith.mulf %parallel_loop3A_137, %parallel_loop3A_134 : vector<16xf32>
      %parallel_loop3A_139 = arith.index_cast %parallel_loop3A_130 : i32 to index
      %parallel_loop3A_140 = arith.constant 0 : index
      %parallel_loop3A_141 = tpu.vector_load %arg20[%parallel_loop3A_139, %parallel_loop3A_140] {strides = array<i32>} : memref<80x80xf32, #tpu.memory_space<vmem>>, vector<16xf32>,
      tpu.vector_store %arg20[%parallel_loop3A_139, %parallel_loop3A_140], %parallel_loop3A_138 {strides = array<i32>} : memref<80x80xf32, #tpu.memory_space<vmem>>, vector<16xf32>,
      %parallel_loop3A_142 = arith.index_cast %parallel_loop3A_130 : i32 to index
      %parallel_loop3A_143 = arith.constant 16 : index
      %parallel_loop3A_144 = tpu.vector_load %arg20[%parallel_loop3A_142, %parallel_loop3A_143] {strides = array<i32>} : memref<80x80xf32, #tpu.memory_space<vmem>>, vector<16xf32>,
      %parallel_loop3A_145 = arith.mulf %parallel_loop3A_144, %parallel_loop3A_134 : vector<16xf32>
      %parallel_loop3A_146 = arith.index_cast %parallel_loop3A_130 : i32 to index
      %parallel_loop3A_147 = arith.constant 16 : index
      %parallel_loop3A_148 = tpu.vector_load %arg20[%parallel_loop3A_146, %parallel_loop3A_147] {strides = array<i32>} : memref<80x80xf32, #tpu.memory_space<vmem>>, vector<16xf32>,
      tpu.vector_store %arg20[%parallel_loop3A_146, %parallel_loop3A_147], %parallel_loop3A_145 {strides = array<i32>} : memref<80x80xf32, #tpu.memory_space<vmem>>, vector<16xf32>,
      %parallel_loop3A_149 = arith.index_cast %parallel_loop3A_130 : i32 to index
      %parallel_loop3A_150 = arith.constant 32 : index
      %parallel_loop3A_151 = tpu.vector_load %arg20[%parallel_loop3A_149, %parallel_loop3A_150] {strides = array<i32>} : memref<80x80xf32, #tpu.memory_space<vmem>>, vector<16xf32>,
      %parallel_loop3A_152 = arith.mulf %parallel_loop3A_151, %parallel_loop3A_134 : vector<16xf32>
      %parallel_loop3A_153 = arith.index_cast %parallel_loop3A_130 : i32 to index
      %parallel_loop3A_154 = arith.constant 32 : index
      %parallel_loop3A_155 = tpu.vector_load %arg20[%parallel_loop3A_153, %parallel_loop3A_154] {strides = array<i32>} : memref<80x80xf32, #tpu.memory_space<vmem>>, vector<16xf32>,
      tpu.vector_store %arg20[%parallel_loop3A_153, %parallel_loop3A_154], %parallel_loop3A_152 {strides = array<i32>} : memref<80x80xf32, #tpu.memory_space<vmem>>, vector<16xf32>,
      %parallel_loop3A_156 = arith.index_cast %parallel_loop3A_130 : i32 to index
      %parallel_loop3A_157 = arith.constant 48 : index
      %parallel_loop3A_158 = tpu.vector_load %arg20[%parallel_loop3A_156, %parallel_loop3A_157] {strides = array<i32>} : memref<80x80xf32, #tpu.memory_space<vmem>>, vector<16xf32>,
      %parallel_loop3A_159 = arith.mulf %parallel_loop3A_158, %parallel_loop3A_134 : vector<16xf32>
      %parallel_loop3A_160 = arith.index_cast %parallel_loop3A_130 : i32 to index
      %parallel_loop3A_161 = arith.constant 48 : index
      %parallel_loop3A_162 = tpu.vector_load %arg20[%parallel_loop3A_160, %parallel_loop3A_161] {strides = array<i32>} : memref<80x80xf32, #tpu.memory_space<vmem>>, vector<16xf32>,
      tpu.vector_store %arg20[%parallel_loop3A_160, %parallel_loop3A_161], %parallel_loop3A_159 {strides = array<i32>} : memref<80x80xf32, #tpu.memory_space<vmem>>, vector<16xf32>,
      %parallel_loop3A_163 = arith.index_cast %parallel_loop3A_130 : i32 to index
      %parallel_loop3A_164 = arith.constant 64 : index
      %parallel_loop3A_165 = tpu.vector_load %arg20[%parallel_loop3A_163, %parallel_loop3A_164] {strides = array<i32>} : memref<80x80xf32, #tpu.memory_space<vmem>>, vector<16xf32>,
      %parallel_loop3A_166 = arith.mulf %parallel_loop3A_165, %parallel_loop3A_134 : vector<16xf32>
      %parallel_loop3A_167 = arith.index_cast %parallel_loop3A_130 : i32 to index
      %parallel_loop3A_168 = arith.constant 64 : index
      %parallel_loop3A_169 = tpu.vector_load %arg20[%parallel_loop3A_167, %parallel_loop3A_168] {strides = array<i32>} : memref<80x80xf32, #tpu.memory_space<vmem>>, vector<16xf32>,
      tpu.vector_store %arg20[%parallel_loop3A_167, %parallel_loop3A_168], %parallel_loop3A_166 {strides = array<i32>} : memref<80x80xf32, #tpu.memory_space<vmem>>, vector<16xf32>,
    } {sc.loop_unroll_factor = 8 : i64, sc.parallel_access}
    %run_scoped3A_61 = arith.constant 124 : i32
    "tpu.region"() ({
      %run_scoped3A_130 = tpu.sem_alloc : memref<!tpu.dma_semaphore, #tpu.memory_space<semaphore_mem>>
      %dma_start3A_131 = arith.constant 0 : i32
      %dma_start3A_132 = tpu.memref_slice %arg13[%run_scoped3A_61, %dma_start3A_131] : memref<125x80xi32, #tpu.memory_space<vmem>> -> memref<1x80xi32, #tpu.memory_space<vmem>>
      %dma_start3A_133 = tpu.memref_squeeze %dma_start3A_132 : memref<1x80xi32, #tpu.memory_space<vmem>> -> memref<80xi32, #tpu.memory_space<vmem>>
      %dma_start3A_134 = arith.constant 0 : i32
      %dma_start3A_135 = arith.constant 0 : i32
      %dma_start3A_136 = tpu.memref_slice %arg22[%dma_start3A_134, %dma_start3A_135] : memref<10000x80xf32, #tpu.memory_space<vmem_shared>> -> memref<10000x80xf32, #tpu.memory_space<vmem_shared>>
      tpu.enqueue_indirect_dma source(%arg20 : memref<80x80xf32, #tpu.memory_space<vmem>>) target(%dma_start3A_136 : memref<10000x80xf32, #tpu.memory_space<vmem_shared>>) offsets(%dma_start3A_133 : memref<80xi32, #tpu.memory_space<vmem>>) semaphore(%run_scoped3A_130 : memref<!tpu.dma_semaphore, #tpu.memory_space<semaphore_mem>>) {add = true}
      %dma_wait3A_137 = arith.constant 0 : i32
      %dma_wait3A_138 = tpu.memref_slice %arg13[%run_scoped3A_61, %dma_wait3A_137] : memref<125x80xi32, #tpu.memory_space<vmem>> -> memref<1x80xi32, #tpu.memory_space<vmem>>
      %dma_wait3A_139 = tpu.memref_squeeze %dma_wait3A_138 : memref<1x80xi32, #tpu.memory_space<vmem>> -> memref<80xi32, #tpu.memory_space<vmem>>
      %dma_wait3A_140 = arith.constant 0 : i32
      %dma_wait3A_141 = arith.constant 0 : i32
      %dma_wait3A_142 = tpu.memref_slice %arg22[%dma_wait3A_140, %dma_wait3A_141] : memref<10000x80xf32, #tpu.memory_space<vmem_shared>> -> memref<10000x80xf32, #tpu.memory_space<vmem_shared>>
      tpu.wait_indirect_dma semaphore(%run_scoped3A_130 : memref<!tpu.dma_semaphore, #tpu.memory_space<semaphore_mem>>) src(%arg20 : memref<80x80xf32, #tpu.memory_space<vmem>>) dst(%dma_wait3A_142 : memref<10000x80xf32, #tpu.memory_space<vmem_shared>>)
      tpu.yield
    }) : () -> ()
    %barrier3A_62 = arith.constant 0 : index
    tpu.barrier barrier_id(%barrier3A_62)
    "tpu.region"() ({
      %run_scoped3A_130 = tpu.sem_alloc : memref<!tpu.dma_semaphore, #tpu.memory_space<semaphore_mem>>
      %dma_start3A_131 = arith.constant 0 : i32
      %dma_start3A_132 = tpu.memref_slice %arg10[%arg0, %mul3A_0, %dma_start3A_131] : memref<2x10000x80xf32, #tpu.memory_space<hbm>> -> memref<1x625x80xf32, #tpu.memory_space<hbm>>
      %dma_start3A_133 = tpu.memref_squeeze %dma_start3A_132 : memref<1x625x80xf32, #tpu.memory_space<hbm>> -> memref<625x80xf32, #tpu.memory_space<hbm>>
      %dma_start3A_134 = arith.constant 0 : i32
      %dma_start3A_135 = tpu.memref_slice %arg22[%mul3A_0, %dma_start3A_134] : memref<10000x80xf32, #tpu.memory_space<vmem_shared>> -> memref<625x80xf32, #tpu.memory_space<vmem_shared>>
      tpu.enqueue_dma source(%dma_start3A_135 : memref<625x80xf32, #tpu.memory_space<vmem_shared>>) target(%dma_start3A_133 : memref<625x80xf32, #tpu.memory_space<hbm>>) target_semaphore(%run_scoped3A_130 : memref<!tpu.dma_semaphore, #tpu.memory_space<semaphore_mem>>)
      %dma_wait3A_136 = arith.constant 0 : i32
      %dma_wait3A_137 = tpu.memref_slice %arg10[%arg0, %mul3A_0, %dma_wait3A_136] : memref<2x10000x80xf32, #tpu.memory_space<hbm>> -> memref<1x625x80xf32, #tpu.memory_space<hbm>>
      %dma_wait3A_138 = tpu.memref_squeeze %dma_wait3A_137 : memref<1x625x80xf32, #tpu.memory_space<hbm>> -> memref<625x80xf32, #tpu.memory_space<hbm>>
      %dma_wait3A_139 = arith.constant 0 : i32
      %dma_wait3A_140 = tpu.memref_slice %arg22[%mul3A_0, %dma_wait3A_139] : memref<10000x80xf32, #tpu.memory_space<vmem_shared>> -> memref<625x80xf32, #tpu.memory_space<vmem_shared>>
      tpu.wait_dma2 semaphore(%run_scoped3A_130 : memref<!tpu.dma_semaphore, #tpu.memory_space<semaphore_mem>>) src(%dma_wait3A_140 : memref<625x80xf32, #tpu.memory_space<vmem_shared>>) dst(%dma_wait3A_138 : memref<625x80xf32, #tpu.memory_space<hbm>>)
      tpu.yield
    }) : () -> ()
    %barrier3A_63 = arith.constant 0 : index
    tpu.barrier barrier_id(%barrier3A_63)
    %scan3A_64 = arith.constant 0 : i32
    %scan3A_65 = arith.constant 0 : i32
    %scan3A_66 = arith.constant 80 : i32
    %scan3A_67 = arith.addi %scan3A_65, %scan3A_66 : i32
    %scan3A_68 = arith.constant 1 : i32
    scf.for %scan3A_130 = %scan3A_65 to %scan3A_67 step %scan3A_68  : i32 {
      %broadcast_in_dim3A = arith.constant 0.000000e+00 : f32
      %broadcast_in_dim3A_131 = vector.broadcast %broadcast_in_dim3A : f32 to vector<16xf32>
      %swap3A = arith.index_cast %scan3A_130 : i32 to index
      %swap3A_132 = arith.constant 0 : index
      %swap3A_133 = tpu.vector_load %arg19[%swap3A, %swap3A_132] {strides = array<i32>} : memref<80x80xf32, #tpu.memory_space<vmem>>, vector<16xf32>,
      tpu.vector_store %arg19[%swap3A, %swap3A_132], %broadcast_in_dim3A_131 {strides = array<i32>} : memref<80x80xf32, #tpu.memory_space<vmem>>, vector<16xf32>,
      %broadcast_in_dim3A_134 = arith.constant 0.000000e+00 : f32
      %broadcast_in_dim3A_135 = vector.broadcast %broadcast_in_dim3A_134 : f32 to vector<16xf32>
      %swap3A_136 = arith.index_cast %scan3A_130 : i32 to index
      %swap3A_137 = arith.constant 16 : index
      %swap3A_138 = tpu.vector_load %arg19[%swap3A_136, %swap3A_137] {strides = array<i32>} : memref<80x80xf32, #tpu.memory_space<vmem>>, vector<16xf32>,
      tpu.vector_store %arg19[%swap3A_136, %swap3A_137], %broadcast_in_dim3A_135 {strides = array<i32>} : memref<80x80xf32, #tpu.memory_space<vmem>>, vector<16xf32>,
      %broadcast_in_dim3A_139 = arith.constant 0.000000e+00 : f32
      %broadcast_in_dim3A_140 = vector.broadcast %broadcast_in_dim3A_139 : f32 to vector<16xf32>
      %swap3A_141 = arith.index_cast %scan3A_130 : i32 to index
      %swap3A_142 = arith.constant 32 : index
      %swap3A_143 = tpu.vector_load %arg19[%swap3A_141, %swap3A_142] {strides = array<i32>} : memref<80x80xf32, #tpu.memory_space<vmem>>, vector<16xf32>,
      tpu.vector_store %arg19[%swap3A_141, %swap3A_142], %broadcast_in_dim3A_140 {strides = array<i32>} : memref<80x80xf32, #tpu.memory_space<vmem>>, vector<16xf32>,
      %broadcast_in_dim3A_144 = arith.constant 0.000000e+00 : f32
      %broadcast_in_dim3A_145 = vector.broadcast %broadcast_in_dim3A_144 : f32 to vector<16xf32>
      %swap3A_146 = arith.index_cast %scan3A_130 : i32 to index
      %swap3A_147 = arith.constant 48 : index
      %swap3A_148 = tpu.vector_load %arg19[%swap3A_146, %swap3A_147] {strides = array<i32>} : memref<80x80xf32, #tpu.memory_space<vmem>>, vector<16xf32>,
      tpu.vector_store %arg19[%swap3A_146, %swap3A_147], %broadcast_in_dim3A_145 {strides = array<i32>} : memref<80x80xf32, #tpu.memory_space<vmem>>, vector<16xf32>,
      %broadcast_in_dim3A_149 = arith.constant 0.000000e+00 : f32
      %broadcast_in_dim3A_150 = vector.broadcast %broadcast_in_dim3A_149 : f32 to vector<16xf32>
      %swap3A_151 = arith.index_cast %scan3A_130 : i32 to index
      %swap3A_152 = arith.constant 64 : index
      %swap3A_153 = tpu.vector_load %arg19[%swap3A_151, %swap3A_152] {strides = array<i32>} : memref<80x80xf32, #tpu.memory_space<vmem>>, vector<16xf32>,
      tpu.vector_store %arg19[%swap3A_151, %swap3A_152], %broadcast_in_dim3A_150 {strides = array<i32>} : memref<80x80xf32, #tpu.memory_space<vmem>>, vector<16xf32>,
    }
    %scan3A_69 = arith.constant 80 : i32
    %add3A_70 = arith.constant 0 : i32
    %add3A_71 = arith.addi %mul3A_0, %add3A_70 : i32
    "tpu.region"() ({
      %run_scoped3A_130 = tpu.sem_alloc : memref<!tpu.dma_semaphore, #tpu.memory_space<semaphore_mem>>
      %dma_start3A_131 = arith.constant 0 : i32
      %dma_start3A_132 = tpu.memref_slice %arg22[%add3A_71, %dma_start3A_131] : memref<10000x80xf32, #tpu.memory_space<vmem_shared>> -> memref<80x80xf32, #tpu.memory_space<vmem_shared>>
      %dma_start3A_133 = arith.constant 0 : i32
      %dma_start3A_134 = tpu.memref_slice %arg22[%add3A_71, %dma_start3A_133] : memref<10000x80xf32, #tpu.memory_space<vmem_shared>> -> memref<80x80xf32, #tpu.memory_space<vmem_shared>>
      tpu.enqueue_dma source(%arg19 : memref<80x80xf32, #tpu.memory_space<vmem>>) target(%dma_start3A_134 : memref<80x80xf32, #tpu.memory_space<vmem_shared>>) target_semaphore(%run_scoped3A_130 : memref<!tpu.dma_semaphore, #tpu.memory_space<semaphore_mem>>)
      %dma_wait3A_135 = arith.constant 0 : i32
      %dma_wait3A_136 = tpu.memref_slice %arg22[%add3A_71, %dma_wait3A_135] : memref<10000x80xf32, #tpu.memory_space<vmem_shared>> -> memref<80x80xf32, #tpu.memory_space<vmem_shared>>
      %dma_wait3A_137 = arith.constant 0 : i32
      %dma_wait3A_138 = tpu.memref_slice %arg22[%add3A_71, %dma_wait3A_137] : memref<10000x80xf32, #tpu.memory_space<vmem_shared>> -> memref<80x80xf32, #tpu.memory_space<vmem_shared>>
      tpu.wait_dma2 semaphore(%run_scoped3A_130 : memref<!tpu.dma_semaphore, #tpu.memory_space<semaphore_mem>>) src(%arg19 : memref<80x80xf32, #tpu.memory_space<vmem>>) dst(%dma_wait3A_138 : memref<80x80xf32, #tpu.memory_space<vmem_shared>>)
      tpu.yield
    }) : () -> ()
    %add3A_72 = arith.constant 80 : i32
    %add3A_73 = arith.addi %mul3A_0, %add3A_72 : i32
    "tpu.region"() ({
      %run_scoped3A_130 = tpu.sem_alloc : memref<!tpu.dma_semaphore, #tpu.memory_space<semaphore_mem>>
      %dma_start3A_131 = arith.constant 0 : i32
      %dma_start3A_132 = tpu.memref_slice %arg22[%add3A_73, %dma_start3A_131] : memref<10000x80xf32, #tpu.memory_space<vmem_shared>> -> memref<80x80xf32, #tpu.memory_space<vmem_shared>>
      %dma_start3A_133 = arith.constant 0 : i32
      %dma_start3A_134 = tpu.memref_slice %arg22[%add3A_73, %dma_start3A_133] : memref<10000x80xf32, #tpu.memory_space<vmem_shared>> -> memref<80x80xf32, #tpu.memory_space<vmem_shared>>
      tpu.enqueue_dma source(%arg19 : memref<80x80xf32, #tpu.memory_space<vmem>>) target(%dma_start3A_134 : memref<80x80xf32, #tpu.memory_space<vmem_shared>>) target_semaphore(%run_scoped3A_130 : memref<!tpu.dma_semaphore, #tpu.memory_space<semaphore_mem>>)
      %dma_wait3A_135 = arith.constant 0 : i32
      %dma_wait3A_136 = tpu.memref_slice %arg22[%add3A_73, %dma_wait3A_135] : memref<10000x80xf32, #tpu.memory_space<vmem_shared>> -> memref<80x80xf32, #tpu.memory_space<vmem_shared>>
      %dma_wait3A_137 = arith.constant 0 : i32
      %dma_wait3A_138 = tpu.memref_slice %arg22[%add3A_73, %dma_wait3A_137] : memref<10000x80xf32, #tpu.memory_space<vmem_shared>> -> memref<80x80xf32, #tpu.memory_space<vmem_shared>>
      tpu.wait_dma2 semaphore(%run_scoped3A_130 : memref<!tpu.dma_semaphore, #tpu.memory_space<semaphore_mem>>) src(%arg19 : memref<80x80xf32, #tpu.memory_space<vmem>>) dst(%dma_wait3A_138 : memref<80x80xf32, #tpu.memory_space<vmem_shared>>)
      tpu.yield
    }) : () -> ()
    %add3A_74 = arith.constant 160 : i32
    %add3A_75 = arith.addi %mul3A_0, %add3A_74 : i32
    "tpu.region"() ({
      %run_scoped3A_130 = tpu.sem_alloc : memref<!tpu.dma_semaphore, #tpu.memory_space<semaphore_mem>>
      %dma_start3A_131 = arith.constant 0 : i32
      %dma_start3A_132 = tpu.memref_slice %arg22[%add3A_75, %dma_start3A_131] : memref<10000x80xf32, #tpu.memory_space<vmem_shared>> -> memref<80x80xf32, #tpu.memory_space<vmem_shared>>
      %dma_start3A_133 = arith.constant 0 : i32
      %dma_start3A_134 = tpu.memref_slice %arg22[%add3A_75, %dma_start3A_133] : memref<10000x80xf32, #tpu.memory_space<vmem_shared>> -> memref<80x80xf32, #tpu.memory_space<vmem_shared>>
      tpu.enqueue_dma source(%arg19 : memref<80x80xf32, #tpu.memory_space<vmem>>) target(%dma_start3A_134 : memref<80x80xf32, #tpu.memory_space<vmem_shared>>) target_semaphore(%run_scoped3A_130 : memref<!tpu.dma_semaphore, #tpu.memory_space<semaphore_mem>>)
      %dma_wait3A_135 = arith.constant 0 : i32
      %dma_wait3A_136 = tpu.memref_slice %arg22[%add3A_75, %dma_wait3A_135] : memref<10000x80xf32, #tpu.memory_space<vmem_shared>> -> memref<80x80xf32, #tpu.memory_space<vmem_shared>>
      %dma_wait3A_137 = arith.constant 0 : i32
      %dma_wait3A_138 = tpu.memref_slice %arg22[%add3A_75, %dma_wait3A_137] : memref<10000x80xf32, #tpu.memory_space<vmem_shared>> -> memref<80x80xf32, #tpu.memory_space<vmem_shared>>
      tpu.wait_dma2 semaphore(%run_scoped3A_130 : memref<!tpu.dma_semaphore, #tpu.memory_space<semaphore_mem>>) src(%arg19 : memref<80x80xf32, #tpu.memory_space<vmem>>) dst(%dma_wait3A_138 : memref<80x80xf32, #tpu.memory_space<vmem_shared>>)
      tpu.yield
    }) : () -> ()
    %add3A_76 = arith.constant 240 : i32
    %add3A_77 = arith.addi %mul3A_0, %add3A_76 : i32
    "tpu.region"() ({
      %run_scoped3A_130 = tpu.sem_alloc : memref<!tpu.dma_semaphore, #tpu.memory_space<semaphore_mem>>
      %dma_start3A_131 = arith.constant 0 : i32
      %dma_start3A_132 = tpu.memref_slice %arg22[%add3A_77, %dma_start3A_131] : memref<10000x80xf32, #tpu.memory_space<vmem_shared>> -> memref<80x80xf32, #tpu.memory_space<vmem_shared>>
      %dma_start3A_133 = arith.constant 0 : i32
      %dma_start3A_134 = tpu.memref_slice %arg22[%add3A_77, %dma_start3A_133] : memref<10000x80xf32, #tpu.memory_space<vmem_shared>> -> memref<80x80xf32, #tpu.memory_space<vmem_shared>>
      tpu.enqueue_dma source(%arg19 : memref<80x80xf32, #tpu.memory_space<vmem>>) target(%dma_start3A_134 : memref<80x80xf32, #tpu.memory_space<vmem_shared>>) target_semaphore(%run_scoped3A_130 : memref<!tpu.dma_semaphore, #tpu.memory_space<semaphore_mem>>)
      %dma_wait3A_135 = arith.constant 0 : i32
      %dma_wait3A_136 = tpu.memref_slice %arg22[%add3A_77, %dma_wait3A_135] : memref<10000x80xf32, #tpu.memory_space<vmem_shared>> -> memref<80x80xf32, #tpu.memory_space<vmem_shared>>
      %dma_wait3A_137 = arith.constant 0 : i32
      %dma_wait3A_138 = tpu.memref_slice %arg22[%add3A_77, %dma_wait3A_137] : memref<10000x80xf32, #tpu.memory_space<vmem_shared>> -> memref<80x80xf32, #tpu.memory_space<vmem_shared>>
      tpu.wait_dma2 semaphore(%run_scoped3A_130 : memref<!tpu.dma_semaphore, #tpu.memory_space<semaphore_mem>>) src(%arg19 : memref<80x80xf32, #tpu.memory_space<vmem>>) dst(%dma_wait3A_138 : memref<80x80xf32, #tpu.memory_space<vmem_shared>>)
      tpu.yield
    }) : () -> ()
    %add3A_78 = arith.constant 320 : i32
    %add3A_79 = arith.addi %mul3A_0, %add3A_78 : i32
    "tpu.region"() ({
      %run_scoped3A_130 = tpu.sem_alloc : memref<!tpu.dma_semaphore, #tpu.memory_space<semaphore_mem>>
      %dma_start3A_131 = arith.constant 0 : i32
      %dma_start3A_132 = tpu.memref_slice %arg22[%add3A_79, %dma_start3A_131] : memref<10000x80xf32, #tpu.memory_space<vmem_shared>> -> memref<80x80xf32, #tpu.memory_space<vmem_shared>>
      %dma_start3A_133 = arith.constant 0 : i32
      %dma_start3A_134 = tpu.memref_slice %arg22[%add3A_79, %dma_start3A_133] : memref<10000x80xf32, #tpu.memory_space<vmem_shared>> -> memref<80x80xf32, #tpu.memory_space<vmem_shared>>
      tpu.enqueue_dma source(%arg19 : memref<80x80xf32, #tpu.memory_space<vmem>>) target(%dma_start3A_134 : memref<80x80xf32, #tpu.memory_space<vmem_shared>>) target_semaphore(%run_scoped3A_130 : memref<!tpu.dma_semaphore, #tpu.memory_space<semaphore_mem>>)
      %dma_wait3A_135 = arith.constant 0 : i32
      %dma_wait3A_136 = tpu.memref_slice %arg22[%add3A_79, %dma_wait3A_135] : memref<10000x80xf32, #tpu.memory_space<vmem_shared>> -> memref<80x80xf32, #tpu.memory_space<vmem_shared>>
      %dma_wait3A_137 = arith.constant 0 : i32
      %dma_wait3A_138 = tpu.memref_slice %arg22[%add3A_79, %dma_wait3A_137] : memref<10000x80xf32, #tpu.memory_space<vmem_shared>> -> memref<80x80xf32, #tpu.memory_space<vmem_shared>>
      tpu.wait_dma2 semaphore(%run_scoped3A_130 : memref<!tpu.dma_semaphore, #tpu.memory_space<semaphore_mem>>) src(%arg19 : memref<80x80xf32, #tpu.memory_space<vmem>>) dst(%dma_wait3A_138 : memref<80x80xf32, #tpu.memory_space<vmem_shared>>)
      tpu.yield
    }) : () -> ()
    %add3A_80 = arith.constant 400 : i32
    %add3A_81 = arith.addi %mul3A_0, %add3A_80 : i32
    "tpu.region"() ({
      %run_scoped3A_130 = tpu.sem_alloc : memref<!tpu.dma_semaphore, #tpu.memory_space<semaphore_mem>>
      %dma_start3A_131 = arith.constant 0 : i32
      %dma_start3A_132 = tpu.memref_slice %arg22[%add3A_81, %dma_start3A_131] : memref<10000x80xf32, #tpu.memory_space<vmem_shared>> -> memref<80x80xf32, #tpu.memory_space<vmem_shared>>
      %dma_start3A_133 = arith.constant 0 : i32
      %dma_start3A_134 = tpu.memref_slice %arg22[%add3A_81, %dma_start3A_133] : memref<10000x80xf32, #tpu.memory_space<vmem_shared>> -> memref<80x80xf32, #tpu.memory_space<vmem_shared>>
      tpu.enqueue_dma source(%arg19 : memref<80x80xf32, #tpu.memory_space<vmem>>) target(%dma_start3A_134 : memref<80x80xf32, #tpu.memory_space<vmem_shared>>) target_semaphore(%run_scoped3A_130 : memref<!tpu.dma_semaphore, #tpu.memory_space<semaphore_mem>>)
      %dma_wait3A_135 = arith.constant 0 : i32
      %dma_wait3A_136 = tpu.memref_slice %arg22[%add3A_81, %dma_wait3A_135] : memref<10000x80xf32, #tpu.memory_space<vmem_shared>> -> memref<80x80xf32, #tpu.memory_space<vmem_shared>>
      %dma_wait3A_137 = arith.constant 0 : i32
      %dma_wait3A_138 = tpu.memref_slice %arg22[%add3A_81, %dma_wait3A_137] : memref<10000x80xf32, #tpu.memory_space<vmem_shared>> -> memref<80x80xf32, #tpu.memory_space<vmem_shared>>
      tpu.wait_dma2 semaphore(%run_scoped3A_130 : memref<!tpu.dma_semaphore, #tpu.memory_space<semaphore_mem>>) src(%arg19 : memref<80x80xf32, #tpu.memory_space<vmem>>) dst(%dma_wait3A_138 : memref<80x80xf32, #tpu.memory_space<vmem_shared>>)
      tpu.yield
    }) : () -> ()
    %add3A_82 = arith.constant 480 : i32
    %add3A_83 = arith.addi %mul3A_0, %add3A_82 : i32
    "tpu.region"() ({
      %run_scoped3A_130 = tpu.sem_alloc : memref<!tpu.dma_semaphore, #tpu.memory_space<semaphore_mem>>
      %dma_start3A_131 = arith.constant 0 : i32
      %dma_start3A_132 = tpu.memref_slice %arg22[%add3A_83, %dma_start3A_131] : memref<10000x80xf32, #tpu.memory_space<vmem_shared>> -> memref<80x80xf32, #tpu.memory_space<vmem_shared>>
      %dma_start3A_133 = arith.constant 0 : i32
      %dma_start3A_134 = tpu.memref_slice %arg22[%add3A_83, %dma_start3A_133] : memref<10000x80xf32, #tpu.memory_space<vmem_shared>> -> memref<80x80xf32, #tpu.memory_space<vmem_shared>>
      tpu.enqueue_dma source(%arg19 : memref<80x80xf32, #tpu.memory_space<vmem>>) target(%dma_start3A_134 : memref<80x80xf32, #tpu.memory_space<vmem_shared>>) target_semaphore(%run_scoped3A_130 : memref<!tpu.dma_semaphore, #tpu.memory_space<semaphore_mem>>)
      %dma_wait3A_135 = arith.constant 0 : i32
      %dma_wait3A_136 = tpu.memref_slice %arg22[%add3A_83, %dma_wait3A_135] : memref<10000x80xf32, #tpu.memory_space<vmem_shared>> -> memref<80x80xf32, #tpu.memory_space<vmem_shared>>
      %dma_wait3A_137 = arith.constant 0 : i32
      %dma_wait3A_138 = tpu.memref_slice %arg22[%add3A_83, %dma_wait3A_137] : memref<10000x80xf32, #tpu.memory_space<vmem_shared>> -> memref<80x80xf32, #tpu.memory_space<vmem_shared>>
      tpu.wait_dma2 semaphore(%run_scoped3A_130 : memref<!tpu.dma_semaphore, #tpu.memory_space<semaphore_mem>>) src(%arg19 : memref<80x80xf32, #tpu.memory_space<vmem>>) dst(%dma_wait3A_138 : memref<80x80xf32, #tpu.memory_space<vmem_shared>>)
      tpu.yield
    }) : () -> ()
    %add3A_84 = arith.constant 560 : i32
    %add3A_85 = arith.addi %mul3A_0, %add3A_84 : i32
    "tpu.region"() ({
      %run_scoped3A_130 = tpu.sem_alloc : memref<!tpu.dma_semaphore, #tpu.memory_space<semaphore_mem>>
      %dma_start3A_131 = arith.constant 0 : i32
      %dma_start3A_132 = arith.constant 0 : i32
      %dma_start3A_133 = tpu.memref_slice %arg19[%dma_start3A_131, %dma_start3A_132] : memref<80x80xf32, #tpu.memory_space<vmem>> -> memref<65x80xf32, #tpu.memory_space<vmem>>
      %dma_start3A_134 = arith.constant 0 : i32
      %dma_start3A_135 = tpu.memref_slice %arg22[%add3A_85, %dma_start3A_134] : memref<10000x80xf32, #tpu.memory_space<vmem_shared>> -> memref<65x80xf32, #tpu.memory_space<vmem_shared>>
      %dma_start3A_136 = arith.constant 0 : i32
      %dma_start3A_137 = tpu.memref_slice %arg22[%add3A_85, %dma_start3A_136] : memref<10000x80xf32, #tpu.memory_space<vmem_shared>> -> memref<65x80xf32, #tpu.memory_space<vmem_shared>>
      %dma_start3A_138 = arith.constant 0 : i32
      %dma_start3A_139 = arith.constant 0 : i32
      %dma_start3A_140 = tpu.memref_slice %arg19[%dma_start3A_138, %dma_start3A_139] : memref<80x80xf32, #tpu.memory_space<vmem>> -> memref<65x80xf32, #tpu.memory_space<vmem>>
      tpu.enqueue_dma source(%dma_start3A_140 : memref<65x80xf32, #tpu.memory_space<vmem>>) target(%dma_start3A_137 : memref<65x80xf32, #tpu.memory_space<vmem_shared>>) target_semaphore(%run_scoped3A_130 : memref<!tpu.dma_semaphore, #tpu.memory_space<semaphore_mem>>)
      %dma_wait3A_141 = arith.constant 0 : i32
      %dma_wait3A_142 = arith.constant 0 : i32
      %dma_wait3A_143 = tpu.memref_slice %arg19[%dma_wait3A_141, %dma_wait3A_142] : memref<80x80xf32, #tpu.memory_space<vmem>> -> memref<65x80xf32, #tpu.memory_space<vmem>>
      %dma_wait3A_144 = arith.constant 0 : i32
      %dma_wait3A_145 = tpu.memref_slice %arg22[%add3A_85, %dma_wait3A_144] : memref<10000x80xf32, #tpu.memory_space<vmem_shared>> -> memref<65x80xf32, #tpu.memory_space<vmem_shared>>
      %dma_wait3A_146 = arith.constant 0 : i32
      %dma_wait3A_147 = tpu.memref_slice %arg22[%add3A_85, %dma_wait3A_146] : memref<10000x80xf32, #tpu.memory_space<vmem_shared>> -> memref<65x80xf32, #tpu.memory_space<vmem_shared>>
      %dma_wait3A_148 = arith.constant 0 : i32
      %dma_wait3A_149 = arith.constant 0 : i32
      %dma_wait3A_150 = tpu.memref_slice %arg19[%dma_wait3A_148, %dma_wait3A_149] : memref<80x80xf32, #tpu.memory_space<vmem>> -> memref<65x80xf32, #tpu.memory_space<vmem>>
      tpu.wait_dma2 semaphore(%run_scoped3A_130 : memref<!tpu.dma_semaphore, #tpu.memory_space<semaphore_mem>>) src(%dma_wait3A_150 : memref<65x80xf32, #tpu.memory_space<vmem>>) dst(%dma_wait3A_147 : memref<65x80xf32, #tpu.memory_space<vmem_shared>>)
      tpu.yield
    }) : () -> ()
    %barrier3A_86 = arith.constant 0 : index
    tpu.barrier barrier_id(%barrier3A_86)
    %dma_start3A_87 = arith.constant 0 : i32
    %dma_start3A_88 = arith.constant 0 : i32
    %dma_start3A_89 = tpu.memref_slice %arg12[%dma_start3A_87, %dma_start3A_88] : memref<125x80xi32, #tpu.memory_space<vmem>> -> memref<1x80xi32, #tpu.memory_space<vmem>>
    %dma_start3A_90 = tpu.memref_squeeze %dma_start3A_89 : memref<1x80xi32, #tpu.memory_space<vmem>> -> memref<80xi32, #tpu.memory_space<vmem>>
    %dma_start3A_91 = arith.constant 0 : i32
    %dma_start3A_92 = arith.constant 0 : i32
    %dma_start3A_93 = tpu.memref_slice %arg9[%dma_start3A_91, %dma_start3A_92] : memref<10000x80xf32, #tpu.memory_space<hbm>> -> memref<10000x80xf32, #tpu.memory_space<hbm>>
    tpu.enqueue_indirect_dma source(%dma_start3A_93 : memref<10000x80xf32, #tpu.memory_space<hbm>>) target(%arg19 : memref<80x80xf32, #tpu.memory_space<vmem>>) offsets(%dma_start3A_90 : memref<80xi32, #tpu.memory_space<vmem>>) semaphore(%arg23 : memref<!tpu.dma_semaphore, #tpu.memory_space<semaphore_mem>>)
    %dma_start3A_94 = arith.constant 1 : i32
    %dma_start3A_95 = arith.constant 0 : i32
    %dma_start3A_96 = tpu.memref_slice %arg12[%dma_start3A_94, %dma_start3A_95] : memref<125x80xi32, #tpu.memory_space<vmem>> -> memref<1x80xi32, #tpu.memory_space<vmem>>
    %dma_start3A_97 = tpu.memref_squeeze %dma_start3A_96 : memref<1x80xi32, #tpu.memory_space<vmem>> -> memref<80xi32, #tpu.memory_space<vmem>>
    %dma_start3A_98 = arith.constant 0 : i32
    %dma_start3A_99 = arith.constant 0 : i32
    %dma_start3A_100 = tpu.memref_slice %arg9[%dma_start3A_98, %dma_start3A_99] : memref<10000x80xf32, #tpu.memory_space<hbm>> -> memref<10000x80xf32, #tpu.memory_space<hbm>>
    tpu.enqueue_indirect_dma source(%dma_start3A_100 : memref<10000x80xf32, #tpu.memory_space<hbm>>) target(%arg20 : memref<80x80xf32, #tpu.memory_space<vmem>>) offsets(%dma_start3A_97 : memref<80xi32, #tpu.memory_space<vmem>>) semaphore(%arg24 : memref<!tpu.dma_semaphore, #tpu.memory_space<semaphore_mem>>)
    %scan3A_101 = arith.constant 0 : i32
    %scan3A_102 = arith.constant 0 : i32
    %scan3A_103 = arith.constant 41 : i32
    %scan3A_104 = arith.addi %scan3A_102, %scan3A_103 : i32
    %scan3A_105 = arith.constant 1 : i32
    scf.for %scan3A_130 = %scan3A_102 to %scan3A_104 step %scan3A_105  : i32 {
      %mul3A_131 = arith.constant 3 : i32
      %mul3A_132 = arith.muli %mul3A_131, %scan3A_130 : i32
      %add3A_133 = arith.constant 2 : i32
      %add3A_134 = arith.addi %mul3A_132, %add3A_133 : i32
      %dma_start3A_135 = arith.constant 0 : i32
      %dma_start3A_136 = tpu.memref_slice %arg12[%add3A_134, %dma_start3A_135] : memref<125x80xi32, #tpu.memory_space<vmem>> -> memref<1x80xi32, #tpu.memory_space<vmem>>
      %dma_start3A_137 = tpu.memref_squeeze %dma_start3A_136 : memref<1x80xi32, #tpu.memory_space<vmem>> -> memref<80xi32, #tpu.memory_space<vmem>>
      %dma_start3A_138 = arith.constant 0 : i32
      %dma_start3A_139 = arith.constant 0 : i32
      %dma_start3A_140 = tpu.memref_slice %arg9[%dma_start3A_138, %dma_start3A_139] : memref<10000x80xf32, #tpu.memory_space<hbm>> -> memref<10000x80xf32, #tpu.memory_space<hbm>>
      tpu.enqueue_indirect_dma source(%dma_start3A_140 : memref<10000x80xf32, #tpu.memory_space<hbm>>) target(%arg21 : memref<80x80xf32, #tpu.memory_space<vmem>>) offsets(%dma_start3A_137 : memref<80xi32, #tpu.memory_space<vmem>>) semaphore(%arg25 : memref<!tpu.dma_semaphore, #tpu.memory_space<semaphore_mem>>)
      %dma_wait3A_141 = arith.constant 0 : i32
      %dma_wait3A_142 = tpu.memref_slice %arg12[%mul3A_132, %dma_wait3A_141] : memref<125x80xi32, #tpu.memory_space<vmem>> -> memref<1x80xi32, #tpu.memory_space<vmem>>
      %dma_wait3A_143 = tpu.memref_squeeze %dma_wait3A_142 : memref<1x80xi32, #tpu.memory_space<vmem>> -> memref<80xi32, #tpu.memory_space<vmem>>
      %dma_wait3A_144 = arith.constant 0 : i32
      %dma_wait3A_145 = arith.constant 0 : i32
      %dma_wait3A_146 = tpu.memref_slice %arg9[%dma_wait3A_144, %dma_wait3A_145] : memref<10000x80xf32, #tpu.memory_space<hbm>> -> memref<10000x80xf32, #tpu.memory_space<hbm>>
      tpu.wait_indirect_dma semaphore(%arg23 : memref<!tpu.dma_semaphore, #tpu.memory_space<semaphore_mem>>) src(%dma_wait3A_146 : memref<10000x80xf32, #tpu.memory_space<hbm>>) dst(%arg19 : memref<80x80xf32, #tpu.memory_space<vmem>>)
      %parallel_loop3A_147 = arith.constant 0 : i32
      %parallel_loop3A_148 = arith.constant 80 : i32
      %parallel_loop3A_149 = arith.constant 1 : i32
      scf.for %parallel_loop3A_192 = %parallel_loop3A_147 to %parallel_loop3A_148 step %parallel_loop3A_149  : i32 {
        %parallel_loop3A_193 = vector.broadcast %mul3A_132 : i32 to vector<16xi32>
        %parallel_loop3A_194 = vector.broadcast %parallel_loop3A_192 : i32 to vector<16xi32>
        %parallel_loop3A_195 = tpu.vector_load_idx %arg18[%parallel_loop3A_193, %parallel_loop3A_194] : memref<125x80xf32, #tpu.memory_space<vmem>>[vector<16xi32>, vector<16xi32>], vector<16xf32>,
        %parallel_loop3A_196 = arith.index_cast %parallel_loop3A_192 : i32 to index
        %parallel_loop3A_197 = arith.constant 0 : index
        %parallel_loop3A_198 = tpu.vector_load %arg19[%parallel_loop3A_196, %parallel_loop3A_197] {strides = array<i32>} : memref<80x80xf32, #tpu.memory_space<vmem>>, vector<16xf32>,
        %parallel_loop3A_199 = arith.mulf %parallel_loop3A_198, %parallel_loop3A_195 : vector<16xf32>
        %parallel_loop3A_200 = arith.index_cast %parallel_loop3A_192 : i32 to index
        %parallel_loop3A_201 = arith.constant 0 : index
        %parallel_loop3A_202 = tpu.vector_load %arg19[%parallel_loop3A_200, %parallel_loop3A_201] {strides = array<i32>} : memref<80x80xf32, #tpu.memory_space<vmem>>, vector<16xf32>,
        tpu.vector_store %arg19[%parallel_loop3A_200, %parallel_loop3A_201], %parallel_loop3A_199 {strides = array<i32>} : memref<80x80xf32, #tpu.memory_space<vmem>>, vector<16xf32>,
        %parallel_loop3A_203 = arith.index_cast %parallel_loop3A_192 : i32 to index
        %parallel_loop3A_204 = arith.constant 16 : index
        %parallel_loop3A_205 = tpu.vector_load %arg19[%parallel_loop3A_203, %parallel_loop3A_204] {strides = array<i32>} : memref<80x80xf32, #tpu.memory_space<vmem>>, vector<16xf32>,
        %parallel_loop3A_206 = arith.mulf %parallel_loop3A_205, %parallel_loop3A_195 : vector<16xf32>
        %parallel_loop3A_207 = arith.index_cast %parallel_loop3A_192 : i32 to index
        %parallel_loop3A_208 = arith.constant 16 : index
        %parallel_loop3A_209 = tpu.vector_load %arg19[%parallel_loop3A_207, %parallel_loop3A_208] {strides = array<i32>} : memref<80x80xf32, #tpu.memory_space<vmem>>, vector<16xf32>,
        tpu.vector_store %arg19[%parallel_loop3A_207, %parallel_loop3A_208], %parallel_loop3A_206 {strides = array<i32>} : memref<80x80xf32, #tpu.memory_space<vmem>>, vector<16xf32>,
        %parallel_loop3A_210 = arith.index_cast %parallel_loop3A_192 : i32 to index
        %parallel_loop3A_211 = arith.constant 32 : index
        %parallel_loop3A_212 = tpu.vector_load %arg19[%parallel_loop3A_210, %parallel_loop3A_211] {strides = array<i32>} : memref<80x80xf32, #tpu.memory_space<vmem>>, vector<16xf32>,
        %parallel_loop3A_213 = arith.mulf %parallel_loop3A_212, %parallel_loop3A_195 : vector<16xf32>
        %parallel_loop3A_214 = arith.index_cast %parallel_loop3A_192 : i32 to index
        %parallel_loop3A_215 = arith.constant 32 : index
        %parallel_loop3A_216 = tpu.vector_load %arg19[%parallel_loop3A_214, %parallel_loop3A_215] {strides = array<i32>} : memref<80x80xf32, #tpu.memory_space<vmem>>, vector<16xf32>,
        tpu.vector_store %arg19[%parallel_loop3A_214, %parallel_loop3A_215], %parallel_loop3A_213 {strides = array<i32>} : memref<80x80xf32, #tpu.memory_space<vmem>>, vector<16xf32>,
        %parallel_loop3A_217 = arith.index_cast %parallel_loop3A_192 : i32 to index
        %parallel_loop3A_218 = arith.constant 48 : index
        %parallel_loop3A_219 = tpu.vector_load %arg19[%parallel_loop3A_217, %parallel_loop3A_218] {strides = array<i32>} : memref<80x80xf32, #tpu.memory_space<vmem>>, vector<16xf32>,
        %parallel_loop3A_220 = arith.mulf %parallel_loop3A_219, %parallel_loop3A_195 : vector<16xf32>
        %parallel_loop3A_221 = arith.index_cast %parallel_loop3A_192 : i32 to index
        %parallel_loop3A_222 = arith.constant 48 : index
        %parallel_loop3A_223 = tpu.vector_load %arg19[%parallel_loop3A_221, %parallel_loop3A_222] {strides = array<i32>} : memref<80x80xf32, #tpu.memory_space<vmem>>, vector<16xf32>,
        tpu.vector_store %arg19[%parallel_loop3A_221, %parallel_loop3A_222], %parallel_loop3A_220 {strides = array<i32>} : memref<80x80xf32, #tpu.memory_space<vmem>>, vector<16xf32>,
      } {sc.loop_unroll_factor = 8 : i64, sc.parallel_access}
      "tpu.region"() ({
        %run_scoped3A_192 = tpu.sem_alloc : memref<!tpu.dma_semaphore, #tpu.memory_space<semaphore_mem>>
        %dma_start3A_193 = arith.constant 0 : i32
        %dma_start3A_194 = tpu.memref_slice %arg13[%mul3A_132, %dma_start3A_193] : memref<125x80xi32, #tpu.memory_space<vmem>> -> memref<1x80xi32, #tpu.memory_space<vmem>>
        %dma_start3A_195 = tpu.memref_squeeze %dma_start3A_194 : memref<1x80xi32, #tpu.memory_space<vmem>> -> memref<80xi32, #tpu.memory_space<vmem>>
        %dma_start3A_196 = arith.constant 0 : i32
        %dma_start3A_197 = arith.constant 0 : i32
        %dma_start3A_198 = tpu.memref_slice %arg22[%dma_start3A_196, %dma_start3A_197] : memref<10000x80xf32, #tpu.memory_space<vmem_shared>> -> memref<10000x80xf32, #tpu.memory_space<vmem_shared>>
        tpu.enqueue_indirect_dma source(%arg19 : memref<80x80xf32, #tpu.memory_space<vmem>>) target(%dma_start3A_198 : memref<10000x80xf32, #tpu.memory_space<vmem_shared>>) offsets(%dma_start3A_195 : memref<80xi32, #tpu.memory_space<vmem>>) semaphore(%run_scoped3A_192 : memref<!tpu.dma_semaphore, #tpu.memory_space<semaphore_mem>>) {add = true}
        %dma_wait3A_199 = arith.constant 0 : i32
        %dma_wait3A_200 = tpu.memref_slice %arg13[%mul3A_132, %dma_wait3A_199] : memref<125x80xi32, #tpu.memory_space<vmem>> -> memref<1x80xi32, #tpu.memory_space<vmem>>
        %dma_wait3A_201 = tpu.memref_squeeze %dma_wait3A_200 : memref<1x80xi32, #tpu.memory_space<vmem>> -> memref<80xi32, #tpu.memory_space<vmem>>
        %dma_wait3A_202 = arith.constant 0 : i32
        %dma_wait3A_203 = arith.constant 0 : i32
        %dma_wait3A_204 = tpu.memref_slice %arg22[%dma_wait3A_202, %dma_wait3A_203] : memref<10000x80xf32, #tpu.memory_space<vmem_shared>> -> memref<10000x80xf32, #tpu.memory_space<vmem_shared>>
        tpu.wait_indirect_dma semaphore(%run_scoped3A_192 : memref<!tpu.dma_semaphore, #tpu.memory_space<semaphore_mem>>) src(%arg19 : memref<80x80xf32, #tpu.memory_space<vmem>>) dst(%dma_wait3A_204 : memref<10000x80xf32, #tpu.memory_space<vmem_shared>>)
        tpu.yield
      }) : () -> ()
      %add3A_150 = arith.constant 3 : i32
      %add3A_151 = arith.addi %mul3A_132, %add3A_150 : i32
      %dma_start3A_152 = arith.constant 0 : i32
      %dma_start3A_153 = tpu.memref_slice %arg12[%add3A_151, %dma_start3A_152] : memref<125x80xi32, #tpu.memory_space<vmem>> -> memref<1x80xi32, #tpu.memory_space<vmem>>
      %dma_start3A_154 = tpu.memref_squeeze %dma_start3A_153 : memref<1x80xi32, #tpu.memory_space<vmem>> -> memref<80xi32, #tpu.memory_space<vmem>>
      %dma_start3A_155 = arith.constant 0 : i32
      %dma_start3A_156 = arith.constant 0 : i32
      %dma_start3A_157 = tpu.memref_slice %arg9[%dma_start3A_155, %dma_start3A_156] : memref<10000x80xf32, #tpu.memory_space<hbm>> -> memref<10000x80xf32, #tpu.memory_space<hbm>>
      tpu.enqueue_indirect_dma source(%dma_start3A_157 : memref<10000x80xf32, #tpu.memory_space<hbm>>) target(%arg19 : memref<80x80xf32, #tpu.memory_space<vmem>>) offsets(%dma_start3A_154 : memref<80xi32, #tpu.memory_space<vmem>>) semaphore(%arg23 : memref<!tpu.dma_semaphore, #tpu.memory_space<semaphore_mem>>)
      %add3A_158 = arith.constant 1 : i32
      %add3A_159 = arith.addi %mul3A_132, %add3A_158 : i32
      %dma_wait3A_160 = arith.constant 0 : i32
      %dma_wait3A_161 = tpu.memref_slice %arg12[%add3A_159, %dma_wait3A_160] : memref<125x80xi32, #tpu.memory_space<vmem>> -> memref<1x80xi32, #tpu.memory_space<vmem>>
      %dma_wait3A_162 = tpu.memref_squeeze %dma_wait3A_161 : memref<1x80xi32, #tpu.memory_space<vmem>> -> memref<80xi32, #tpu.memory_space<vmem>>
      %dma_wait3A_163 = arith.constant 0 : i32
      %dma_wait3A_164 = arith.constant 0 : i32
      %dma_wait3A_165 = tpu.memref_slice %arg9[%dma_wait3A_163, %dma_wait3A_164] : memref<10000x80xf32, #tpu.memory_space<hbm>> -> memref<10000x80xf32, #tpu.memory_space<hbm>>
      tpu.wait_indirect_dma semaphore(%arg24 : memref<!tpu.dma_semaphore, #tpu.memory_space<semaphore_mem>>) src(%dma_wait3A_165 : memref<10000x80xf32, #tpu.memory_space<hbm>>) dst(%arg20 : memref<80x80xf32, #tpu.memory_space<vmem>>)
      %add3A_166 = arith.constant 1 : i32
      %add3A_167 = arith.addi %mul3A_132, %add3A_166 : i32
      %parallel_loop3A_168 = arith.constant 0 : i32
      %parallel_loop3A_169 = arith.constant 80 : i32
      %parallel_loop3A_170 = arith.constant 1 : i32
      scf.for %parallel_loop3A_192 = %parallel_loop3A_168 to %parallel_loop3A_169 step %parallel_loop3A_170  : i32 {
        %parallel_loop3A_193 = vector.broadcast %add3A_167 : i32 to vector<16xi32>
        %parallel_loop3A_194 = vector.broadcast %parallel_loop3A_192 : i32 to vector<16xi32>
        %parallel_loop3A_195 = tpu.vector_load_idx %arg18[%parallel_loop3A_193, %parallel_loop3A_194] : memref<125x80xf32, #tpu.memory_space<vmem>>[vector<16xi32>, vector<16xi32>], vector<16xf32>,
        %parallel_loop3A_196 = arith.index_cast %parallel_loop3A_192 : i32 to index
        %parallel_loop3A_197 = arith.constant 0 : index
        %parallel_loop3A_198 = tpu.vector_load %arg20[%parallel_loop3A_196, %parallel_loop3A_197] {strides = array<i32>} : memref<80x80xf32, #tpu.memory_space<vmem>>, vector<16xf32>,
        %parallel_loop3A_199 = arith.mulf %parallel_loop3A_198, %parallel_loop3A_195 : vector<16xf32>
        %parallel_loop3A_200 = arith.index_cast %parallel_loop3A_192 : i32 to index
        %parallel_loop3A_201 = arith.constant 0 : index
        %parallel_loop3A_202 = tpu.vector_load %arg20[%parallel_loop3A_200, %parallel_loop3A_201] {strides = array<i32>} : memref<80x80xf32, #tpu.memory_space<vmem>>, vector<16xf32>,
        tpu.vector_store %arg20[%parallel_loop3A_200, %parallel_loop3A_201], %parallel_loop3A_199 {strides = array<i32>} : memref<80x80xf32, #tpu.memory_space<vmem>>, vector<16xf32>,
        %parallel_loop3A_203 = arith.index_cast %parallel_loop3A_192 : i32 to index
        %parallel_loop3A_204 = arith.constant 16 : index
        %parallel_loop3A_205 = tpu.vector_load %arg20[%parallel_loop3A_203, %parallel_loop3A_204] {strides = array<i32>} : memref<80x80xf32, #tpu.memory_space<vmem>>, vector<16xf32>,
        %parallel_loop3A_206 = arith.mulf %parallel_loop3A_205, %parallel_loop3A_195 : vector<16xf32>
        %parallel_loop3A_207 = arith.index_cast %parallel_loop3A_192 : i32 to index
        %parallel_loop3A_208 = arith.constant 16 : index
        %parallel_loop3A_209 = tpu.vector_load %arg20[%parallel_loop3A_207, %parallel_loop3A_208] {strides = array<i32>} : memref<80x80xf32, #tpu.memory_space<vmem>>, vector<16xf32>,
        tpu.vector_store %arg20[%parallel_loop3A_207, %parallel_loop3A_208], %parallel_loop3A_206 {strides = array<i32>} : memref<80x80xf32, #tpu.memory_space<vmem>>, vector<16xf32>,
        %parallel_loop3A_210 = arith.index_cast %parallel_loop3A_192 : i32 to index
        %parallel_loop3A_211 = arith.constant 32 : index
        %parallel_loop3A_212 = tpu.vector_load %arg20[%parallel_loop3A_210, %parallel_loop3A_211] {strides = array<i32>} : memref<80x80xf32, #tpu.memory_space<vmem>>, vector<16xf32>,
        %parallel_loop3A_213 = arith.mulf %parallel_loop3A_212, %parallel_loop3A_195 : vector<16xf32>
        %parallel_loop3A_214 = arith.index_cast %parallel_loop3A_192 : i32 to index
        %parallel_loop3A_215 = arith.constant 32 : index
        %parallel_loop3A_216 = tpu.vector_load %arg20[%parallel_loop3A_214, %parallel_loop3A_215] {strides = array<i32>} : memref<80x80xf32, #tpu.memory_space<vmem>>, vector<16xf32>,
        tpu.vector_store %arg20[%parallel_loop3A_214, %parallel_loop3A_215], %parallel_loop3A_213 {strides = array<i32>} : memref<80x80xf32, #tpu.memory_space<vmem>>, vector<16xf32>,
        %parallel_loop3A_217 = arith.index_cast %parallel_loop3A_192 : i32 to index
        %parallel_loop3A_218 = arith.constant 48 : index
        %parallel_loop3A_219 = tpu.vector_load %arg20[%parallel_loop3A_217, %parallel_loop3A_218] {strides = array<i32>} : memref<80x80xf32, #tpu.memory_space<vmem>>, vector<16xf32>,
        %parallel_loop3A_220 = arith.mulf %parallel_loop3A_219, %parallel_loop3A_195 : vector<16xf32>
        %parallel_loop3A_221 = arith.index_cast %parallel_loop3A_192 : i32 to index
        %parallel_loop3A_222 = arith.constant 48 : index
        %parallel_loop3A_223 = tpu.vector_load %arg20[%parallel_loop3A_221, %parallel_loop3A_222] {strides = array<i32>} : memref<80x80xf32, #tpu.memory_space<vmem>>, vector<16xf32>,
        tpu.vector_store %arg20[%parallel_loop3A_221, %parallel_loop3A_222], %parallel_loop3A_220 {strides = array<i32>} : memref<80x80xf32, #tpu.memory_space<vmem>>, vector<16xf32>,
      } {sc.loop_unroll_factor = 8 : i64, sc.parallel_access}
      "tpu.region"() ({
        %run_scoped3A_192 = tpu.sem_alloc : memref<!tpu.dma_semaphore, #tpu.memory_space<semaphore_mem>>
        %dma_start3A_193 = arith.constant 0 : i32
        %dma_start3A_194 = tpu.memref_slice %arg13[%add3A_167, %dma_start3A_193] : memref<125x80xi32, #tpu.memory_space<vmem>> -> memref<1x80xi32, #tpu.memory_space<vmem>>
        %dma_start3A_195 = tpu.memref_squeeze %dma_start3A_194 : memref<1x80xi32, #tpu.memory_space<vmem>> -> memref<80xi32, #tpu.memory_space<vmem>>
        %dma_start3A_196 = arith.constant 0 : i32
        %dma_start3A_197 = arith.constant 0 : i32
        %dma_start3A_198 = tpu.memref_slice %arg22[%dma_start3A_196, %dma_start3A_197] : memref<10000x80xf32, #tpu.memory_space<vmem_shared>> -> memref<10000x80xf32, #tpu.memory_space<vmem_shared>>
        tpu.enqueue_indirect_dma source(%arg20 : memref<80x80xf32, #tpu.memory_space<vmem>>) target(%dma_start3A_198 : memref<10000x80xf32, #tpu.memory_space<vmem_shared>>) offsets(%dma_start3A_195 : memref<80xi32, #tpu.memory_space<vmem>>) semaphore(%run_scoped3A_192 : memref<!tpu.dma_semaphore, #tpu.memory_space<semaphore_mem>>) {add = true}
        %dma_wait3A_199 = arith.constant 0 : i32
        %dma_wait3A_200 = tpu.memref_slice %arg13[%add3A_167, %dma_wait3A_199] : memref<125x80xi32, #tpu.memory_space<vmem>> -> memref<1x80xi32, #tpu.memory_space<vmem>>
        %dma_wait3A_201 = tpu.memref_squeeze %dma_wait3A_200 : memref<1x80xi32, #tpu.memory_space<vmem>> -> memref<80xi32, #tpu.memory_space<vmem>>
        %dma_wait3A_202 = arith.constant 0 : i32
        %dma_wait3A_203 = arith.constant 0 : i32
        %dma_wait3A_204 = tpu.memref_slice %arg22[%dma_wait3A_202, %dma_wait3A_203] : memref<10000x80xf32, #tpu.memory_space<vmem_shared>> -> memref<10000x80xf32, #tpu.memory_space<vmem_shared>>
        tpu.wait_indirect_dma semaphore(%run_scoped3A_192 : memref<!tpu.dma_semaphore, #tpu.memory_space<semaphore_mem>>) src(%arg20 : memref<80x80xf32, #tpu.memory_space<vmem>>) dst(%dma_wait3A_204 : memref<10000x80xf32, #tpu.memory_space<vmem_shared>>)
        tpu.yield
      }) : () -> ()
      %add3A_171 = arith.constant 4 : i32
      %add3A_172 = arith.addi %mul3A_132, %add3A_171 : i32
      %dma_start3A_173 = arith.constant 0 : i32
      %dma_start3A_174 = tpu.memref_slice %arg12[%add3A_172, %dma_start3A_173] : memref<125x80xi32, #tpu.memory_space<vmem>> -> memref<1x80xi32, #tpu.memory_space<vmem>>
      %dma_start3A_175 = tpu.memref_squeeze %dma_start3A_174 : memref<1x80xi32, #tpu.memory_space<vmem>> -> memref<80xi32, #tpu.memory_space<vmem>>
      %dma_start3A_176 = arith.constant 0 : i32
      %dma_start3A_177 = arith.constant 0 : i32
      %dma_start3A_178 = tpu.memref_slice %arg9[%dma_start3A_176, %dma_start3A_177] : memref<10000x80xf32, #tpu.memory_space<hbm>> -> memref<10000x80xf32, #tpu.memory_space<hbm>>
      tpu.enqueue_indirect_dma source(%dma_start3A_178 : memref<10000x80xf32, #tpu.memory_space<hbm>>) target(%arg20 : memref<80x80xf32, #tpu.memory_space<vmem>>) offsets(%dma_start3A_175 : memref<80xi32, #tpu.memory_space<vmem>>) semaphore(%arg24 : memref<!tpu.dma_semaphore, #tpu.memory_space<semaphore_mem>>)
      %add3A_179 = arith.constant 2 : i32
      %add3A_180 = arith.addi %mul3A_132, %add3A_179 : i32
      %dma_wait3A_181 = arith.constant 0 : i32
      %dma_wait3A_182 = tpu.memref_slice %arg12[%add3A_180, %dma_wait3A_181] : memref<125x80xi32, #tpu.memory_space<vmem>> -> memref<1x80xi32, #tpu.memory_space<vmem>>
      %dma_wait3A_183 = tpu.memref_squeeze %dma_wait3A_182 : memref<1x80xi32, #tpu.memory_space<vmem>> -> memref<80xi32, #tpu.memory_space<vmem>>
      %dma_wait3A_184 = arith.constant 0 : i32
      %dma_wait3A_185 = arith.constant 0 : i32
      %dma_wait3A_186 = tpu.memref_slice %arg9[%dma_wait3A_184, %dma_wait3A_185] : memref<10000x80xf32, #tpu.memory_space<hbm>> -> memref<10000x80xf32, #tpu.memory_space<hbm>>
      tpu.wait_indirect_dma semaphore(%arg25 : memref<!tpu.dma_semaphore, #tpu.memory_space<semaphore_mem>>) src(%dma_wait3A_186 : memref<10000x80xf32, #tpu.memory_space<hbm>>) dst(%arg21 : memref<80x80xf32, #tpu.memory_space<vmem>>)
      %add3A_187 = arith.constant 2 : i32
      %add3A_188 = arith.addi %mul3A_132, %add3A_187 : i32
      %parallel_loop3A_189 = arith.constant 0 : i32
      %parallel_loop3A_190 = arith.constant 80 : i32
      %parallel_loop3A_191 = arith.constant 1 : i32
      scf.for %parallel_loop3A_192 = %parallel_loop3A_189 to %parallel_loop3A_190 step %parallel_loop3A_191  : i32 {
        %parallel_loop3A_193 = vector.broadcast %add3A_188 : i32 to vector<16xi32>
        %parallel_loop3A_194 = vector.broadcast %parallel_loop3A_192 : i32 to vector<16xi32>
        %parallel_loop3A_195 = tpu.vector_load_idx %arg18[%parallel_loop3A_193, %parallel_loop3A_194] : memref<125x80xf32, #tpu.memory_space<vmem>>[vector<16xi32>, vector<16xi32>], vector<16xf32>,
        %parallel_loop3A_196 = arith.index_cast %parallel_loop3A_192 : i32 to index
        %parallel_loop3A_197 = arith.constant 0 : index
        %parallel_loop3A_198 = tpu.vector_load %arg21[%parallel_loop3A_196, %parallel_loop3A_197] {strides = array<i32>} : memref<80x80xf32, #tpu.memory_space<vmem>>, vector<16xf32>,
        %parallel_loop3A_199 = arith.mulf %parallel_loop3A_198, %parallel_loop3A_195 : vector<16xf32>
        %parallel_loop3A_200 = arith.index_cast %parallel_loop3A_192 : i32 to index
        %parallel_loop3A_201 = arith.constant 0 : index
        %parallel_loop3A_202 = tpu.vector_load %arg21[%parallel_loop3A_200, %parallel_loop3A_201] {strides = array<i32>} : memref<80x80xf32, #tpu.memory_space<vmem>>, vector<16xf32>,
        tpu.vector_store %arg21[%parallel_loop3A_200, %parallel_loop3A_201], %parallel_loop3A_199 {strides = array<i32>} : memref<80x80xf32, #tpu.memory_space<vmem>>, vector<16xf32>,
        %parallel_loop3A_203 = arith.index_cast %parallel_loop3A_192 : i32 to index
        %parallel_loop3A_204 = arith.constant 16 : index
        %parallel_loop3A_205 = tpu.vector_load %arg21[%parallel_loop3A_203, %parallel_loop3A_204] {strides = array<i32>} : memref<80x80xf32, #tpu.memory_space<vmem>>, vector<16xf32>,
        %parallel_loop3A_206 = arith.mulf %parallel_loop3A_205, %parallel_loop3A_195 : vector<16xf32>
        %parallel_loop3A_207 = arith.index_cast %parallel_loop3A_192 : i32 to index
        %parallel_loop3A_208 = arith.constant 16 : index
        %parallel_loop3A_209 = tpu.vector_load %arg21[%parallel_loop3A_207, %parallel_loop3A_208] {strides = array<i32>} : memref<80x80xf32, #tpu.memory_space<vmem>>, vector<16xf32>,
        tpu.vector_store %arg21[%parallel_loop3A_207, %parallel_loop3A_208], %parallel_loop3A_206 {strides = array<i32>} : memref<80x80xf32, #tpu.memory_space<vmem>>, vector<16xf32>,
        %parallel_loop3A_210 = arith.index_cast %parallel_loop3A_192 : i32 to index
        %parallel_loop3A_211 = arith.constant 32 : index
        %parallel_loop3A_212 = tpu.vector_load %arg21[%parallel_loop3A_210, %parallel_loop3A_211] {strides = array<i32>} : memref<80x80xf32, #tpu.memory_space<vmem>>, vector<16xf32>,
        %parallel_loop3A_213 = arith.mulf %parallel_loop3A_212, %parallel_loop3A_195 : vector<16xf32>
        %parallel_loop3A_214 = arith.index_cast %parallel_loop3A_192 : i32 to index
        %parallel_loop3A_215 = arith.constant 32 : index
        %parallel_loop3A_216 = tpu.vector_load %arg21[%parallel_loop3A_214, %parallel_loop3A_215] {strides = array<i32>} : memref<80x80xf32, #tpu.memory_space<vmem>>, vector<16xf32>,
        tpu.vector_store %arg21[%parallel_loop3A_214, %parallel_loop3A_215], %parallel_loop3A_213 {strides = array<i32>} : memref<80x80xf32, #tpu.memory_space<vmem>>, vector<16xf32>,
        %parallel_loop3A_217 = arith.index_cast %parallel_loop3A_192 : i32 to index
        %parallel_loop3A_218 = arith.constant 48 : index
        %parallel_loop3A_219 = tpu.vector_load %arg21[%parallel_loop3A_217, %parallel_loop3A_218] {strides = array<i32>} : memref<80x80xf32, #tpu.memory_space<vmem>>, vector<16xf32>,
        %parallel_loop3A_220 = arith.mulf %parallel_loop3A_219, %parallel_loop3A_195 : vector<16xf32>
        %parallel_loop3A_221 = arith.index_cast %parallel_loop3A_192 : i32 to index
        %parallel_loop3A_222 = arith.constant 48 : index
        %parallel_loop3A_223 = tpu.vector_load %arg21[%parallel_loop3A_221, %parallel_loop3A_222] {strides = array<i32>} : memref<80x80xf32, #tpu.memory_space<vmem>>, vector<16xf32>,
        tpu.vector_store %arg21[%parallel_loop3A_221, %parallel_loop3A_222], %parallel_loop3A_220 {strides = array<i32>} : memref<80x80xf32, #tpu.memory_space<vmem>>, vector<16xf32>,
      } {sc.loop_unroll_factor = 8 : i64, sc.parallel_access}
      "tpu.region"() ({
        %run_scoped3A_192 = tpu.sem_alloc : memref<!tpu.dma_semaphore, #tpu.memory_space<semaphore_mem>>
        %dma_start3A_193 = arith.constant 0 : i32
        %dma_start3A_194 = tpu.memref_slice %arg13[%add3A_188, %dma_start3A_193] : memref<125x80xi32, #tpu.memory_space<vmem>> -> memref<1x80xi32, #tpu.memory_space<vmem>>
        %dma_start3A_195 = tpu.memref_squeeze %dma_start3A_194 : memref<1x80xi32, #tpu.memory_space<vmem>> -> memref<80xi32, #tpu.memory_space<vmem>>
        %dma_start3A_196 = arith.constant 0 : i32
        %dma_start3A_197 = arith.constant 0 : i32
        %dma_start3A_198 = tpu.memref_slice %arg22[%dma_start3A_196, %dma_start3A_197] : memref<10000x80xf32, #tpu.memory_space<vmem_shared>> -> memref<10000x80xf32, #tpu.memory_space<vmem_shared>>
        tpu.enqueue_indirect_dma source(%arg21 : memref<80x80xf32, #tpu.memory_space<vmem>>) target(%dma_start3A_198 : memref<10000x80xf32, #tpu.memory_space<vmem_shared>>) offsets(%dma_start3A_195 : memref<80xi32, #tpu.memory_space<vmem>>) semaphore(%run_scoped3A_192 : memref<!tpu.dma_semaphore, #tpu.memory_space<semaphore_mem>>) {add = true}
        %dma_wait3A_199 = arith.constant 0 : i32
        %dma_wait3A_200 = tpu.memref_slice %arg13[%add3A_188, %dma_wait3A_199] : memref<125x80xi32, #tpu.memory_space<vmem>> -> memref<1x80xi32, #tpu.memory_space<vmem>>
        %dma_wait3A_201 = tpu.memref_squeeze %dma_wait3A_200 : memref<1x80xi32, #tpu.memory_space<vmem>> -> memref<80xi32, #tpu.memory_space<vmem>>
        %dma_wait3A_202 = arith.constant 0 : i32
        %dma_wait3A_203 = arith.constant 0 : i32
        %dma_wait3A_204 = tpu.memref_slice %arg22[%dma_wait3A_202, %dma_wait3A_203] : memref<10000x80xf32, #tpu.memory_space<vmem_shared>> -> memref<10000x80xf32, #tpu.memory_space<vmem_shared>>
        tpu.wait_indirect_dma semaphore(%run_scoped3A_192 : memref<!tpu.dma_semaphore, #tpu.memory_space<semaphore_mem>>) src(%arg21 : memref<80x80xf32, #tpu.memory_space<vmem>>) dst(%dma_wait3A_204 : memref<10000x80xf32, #tpu.memory_space<vmem_shared>>)
        tpu.yield
      }) : () -> ()
    }
    %scan3A_106 = arith.constant 41 : i32
    %dma_wait3A_107 = arith.constant 123 : i32
    %dma_wait3A_108 = arith.constant 0 : i32
    %dma_wait3A_109 = tpu.memref_slice %arg12[%dma_wait3A_107, %dma_wait3A_108] : memref<125x80xi32, #tpu.memory_space<vmem>> -> memref<1x80xi32, #tpu.memory_space<vmem>>
    %dma_wait3A_110 = tpu.memref_squeeze %dma_wait3A_109 : memref<1x80xi32, #tpu.memory_space<vmem>> -> memref<80xi32, #tpu.memory_space<vmem>>
    %dma_wait3A_111 = arith.constant 0 : i32
    %dma_wait3A_112 = arith.constant 0 : i32
    %dma_wait3A_113 = tpu.memref_slice %arg9[%dma_wait3A_111, %dma_wait3A_112] : memref<10000x80xf32, #tpu.memory_space<hbm>> -> memref<10000x80xf32, #tpu.memory_space<hbm>>
    tpu.wait_indirect_dma semaphore(%arg23 : memref<!tpu.dma_semaphore, #tpu.memory_space<semaphore_mem>>) src(%dma_wait3A_113 : memref<10000x80xf32, #tpu.memory_space<hbm>>) dst(%arg19 : memref<80x80xf32, #tpu.memory_space<vmem>>)
    %parallel_loop3A_114 = arith.constant 0 : i32
    %parallel_loop3A_115 = arith.constant 80 : i32
    %parallel_loop3A_116 = arith.constant 1 : i32
    scf.for %parallel_loop3A_130 = %parallel_loop3A_114 to %parallel_loop3A_115 step %parallel_loop3A_116  : i32 {
      %parallel_loop3A_131 = arith.constant 123 : i32
      %parallel_loop3A_132 = vector.broadcast %parallel_loop3A_131 : i32 to vector<16xi32>
      %parallel_loop3A_133 = vector.broadcast %parallel_loop3A_130 : i32 to vector<16xi32>
      %parallel_loop3A_134 = tpu.vector_load_idx %arg18[%parallel_loop3A_132, %parallel_loop3A_133] : memref<125x80xf32, #tpu.memory_space<vmem>>[vector<16xi32>, vector<16xi32>], vector<16xf32>,
      %parallel_loop3A_135 = arith.index_cast %parallel_loop3A_130 : i32 to index
      %parallel_loop3A_136 = arith.constant 0 : index
      %parallel_loop3A_137 = tpu.vector_load %arg19[%parallel_loop3A_135, %parallel_loop3A_136] {strides = array<i32>} : memref<80x80xf32, #tpu.memory_space<vmem>>, vector<16xf32>,
      %parallel_loop3A_138 = arith.mulf %parallel_loop3A_137, %parallel_loop3A_134 : vector<16xf32>
      %parallel_loop3A_139 = arith.index_cast %parallel_loop3A_130 : i32 to index
      %parallel_loop3A_140 = arith.constant 0 : index
      %parallel_loop3A_141 = tpu.vector_load %arg19[%parallel_loop3A_139, %parallel_loop3A_140] {strides = array<i32>} : memref<80x80xf32, #tpu.memory_space<vmem>>, vector<16xf32>,
      tpu.vector_store %arg19[%parallel_loop3A_139, %parallel_loop3A_140], %parallel_loop3A_138 {strides = array<i32>} : memref<80x80xf32, #tpu.memory_space<vmem>>, vector<16xf32>,
      %parallel_loop3A_142 = arith.index_cast %parallel_loop3A_130 : i32 to index
      %parallel_loop3A_143 = arith.constant 16 : index
      %parallel_loop3A_144 = tpu.vector_load %arg19[%parallel_loop3A_142, %parallel_loop3A_143] {strides = array<i32>} : memref<80x80xf32, #tpu.memory_space<vmem>>, vector<16xf32>,
      %parallel_loop3A_145 = arith.mulf %parallel_loop3A_144, %parallel_loop3A_134 : vector<16xf32>
      %parallel_loop3A_146 = arith.index_cast %parallel_loop3A_130 : i32 to index
      %parallel_loop3A_147 = arith.constant 16 : index
      %parallel_loop3A_148 = tpu.vector_load %arg19[%parallel_loop3A_146, %parallel_loop3A_147] {strides = array<i32>} : memref<80x80xf32, #tpu.memory_space<vmem>>, vector<16xf32>,
      tpu.vector_store %arg19[%parallel_loop3A_146, %parallel_loop3A_147], %parallel_loop3A_145 {strides = array<i32>} : memref<80x80xf32, #tpu.memory_space<vmem>>, vector<16xf32>,
      %parallel_loop3A_149 = arith.index_cast %parallel_loop3A_130 : i32 to index
      %parallel_loop3A_150 = arith.constant 32 : index
      %parallel_loop3A_151 = tpu.vector_load %arg19[%parallel_loop3A_149, %parallel_loop3A_150] {strides = array<i32>} : memref<80x80xf32, #tpu.memory_space<vmem>>, vector<16xf32>,
      %parallel_loop3A_152 = arith.mulf %parallel_loop3A_151, %parallel_loop3A_134 : vector<16xf32>
      %parallel_loop3A_153 = arith.index_cast %parallel_loop3A_130 : i32 to index
      %parallel_loop3A_154 = arith.constant 32 : index
      %parallel_loop3A_155 = tpu.vector_load %arg19[%parallel_loop3A_153, %parallel_loop3A_154] {strides = array<i32>} : memref<80x80xf32, #tpu.memory_space<vmem>>, vector<16xf32>,
      tpu.vector_store %arg19[%parallel_loop3A_153, %parallel_loop3A_154], %parallel_loop3A_152 {strides = array<i32>} : memref<80x80xf32, #tpu.memory_space<vmem>>, vector<16xf32>,
      %parallel_loop3A_156 = arith.index_cast %parallel_loop3A_130 : i32 to index
      %parallel_loop3A_157 = arith.constant 48 : index
      %parallel_loop3A_158 = tpu.vector_load %arg19[%parallel_loop3A_156, %parallel_loop3A_157] {strides = array<i32>} : memref<80x80xf32, #tpu.memory_space<vmem>>, vector<16xf32>,
      %parallel_loop3A_159 = arith.mulf %parallel_loop3A_158, %parallel_loop3A_134 : vector<16xf32>
      %parallel_loop3A_160 = arith.index_cast %parallel_loop3A_130 : i32 to index
      %parallel_loop3A_161 = arith.constant 48 : index
      %parallel_loop3A_162 = tpu.vector_load %arg19[%parallel_loop3A_160, %parallel_loop3A_161] {strides = array<i32>} : memref<80x80xf32, #tpu.memory_space<vmem>>, vector<16xf32>,
      tpu.vector_store %arg19[%parallel_loop3A_160, %parallel_loop3A_161], %parallel_loop3A_159 {strides = array<i32>} : memref<80x80xf32, #tpu.memory_space<vmem>>, vector<16xf32>,
    } {sc.loop_unroll_factor = 8 : i64, sc.parallel_access}
    %run_scoped3A_117 = arith.constant 123 : i32
    "tpu.region"() ({
      %run_scoped3A_130 = tpu.sem_alloc : memref<!tpu.dma_semaphore, #tpu.memory_space<semaphore_mem>>
      %dma_start3A_131 = arith.constant 0 : i32
      %dma_start3A_132 = tpu.memref_slice %arg13[%run_scoped3A_117, %dma_start3A_131] : memref<125x80xi32, #tpu.memory_space<vmem>> -> memref<1x80xi32, #tpu.memory_space<vmem>>
      %dma_start3A_133 = tpu.memref_squeeze %dma_start3A_132 : memref<1x80xi32, #tpu.memory_space<vmem>> -> memref<80xi32, #tpu.memory_space<vmem>>
      %dma_start3A_134 = arith.constant 0 : i32
      %dma_start3A_135 = arith.constant 0 : i32
      %dma_start3A_136 = tpu.memref_slice %arg22[%dma_start3A_134, %dma_start3A_135] : memref<10000x80xf32, #tpu.memory_space<vmem_shared>> -> memref<10000x80xf32, #tpu.memory_space<vmem_shared>>
      tpu.enqueue_indirect_dma source(%arg19 : memref<80x80xf32, #tpu.memory_space<vmem>>) target(%dma_start3A_136 : memref<10000x80xf32, #tpu.memory_space<vmem_shared>>) offsets(%dma_start3A_133 : memref<80xi32, #tpu.memory_space<vmem>>) semaphore(%run_scoped3A_130 : memref<!tpu.dma_semaphore, #tpu.memory_space<semaphore_mem>>) {add = true}
      %dma_wait3A_137 = arith.constant 0 : i32
      %dma_wait3A_138 = tpu.memref_slice %arg13[%run_scoped3A_117, %dma_wait3A_137] : memref<125x80xi32, #tpu.memory_space<vmem>> -> memref<1x80xi32, #tpu.memory_space<vmem>>
      %dma_wait3A_139 = tpu.memref_squeeze %dma_wait3A_138 : memref<1x80xi32, #tpu.memory_space<vmem>> -> memref<80xi32, #tpu.memory_space<vmem>>
      %dma_wait3A_140 = arith.constant 0 : i32
      %dma_wait3A_141 = arith.constant 0 : i32
      %dma_wait3A_142 = tpu.memref_slice %arg22[%dma_wait3A_140, %dma_wait3A_141] : memref<10000x80xf32, #tpu.memory_space<vmem_shared>> -> memref<10000x80xf32, #tpu.memory_space<vmem_shared>>
      tpu.wait_indirect_dma semaphore(%run_scoped3A_130 : memref<!tpu.dma_semaphore, #tpu.memory_space<semaphore_mem>>) src(%arg19 : memref<80x80xf32, #tpu.memory_space<vmem>>) dst(%dma_wait3A_142 : memref<10000x80xf32, #tpu.memory_space<vmem_shared>>)
      tpu.yield
    }) : () -> ()
    %dma_wait3A_118 = arith.constant 124 : i32
    %dma_wait3A_119 = arith.constant 0 : i32
    %dma_wait3A_120 = tpu.memref_slice %arg12[%dma_wait3A_118, %dma_wait3A_119] : memref<125x80xi32, #tpu.memory_space<vmem>> -> memref<1x80xi32, #tpu.memory_space<vmem>>
    %dma_wait3A_121 = tpu.memref_squeeze %dma_wait3A_120 : memref<1x80xi32, #tpu.memory_space<vmem>> -> memref<80xi32, #tpu.memory_space<vmem>>
    %dma_wait3A_122 = arith.constant 0 : i32
    %dma_wait3A_123 = arith.constant 0 : i32
    %dma_wait3A_124 = tpu.memref_slice %arg9[%dma_wait3A_122, %dma_wait3A_123] : memref<10000x80xf32, #tpu.memory_space<hbm>> -> memref<10000x80xf32, #tpu.memory_space<hbm>>
    tpu.wait_indirect_dma semaphore(%arg24 : memref<!tpu.dma_semaphore, #tpu.memory_space<semaphore_mem>>) src(%dma_wait3A_124 : memref<10000x80xf32, #tpu.memory_space<hbm>>) dst(%arg20 : memref<80x80xf32, #tpu.memory_space<vmem>>)
    %parallel_loop3A_125 = arith.constant 0 : i32
    %parallel_loop3A_126 = arith.constant 80 : i32
    %parallel_loop3A_127 = arith.constant 1 : i32
    scf.for %parallel_loop3A_130 = %parallel_loop3A_125 to %parallel_loop3A_126 step %parallel_loop3A_127  : i32 {
      %parallel_loop3A_131 = arith.constant 124 : i32
      %parallel_loop3A_132 = vector.broadcast %parallel_loop3A_131 : i32 to vector<16xi32>
      %parallel_loop3A_133 = vector.broadcast %parallel_loop3A_130 : i32 to vector<16xi32>
      %parallel_loop3A_134 = tpu.vector_load_idx %arg18[%parallel_loop3A_132, %parallel_loop3A_133] : memref<125x80xf32, #tpu.memory_space<vmem>>[vector<16xi32>, vector<16xi32>], vector<16xf32>,
      %parallel_loop3A_135 = arith.index_cast %parallel_loop3A_130 : i32 to index
      %parallel_loop3A_136 = arith.constant 0 : index
      %parallel_loop3A_137 = tpu.vector_load %arg20[%parallel_loop3A_135, %parallel_loop3A_136] {strides = array<i32>} : memref<80x80xf32, #tpu.memory_space<vmem>>, vector<16xf32>,
      %parallel_loop3A_138 = arith.mulf %parallel_loop3A_137, %parallel_loop3A_134 : vector<16xf32>
      %parallel_loop3A_139 = arith.index_cast %parallel_loop3A_130 : i32 to index
      %parallel_loop3A_140 = arith.constant 0 : index
      %parallel_loop3A_141 = tpu.vector_load %arg20[%parallel_loop3A_139, %parallel_loop3A_140] {strides = array<i32>} : memref<80x80xf32, #tpu.memory_space<vmem>>, vector<16xf32>,
      tpu.vector_store %arg20[%parallel_loop3A_139, %parallel_loop3A_140], %parallel_loop3A_138 {strides = array<i32>} : memref<80x80xf32, #tpu.memory_space<vmem>>, vector<16xf32>,
      %parallel_loop3A_142 = arith.index_cast %parallel_loop3A_130 : i32 to index
      %parallel_loop3A_143 = arith.constant 16 : index
      %parallel_loop3A_144 = tpu.vector_load %arg20[%parallel_loop3A_142, %parallel_loop3A_143] {strides = array<i32>} : memref<80x80xf32, #tpu.memory_space<vmem>>, vector<16xf32>,
      %parallel_loop3A_145 = arith.mulf %parallel_loop3A_144, %parallel_loop3A_134 : vector<16xf32>
      %parallel_loop3A_146 = arith.index_cast %parallel_loop3A_130 : i32 to index
      %parallel_loop3A_147 = arith.constant 16 : index
      %parallel_loop3A_148 = tpu.vector_load %arg20[%parallel_loop3A_146, %parallel_loop3A_147] {strides = array<i32>} : memref<80x80xf32, #tpu.memory_space<vmem>>, vector<16xf32>,
      tpu.vector_store %arg20[%parallel_loop3A_146, %parallel_loop3A_147], %parallel_loop3A_145 {strides = array<i32>} : memref<80x80xf32, #tpu.memory_space<vmem>>, vector<16xf32>,
      %parallel_loop3A_149 = arith.index_cast %parallel_loop3A_130 : i32 to index
      %parallel_loop3A_150 = arith.constant 32 : index
      %parallel_loop3A_151 = tpu.vector_load %arg20[%parallel_loop3A_149, %parallel_loop3A_150] {strides = array<i32>} : memref<80x80xf32, #tpu.memory_space<vmem>>, vector<16xf32>,
      %parallel_loop3A_152 = arith.mulf %parallel_loop3A_151, %parallel_loop3A_134 : vector<16xf32>
      %parallel_loop3A_153 = arith.index_cast %parallel_loop3A_130 : i32 to index
      %parallel_loop3A_154 = arith.constant 32 : index
      %parallel_loop3A_155 = tpu.vector_load %arg20[%parallel_loop3A_153, %parallel_loop3A_154] {strides = array<i32>} : memref<80x80xf32, #tpu.memory_space<vmem>>, vector<16xf32>,
      tpu.vector_store %arg20[%parallel_loop3A_153, %parallel_loop3A_154], %parallel_loop3A_152 {strides = array<i32>} : memref<80x80xf32, #tpu.memory_space<vmem>>, vector<16xf32>,
      %parallel_loop3A_156 = arith.index_cast %parallel_loop3A_130 : i32 to index
      %parallel_loop3A_157 = arith.constant 48 : index
      %parallel_loop3A_158 = tpu.vector_load %arg20[%parallel_loop3A_156, %parallel_loop3A_157] {strides = array<i32>} : memref<80x80xf32, #tpu.memory_space<vmem>>, vector<16xf32>,
      %parallel_loop3A_159 = arith.mulf %parallel_loop3A_158, %parallel_loop3A_134 : vector<16xf32>
      %parallel_loop3A_160 = arith.index_cast %parallel_loop3A_130 : i32 to index
      %parallel_loop3A_161 = arith.constant 48 : index
      %parallel_loop3A_162 = tpu.vector_load %arg20[%parallel_loop3A_160, %parallel_loop3A_161] {strides = array<i32>} : memref<80x80xf32, #tpu.memory_space<vmem>>, vector<16xf32>,
      tpu.vector_store %arg20[%parallel_loop3A_160, %parallel_loop3A_161], %parallel_loop3A_159 {strides = array<i32>} : memref<80x80xf32, #tpu.memory_space<vmem>>, vector<16xf32>,
    } {sc.loop_unroll_factor = 8 : i64, sc.parallel_access}
    %run_scoped3A_128 = arith.constant 124 : i32
    "tpu.region"() ({
      %run_scoped3A_130 = tpu.sem_alloc : memref<!tpu.dma_semaphore, #tpu.memory_space<semaphore_mem>>
      %dma_start3A_131 = arith.constant 0 : i32
      %dma_start3A_132 = tpu.memref_slice %arg13[%run_scoped3A_128, %dma_start3A_131] : memref<125x80xi32, #tpu.memory_space<vmem>> -> memref<1x80xi32, #tpu.memory_space<vmem>>
      %dma_start3A_133 = tpu.memref_squeeze %dma_start3A_132 : memref<1x80xi32, #tpu.memory_space<vmem>> -> memref<80xi32, #tpu.memory_space<vmem>>
      %dma_start3A_134 = arith.constant 0 : i32
      %dma_start3A_135 = arith.constant 0 : i32
      %dma_start3A_136 = tpu.memref_slice %arg22[%dma_start3A_134, %dma_start3A_135] : memref<10000x80xf32, #tpu.memory_space<vmem_shared>> -> memref<10000x80xf32, #tpu.memory_space<vmem_shared>>
      tpu.enqueue_indirect_dma source(%arg20 : memref<80x80xf32, #tpu.memory_space<vmem>>) target(%dma_start3A_136 : memref<10000x80xf32, #tpu.memory_space<vmem_shared>>) offsets(%dma_start3A_133 : memref<80xi32, #tpu.memory_space<vmem>>) semaphore(%run_scoped3A_130 : memref<!tpu.dma_semaphore, #tpu.memory_space<semaphore_mem>>) {add = true}
      %dma_wait3A_137 = arith.constant 0 : i32
      %dma_wait3A_138 = tpu.memref_slice %arg13[%run_scoped3A_128, %dma_wait3A_137] : memref<125x80xi32, #tpu.memory_space<vmem>> -> memref<1x80xi32, #tpu.memory_space<vmem>>
      %dma_wait3A_139 = tpu.memref_squeeze %dma_wait3A_138 : memref<1x80xi32, #tpu.memory_space<vmem>> -> memref<80xi32, #tpu.memory_space<vmem>>
      %dma_wait3A_140 = arith.constant 0 : i32
      %dma_wait3A_141 = arith.constant 0 : i32
      %dma_wait3A_142 = tpu.memref_slice %arg22[%dma_wait3A_140, %dma_wait3A_141] : memref<10000x80xf32, #tpu.memory_space<vmem_shared>> -> memref<10000x80xf32, #tpu.memory_space<vmem_shared>>
      tpu.wait_indirect_dma semaphore(%run_scoped3A_130 : memref<!tpu.dma_semaphore, #tpu.memory_space<semaphore_mem>>) src(%arg20 : memref<80x80xf32, #tpu.memory_space<vmem>>) dst(%dma_wait3A_142 : memref<10000x80xf32, #tpu.memory_space<vmem_shared>>)
      tpu.yield
    }) : () -> ()
    %barrier3A_129 = arith.constant 0 : index
    tpu.barrier barrier_id(%barrier3A_129)
    "tpu.region"() ({
      %run_scoped3A_130 = tpu.sem_alloc : memref<!tpu.dma_semaphore, #tpu.memory_space<semaphore_mem>>
      %dma_start3A_131 = arith.constant 0 : i32
      %dma_start3A_132 = tpu.memref_slice %arg11[%arg0, %mul3A_0, %dma_start3A_131] : memref<2x10000x80xf32, #tpu.memory_space<hbm>> -> memref<1x625x80xf32, #tpu.memory_space<hbm>>
      %dma_start3A_133 = tpu.memref_squeeze %dma_start3A_132 : memref<1x625x80xf32, #tpu.memory_space<hbm>> -> memref<625x80xf32, #tpu.memory_space<hbm>>
      %dma_start3A_134 = arith.constant 0 : i32
      %dma_start3A_135 = tpu.memref_slice %arg22[%mul3A_0, %dma_start3A_134] : memref<10000x80xf32, #tpu.memory_space<vmem_shared>> -> memref<625x80xf32, #tpu.memory_space<vmem_shared>>
      tpu.enqueue_dma source(%dma_start3A_135 : memref<625x80xf32, #tpu.memory_space<vmem_shared>>) target(%dma_start3A_133 : memref<625x80xf32, #tpu.memory_space<hbm>>) target_semaphore(%run_scoped3A_130 : memref<!tpu.dma_semaphore, #tpu.memory_space<semaphore_mem>>)
      %dma_wait3A_136 = arith.constant 0 : i32
      %dma_wait3A_137 = tpu.memref_slice %arg11[%arg0, %mul3A_0, %dma_wait3A_136] : memref<2x10000x80xf32, #tpu.memory_space<hbm>> -> memref<1x625x80xf32, #tpu.memory_space<hbm>>
      %dma_wait3A_138 = tpu.memref_squeeze %dma_wait3A_137 : memref<1x625x80xf32, #tpu.memory_space<hbm>> -> memref<625x80xf32, #tpu.memory_space<hbm>>
      %dma_wait3A_139 = arith.constant 0 : i32
      %dma_wait3A_140 = tpu.memref_slice %arg22[%mul3A_0, %dma_wait3A_139] : memref<10000x80xf32, #tpu.memory_space<vmem_shared>> -> memref<625x80xf32, #tpu.memory_space<vmem_shared>>
      tpu.wait_dma2 semaphore(%run_scoped3A_130 : memref<!tpu.dma_semaphore, #tpu.memory_space<semaphore_mem>>) src(%dma_wait3A_140 : memref<625x80xf32, #tpu.memory_space<vmem_shared>>) dst(%dma_wait3A_138 : memref<625x80xf32, #tpu.memory_space<hbm>>)
      tpu.yield
    }) : () -> ()
    return
  }
}

module attributes {stable_mosaic.version = 14 : i64} {
  func.func @_prep_body(%arg0: i32, %arg1: memref<1000x128xf32, #tpu.memory_space<vmem>>, %arg2: memref<128x128xf32, #tpu.memory_space<vmem>>, %arg3: memref<1x128xf32, #tpu.memory_space<vmem>>, %arg4: memref<1x128xf32, #tpu.memory_space<vmem>>, %arg5: memref<128x128xf32, #tpu.memory_space<vmem>>, %arg6: memref<1x128xf32, #tpu.memory_space<vmem>>, %arg7: memref<80x16xf32, #tpu.memory_space<vmem>>, %arg8: memref<80x1xf32, #tpu.memory_space<vmem>>, %arg9: memref<1x16xf32, #tpu.memory_space<vmem>>, %arg10: memref<1000x80xf32, #tpu.memory_space<vmem>>, %arg11: memref<1000x80xf32, #tpu.memory_space<vmem>>, %arg12: memref<1000x128xf32, #tpu.memory_space<vmem>>, %arg13: memref<1000x1xf32, #tpu.memory_space<vmem>>, %arg14: memref<1000x1xf32, #tpu.memory_space<vmem>>, %arg15: memref<16x1xf32, #tpu.memory_space<vmem>>) attributes {dimension_semantics = [#tpu.dimension_semantics<arbitrary>], iteration_bounds = array<i64: 10>, scalar_prefetch = 0 : i64, scratch_operands = 0 : i64, tpu.core_type = #tpu.core_type<tc>, window_params = [{transform_indices = @transform_0, window_bounds = array<i64: 1000, 128>}, {pipeline_mode = #tpu.pipeline_mode<synchronous>, transform_indices = @transform_1, window_bounds = array<i64: 128, 128>}, {pipeline_mode = #tpu.pipeline_mode<synchronous>, transform_indices = @transform_2, window_bounds = array<i64: 1, 128>}, {pipeline_mode = #tpu.pipeline_mode<synchronous>, transform_indices = @transform_3, window_bounds = array<i64: 1, 128>}, {pipeline_mode = #tpu.pipeline_mode<synchronous>, transform_indices = @transform_4, window_bounds = array<i64: 128, 128>}, {pipeline_mode = #tpu.pipeline_mode<synchronous>, transform_indices = @transform_5, window_bounds = array<i64: 1, 128>}, {pipeline_mode = #tpu.pipeline_mode<synchronous>, transform_indices = @transform_6, window_bounds = array<i64: 80, 16>}, {pipeline_mode = #tpu.pipeline_mode<synchronous>, transform_indices = @transform_7, window_bounds = array<i64: 80, 1>}, {pipeline_mode = #tpu.pipeline_mode<synchronous>, transform_indices = @transform_8, window_bounds = array<i64: 1, 16>}, {transform_indices = @transform_9, window_bounds = array<i64: 1000, 80>}, {transform_indices = @transform_10, window_bounds = array<i64: 1000, 80>}, {transform_indices = @transform_11, window_bounds = array<i64: 1000, 128>}, {transform_indices = @transform_12, window_bounds = array<i64: 1000, 1>}, {transform_indices = @transform_13, window_bounds = array<i64: 1000, 1>}, {pipeline_mode = #tpu.pipeline_mode<synchronous>, transform_indices = @transform_14, window_bounds = array<i64: 16, 1>}]} {
    %get3A = arith.constant 0 : index
    %get3A_0 = arith.constant 0 : index
    %get3A_1 = vector.load %arg1[%get3A, %get3A_0] : memref<1000x128xf32, #tpu.memory_space<vmem>>, vector<1000x128xf32>
    %get3A_2 = arith.constant 0 : index
    %get3A_3 = arith.constant 0 : index
    %get3A_4 = vector.load %arg2[%get3A_2, %get3A_3] : memref<128x128xf32, #tpu.memory_space<vmem>>, vector<128x128xf32>
    %dot_general3A = arith.constant dense<0.000000e+00> : vector<1000x128xf32>
    %dot_general3A_5 = tpu.matmul %get3A_1, %get3A_4, %dot_general3A {dimension_numbers = #tpu.dot_dimension_numbers<[1], [0], [0], [1], [0, 0, 1, 1], [], []>, transpose_lhs_hint = false} : vector<1000x128xf32>, vector<128x128xf32>, vector<1000x128xf32> -> vector<1000x128xf32>
    %ne3A = arith.cmpf one, %dot_general3A_5, %dot_general3A_5 : vector<1000x128xf32>
    %jit3A = arith.constant 0.000000e+00 : f32
    %broadcast_in_dim3A = vector.broadcast %jit3A : f32 to vector<1000x128xf32>
    %select_n3A = arith.select %ne3A, %broadcast_in_dim3A, %dot_general3A_5 : vector<1000x128xi1>, vector<1000x128xf32>
    %iota3A = tpu.iota {dimensions = array<i32: 1>} : vector<1000x16xi32>
    %eq3A = arith.constant 0 : i32
    %eq3A_6 = vector.broadcast %eq3A : i32 to vector<1000x16xi32>
    %eq3A_7 = arith.cmpi eq, %iota3A, %eq3A_6 : vector<1000x16xi32>
    %jit3A_8 = arith.constant 1.000000e+00 : f32
    %jit3A_9 = arith.constant 0.000000e+00 : f32
    %broadcast_in_dim3A_10 = vector.broadcast %jit3A_8 : f32 to vector<1000x16xf32>
    %broadcast_in_dim3A_11 = vector.broadcast %jit3A_9 : f32 to vector<1000x16xf32>
    %select_n3A_12 = arith.select %eq3A_7, %broadcast_in_dim3A_10, %broadcast_in_dim3A_11 : vector<1000x16xi1>, vector<1000x16xf32>
    %slice3A = vector.extract_strided_slice %select_n3A {offsets = [0, 0], sizes = [1000, 64], strides = [1, 1]} : vector<1000x128xf32> to vector<1000x64xf32>
    %concatenate3A = tpu.concatenate %slice3A, %select_n3A_12 in 1 : vector<1000x64xf32>, vector<1000x16xf32> -> vector<1000x80xf32>
    %swap3A = arith.constant 0 : index
    %swap3A_13 = arith.constant 0 : index
    %swap3A_14 = vector.load %arg10[%swap3A, %swap3A_13] : memref<1000x80xf32, #tpu.memory_space<vmem>>, vector<1000x80xf32>
    tpu.vector_store %arg10[%swap3A, %swap3A_13], %concatenate3A {strides = array<i32>} : memref<1000x80xf32, #tpu.memory_space<vmem>>, vector<1000x80xf32>,
    %slice3A_15 = vector.extract_strided_slice %select_n3A {offsets = [0, 64], sizes = [1000, 64], strides = [1, 1]} : vector<1000x128xf32> to vector<1000x64xf32>
    %broadcast_in_dim3A_16 = arith.constant 0.000000e+00 : f32
    %broadcast_in_dim3A_17 = vector.broadcast %broadcast_in_dim3A_16 : f32 to vector<1000x16xf32>
    %concatenate3A_18 = tpu.concatenate %slice3A_15, %broadcast_in_dim3A_17 in 1 : vector<1000x64xf32>, vector<1000x16xf32> -> vector<1000x80xf32>
    %swap3A_19 = arith.constant 0 : index
    %swap3A_20 = arith.constant 0 : index
    %swap3A_21 = vector.load %arg11[%swap3A_19, %swap3A_20] : memref<1000x80xf32, #tpu.memory_space<vmem>>, vector<1000x80xf32>
    tpu.vector_store %arg11[%swap3A_19, %swap3A_20], %concatenate3A_18 {strides = array<i32>} : memref<1000x80xf32, #tpu.memory_space<vmem>>, vector<1000x80xf32>,
    %get3A_22 = arith.constant 0 : index
    %get3A_23 = arith.constant 0 : index
    %get3A_24 = vector.load %arg5[%get3A_22, %get3A_23] : memref<128x128xf32, #tpu.memory_space<vmem>>, vector<128x128xf32>
    %dot_general3A_25 = arith.constant dense<0.000000e+00> : vector<1000x128xf32>
    %dot_general3A_26 = tpu.matmul %get3A_1, %get3A_24, %dot_general3A_25 {dimension_numbers = #tpu.dot_dimension_numbers<[1], [0], [0], [1], [0, 0, 1, 1], [], []>, transpose_lhs_hint = false} : vector<1000x128xf32>, vector<128x128xf32>, vector<1000x128xf32> -> vector<1000x128xf32>
    %get3A_27 = arith.constant 0 : index
    %get3A_28 = arith.constant 0 : index
    %get3A_29 = vector.load %arg6[%get3A_27, %get3A_28] : memref<1x128xf32, #tpu.memory_space<vmem>>, vector<1x128xf32>
    %add3A = vector.broadcast %get3A_29 : vector<1x128xf32> to vector<1000x128xf32>
    %add3A_30 = arith.addf %dot_general3A_26, %add3A : vector<1000x128xf32>
    %swap3A_31 = arith.constant 0 : index
    %swap3A_32 = arith.constant 0 : index
    %swap3A_33 = vector.load %arg12[%swap3A_31, %swap3A_32] : memref<1000x128xf32, #tpu.memory_space<vmem>>, vector<1000x128xf32>
    tpu.vector_store %arg12[%swap3A_31, %swap3A_32], %add3A_30 {strides = array<i32>} : memref<1000x128xf32, #tpu.memory_space<vmem>>, vector<1000x128xf32>,
    %get3A_34 = arith.constant 0 : index
    %get3A_35 = arith.constant 0 : index
    %get3A_36 = vector.load %arg3[%get3A_34, %get3A_35] : memref<1x128xf32, #tpu.memory_space<vmem>>, vector<1x128xf32>
    %mul3A = vector.broadcast %get3A_36 : vector<1x128xf32> to vector<1000x128xf32>
    %mul3A_37 = arith.mulf %select_n3A, %mul3A : vector<1000x128xf32>
    %reduce_sum3A = arith.constant dense<0.000000e+00> : vector<1000xf32>
    %reduce_sum3A_38 = vector.multi_reduction <add>, %mul3A_37, %reduce_sum3A [1] : vector<1000x128xf32> to vector<1000xf32>
    %broadcast_in_dim3A_39 = vector.shape_cast %reduce_sum3A_38 : vector<1000xf32> to vector<1000x1xf32>
    %swap3A_40 = arith.constant 0 : index
    %swap3A_41 = arith.constant 0 : index
    %swap3A_42 = vector.load %arg13[%swap3A_40, %swap3A_41] : memref<1000x1xf32, #tpu.memory_space<vmem>>, vector<1000x1xf32>
    tpu.vector_store %arg13[%swap3A_40, %swap3A_41], %broadcast_in_dim3A_39 {strides = array<i32>} : memref<1000x1xf32, #tpu.memory_space<vmem>>, vector<1000x1xf32>,
    %get3A_43 = arith.constant 0 : index
    %get3A_44 = arith.constant 0 : index
    %get3A_45 = vector.load %arg4[%get3A_43, %get3A_44] : memref<1x128xf32, #tpu.memory_space<vmem>>, vector<1x128xf32>
    %mul3A_46 = vector.broadcast %get3A_45 : vector<1x128xf32> to vector<1000x128xf32>
    %mul3A_47 = arith.mulf %select_n3A, %mul3A_46 : vector<1000x128xf32>
    %reduce_sum3A_48 = arith.constant dense<0.000000e+00> : vector<1000xf32>
    %reduce_sum3A_49 = vector.multi_reduction <add>, %mul3A_47, %reduce_sum3A_48 [1] : vector<1000x128xf32> to vector<1000xf32>
    %broadcast_in_dim3A_50 = vector.shape_cast %reduce_sum3A_49 : vector<1000xf32> to vector<1000x1xf32>
    %swap3A_51 = arith.constant 0 : index
    %swap3A_52 = arith.constant 0 : index
    %swap3A_53 = vector.load %arg14[%swap3A_51, %swap3A_52] : memref<1000x1xf32, #tpu.memory_space<vmem>>, vector<1000x1xf32>
    tpu.vector_store %arg14[%swap3A_51, %swap3A_52], %broadcast_in_dim3A_50 {strides = array<i32>} : memref<1000x1xf32, #tpu.memory_space<vmem>>, vector<1000x1xf32>,
    %get3A_54 = arith.constant 0 : index
    %get3A_55 = arith.constant 0 : index
    %get3A_56 = vector.load %arg7[%get3A_54, %get3A_55] : memref<80x16xf32, #tpu.memory_space<vmem>>, vector<80x16xf32>
    %get3A_57 = arith.constant 0 : index
    %get3A_58 = arith.constant 0 : index
    %get3A_59 = vector.load %arg8[%get3A_57, %get3A_58] : memref<80x1xf32, #tpu.memory_space<vmem>>, vector<80x1xf32>
    %mul3A_60 = vector.broadcast %get3A_59 : vector<80x1xf32> to vector<80x16xf32>
    %mul3A_61 = arith.mulf %get3A_56, %mul3A_60 : vector<80x16xf32>
    %get3A_62 = arith.constant 0 : index
    %get3A_63 = arith.constant 0 : index
    %get3A_64 = vector.load %arg9[%get3A_62, %get3A_63] : memref<1x16xf32, #tpu.memory_space<vmem>>, vector<1x16xf32>
    %mul3A_65 = vector.broadcast %get3A_64 : vector<1x16xf32> to vector<80x16xf32>
    %mul3A_66 = arith.mulf %mul3A_61, %mul3A_65 : vector<80x16xf32>
    %reduce_sum3A_67 = arith.constant dense<0.000000e+00> : vector<80xf32>
    %reduce_sum3A_68 = vector.multi_reduction <add>, %mul3A_66, %reduce_sum3A_67 [1] : vector<80x16xf32> to vector<80xf32>
    %broadcast_in_dim3A_69 = vector.shape_cast %reduce_sum3A_68 : vector<80xf32> to vector<80x1xf32>
    %iota3A_70 = tpu.iota {dimensions = array<i32: 0>} : vector<16x80xi32>
    %iota3A_71 = tpu.iota {dimensions = array<i32: 1>} : vector<16x80xi32>
    %jit3A_72 = arith.constant 16 : i32
    %div3A = vector.broadcast %jit3A_72 : i32 to vector<16x80xi32>
    %div3A_73 = arith.divsi %iota3A_71, %div3A : vector<16x80xi32>
    %sign3A = arith.constant 0 : i32
    %sign3A_74 = vector.broadcast %sign3A : i32 to vector<16x80xi32>
    %sign3A_75 = arith.cmpi sgt, %iota3A_71, %sign3A_74 : vector<16x80xi32>
    %sign3A_76 = arith.extui %sign3A_75 : vector<16x80xi1> to vector<16x80xi32>
    %sign3A_77 = arith.constant 0 : i32
    %sign3A_78 = vector.broadcast %sign3A_77 : i32 to vector<16x80xi32>
    %sign3A_79 = arith.cmpi slt, %iota3A_71, %sign3A_78 : vector<16x80xi32>
    %sign3A_80 = arith.extui %sign3A_79 : vector<16x80xi1> to vector<16x80xi32>
    %sign3A_81 = arith.subi %sign3A_76, %sign3A_80 : vector<16x80xi32>
    %sign3A_82 = arith.constant 0 : i32
    %sign3A_83 = arith.cmpi sgt, %jit3A_72, %sign3A_82 : i32
    %sign3A_84 = arith.extui %sign3A_83 : i1 to i32
    %sign3A_85 = arith.constant 0 : i32
    %sign3A_86 = arith.cmpi slt, %jit3A_72, %sign3A_85 : i32
    %sign3A_87 = arith.extui %sign3A_86 : i1 to i32
    %sign3A_88 = arith.subi %sign3A_84, %sign3A_87 : i32
    %ne3A_89 = vector.broadcast %sign3A_88 : i32 to vector<16x80xi32>
    %ne3A_90 = arith.cmpi ne, %sign3A_81, %ne3A_89 : vector<16x80xi32>
    %rem3A = vector.broadcast %jit3A_72 : i32 to vector<16x80xi32>
    %rem3A_91 = arith.remsi %iota3A_71, %rem3A : vector<16x80xi32>
    %ne3A_92 = arith.constant 0 : i32
    %ne3A_93 = vector.broadcast %ne3A_92 : i32 to vector<16x80xi32>
    %ne3A_94 = arith.cmpi ne, %rem3A_91, %ne3A_93 : vector<16x80xi32>
    %and3A = arith.andi %ne3A_90, %ne3A_94 : vector<16x80xi1>
    %sub3A = arith.constant 1 : i32
    %sub3A_95 = vector.broadcast %sub3A : i32 to vector<16x80xi32>
    %sub3A_96 = arith.subi %div3A_73, %sub3A_95 : vector<16x80xi32>
    %select_n3A_97 = arith.select %and3A, %sub3A_96, %div3A_73 : vector<16x80xi1>, vector<16x80xi32>
    %eq3A_98 = arith.cmpi eq, %iota3A_70, %select_n3A_97 : vector<16x80xi32>
    %jit3A_99 = arith.constant 1.000000e+00 : f32
    %jit3A_100 = arith.constant 0.000000e+00 : f32
    %broadcast_in_dim3A_101 = vector.broadcast %jit3A_99 : f32 to vector<16x80xf32>
    %broadcast_in_dim3A_102 = vector.broadcast %jit3A_100 : f32 to vector<16x80xf32>
    %select_n3A_103 = arith.select %eq3A_98, %broadcast_in_dim3A_101, %broadcast_in_dim3A_102 : vector<16x80xi1>, vector<16x80xf32>
    %dot_general3A_104 = arith.constant dense<0.000000e+00> : vector<16x1xf32>
    %dot_general3A_105 = tpu.matmul %select_n3A_103, %broadcast_in_dim3A_69, %dot_general3A_104 {dimension_numbers = #tpu.dot_dimension_numbers<[1], [0], [0], [1], [0, 0, 1, 1], [], []>, transpose_lhs_hint = false} : vector<16x80xf32>, vector<80x1xf32>, vector<16x1xf32> -> vector<16x1xf32>
    %swap3A_106 = arith.constant 0 : index
    %swap3A_107 = arith.constant 0 : index
    %swap3A_108 = vector.load %arg15[%swap3A_106, %swap3A_107] : memref<16x1xf32, #tpu.memory_space<vmem>>, vector<16x1xf32>
    tpu.vector_store %arg15[%swap3A_106, %swap3A_107], %dot_general3A_105 {strides = array<i32>} : memref<16x1xf32, #tpu.memory_space<vmem>>, vector<16x1xf32>,
    return
  }
  func.func @transform_0(%arg0: i32) -> (i32, i32) {
    %c0_i32 = arith.constant 0 : i32
    %c0_i32_0 = arith.constant 0 : i32
    return %arg0, %c0_i32 : i32, i32
  }
  func.func @transform_1(%arg0: i32) -> (i32, i32) {
    %c0_i32 = arith.constant 0 : i32
    %c0_i32_0 = arith.constant 0 : i32
    %c0_i32_1 = arith.constant 0 : i32
    return %c0_i32, %c0_i32_0 : i32, i32
  }
  func.func @transform_2(%arg0: i32) -> (i32, i32) {
    %c0_i32 = arith.constant 0 : i32
    %c0_i32_0 = arith.constant 0 : i32
    %c0_i32_1 = arith.constant 0 : i32
    return %c0_i32, %c0_i32_0 : i32, i32
  }
  func.func @transform_3(%arg0: i32) -> (i32, i32) {
    %c0_i32 = arith.constant 0 : i32
    %c0_i32_0 = arith.constant 0 : i32
    %c0_i32_1 = arith.constant 0 : i32
    return %c0_i32, %c0_i32_0 : i32, i32
  }
  func.func @transform_4(%arg0: i32) -> (i32, i32) {
    %c0_i32 = arith.constant 0 : i32
    %c0_i32_0 = arith.constant 0 : i32
    %c0_i32_1 = arith.constant 0 : i32
    return %c0_i32, %c0_i32_0 : i32, i32
  }
  func.func @transform_5(%arg0: i32) -> (i32, i32) {
    %c0_i32 = arith.constant 0 : i32
    %c0_i32_0 = arith.constant 0 : i32
    %c0_i32_1 = arith.constant 0 : i32
    return %c0_i32, %c0_i32_0 : i32, i32
  }
  func.func @transform_6(%arg0: i32) -> (i32, i32) {
    %c0_i32 = arith.constant 0 : i32
    %c0_i32_0 = arith.constant 0 : i32
    %c0_i32_1 = arith.constant 0 : i32
    return %c0_i32, %c0_i32_0 : i32, i32
  }
  func.func @transform_7(%arg0: i32) -> (i32, i32) {
    %c0_i32 = arith.constant 0 : i32
    %c0_i32_0 = arith.constant 0 : i32
    %c0_i32_1 = arith.constant 0 : i32
    return %c0_i32, %c0_i32_0 : i32, i32
  }
  func.func @transform_8(%arg0: i32) -> (i32, i32) {
    %c0_i32 = arith.constant 0 : i32
    %c0_i32_0 = arith.constant 0 : i32
    %c0_i32_1 = arith.constant 0 : i32
    return %c0_i32, %c0_i32_0 : i32, i32
  }
  func.func @transform_9(%arg0: i32) -> (i32, i32) {
    %c0_i32 = arith.constant 0 : i32
    %c0_i32_0 = arith.constant 0 : i32
    return %arg0, %c0_i32 : i32, i32
  }
  func.func @transform_10(%arg0: i32) -> (i32, i32) {
    %c0_i32 = arith.constant 0 : i32
    %c0_i32_0 = arith.constant 0 : i32
    return %arg0, %c0_i32 : i32, i32
  }
  func.func @transform_11(%arg0: i32) -> (i32, i32) {
    %c0_i32 = arith.constant 0 : i32
    %c0_i32_0 = arith.constant 0 : i32
    return %arg0, %c0_i32 : i32, i32
  }
  func.func @transform_12(%arg0: i32) -> (i32, i32) {
    %c0_i32 = arith.constant 0 : i32
    %c0_i32_0 = arith.constant 0 : i32
    return %arg0, %c0_i32 : i32, i32
  }
  func.func @transform_13(%arg0: i32) -> (i32, i32) {
    %c0_i32 = arith.constant 0 : i32
    %c0_i32_0 = arith.constant 0 : i32
    return %arg0, %c0_i32 : i32, i32
  }
  func.func @transform_14(%arg0: i32) -> (i32, i32) {
    %c0_i32 = arith.constant 0 : i32
    %c0_i32_0 = arith.constant 0 : i32
    %c0_i32_1 = arith.constant 0 : i32
    return %c0_i32, %c0_i32_0 : i32, i32
  }
}

module attributes {stable_mosaic.version = 14 : i64} {
  func.func @_final_body(%arg0: i32, %arg1: memref<1000x80xf32, #tpu.memory_space<vmem>>, %arg2: memref<1000x80xf32, #tpu.memory_space<vmem>>, %arg3: memref<1000x80xf32, #tpu.memory_space<vmem>>, %arg4: memref<1000x80xf32, #tpu.memory_space<vmem>>, %arg5: memref<1000x128xf32, #tpu.memory_space<vmem>>, %arg6: memref<1000x128xf32, #tpu.memory_space<vmem>>) attributes {dimension_semantics = [#tpu.dimension_semantics<arbitrary>], iteration_bounds = array<i64: 10>, scalar_prefetch = 0 : i64, scratch_operands = 0 : i64, tpu.core_type = #tpu.core_type<tc>, window_params = [{transform_indices = @transform_0, window_bounds = array<i64: 1000, 80>}, {transform_indices = @transform_1, window_bounds = array<i64: 1000, 80>}, {transform_indices = @transform_2, window_bounds = array<i64: 1000, 80>}, {transform_indices = @transform_3, window_bounds = array<i64: 1000, 80>}, {transform_indices = @transform_4, window_bounds = array<i64: 1000, 128>}, {transform_indices = @transform_5, window_bounds = array<i64: 1000, 128>}]} {
    %get3A = arith.constant 0 : index
    %get3A_0 = arith.constant 0 : index
    %get3A_1 = vector.load %arg1[%get3A, %get3A_0] : memref<1000x80xf32, #tpu.memory_space<vmem>>, vector<1000x80xf32>
    %get3A_2 = arith.constant 0 : index
    %get3A_3 = arith.constant 0 : index
    %get3A_4 = vector.load %arg2[%get3A_2, %get3A_3] : memref<1000x80xf32, #tpu.memory_space<vmem>>, vector<1000x80xf32>
    %add3A = arith.addf %get3A_1, %get3A_4 : vector<1000x80xf32>
    %get3A_5 = arith.constant 0 : index
    %get3A_6 = arith.constant 0 : index
    %get3A_7 = vector.load %arg3[%get3A_5, %get3A_6] : memref<1000x80xf32, #tpu.memory_space<vmem>>, vector<1000x80xf32>
    %get3A_8 = arith.constant 0 : index
    %get3A_9 = arith.constant 0 : index
    %get3A_10 = vector.load %arg4[%get3A_8, %get3A_9] : memref<1000x80xf32, #tpu.memory_space<vmem>>, vector<1000x80xf32>
    %add3A_11 = arith.addf %get3A_7, %get3A_10 : vector<1000x80xf32>
    %slice3A = vector.extract_strided_slice %add3A {offsets = [0, 64], sizes = [1000, 1], strides = [1, 1]} : vector<1000x80xf32> to vector<1000x1xf32>
    %add3A_12 = arith.constant 9.99999971E-10 : f32
    %add3A_13 = vector.broadcast %add3A_12 : f32 to vector<1000x1xf32>
    %add3A_14 = arith.addf %slice3A, %add3A_13 : vector<1000x1xf32>
    %slice3A_15 = vector.extract_strided_slice %add3A {offsets = [0, 0], sizes = [1000, 64], strides = [1, 1]} : vector<1000x80xf32> to vector<1000x64xf32>
    %slice3A_16 = vector.extract_strided_slice %add3A_11 {offsets = [0, 0], sizes = [1000, 64], strides = [1, 1]} : vector<1000x80xf32> to vector<1000x64xf32>
    %concatenate3A = tpu.concatenate %slice3A_15, %slice3A_16 in 1 : vector<1000x64xf32>, vector<1000x64xf32> -> vector<1000x128xf32>
    %div3A = vector.broadcast %add3A_14 : vector<1000x1xf32> to vector<1000x128xf32>
    %div3A_17 = arith.divf %concatenate3A, %div3A : vector<1000x128xf32>
    %get3A_18 = arith.constant 0 : index
    %get3A_19 = arith.constant 0 : index
    %get3A_20 = vector.load %arg5[%get3A_18, %get3A_19] : memref<1000x128xf32, #tpu.memory_space<vmem>>, vector<1000x128xf32>
    %add3A_21 = arith.addf %div3A_17, %get3A_20 : vector<1000x128xf32>
    %gt3A = arith.constant 0.000000e+00 : f32
    %gt3A_22 = vector.broadcast %gt3A : f32 to vector<1000x128xf32>
    %gt3A_23 = arith.cmpf ogt, %add3A_21, %gt3A_22 : vector<1000x128xf32>
    %exp3A = math.exp %add3A_21 : vector<1000x128xf32>
    %sub3A = arith.constant 1.000000e+00 : f32
    %sub3A_24 = vector.broadcast %sub3A : f32 to vector<1000x128xf32>
    %sub3A_25 = arith.subf %exp3A, %sub3A_24 : vector<1000x128xf32>
    %select_n3A = arith.select %gt3A_23, %add3A_21, %sub3A_25 : vector<1000x128xi1>, vector<1000x128xf32>
    %swap3A = arith.constant 0 : index
    %swap3A_26 = arith.constant 0 : index
    %swap3A_27 = vector.load %arg6[%swap3A, %swap3A_26] : memref<1000x128xf32, #tpu.memory_space<vmem>>, vector<1000x128xf32>
    tpu.vector_store %arg6[%swap3A, %swap3A_26], %select_n3A {strides = array<i32>} : memref<1000x128xf32, #tpu.memory_space<vmem>>, vector<1000x128xf32>,
    return
  }
  func.func @transform_0(%arg0: i32) -> (i32, i32) {
    %c0_i32 = arith.constant 0 : i32
    %c0_i32_0 = arith.constant 0 : i32
    return %arg0, %c0_i32 : i32, i32
  }
  func.func @transform_1(%arg0: i32) -> (i32, i32) {
    %c0_i32 = arith.constant 0 : i32
    %c0_i32_0 = arith.constant 0 : i32
    return %arg0, %c0_i32 : i32, i32
  }
  func.func @transform_2(%arg0: i32) -> (i32, i32) {
    %c0_i32 = arith.constant 0 : i32
    %c0_i32_0 = arith.constant 0 : i32
    return %arg0, %c0_i32 : i32, i32
  }
  func.func @transform_3(%arg0: i32) -> (i32, i32) {
    %c0_i32 = arith.constant 0 : i32
    %c0_i32_0 = arith.constant 0 : i32
    return %arg0, %c0_i32 : i32, i32
  }
  func.func @transform_4(%arg0: i32) -> (i32, i32) {
    %c0_i32 = arith.constant 0 : i32
    %c0_i32_0 = arith.constant 0 : i32
    return %arg0, %c0_i32 : i32, i32
  }
  func.func @transform_5(%arg0: i32) -> (i32, i32) {
    %c0_i32 = arith.constant 0 : i32
    %c0_i32_0 = arith.constant 0 : i32
    return %arg0, %c0_i32 : i32, i32
  }
}

</mosaic_0001>

<sc_bundles>
// kernel: kernel.5.cloned.1.call-start
scs
__scs_entry_jumppad:
0x0: {  	(pc) =	sbr.rel $0x88, $3  }
0x1: {  	(tag) =	ssettag $0x0;
	lr =	simm.s32 $0x1  }
0x2: {  	[smem:$0x3F96] =	sst lr;
	_ =	strace $0xD0000000  }
0x3: {  	_ = 	snop  }
0x4: {  	_ = 	snop  }
0x5: {  	_ = 	snop  }
0x6: {  	_ = 	snop  }
0x7: {  	_ = 	snop  }
__scs_overlays_trampoline_lowered:
0x8: {  	[smem:$0x3FA5] =	sst s0  }
0x9: {  	[smem:$0x3FA6] =	sst s1  }
0xa: {  	[smem:$0x3FA7] =	sst s2  }
0xb: {  	[smem:$0x3FA8] =	sst s3  }
0xc: {  	[smem:$0x3FA9] =	sst s4  }
0xd: {  	[smem:$0x3FAA] =	sst s5  }
0xe: {  	[smem:$0x3FAB] =	sst s6  }
0xf: {  	[smem:$0x3FAC] =	sst s7  }
0x10: {  	[smem:$0x3FAD] =	sst s8  }
0x11: {  	[smem:$0x3FAE] =	sst s9;
	s0 =	simm.s32 @!p0 $0x0  }
0x12: {  	s1 =	sld [smem:$0x3F94];
	s0 =	simm.s32 @p0 $0x1  }
0x13: {  	[smem:$0x3FAF] =	sst s0;
	s0 =	simm.s32 @!p1 $0x0  }
0x14: {  	s2 =	sld [smem:$0x3F93];
	s0 =	simm.s32 @p1 $0x1  }
0x15: {  	[smem:$0x3FB0] =	sst s0;
	s0 =	simm.s32 @!p2 $0x0  }
0x16: {  	s3 =	sld [smem:$0x3FDB];
	s0 =	simm.s32 @p2 $0x1  }
0x17: {  	s4 =	simm.s32 $0x1BF5;
	[smem:$0x3FB2] =	sst s0  }
0x18: {  	s0 =	sld [smem:$0x3F95];
	_ =	swait.ge [sflag:s4], $0x0  }
0x19: {  	s7 =	sld [smem:$0x3F96]  }
0x1a: {  	s8 =	sadd.s32 $0xFFFFE003, lr  }
0x1b: {  	s9 =	sadd.s32 $0xFFFFFEF7, lr;
	s5 =	simm.s32 $0xFFFFFFFF;
	p2 =	slt.u32 s8, $0xFFFFF086  }
0x1c: {  	p1 =	slt.u32 s9, $0xF7A;
	s5 =	simm.s32 @!p2 $0x0  }
0x1d: {  	s5 =	simm.s32 @p1 $0x1;
	p0 =	seq.s32 s7, s2  }
0x1e: {  	s7 =	smul.u32 @!p0 $0xF7A, s2;
	p2 =	seq.s32 @!p0 s5, $0x0  }
0x1f: {  	s9 =	smul.u32 $0xF7A, s1;
	s8 =	simm.s32 @!p0 $0x1BF5;
	p2 =	por !p2, p0  }
0x20: {  	[sflag:s8] =	ssyncset.s32 @!p0 $0xFFFFF086;
	s6 =	sadd.s32 @!p0 s3, s7;
	s7 =	simm.s32 @!p0 $0x108  }
0x21: {  	s3 =	sadd.s32 s3, s9;
	s6 =	sadd.s32 @!p0 $0x88, s6;
	s7 =	simm.s32 @p2 $0x1082  }
0x22: {  	[simem:s7], [sflag:s8] =	dma.local @!p0 [hbm:s6], $0xF7A  }
0x23: {  	s9 =	sor.u32 $0xD0000000, s2;
	s6 =	simm.s32 $0x108;
	_ =	swait.ge @!p0 [sflag:s8], $0x0  }
0x24: {  	s3 =	sadd.s32 $0x88, s3;
	s6 =	simm.s32 @!p1 $0x1082;
	[sflag:s4] =	ssyncset.s32 $0xFFFFF086  }
0x25: {  	[simem:s6], [sflag:s4] =	dma.local [hbm:s3], $0xF7A  }
0x26: {  	[smem:$0x3F96] =	sst s1;
	(tag) =	ssettag s2;
	_ =	strace s9  }
0x27: {  	s1 =	sld [smem:$0x3FA6]  }
0x28: {  	s2 =	sld [smem:$0x3FA7]  }
0x29: {  	s4 =	sld [smem:$0x3FA9]  }
0x2a: {  	p0 =	seq.s32 s5, $0x0;
	s5 =	sld [smem:$0x3FAA]  }
0x2b: {  	s6 =	sld [smem:$0x3FAB]  }
0x2c: {  	s7 =	sld [smem:$0x3FAC]  }
0x2d: {  	s3 =	simm.s32 $0x108;
	s8 =	sld [smem:$0x3FAD]  }
0x2e: {  	s3 =	simm.s32 @!p0 $0x1082;
	s9 =	sld [smem:$0x3FAE]  }
0x2f: {  	lr =	sadd.s32 s0, s3;
	s0 =	sld [smem:$0x3FA5]  }
0x30: {  	s3 =	sld [smem:$0x3FA8]  }
0x31: {  	[smem:$0x3FB1] =	sst s10  }
0x32: {  	s10 =	sld [smem:$0x3FAF];
	_ =	sdelay $0x3  }
0x33: {  	p0 =	seq.s32 s10, $0x1;
	s10 =	sld [smem:$0x3FB1];
	_ =	sdelay $0x3  }
0x34: {  	[smem:$0x3FB1] =	sst s10  }
0x35: {  	s10 =	sld [smem:$0x3FB0];
	_ =	sdelay $0x3  }
0x36: {  	p1 =	seq.s32 s10, $0x1;
	s10 =	sld [smem:$0x3FB1];
	_ =	sdelay $0x3  }
0x37: {  	[smem:$0x3FB1] =	sst s10  }
0x38: {  	s10 =	sld [smem:$0x3FB2]  }
0x39: {  	_ = 	snop;
	(pc) =	sbr.ind lr, $3  }
0x3a: {  	_ = 	snop  }
0x3b: {  	_ = 	snop  }
0x3c: {  	p2 =	seq.s32 s10, $0x1;
	s10 =	sld [smem:$0x3FB1]  }
0x3d: {  	_ =	shalt  }
0x3e: {  	_ =	shalt  }
0x3f: {  	_ =	shalt  }
0x40: {  	_ =	shalt  }
0x41: {  	_ =	shalt  }
0x42: {  	_ =	shalt  }
0x43: {  	_ =	shalt  }
0x44: {  	_ =	shalt  }
0x45: {  	_ =	shalt  }
0x46: {  	_ =	shalt  }
0x47: {  	_ =	shalt  }
0x48: {  	_ =	shalt  }
0x49: {  	_ =	shalt  }
0x4a: {  	_ =	shalt  }
0x4b: {  	_ =	shalt  }
0x4c: {  	_ =	shalt  }
0x4d: {  	_ =	shalt  }
0x4e: {  	_ =	shalt  }
0x4f: {  	_ =	shalt  }
0x50: {  	_ =	shalt  }
0x51: {  	_ =	shalt  }
0x52: {  	_ =	shalt  }
0x53: {  	_ =	shalt  }
0x54: {  	_ =	shalt  }
0x55: {  	_ =	shalt  }
0x56: {  	_ =	shalt  }
0x57: {  	_ =	shalt  }
0x58: {  	_ =	shalt  }
0x59: {  	_ =	shalt  }
0x5a: {  	_ =	shalt  }
0x5b: {  	_ =	shalt  }
0x5c: {  	_ =	shalt  }
0x5d: {  	_ =	shalt  }
0x5e: {  	_ =	shalt  }
0x5f: {  	_ =	shalt  }
0x60: {  	_ =	shalt  }
0x61: {  	_ =	shalt  }
0x62: {  	_ =	shalt  }
0x63: {  	_ =	shalt  }
0x64: {  	_ =	shalt  }
0x65: {  	_ =	shalt  }
0x66: {  	_ =	shalt  }
0x67: {  	_ =	shalt  }
0x68: {  	_ =	shalt  }
0x69: {  	_ =	shalt  }
0x6a: {  	_ =	shalt  }
0x6b: {  	_ =	shalt  }
0x6c: {  	_ =	shalt  }
0x6d: {  	_ =	shalt  }
0x6e: {  	_ =	shalt  }
0x6f: {  	_ =	shalt  }
0x70: {  	_ =	shalt  }
0x71: {  	_ =	shalt  }
0x72: {  	_ =	shalt  }
0x73: {  	_ =	shalt  }
0x74: {  	_ =	shalt  }
0x75: {  	_ =	shalt  }
0x76: {  	_ =	shalt  }
0x77: {  	_ =	shalt  }
0x78: {  	_ =	shalt  }
0x79: {  	_ =	shalt  }
0x7a: {  	_ =	shalt  }
0x7b: {  	_ =	shalt  }
0x7c: {  	_ =	shalt  }
0x7d: {  	_ =	shalt  }
0x7e: {  	_ =	shalt  }
0x7f: {  	_ =	shalt  }
0x80: {  	_ =	shalt  }
0x81: {  	_ =	shalt  }
0x82: {  	_ =	shalt  }
0x83: {  	_ =	shalt  }
0x84: {  	_ =	shalt  }
0x85: {  	_ =	shalt  }
0x86: {  	_ =	shalt  }
0x87: {  	_ =	shalt  }
.Lfunc_end0:
.L_simem_size_0:
called_computation_lowered:
.L_overlay_start_0:
0x88: {  	s2 =	sld [smem:$0x3FD9]  }
0x89: {  	s3 =	sld [smem:$0x3FFE];
	_ =	sdelay $0x1  }
0x8a: {  	s1 =	srdreg.scid  }
0x8b: {  	s0 =	sand.u32 $0x1, s1  }
0x8c: {  	s17 =	sshll.u32 s0, $0xA;
	s2 =	sadd.s32 s3, s2  }
0x8d: {  	s2 =	sadd.s32 s2, s17  }
0x8e: {  	[smem:$0x3FBD] =	sst s2  }
0x8f: {  	_ = 	snop  }
0x90: {  	s2 =	sld [smem:$0x3FC7]  }
0x91: {  	s18 =	sld [smem:$0x3FD0];
	(tm) =	ssettm $0x1  }
0x92: {  	s4 =	sld [smem:$0x3FFB];
	_ =	sdelay $0x3  }
0x93: {  	_ =	strace s4  }
0x94: {  	s4 =	sld [smem:$0x3FFC];
	_ =	sdelay $0x3  }
0x95: {  	_ =	strace s4  }
0x96: {  	s4 =	sld [smem:$0x3FFD];
	_ =	sdelay $0x3  }
0x97: {  	_ =	strace s4  }
0x98: {  	_ =	strace $0x8FFFFFFF  }
0x99: {  	s19 =	sld [smem:$0x3FDB];
	_ =	sdelay $0x1  }
0x9a: {  	s5 =	simm.s32 $_scs_section_size  }
0x9b: {  	s6 =	simm.s32 $_size__tile_overlayer_lowered;
	s7 =	simm.s32 $_tile_overlayer_lowered  }
0x9c: {  	s22 =	simm.s32 $0x1BFF;
	s21 =	sshll.u32 s7, $0x1;
	s4 =	sadd.s32 s5, s19  }
0x9d: {  	s8 =	simm.s32 $0x0;
	s20 =	sshll.u32 s6, $0x1;
	s6 =	sadd.s32 s21, s4  }
0x9e: {  	[timem:s8], [sflag:s22] =	dma.local [hbm:s6], s20  }
0x9f: {  	_ =	swait.ge [sflag:s22], s20  }
0xa0: {  	s5 =	ssub.s32 $0x0, s20;
	[sflag:s22] =	ssyncset.done $0x0  }
0xa1: {  	[sflag:s22] =	ssyncadd.s32 s5;
	_ =	sdelay $0x1  }
0xa2: {  	s23 =	simm.s32 $0x1B8B  }
0xa3: {  	_ =	swait.ge [sflag:s23], $0x1  }
0xa4: {  	[sflag:s23] =	ssyncset.done $0x0  }
0xa5: {  	s25 =	simm.s32 $0x1B8E;
	s24 =	sld [smem:$0x3FFE];
	[sflag:s23] =	ssyncadd.s32 $0xFFFFFFFF  }
0xa6: {  	s26 =	simm.s32 $execute0_lowered;
	[smem:$0x3FD2] =	sst s25  }
0xa7: {  	s6 =	sshll.u32 s26, $0x1;
	_ =	strace $0x80000046;
	[dreg:$0x1] =	wrdreg $0xFFFFFFFF  }
0xa8: {  	s28 =	simm.s32 $_size_execute0_lowered;
	s4 =	sadd.s32 s4, s6;
	[dreg:$0x0] =	wrdreg $0x0  }
0xa9: {  	s6 =	sshll.u32 s28, $0x1;
	[dreg:$0x2] =	wrdreg s4  }
0xaa: {  	[dreg:$0x3] =	wrdreg s6  }
0xab: {  	[dreg:$0x4] =	wrdreg $0xC0  }
0xac: {  	_ =	task [dreg:s8], $0x5FFFF  }
0xad: {  	[dreg:$0x1] =	wrdreg $0xFFFFFFFF  }
0xae: {  	[dreg:$0x0] =	wrdreg $0x60  }
0xaf: {  	[dreg:$0x2] =	wrdreg s24  }
0xb0: {  	[dreg:$0x3] =	wrdreg s2  }
0xb1: {  	[dreg:$0x4] =	wrdreg s18  }
0xb2: {  	[dreg:$0x5] =	wrdreg $0x135700  }
0xb3: {  	[dreg:$0x6] =	wrdreg $0x9  }
0xb4: {  	_ =	task.clear_ibuf [dreg:s8], $0x7FFFF;
	_ =	strace $0x90000046  }
0xb5: {  	s29 =	simm.s32 $0x9;
	_ =	strace $0x80000048  }
0xb6: {  	_ =	swait.ge [sflag:s29], $0x1  }
0xb7: {  	[sflag:s29] =	ssyncadd.s32 $0xFFFFFFFF  }
0xb8: {  	_ =	strace $0x90000048  }
0xb9: {  	_ =	sfence  }
0xba: {  	s30 =	sld [smem:$0x0];
	_ =	sdelay $0x2  }
0xbb: {  	s31 =	sshll.u32 s1, $0xD;
	s1 =	sshrl.u32 s1, $0x2  }
0xbc: {  	s3 =	sand.u32 $0x4000, s31;
	s1 =	sadd.s32 s1, s30  }
0xbd: {  	s0 =	sor.u32 s3, s0;
	s1 =	sshll.u32 s1, $0x11  }
0xbe: {  	s0 =	sor.u32 s1, s0  }
0xbf: {  	s0 =	sadd.s32 $0x8F2B, s0  }
0xc0: {  	[sflag:s0] =	ssyncadd.remote.s32 $0x1  }
0xc1: {  	_ =	sfence.sel $0xFFFF  }
0xc2: {  	[dreg:$0x0] =	wrdreg $0xFFFFFFFF;
	(pc) =	sbr.abs _section_cstart, $3  }
0xc3: {  	[dreg:$0x1] =	wrdreg $0xFFFFFFFF  }
0xc4: {  	_ =	task.clear_ibuf [dreg:s8], $0x2FFFF;
	_ =	strace $0x9FFFFFFF  }
0xc5: {  	(tm) =	ssettm $0x7FFFFFFF  }
tec
execute0_lowered:
.L_overlay_start_1:
0x0: {  	(tag) =	ssettag $0x1  }
0x1: {  	s0 =	rddreg [dreg:$0x0]  }
0x2: {  	s1 =	rddreg [dreg:$0x1]  }
0x3: {  	s2 =	srdreg.scid;
	s8 =	stileid.u32  }
0x4: {  	s3 =	rddreg [dreg:$0x3];
	s6 =	simm.s32 $0x0;
	s28 =	simm.s32 $0x9C40  }
0x5: {  	s29 =	simm.s32 $0xC350;
	s30 =	simm.s32 $0xEA70;
	s31 =	simm.s32 $0x50  }
0x6: {  	s2 =	sand.u32 $0x1, s2;
	s5 =	smul.u32 $0x2710, s8;
	[smem:$0x7FF] =	sst s6  }
0x7: {  	s14 =	smul.u32 $0xC350, s8;
	s9 =	sadd.s32 $0x3B400, s0;
	s16 =	sadd.s32 $0x3BC00, s0  }
0x8: {  	s17 =	sadd.s32 $0x3BA00, s0;
	s10 =	smul.u32 $0x30D40, s8;
	s8 =	sadd.s32 $0x3C200, s0  }
0x9: {  	s4 =	smul.u32 $0x27100, s2;
	_ =	strace $0x80000047;
	[dreg:$0x5] =	wrdreg s9  }
0xa: {  	s15 =	smul.u32 $0xC3500, s2;
	[dreg:$0x6] =	wrdreg s16;
	s2 =	ssub.s32 $0x2, s2  }
0xb: {  	[dreg:$0x7] =	wrdreg s17;
	s18 =	sshrl.u32 s2, $0x1;
	s21 =	sshrl.u32 s10, $0x2  }
0xc: {  	s6 =	sadd.s32 s14, s15;
	s15 =	sadd.s32 s14, s3;
	s22 =	sadd.s32 s21, s3  }
0xd: {  	s4 =	sadd.s32 s5, s4;
	s23 =	sadd.s32 $0x7D00, s22;
	[dreg:$0xb] =	wrdreg s15  }
0xe: {  	s2 =	ssub.s32 s2, s18;
	s24 =	sadd.s32 $0x9600, s22;
	[dreg:$0x10] =	wrdreg s23  }
0xf: {  	s5 =	simm.s32 $0x2;
	s26 =	smax.u32 s2, $0x1;
	[dreg:$0x11] =	wrdreg s24  }
0x10: {  	s4 =	sshrl.u32 s4, $0x3;
	s16 =	sadd.s32 $0x1900, s22;
	[dreg:$0x15] =	wrdreg s26  }
0x11: {  	s6 =	sshrl.u32 s6, $0x3;
	s17 =	sadd.s32 $0x3200, s22;
	[dreg:$0xc] =	wrdreg s16  }
0x12: {  	s18 =	sadd.s32 $0x4B00, s22;
	s7 =	sadd.s32 s4, s0;
	[dreg:$0xd] =	wrdreg s17  }
0x13: {  	s0 =	sadd.s32 s6, s0;
	s1 =	sadd.s32 s1, s4;
	[dreg:$0xe] =	wrdreg s18  }
0x14: {  	s23 =	simm.s32 $0x4;
	s19 =	sadd.s32 $0xA400, s7;
	[dreg:$0xa] =	wrdreg s1  }
0x15: {  	s26 =	simm.s32 $0x7530;
	s20 =	sadd.s32 $0x600, s7;
	[dreg:$0x8] =	wrdreg s19  }
0x16: {  	s24 =	simm.s32 $0x11C70;
	s1 =	sadd.s32 $0xAF00, s22;
	[dreg:$0x9] =	wrdreg s20  }
0x17: {  	s6 =	simm.s32 $0x3;
	s25 =	sadd.s32 $0x85800, s0;
	[dreg:$0x12] =	wrdreg s1  }
0x18: {  	s4 =	simm.s32 $0x0;
	s0 =	sadd.s32 $0x54A00, s0;
	[dreg:$0x13] =	wrdreg s25  }
0x19: {  	v1 =	vimm.s32 $0x0;
	vm0 =	vcmask $0x300;
	s19 =	sadd.s32 $0x6400, s22;
	[dreg:$0x14] =	wrdreg s0;
	s1 =	simm.s32 $0x10370  }
0x1a: {  	v0 =	vimm.f32 $0.0e+00;
	v1 =	vsel vm0, $0x3, v1;
	s25 =	simm.s32 $0x1;
	s0 =	simm.s32 $0xC360;
	[dreg:$0xf] =	wrdreg s19  }
.LBB2_1:
0x1b: {  	[dreg:$0x16] =	wrdreg s4  }
0x1c: {  	s2 =	simm.s32 $0x0;
	s11 =	rddreg [dreg:$0x8]  }
0x1d: {  	[tilespmem:s2], [sflag:$0x4] =	stream.linear.gather [hbm4b:s11+s2], $0x2710, $0x38;
	[tilespmem:$0x1F8C0] =	vst v63  }
0x1e: {  	_ =	swait.ge [sflag:s23], $0x2710  }
0x1f: {  	[sflag:s23] =	ssyncset.done $0x0  }
0x20: {  	s7 =	simm.s32 $0x2710;
	s12 =	rddreg [dreg:$0x9];
	[sflag:s23] =	ssyncadd.s32 $0xFFFFD8F0  }
0x21: {  	[tilespmem:s7], [sflag:$0x4] =	stream.linear.gather [hbm4b:s12+s2], $0x2710, $0x38;
	[tilespmem:$0x1F8C0] =	vst v63  }
0x22: {  	_ =	swait.ge [sflag:s23], $0x2710  }
0x23: {  	[sflag:s23] =	ssyncset.done $0x0  }
0x24: {  	s14 =	simm.s32 $0x4E20;
	s13 =	rddreg [dreg:$0xa];
	[sflag:s23] =	ssyncadd.s32 $0xFFFFD8F0  }
0x25: {  	[tilespmem:s14], [sflag:$0x4] =	stream.linear.gather [hbm4b:s13+s2], $0x2710, $0x38;
	[tilespmem:$0x1F8C0] =	vst v63  }
0x26: {  	_ =	swait.ge [sflag:s23], $0x2710  }
0x27: {  	[sflag:s23] =	ssyncset.done $0x0  }
0x28: {  	s20 =	rddreg [dreg:$0x5];
	[sflag:s23] =	ssyncadd.s32 $0xFFFFD8F0  }
0x29: {  	[tilespmem:s26], [sflag:$0x4] =	stream.linear.gather [hbm4b:s20+s2], $0x2710, $0x38;
	[tilespmem:$0x1F8C0] =	vst v63  }
0x2a: {  	_ =	swait.ge [sflag:s23], $0x2710  }
0x2b: {  	[sflag:s23] =	ssyncset.done $0x0  }
0x2c: {  	s21 =	rddreg [dreg:$0x6];
	[sflag:s23] =	ssyncadd.s32 $0xFFFFD8F0  }
0x2d: {  	[tilespmem:s28], [sflag:$0x4] =	stream.linear.gather [hbm4b:s21+s2], $0x2710, $0x38;
	[tilespmem:$0x1F8C0] =	vst v63  }
0x2e: {  	_ =	swait.ge [sflag:s23], $0x2710  }
0x2f: {  	[sflag:s23] =	ssyncset.done $0x0  }
0x30: {  	s22 =	rddreg [dreg:$0x7];
	[sflag:s23] =	ssyncadd.s32 $0xFFFFD8F0  }
0x31: {  	[tilespmem:s29], [sflag:$0x4] =	stream.linear.gather [hbm4b:s22+s2], $0x10, $0x38;
	[tilespmem:$0x1F8C0] =	vst v63  }
0x32: {  	_ =	swait.ge [sflag:s23], $0x10  }
0x33: {  	[sflag:s23] =	ssyncset.done $0x0  }
0x34: {  	s4 =	simm.s32 $0x140;
	s2 =	simm.s32 $0x0;
	[sflag:s23] =	ssyncadd.s32 $0xFFFFFFF0  }
.LBB2_2:
0x35: {  	p0 =	sne.s32 s4, $0x62C0;
	[tilespmem:s2+$0xEAB0] =	vst v0;
	s7 =	smov.u32 s4;
	s4 =	sadd.s32 $0x140, s4  }
.Ltmp0:
0x36: {  	[tilespmem:s2+$0xEAA0] =	vst v0;
	(pc) =	sbr.rel @p0 .LBB2_2-.Ltmp0, $4  }
0x37: {  	[tilespmem:s2+$0xEA90] =	vst v0  }
0x38: {  	[tilespmem:s2+$0xEA70] =	vst v0  }
0x39: {  	[tilespmem:s2+$0xEA80] =	vst v0  }
0x3a: {  	s2 =	sshra.s32 s7, $0x2  }
0x3b: {  	[tilespmem:s2+$0xEAB0] =	vst v0  }
0x3c: {  	[tilespmem:s2+$0xEAA0] =	vst v0  }
0x3d: {  	[tilespmem:s2+$0xEA90] =	vst v0  }
0x3e: {  	[tilespmem:s2+$0xEA70] =	vst v0  }
0x3f: {  	[tilespmem:s2+$0xEA80] =	vst v0  }
0x40: {  	[spmem:s15] =	stream.linear.scatter [tilespmem:s30], [sflag:$0x4], $0x1900, $0x38;
	[tilespmem:$0x1F8C0] =	vst v63  }
0x41: {  	_ =	swait.ge [sflag:s23], $0x1900  }
0x42: {  	[sflag:s23] =	ssyncset.done $0x0  }
0x43: {  	[sflag:s23] =	ssyncadd.s32 $0xFFFFE700  }
0x44: {  	[spmem:s16] =	stream.linear.scatter [tilespmem:s30], [sflag:$0x4], $0x1900, $0x38;
	[tilespmem:$0x1F8C0] =	vst v63  }
0x45: {  	_ =	swait.ge [sflag:s23], $0x1900  }
0x46: {  	[sflag:s23] =	ssyncset.done $0x0  }
0x47: {  	[sflag:s23] =	ssyncadd.s32 $0xFFFFE700  }
0x48: {  	[spmem:s17] =	stream.linear.scatter [tilespmem:s30], [sflag:$0x4], $0x1900, $0x38;
	[tilespmem:$0x1F8C0] =	vst v63  }
0x49: {  	_ =	swait.ge [sflag:s23], $0x1900  }
0x4a: {  	[sflag:s23] =	ssyncset.done $0x0  }
0x4b: {  	[sflag:s23] =	ssyncadd.s32 $0xFFFFE700  }
0x4c: {  	[spmem:s18] =	stream.linear.scatter [tilespmem:s30], [sflag:$0x4], $0x1900, $0x38;
	[tilespmem:$0x1F8C0] =	vst v63  }
0x4d: {  	_ =	swait.ge [sflag:s23], $0x1900  }
0x4e: {  	[sflag:s23] =	ssyncset.done $0x0  }
0x4f: {  	[sflag:s23] =	ssyncadd.s32 $0xFFFFE700  }
0x50: {  	[spmem:s19] =	stream.linear.scatter [tilespmem:s30], [sflag:$0x4], $0x1900, $0x38;
	[tilespmem:$0x1F8C0] =	vst v63  }
0x51: {  	_ =	swait.ge [sflag:s23], $0x1900  }
0x52: {  	[sflag:s23] =	ssyncset.done $0x0  }
0x53: {  	s14 =	rddreg [dreg:$0x10];
	[sflag:s23] =	ssyncadd.s32 $0xFFFFE700  }
0x54: {  	[spmem:s14] =	stream.linear.scatter [tilespmem:s30], [sflag:$0x4], $0x1900, $0x38;
	[tilespmem:$0x1F8C0] =	vst v63  }
0x55: {  	_ =	swait.ge [sflag:s23], $0x1900  }
0x56: {  	[sflag:s23] =	ssyncset.done $0x0  }
0x57: {  	s15 =	rddreg [dreg:$0x11];
	[sflag:s23] =	ssyncadd.s32 $0xFFFFE700  }
0x58: {  	[spmem:s15] =	stream.linear.scatter [tilespmem:s30], [sflag:$0x4], $0x1900, $0x38;
	[tilespmem:$0x1F8C0] =	vst v63  }
0x59: {  	_ =	swait.ge [sflag:s23], $0x1900  }
0x5a: {  	[sflag:s23] =	ssyncset.done $0x0  }
0x5b: {  	s16 =	rddreg [dreg:$0x12];
	[sflag:s23] =	ssyncadd.s32 $0xFFFFE700  }
0x5c: {  	[spmem:s16] =	stream.linear.scatter [tilespmem:s30], [sflag:$0x4], $0x1450, $0x38;
	[tilespmem:$0x1F8C0] =	vst v63  }
0x5d: {  	_ =	swait.ge [sflag:s23], $0x1450  }
0x5e: {  	[sflag:s23] =	ssyncset.done $0x0  }
0x5f: {  	s13 =	simm.s32 $0x50;
	[sflag:s23] =	ssyncadd.s32 $0xFFFFEBB0  }
0x60: {  	s12 =	simm.s32 $0x2760;
	v2 =	vld [tilespmem:s13+$0x0]  }
0x61: {  	v3 =	vld [tilespmem:s12+$0x0]  }
0x62: {  	s7 =	simm.s32 $0x4E70  }
0x63: {  	v4 =	vld [tilespmem:s7+$0x0];
	_ =	sdelay $0x4  }
0x64: {  	v2 =	vld.idx.msk [tilespmem:v2+s26+$0x0], $0xffff  }
0x65: {  	v3 =	vld.idx.msk [tilespmem:v3+s28+$0x0], $0xffff  }
0x66: {  	v5 =	vld [tilespmem:s13+$0xFFFFFFB0]  }
0x67: {  	v4 =	vld.idx.msk [tilespmem:v4+s29+$0x0], $0xffff  }
0x68: {  	v6 =	vld [tilespmem:s12+$0xFFFFFFB0];
	_ =	sdelay $0x1  }
0x69: {  	v2 =	vadd.f32 v3, v2;
	v3 =	vld [tilespmem:s7+$0xFFFFFFB0];
	_ =	sdelay $0x1  }
0x6a: {  	v2 =	vadd.f32 v4, v2;
	_ =	sdelay $0x1  }
0x6b: {  	v4 =	vmul.f32 $2.000000030e-01, v2  }
0x6c: {  	v5 =	vld.idx.msk [tilespmem:v5+s26+$0x0], $0xffff;
	vm0 =	vge.f32 v2, $0.0e+00  }
0x6d: {  	v2 =	vsel vm0, v2, v4;
	v4 =	vld.idx.msk [tilespmem:v6+s28+$0x0], $0xffff;
	_ =	sdelay $0x1  }
0x6e: {  	v2 =	vmul.f32 $1.442695020e+00, v2;
	v3 =	vld.idx.msk [tilespmem:v3+s29+$0x0], $0xffff;
	_ =	sdelay $0x1  }
0x6f: {  	(erf) = vpow2.f32 v2  }
0x70: {  	v2 =	vadd.f32 v4, v5;
	_ =	sdelay $0x1  }
0x71: {  	v2 =	vadd.f32 v3, v2;
	_ =	sdelay $0x1  }
0x72: {  	v3 =	vmul.f32 $2.000000030e-01, v2;
	_ =	sdelay $0x2  }
0x73: {  	vm4 =	vge.f32 v2, $0.0e+00  }
0x74: {  	s9 =	simm.s32 $0xC3B0;
	v2 =	vsel vm4, v2, v3;
	v3 =	vpop (erf)  }
0x75: {  	v2 =	vmul.f32 $1.442695020e+00, v2;
	[tilespmem:s9+$0x0] =	vst v3  }
0x76: {  	v3 =	vld [tilespmem:s13+$0x10]  }
0x77: {  	(erf) = vpow2.f32 v2;
	v2 =	vld [tilespmem:s12+$0x10];
	_ =	sdelay $0x1  }
0x78: {  	v4 =	vld [tilespmem:s7+$0x10];
	_ =	sdelay $0x4  }
0x79: {  	v3 =	vld.idx.msk [tilespmem:v3+s26+$0x0], $0xffff  }
0x7a: {  	v2 =	vld.idx.msk [tilespmem:v2+s28+$0x0], $0xffff  }
0x7b: {  	v5 =	vpop (erf)  }
0x7c: {  	v4 =	vld.idx.msk [tilespmem:v4+s29+$0x0], $0xffff;
	[tilespmem:s9+$0xFFFFFFB0] =	vst v5  }
0x7d: {  	v5 =	vld [tilespmem:s13+$0xFFFFFFC0]  }
0x7e: {  	v6 =	vld [tilespmem:s12+$0xFFFFFFC0]  }
0x7f: {  	v7 =	vld [tilespmem:s7+$0xFFFFFFC0];
	v2 =	vadd.f32 v2, v3;
	_ =	sdelay $0x1  }
0x80: {  	v2 =	vadd.f32 v4, v2;
	_ =	sdelay $0x1  }
0x81: {  	v3 =	vmul.f32 $2.000000030e-01, v2  }
0x82: {  	vm5 =	vge.f32 v2, $0.0e+00  }
0x83: {  	v4 =	vld.idx.msk [tilespmem:v5+s26+$0x0], $0xffff;
	v2 =	vsel vm5, v2, v3  }
0x84: {  	v3 =	vld.idx.msk [tilespmem:v6+s28+$0x0], $0xffff;
	v2 =	vmul.f32 $1.442695020e+00, v2  }
0x85: {  	s2 =	simm.s32 $0x4F10;
	v5 =	vld.idx.msk [tilespmem:v7+s29+$0x0], $0xffff  }
0x86: {  	s18 =	simm.s32 $0x2800;
	v7 =	vld [tilespmem:s2+$0x0];
	(erf) = vpow2.f32 v2  }
0x87: {  	s17 =	simm.s32 $0xF0;
	v6 =	vld [tilespmem:s18+$0x0]  }
0x88: {  	v2 =	vld [tilespmem:s17+$0x0]  }
0x89: {  	v3 =	vadd.f32 v3, v4;
	_ =	sdelay $0x1  }
0x8a: {  	v4 =	vld [tilespmem:s18+$0xFFFFFFB0];
	v3 =	vadd.f32 v5, v3  }
0x8b: {  	v8 =	vld [tilespmem:s2+$0xFFFFFFB0]  }
0x8c: {  	v5 =	vld [tilespmem:s17+$0xFFFFFFB0];
	v9 =	vmul.f32 $2.000000030e-01, v3  }
0x8d: {  	v7 =	vld.idx.msk [tilespmem:v7+s29+$0x0], $0xffff;
	vm6 =	vge.f32 v3, $0.0e+00  }
0x8e: {  	v6 =	vld.idx.msk [tilespmem:v6+s28+$0x0], $0xffff;
	v3 =	vsel vm6, v3, v9;
	v10 =	vpop (erf)  }
0x8f: {  	v2 =	vld.idx.msk [tilespmem:v2+s26+$0x0], $0xffff;
	v3 =	vmul.f32 $1.442695020e+00, v3;
	[tilespmem:s9+$0x10] =	vst v10  }
0x90: {  	v10 =	vld [tilespmem:s13+$0x20]  }
0x91: {  	(erf) = vpow2.f32 v3;
	v3 =	vld [tilespmem:s12+$0x20]  }
0x92: {  	v4 =	vld.idx.msk [tilespmem:v4+s28+$0x0], $0xffff  }
0x93: {  	v9 =	vld [tilespmem:s7+$0x20]  }
0x94: {  	v5 =	vld.idx.msk [tilespmem:v5+s26+$0x0], $0xffff;
	v2 =	vadd.f32 v6, v2;
	_ =	sdelay $0x1  }
0x95: {  	v6 =	vld.idx.msk [tilespmem:v8+s29+$0x0], $0xffff;
	v2 =	vadd.f32 v7, v2;
	_ =	sdelay $0x1  }
0x96: {  	v7 =	vmul.f32 $2.000000030e-01, v2;
	v8 =	vld.idx.msk [tilespmem:v10+s26+$0x0], $0xffff  }
0x97: {  	vm7 =	vge.f32 v2, $0.0e+00;
	v4 =	vadd.f32 v4, v5;
	v3 =	vld.idx.msk [tilespmem:v3+s28+$0x0], $0xffff  }
0x98: {  	v2 =	vsel vm7, v2, v7;
	v5 =	vpop (erf)  }
0x99: {  	v4 =	vadd.f32 v6, v4;
	v2 =	vmul.f32 $1.442695020e+00, v2;
	[tilespmem:s9+$0xFFFFFFC0] =	vst v5;
	v5 =	vld.idx.msk [tilespmem:v9+s29+$0x0], $0xffff;
	_ =	sdelay $0x1  }
0x9a: {  	v6 =	vmul.f32 $2.000000030e-01, v4;
	(erf) = vpow2.f32 v2;
	v2 =	vld [tilespmem:s13+$0xFFFFFFD0]  }
0x9b: {  	vm8 =	vge.f32 v4, $0.0e+00;
	v7 =	vld [tilespmem:s12+$0xFFFFFFD0];
	v3 =	vadd.f32 v3, v8  }
0x9c: {  	v4 =	vsel vm8, v4, v6;
	v6 =	vld [tilespmem:s7+$0xFFFFFFD0]  }
0x9d: {  	v4 =	vmul.f32 $1.442695020e+00, v4;
	v3 =	vadd.f32 v5, v3;
	_ =	sdelay $0x1  }
0x9e: {  	(erf) = vpow2.f32 v4;
	v4 =	vmul.f32 $2.000000030e-01, v3;
	_ =	sdelay $0x1  }
0x9f: {  	vm9 =	vge.f32 v3, $0.0e+00  }
0xa0: {  	v2 =	vld.idx.msk [tilespmem:v2+s26+$0x0], $0xffff;
	v3 =	vsel vm9, v3, v4  }
0xa1: {  	s10 =	simm.s32 $0xC450;
	v5 =	vld.idx.msk [tilespmem:v7+s28+$0x0], $0xffff;
	v3 =	vmul.f32 $1.442695020e+00, v3;
	v4 =	vpop (erf)  }
0xa2: {  	v6 =	vld.idx.msk [tilespmem:v6+s29+$0x0], $0xffff;
	[tilespmem:s10+$0x0] =	vst v4  }
0xa3: {  	(erf) = vpow2.f32 v3;
	v4 =	vld [tilespmem:s17+$0x10]  }
0xa4: {  	v3 =	vld [tilespmem:s18+$0x10]  }
0xa5: {  	v7 =	vld [tilespmem:s2+$0x10]  }
0xa6: {  	v8 =	vpop (erf)  }
0xa7: {  	v2 =	vadd.f32 v5, v2;
	[tilespmem:s10+$0xFFFFFFB0] =	vst v8  }
0xa8: {  	v5 =	vld [tilespmem:s17+$0xFFFFFFC0]  }
0xa9: {  	v8 =	vld [tilespmem:s18+$0xFFFFFFC0];
	v2 =	vadd.f32 v6, v2  }
0xaa: {  	v9 =	vld [tilespmem:s2+$0xFFFFFFC0]  }
0xab: {  	v6 =	vmul.f32 $2.000000030e-01, v2;
	v4 =	vld.idx.msk [tilespmem:v4+s26+$0x0], $0xffff  }
0xac: {  	vm10 =	vge.f32 v2, $0.0e+00;
	v3 =	vld.idx.msk [tilespmem:v3+s28+$0x0], $0xffff;
	v10 =	vpop (erf)  }
0xad: {  	v2 =	vsel vm10, v2, v6;
	v7 =	vld.idx.msk [tilespmem:v7+s29+$0x0], $0xffff;
	[tilespmem:s9+$0x20] =	vst v10  }
0xae: {  	v2 =	vmul.f32 $1.442695020e+00, v2;
	v6 =	vld [tilespmem:s13+$0x30]  }
0xaf: {  	v10 =	vld [tilespmem:s12+$0x30]  }
0xb0: {  	(erf) = vpow2.f32 v2;
	v2 =	vld.idx.msk [tilespmem:v5+s26+$0x0], $0xffff  }
0xb1: {  	v3 =	vadd.f32 v3, v4;
	v4 =	vld.idx.msk [tilespmem:v8+s28+$0x0], $0xffff  }
0xb2: {  	v11 =	vld [tilespmem:s7+$0x30]  }
0xb3: {  	v3 =	vadd.f32 v7, v3;
	v7 =	vld.idx.msk [tilespmem:v9+s29+$0x0], $0xffff;
	_ =	sdelay $0x1  }
0xb4: {  	s11 =	simm.s32 $0x4FB0;
	v5 =	vmul.f32 $2.000000030e-01, v3  }
0xb5: {  	v8 =	vld [tilespmem:s11+$0x0];
	vm11 =	vge.f32 v3, $0.0e+00;
	v2 =	vadd.f32 v4, v2  }
0xb6: {  	v3 =	vsel vm11, v3, v5  }
0xb7: {  	v6 =	vld.idx.msk [tilespmem:v6+s26+$0x0], $0xffff;
	v3 =	vmul.f32 $1.442695020e+00, v3;
	v2 =	vadd.f32 v7, v2  }
0xb8: {  	v5 =	vld.idx.msk [tilespmem:v10+s28+$0x0], $0xffff  }
0xb9: {  	s4 =	simm.s32 $0x190;
	v4 =	vld.idx.msk [tilespmem:v11+s29+$0x0], $0xffff;
	v10 =	vmul.f32 $2.000000030e-01, v2  }
0xba: {  	v7 =	vld [tilespmem:s4+$0x0];
	(erf) = vpow2.f32 v3;
	vm12 =	vge.f32 v2, $0.0e+00  }
0xbb: {  	s20 =	simm.s32 $0x28A0;
	v3 =	vpop (erf);
	v2 =	vsel vm12, v2, v10;
	v10 =	vld [tilespmem:s4+$0xFFFFFFB0]  }
0xbc: {  	[tilespmem:s9+$0xFFFFFFD0] =	vst v3;
	v3 =	vld [tilespmem:s20+$0x0]  }
0xbd: {  	v8 =	vld.idx.msk [tilespmem:v8+s29+$0x0], $0xffff;
	v5 =	vadd.f32 v5, v6  }
0xbe: {  	v6 =	vld [tilespmem:s20+$0xFFFFFFB0]  }
0xbf: {  	v2 =	vmul.f32 $1.442695020e+00, v2;
	v9 =	vld [tilespmem:s13+$0xFFFFFFE0];
	v4 =	vadd.f32 v4, v5  }
0xc0: {  	v11 =	vld [tilespmem:s12+$0xFFFFFFE0]  }
0xc1: {  	v5 =	vld [tilespmem:s11+$0xFFFFFFB0];
	(erf) = vpow2.f32 v2;
	v2 =	vmul.f32 $2.000000030e-01, v4  }
0xc2: {  	vm13 =	vge.f32 v4, $0.0e+00;
	v7 =	vld.idx.msk [tilespmem:v7+s26+$0x0], $0xffff  }
0xc3: {  	v2 =	vsel vm13, v4, v2;
	v12 =	vpop (erf);
	v10 =	vld.idx.msk [tilespmem:v10+s26+$0x0], $0xffff  }
0xc4: {  	v2 =	vmul.f32 $1.442695020e+00, v2;
	[tilespmem:s10+$0x10] =	vst v12;
	v3 =	vld.idx.msk [tilespmem:v3+s28+$0x0], $0xffff  }
0xc5: {  	v12 =	vld [tilespmem:s17+$0x20]  }
0xc6: {  	(erf) = vpow2.f32 v2;
	v2 =	vld [tilespmem:s18+$0x20]  }
0xc7: {  	v6 =	vld.idx.msk [tilespmem:v6+s28+$0x0], $0xffff  }
0xc8: {  	v4 =	vld [tilespmem:s2+$0x20]  }
0xc9: {  	v5 =	vld.idx.msk [tilespmem:v5+s29+$0x0], $0xffff;
	v3 =	vadd.f32 v3, v7  }
0xca: {  	v13 =	vpop (erf);
	v7 =	vld [tilespmem:s7+$0xFFFFFFE0]  }
0xcb: {  	[tilespmem:s10+$0xFFFFFFC0] =	vst v13;
	v3 =	vadd.f32 v8, v3;
	v8 =	vld.idx.msk [tilespmem:v9+s26+$0x0], $0xffff  }
0xcc: {  	v9 =	vld [tilespmem:s17+$0xFFFFFFD0]  }
0xcd: {  	v6 =	vadd.f32 v6, v10;
	v12 =	vld.idx.msk [tilespmem:v12+s26+$0x0], $0xffff;
	v47 =	vmul.f32 $2.000000030e-01, v3  }
0xce: {  	v2 =	vld.idx.msk [tilespmem:v2+s28+$0x0], $0xffff;
	vm14 =	vge.f32 v3, $0.0e+00  }
0xcf: {  	v10 =	vld [tilespmem:s18+$0xFFFFFFD0];
	v5 =	vadd.f32 v5, v6;
	v3 =	vsel vm14, v3, v47  }
0xd0: {  	v4 =	vld.idx.msk [tilespmem:v4+s29+$0x0], $0xffff;
	v3 =	vmul.f32 $1.442695020e+00, v3  }
0xd1: {  	v49 =	vmul.f32 $2.000000030e-01, v5  }
0xd2: {  	v11 =	vld.idx.msk [tilespmem:v11+s28+$0x0], $0xffff;
	vm15 =	vge.f32 v5, $0.0e+00;
	v48 =	vpop (erf);
	(erf) = vpow2.f32 v3  }
0xd3: {  	[tilespmem:s9+$0x30] =	vst v48;
	v5 =	vsel vm15, v5, v49;
	v2 =	vadd.f32 v2, v12;
	v3 =	vld [tilespmem:s2+$0xFFFFFFD0]  }
0xd4: {  	v6 =	vld [tilespmem:s13+$0x40];
	v5 =	vmul.f32 $1.442695020e+00, v5  }
0xd5: {  	v2 =	vadd.f32 v4, v2;
	v4 =	vld.idx.msk [tilespmem:v9+s26+$0x0], $0xffff  }
0xd6: {  	(erf) = vpow2.f32 v5;
	v5 =	vld.idx.msk [tilespmem:v7+s29+$0x0], $0xffff  }
0xd7: {  	v9 =	vld.idx.msk [tilespmem:v10+s28+$0x0], $0xffff;
	v7 =	vmul.f32 $2.000000030e-01, v2  }
0xd8: {  	v14 =	vld [tilespmem:s12+$0x40];
	vm4 =	vge.f32 v2, $0.0e+00  }
0xd9: {  	s14 =	simm.s32 $0x230;
	v50 =	vld [tilespmem:s7+$0x40];
	v2 =	vsel vm4, v2, v7  }
0xda: {  	v55 =	vld [tilespmem:s14+$0xFFFFFFB0];
	v8 =	vadd.f32 v11, v8;
	v2 =	vmul.f32 $1.442695020e+00, v2  }
0xdb: {  	s21 =	simm.s32 $0xC4F0;
	v3 =	vld.idx.msk [tilespmem:v3+s29+$0x0], $0xffff;
	v7 =	vpop (erf)  }
0xdc: {  	v6 =	vld.idx.msk [tilespmem:v6+s26+$0x0], $0xffff;
	v4 =	vadd.f32 v9, v4;
	(erf) = vpow2.f32 v2;
	v2 =	vadd.f32 v5, v8;
	[tilespmem:s21+$0x0] =	vst v7  }
0xdd: {  	v7 =	vld [tilespmem:s4+$0x10]  }
0xde: {  	v5 =	vld [tilespmem:s20+$0x10];
	v9 =	vmul.f32 $2.000000030e-01, v2  }
0xdf: {  	v8 =	vld [tilespmem:s11+$0x10];
	vm5 =	vge.f32 v2, $0.0e+00  }
0xe0: {  	v10 =	vld.idx.msk [tilespmem:v14+s28+$0x0], $0xffff;
	v3 =	vadd.f32 v3, v4;
	v4 =	vpop (erf);
	v2 =	vsel vm5, v2, v9  }
0xe1: {  	v11 =	vld.idx.msk [tilespmem:v50+s29+$0x0], $0xffff;
	[tilespmem:s21+$0xFFFFFFB0] =	vst v4;
	v2 =	vmul.f32 $1.442695020e+00, v2  }
0xe2: {  	v4 =	vmul.f32 $2.000000030e-01, v3;
	v9 =	vld [tilespmem:s4+$0xFFFFFFC0]  }
0xe3: {  	vm6 =	vge.f32 v3, $0.0e+00;
	v51 =	vld [tilespmem:s20+$0xFFFFFFC0];
	(erf) = vpow2.f32 v2  }
0xe4: {  	v3 =	vsel vm6, v3, v4;
	v4 =	vld [tilespmem:s11+$0xFFFFFFC0]  }
0xe5: {  	v2 =	vmul.f32 $1.442695020e+00, v3;
	v3 =	vld.idx.msk [tilespmem:v7+s26+$0x0], $0xffff  }
0xe6: {  	v5 =	vld.idx.msk [tilespmem:v5+s28+$0x0], $0xffff;
	v7 =	vpop (erf)  }
0xe7: {  	(erf) = vpow2.f32 v2;
	v2 =	vld.idx.msk [tilespmem:v8+s29+$0x0], $0xffff;
	[tilespmem:s10+$0x20] =	vst v7  }
0xe8: {  	v7 =	vld [tilespmem:s17+$0x30]  }
0xe9: {  	v8 =	vld [tilespmem:s18+$0x30]  }
0xea: {  	v6 =	vadd.f32 v10, v6;
	v10 =	vld [tilespmem:s2+$0x30]  }
0xeb: {  	v9 =	vld.idx.msk [tilespmem:v9+s26+$0x0], $0xffff  }
0xec: {  	v3 =	vadd.f32 v5, v3;
	v5 =	vadd.f32 v11, v6;
	v6 =	vld.idx.msk [tilespmem:v51+s28+$0x0], $0xffff;
	v11 =	vpop (erf)  }
0xed: {  	v4 =	vld.idx.msk [tilespmem:v4+s29+$0x0], $0xffff;
	[tilespmem:s9+$0xFFFFFFE0] =	vst v11  }
0xee: {  	v11 =	vld [tilespmem:s13+$0xFFFFFFF0];
	s13 =	simm.s32 $0x2940  }
0xef: {  	v2 =	vadd.f32 v2, v3;
	v3 =	vmul.f32 $2.000000030e-01, v5;
	v54 =	vld [tilespmem:s13+$0x0]  }
0xf0: {  	vm7 =	vge.f32 v5, $0.0e+00;
	v7 =	vld.idx.msk [tilespmem:v7+s26+$0x0], $0xffff  }
0xf1: {  	v53 =	vmul.f32 $2.000000030e-01, v2;
	v3 =	vsel vm7, v5, v3;
	v5 =	vld.idx.msk [tilespmem:v8+s28+$0x0], $0xffff  }
0xf2: {  	s22 =	simm.s32 $0x5050;
	vm8 =	vge.f32 v2, $0.0e+00;
	v3 =	vmul.f32 $1.442695020e+00, v3;
	v6 =	vadd.f32 v6, v9;
	v9 =	vld.idx.msk [tilespmem:v10+s29+$0x0], $0xffff  }
0xf3: {  	v52 =	vpop (erf);
	v10 =	vld [tilespmem:s22+$0x0];
	v2 =	vsel vm8, v2, v53  }
0xf4: {  	v13 =	vld.idx.msk [tilespmem:v55+s26+$0x0], $0xffff;
	[tilespmem:s10+$0xFFFFFFD0] =	vst v52;
	v2 =	vmul.f32 $1.442695020e+00, v2;
	(erf) = vpow2.f32 v3;
	v3 =	vadd.f32 v4, v6  }
0xf5: {  	v8 =	vld [tilespmem:s17+$0xFFFFFFE0]  }
0xf6: {  	v6 =	vld [tilespmem:s18+$0xFFFFFFE0];
	(erf) = vpow2.f32 v2;
	v4 =	vmul.f32 $2.000000030e-01, v3  }
0xf7: {  	v2 =	vld [tilespmem:s14+$0x0];
	vm9 =	vge.f32 v3, $0.0e+00;
	v5 =	vadd.f32 v5, v7  }
0xf8: {  	v7 =	vld [tilespmem:s13+$0xFFFFFFB0];
	v3 =	vsel vm9, v3, v4  }
0xf9: {  	v3 =	vmul.f32 $1.442695020e+00, v3;
	v5 =	vadd.f32 v9, v5;
	v9 =	vld [tilespmem:s22+$0xFFFFFFB0]  }
0xfa: {  	v12 =	vld.idx.msk [tilespmem:v54+s28+$0x0], $0xffff  }
0xfb: {  	v10 =	vld.idx.msk [tilespmem:v10+s29+$0x0], $0xffff;
	(erf) = vpow2.f32 v3  }
0xfc: {  	v3 =	vld [tilespmem:s2+$0xFFFFFFE0];
	v56 =	vmul.f32 $2.000000030e-01, v5  }
0xfd: {  	vm10 =	vge.f32 v5, $0.0e+00;
	v8 =	vld.idx.msk [tilespmem:v8+s26+$0x0], $0xffff  }
0xfe: {  	v6 =	vld.idx.msk [tilespmem:v6+s28+$0x0], $0xffff;
	v4 =	vpop (erf);
	v5 =	vsel vm10, v5, v56  }
0xff: {  	v2 =	vld.idx.msk [tilespmem:v2+s26+$0x0], $0xffff;
	v5 =	vmul.f32 $1.442695020e+00, v5;
	v57 =	vpop (erf)  }
0x100: {  	v7 =	vld.idx.msk [tilespmem:v7+s28+$0x0], $0xffff;
	[tilespmem:s21+$0x10] =	vst v57  }
0x101: {  	(erf) = vpow2.f32 v5;
	v14 =	vld [tilespmem:s11+$0x20]  }
0x102: {  	v5 =	vld [tilespmem:s4+$0x20]  }
0x103: {  	v15 =	vld [tilespmem:s20+$0x20]  }
0x104: {  	v9 =	vld.idx.msk [tilespmem:v9+s29+$0x0], $0xffff;
	v2 =	vadd.f32 v12, v2;
	v16 =	vpop (erf)  }
0x105: {  	v3 =	vld.idx.msk [tilespmem:v3+s29+$0x0], $0xffff;
	[tilespmem:s21+$0xFFFFFFC0] =	vst v16  }
0x106: {  	v2 =	vadd.f32 v10, v2;
	v58 =	vld [tilespmem:s4+$0xFFFFFFD0]  }
0x107: {  	v7 =	vadd.f32 v7, v13;
	v10 =	vld [tilespmem:s20+$0xFFFFFFD0]  }
0x108: {  	v62 =	vld [tilespmem:s11+$0xFFFFFFD0];
	v59 =	vmul.f32 $2.000000030e-01, v2  }
0x109: {  	v7 =	vadd.f32 v9, v7;
	vm11 =	vge.f32 v2, $0.0e+00;
	v14 =	vld.idx.msk [tilespmem:v14+s29+$0x0], $0xffff  }
0x10a: {  	v5 =	vld.idx.msk [tilespmem:v5+s26+$0x0], $0xffff;
	v17 =	vpop (erf);
	v2 =	vsel vm11, v2, v59  }
0x10b: {  	v63 =	vmul.f32 $2.000000030e-01, v7;
	v60 =	vld.idx.msk [tilespmem:v15+s28+$0x0], $0xffff;
	[tilespmem:s10+$0x30] =	vst v17;
	v2 =	vmul.f32 $1.442695020e+00, v2  }
0x10c: {  	vm12 =	vge.f32 v7, $0.0e+00;
	v61 =	vld [tilespmem:s17+$0x40]  }
0x10d: {  	v7 =	vsel vm12, v7, v63;
	v9 =	vld [tilespmem:s18+$0x40];
	(erf) = vpow2.f32 v2  }
0x10e: {  	v7 =	vmul.f32 $1.442695020e+00, v7;
	v2 =	vld [tilespmem:s2+$0x40]  }
0x10f: {  	v12 =	vld.idx.msk [tilespmem:v58+s26+$0x0], $0xffff  }
0x110: {  	(erf) = vpow2.f32 v7;
	v5 =	vadd.f32 v60, v5;
	v10 =	vld.idx.msk [tilespmem:v10+s28+$0x0], $0xffff;
	_ =	sdelay $0x1  }
0x111: {  	v20 =	vld.idx.msk [tilespmem:v62+s29+$0x0], $0xffff;
	v5 =	vadd.f32 v14, v5  }
0x112: {  	v6 =	vadd.f32 v6, v8;
	v8 =	vld [tilespmem:s12+$0xFFFFFFF0]  }
0x113: {  	v19 =	vmul.f32 $2.000000030e-01, v5;
	v7 =	vld.idx.msk [tilespmem:v61+s26+$0x0], $0xffff  }
0x114: {  	v6 =	vadd.f32 v3, v6;
	vm13 =	vge.f32 v5, $0.0e+00;
	v9 =	vld.idx.msk [tilespmem:v9+s28+$0x0], $0xffff;
	v3 =	vadd.f32 v10, v12  }
0x115: {  	s15 =	simm.s32 $0xC590;
	v5 =	vsel vm13, v5, v19;
	v2 =	vld.idx.msk [tilespmem:v2+s29+$0x0], $0xffff;
	v21 =	vpop (erf)  }
0x116: {  	v5 =	vmul.f32 $1.442695020e+00, v5;
	v14 =	vadd.f32 v20, v3;
	v3 =	vld.idx.msk [tilespmem:v11+s26+$0x0], $0xffff;
	[tilespmem:s15+$0x0] =	vst v21  }
0x117: {  	v13 =	vld [tilespmem:s14+$0x10]  }
0x118: {  	v24 =	vpop (erf);
	(erf) = vpow2.f32 v5;
	v10 =	vld [tilespmem:s13+$0x10]  }
0x119: {  	v22 =	vld [tilespmem:s22+$0x10];
	[tilespmem:s15+$0xFFFFFFB0] =	vst v24  }
0x11a: {  	v23 =	vmul.f32 $2.000000030e-01, v6;
	v25 =	vld [tilespmem:s14+$0xFFFFFFC0]  }
0x11b: {  	vm14 =	vge.f32 v6, $0.0e+00;
	v5 =	vld [tilespmem:s7+$0xFFFFFFF0]  }
0x11c: {  	v6 =	vsel vm14, v6, v23;
	v11 =	vmul.f32 $2.000000030e-01, v14;
	v16 =	vld [tilespmem:s13+$0xFFFFFFC0]  }
0x11d: {  	v6 =	vmul.f32 $1.442695020e+00, v6;
	vm15 =	vge.f32 v14, $0.0e+00;
	s7 =	simm.s32 $0x29E0;
	v26 =	vld [tilespmem:s22+$0xFFFFFFC0]  }
0x11e: {  	v34 =	vld [tilespmem:s7+$0x0];
	v11 =	vsel vm15, v14, v11  }
0x11f: {  	(erf) = vpow2.f32 v6;
	v6 =	vmul.f32 $1.442695020e+00, v11;
	v11 =	vld.idx.msk [tilespmem:v13+s26+$0x0], $0xffff  }
0x120: {  	v10 =	vld.idx.msk [tilespmem:v10+s28+$0x0], $0xffff  }
0x121: {  	v27 =	vpop (erf);
	(erf) = vpow2.f32 v6;
	v6 =	vld.idx.msk [tilespmem:v22+s29+$0x0], $0xffff  }
0x122: {  	v15 =	vld.idx.msk [tilespmem:v25+s26+$0x0], $0xffff;
	[tilespmem:s21+$0x20] =	vst v27  }
0x123: {  	v28 =	vld [tilespmem:s4+$0x30]  }
0x124: {  	v7 =	vadd.f32 v9, v7;
	v13 =	vld [tilespmem:s20+$0x30]  }
0x125: {  	v16 =	vld.idx.msk [tilespmem:v16+s28+$0x0], $0xffff  }
0x126: {  	v2 =	vadd.f32 v2, v7;
	v9 =	vld [tilespmem:s11+$0x30];
	v10 =	vadd.f32 v10, v11  }
0x127: {  	v7 =	vld.idx.msk [tilespmem:v26+s29+$0x0], $0xffff  }
0x128: {  	s12 =	simm.s32 $0x2D0;
	v10 =	vadd.f32 v6, v10;
	v6 =	vld.idx.msk [tilespmem:v8+s28+$0x0], $0xffff;
	v8 =	vmul.f32 $2.000000030e-01, v2  }
0x129: {  	s16 =	simm.s32 $0x50F0;
	v36 =	vld [tilespmem:s12+$0xFFFFFFB0];
	vm4 =	vge.f32 v2, $0.0e+00  }
0x12a: {  	v32 =	vld [tilespmem:s16+$0x0];
	v30 =	vmul.f32 $2.000000030e-01, v10;
	v2 =	vsel vm4, v2, v8  }
0x12b: {  	v31 =	vadd.f32 v16, v15;
	vm5 =	vge.f32 v10, $0.0e+00;
	v2 =	vmul.f32 $1.442695020e+00, v2;
	v12 =	vld.idx.msk [tilespmem:v28+s26+$0x0], $0xffff  }
0x12c: {  	v8 =	vld.idx.msk [tilespmem:v13+s28+$0x0], $0xffff;
	v10 =	vsel vm5, v10, v30  }
0x12d: {  	v35 =	vld [tilespmem:s7+$0xFFFFFFB0];
	v10 =	vmul.f32 $1.442695020e+00, v10;
	(erf) = vpow2.f32 v2;
	v2 =	vadd.f32 v7, v31  }
0x12e: {  	v9 =	vld.idx.msk [tilespmem:v9+s29+$0x0], $0xffff  }
0x12f: {  	v11 =	vpop (erf);
	(erf) = vpow2.f32 v10;
	v10 =	vld [tilespmem:s12+$0x0];
	v33 =	vmul.f32 $2.000000030e-01, v2  }
0x130: {  	v16 =	vld.idx.msk [tilespmem:v34+s28+$0x0], $0xffff;
	vm6 =	vge.f32 v2, $0.0e+00  }
0x131: {  	[tilespmem:s10+$0xFFFFFFE0] =	vst v11;
	v15 =	vld.idx.msk [tilespmem:v36+s26+$0x0], $0xffff;
	v8 =	vadd.f32 v8, v12;
	v2 =	vsel vm6, v2, v33  }
0x132: {  	v11 =	vld [tilespmem:s17+$0xFFFFFFF0];
	v29 =	vpop (erf);
	v2 =	vmul.f32 $1.442695020e+00, v2  }
0x133: {  	[tilespmem:s21+$0xFFFFFFD0] =	vst v29;
	v13 =	vld.idx.msk [tilespmem:v32+s29+$0x0], $0xffff;
	v8 =	vadd.f32 v9, v8  }
0x134: {  	v14 =	vld [tilespmem:s4+$0xFFFFFFE0];
	(erf) = vpow2.f32 v2  }
0x135: {  	v7 =	vld [tilespmem:s20+$0xFFFFFFE0];
	v37 =	vmul.f32 $2.000000030e-01, v8  }
0x136: {  	v9 =	vld [tilespmem:s16+$0xFFFFFFB0];
	vm7 =	vge.f32 v8, $0.0e+00  }
0x137: {  	v18 =	vpop (erf);
	v8 =	vsel vm7, v8, v37;
	v10 =	vld.idx.msk [tilespmem:v10+s26+$0x0], $0xffff  }
0x138: {  	v12 =	vld.idx.msk [tilespmem:v35+s28+$0x0], $0xffff;
	v38 =	vpop (erf);
	v8 =	vmul.f32 $1.442695020e+00, v8  }
0x139: {  	v2 =	vld [tilespmem:s11+$0xFFFFFFE0];
	[tilespmem:s15+$0x10] =	vst v38  }
0x13a: {  	(erf) = vpow2.f32 v8;
	v8 =	vld [tilespmem:s14+$0x20]  }
0x13b: {  	v19 =	vld [tilespmem:s13+$0x20]  }
0x13c: {  	v17 =	vld [tilespmem:s22+$0x20];
	v10 =	vadd.f32 v16, v10  }
0x13d: {  	v14 =	vld.idx.msk [tilespmem:v14+s26+$0x0], $0xffff;
	v20 =	vpop (erf)  }
0x13e: {  	v9 =	vld.idx.msk [tilespmem:v9+s29+$0x0], $0xffff;
	[tilespmem:s15+$0xFFFFFFC0] =	vst v20;
	v10 =	vadd.f32 v13, v10  }
0x13f: {  	v39 =	vld [tilespmem:s14+$0xFFFFFFD0]  }
0x140: {  	v40 =	vld [tilespmem:s13+$0xFFFFFFD0];
	v41 =	vmul.f32 $2.000000030e-01, v10  }
0x141: {  	v45 =	vld [tilespmem:s22+$0xFFFFFFD0];
	vm8 =	vge.f32 v10, $0.0e+00  }
0x142: {  	v12 =	vadd.f32 v12, v15;
	v8 =	vld.idx.msk [tilespmem:v8+s26+$0x0], $0xffff;
	v10 =	vsel vm8, v10, v41  }
0x143: {  	v42 =	vld.idx.msk [tilespmem:v19+s28+$0x0], $0xffff;
	v21 =	vpop (erf);
	v10 =	vmul.f32 $1.442695020e+00, v10  }
0x144: {  	v9 =	vadd.f32 v9, v12;
	v17 =	vld.idx.msk [tilespmem:v17+s29+$0x0], $0xffff;
	[tilespmem:s21+$0x30] =	vst v21  }
0x145: {  	v43 =	vld [tilespmem:s4+$0x40];
	(erf) = vpow2.f32 v10  }
0x146: {  	v46 =	vmul.f32 $2.000000030e-01, v9;
	v10 =	vld [tilespmem:s11+$0x40]  }
0x147: {  	vm9 =	vge.f32 v9, $0.0e+00;
	v44 =	vld [tilespmem:s20+$0x40]  }
0x148: {  	v7 =	vld.idx.msk [tilespmem:v7+s28+$0x0], $0xffff;
	v9 =	vsel vm9, v9, v46;
	v8 =	vadd.f32 v42, v8  }
0x149: {  	v47 =	vld.idx.msk [tilespmem:v2+s29+$0x0], $0xffff;
	v9 =	vmul.f32 $1.442695020e+00, v9  }
0x14a: {  	v16 =	vld.idx.msk [tilespmem:v39+s26+$0x0], $0xffff;
	v8 =	vadd.f32 v17, v8  }
0x14b: {  	v13 =	vld.idx.msk [tilespmem:v40+s28+$0x0], $0xffff;
	(erf) = vpow2.f32 v9  }
0x14c: {  	v48 =	vld.idx.msk [tilespmem:v45+s29+$0x0], $0xffff;
	v2 =	vmul.f32 $2.000000030e-01, v8  }
0x14d: {  	vm10 =	vge.f32 v8, $0.0e+00;
	v9 =	vld.idx.msk [tilespmem:v43+s26+$0x0], $0xffff  }
0x14e: {  	s17 =	simm.s32 $0xC630;
	v2 =	vsel vm10, v8, v2;
	v8 =	vld.idx.msk [tilespmem:v10+s29+$0x0], $0xffff;
	v10 =	vpop (erf)  }
0x14f: {  	v12 =	vld.idx.msk [tilespmem:v44+s28+$0x0], $0xffff;
	[tilespmem:s17+$0x0] =	vst v10  }
0x150: {  	v7 =	vadd.f32 v7, v14;
	v10 =	vld [tilespmem:s12+$0x10]  }
0x151: {  	v51 =	vld [tilespmem:s7+$0x10]  }
0x152: {  	v7 =	vadd.f32 v47, v7;
	v49 =	vmul.f32 $1.442695020e+00, v2  }
0x153: {  	v13 =	vadd.f32 v13, v16;
	v52 =	vld [tilespmem:s16+$0x10]  }
0x154: {  	v5 =	vld.idx.msk [tilespmem:v5+s29+$0x0], $0xffff;
	v53 =	vmul.f32 $2.000000030e-01, v7;
	(erf) = vpow2.f32 v49;
	v54 =	vpop (erf);
	v9 =	vadd.f32 v12, v9  }
0x155: {  	v55 =	vld.idx.msk [tilespmem:v11+s26+$0x0], $0xffff;
	vm11 =	vge.f32 v7, $0.0e+00;
	v13 =	vadd.f32 v48, v13;
	[tilespmem:s17+$0xFFFFFFB0] =	vst v54  }
0x156: {  	v7 =	vsel vm11, v7, v53;
	v8 =	vadd.f32 v8, v9;
	v9 =	vld [tilespmem:s7+$0xFFFFFFC0]  }
0x157: {  	v7 =	vmul.f32 $1.442695020e+00, v7;
	v11 =	vmul.f32 $2.000000030e-01, v13;
	v56 =	vld [tilespmem:s12+$0xFFFFFFC0]  }
0x158: {  	vm12 =	vge.f32 v13, $0.0e+00;
	v10 =	vld.idx.msk [tilespmem:v10+s26+$0x0], $0xffff  }
0x159: {  	(erf) = vpow2.f32 v7;
	v11 =	vsel vm12, v13, v11;
	v7 =	vmul.f32 $2.000000030e-01, v8;
	v15 =	vld.idx.msk [tilespmem:v51+s28+$0x0], $0xffff  }
0x15a: {  	v50 =	vld [tilespmem:s18+$0xFFFFFFF0];
	v11 =	vmul.f32 $1.442695020e+00, v11;
	vm13 =	vge.f32 v8, $0.0e+00  }
0x15b: {  	v7 =	vsel vm13, v8, v7;
	v8 =	vld.idx.msk [tilespmem:v52+s29+$0x0], $0xffff  }
0x15c: {  	v3 =	vadd.f32 v6, v3;
	(erf) = vpow2.f32 v11  }
0x15d: {  	v57 =	vld [tilespmem:s16+$0xFFFFFFC0];
	v58 =	vpop (erf)  }
0x15e: {  	v5 =	vadd.f32 v5, v3;
	[tilespmem:s15+$0x20] =	vst v58;
	v60 =	vld.idx.msk [tilespmem:v9+s28+$0x0], $0xffff;
	v9 =	vadd.f32 v15, v10  }
0x15f: {  	v7 =	vmul.f32 $1.442695020e+00, v7;
	v11 =	vld [tilespmem:s14+$0x30]  }
0x160: {  	v59 =	vld [tilespmem:s13+$0x30];
	v10 =	vadd.f32 v8, v9;
	v9 =	vmul.f32 $2.000000030e-01, v5  }
0x161: {  	vm14 =	vge.f32 v5, $0.0e+00;
	(erf) = vpow2.f32 v7;
	v7 =	vld.idx.msk [tilespmem:v56+s26+$0x0], $0xffff  }
0x162: {  	v6 =	vld [tilespmem:s22+$0x30];
	v5 =	vsel vm14, v5, v9  }
0x163: {  	[tilespmem:s9+$0x40] =	vst v4;
	v14 =	vld.idx.msk [tilespmem:v50+s28+$0x0], $0xffff;
	v4 =	vmul.f32 $1.442695020e+00, v5  }
0x164: {  	v2 =	vld [tilespmem:s2+$0xFFFFFFF0];
	v3 =	vpop (erf)  }
0x165: {  	v13 =	vld.idx.msk [tilespmem:v57+s29+$0x0], $0xffff;
	[tilespmem:s21+$0xFFFFFFE0] =	vst v3;
	v61 =	vpop (erf);
	(erf) = vpow2.f32 v4  }
0x166: {  	v3 =	vld [tilespmem:s4+$0xFFFFFFF0];
	[tilespmem:s15+$0xFFFFFFD0] =	vst v61  }
0x167: {  	v62 =	vmul.f32 $2.000000030e-01, v10;
	v5 =	vadd.f32 v60, v7;
	v7 =	vld [tilespmem:s14+$0xFFFFFFE0]  }
0x168: {  	vm15 =	vge.f32 v10, $0.0e+00;
	v8 =	vld.idx.msk [tilespmem:v11+s26+$0x0], $0xffff  }
0x169: {  	v9 =	vld.idx.msk [tilespmem:v59+s28+$0x0], $0xffff;
	v10 =	vsel vm15, v10, v62  }
0x16a: {  	s19 =	simm.s32 $0x8;
	[tilespmem:s10+$0x40] =	vst v18;
	v63 =	vpop (erf);
	v11 =	vmul.f32 $1.442695020e+00, v10;
	v10 =	vld.idx.msk [tilespmem:v6+s29+$0x0], $0xffff  }
0x16b: {  	s18 =	simm.s32 $0x29E0;
	s2 =	simm.s32 $0x5190;
	s4 =	simm.s32 $0x2D0;
	v5 =	vadd.f32 v13, v5;
	v6 =	vld [tilespmem:s13+$0xFFFFFFE0];
	v4 =	vadd.f32 v14, v55;
	[tilespmem:s21+$0x40] =	vst v63  }
.LBB2_4:
0x16c: {  	v12 =	vld [tilespmem:s2+$0x0];
	s12 =	sadd.s32 $0xA0, s12;
	(erf) = vpow2.f32 v11  }
0x16d: {  	s7 =	sadd.s32 $0xA0, s7;
	v11 =	vld [tilespmem:s12+$0x0];
	vm0 =	vge.f32 v5, $0.0e+00;
	v13 =	vmul.f32 $2.000000030e-01, v5  }
0x16e: {  	v8 =	vadd.f32 v9, v8;
	v14 =	vld [tilespmem:s7+$0x0];
	v9 =	vpop (erf)  }
0x16f: {  	v15 =	vld [tilespmem:s7+$0xFFFFFFB0];
	v5 =	vsel vm0, v5, v13;
	[tilespmem:s9+$0xFFFFFFF0] =	vst v9;
	s9 =	smov.u32 s10;
	s10 =	smov.u32 s21;
	s21 =	smov.u32 s15  }
0x170: {  	v8 =	vadd.f32 v10, v8;
	s15 =	smov.u32 s17;
	v9 =	vld [tilespmem:s12+$0xFFFFFFB0];
	v5 =	vmul.f32 $1.442695020e+00, v5  }
0x171: {  	v10 =	vld [tilespmem:s2+$0xFFFFFFB0]  }
0x172: {  	v16 =	vmul.f32 $2.000000030e-01, v8;
	(erf) = vpow2.f32 v5;
	v5 =	vld [tilespmem:s22+$0xFFFFFFE0]  }
0x173: {  	s19 =	sadd.s32 $0x2, s19;
	vm0 =	vge.f32 v8, $0.0e+00;
	v7 =	vld.idx.msk [tilespmem:v7+s26+$0x0], $0xffff  }
0x174: {  	p0 =	slt.u32 s19, $0x7A;
	v8 =	vsel vm0, v8, v16;
	v12 =	vld.idx.msk [tilespmem:v12+s29+$0x0], $0xffff  }
0x175: {  	v8 =	vmul.f32 $1.442695020e+00, v8;
	v11 =	vld.idx.msk [tilespmem:v11+s26+$0x0], $0xffff;
	v13 =	vpop (erf)  }
0x176: {  	v14 =	vld.idx.msk [tilespmem:v14+s28+$0x0], $0xffff;
	[tilespmem:s17+$0x10] =	vst v13  }
0x177: {  	v13 =	vld [tilespmem:s16+$0x20];
	(erf) = vpow2.f32 v8  }
0x178: {  	v8 =	vld [tilespmem:s4+$0x20]  }
0x179: {  	v16 =	vld [tilespmem:s18+$0x20]  }
0x17a: {  	v9 =	vld.idx.msk [tilespmem:v9+s26+$0x0], $0xffff  }
0x17b: {  	v15 =	vld.idx.msk [tilespmem:v15+s28+$0x0], $0xffff;
	v17 =	vpop (erf)  }
0x17c: {  	v11 =	vadd.f32 v14, v11;
	v10 =	vld.idx.msk [tilespmem:v10+s29+$0x0], $0xffff;
	[tilespmem:s17+$0xFFFFFFC0] =	vst v17  }
0x17d: {  	v14 =	vld [tilespmem:s4+$0xFFFFFFD0]  }
0x17e: {  	v11 =	vadd.f32 v12, v11;
	v12 =	vld [tilespmem:s18+$0xFFFFFFD0]  }
0x17f: {  	v13 =	vld.idx.msk [tilespmem:v13+s29+$0x0], $0xffff  }
0x180: {  	v17 =	vmul.f32 $2.000000030e-01, v11;
	v8 =	vld.idx.msk [tilespmem:v8+s26+$0x0], $0xffff;
	v18 =	vpop (erf)  }
0x181: {  	vm0 =	vge.f32 v11, $0.0e+00;
	v9 =	vadd.f32 v15, v9;
	v15 =	vld.idx.msk [tilespmem:v16+s28+$0x0], $0xffff;
	[tilespmem:s21+$0x30] =	vst v18  }
0x182: {  	v11 =	vsel vm0, v11, v17;
	v16 =	vld [tilespmem:s14+$0x40]  }
0x183: {  	v9 =	vadd.f32 v10, v9;
	v10 =	vmul.f32 $1.442695020e+00, v11;
	v11 =	vld [tilespmem:s13+$0x40]  }
0x184: {  	v17 =	vld [tilespmem:s16+$0xFFFFFFD0]  }
0x185: {  	vm0 =	vge.f32 v9, $0.0e+00;
	v18 =	vmul.f32 $2.000000030e-01, v9;
	(erf) = vpow2.f32 v10;
	v10 =	vld [tilespmem:s22+$0x40]  }
0x186: {  	v14 =	vld.idx.msk [tilespmem:v14+s26+$0x0], $0xffff  }
0x187: {  	v9 =	vsel vm0, v9, v18;
	v8 =	vadd.f32 v15, v8;
	v12 =	vld.idx.msk [tilespmem:v12+s28+$0x0], $0xffff  }
0x188: {  	v9 =	vmul.f32 $1.442695020e+00, v9;
	v6 =	vld.idx.msk [tilespmem:v6+s28+$0x0], $0xffff  }
0x189: {  	v8 =	vadd.f32 v13, v8;
	v5 =	vld.idx.msk [tilespmem:v5+s29+$0x0], $0xffff  }
0x18a: {  	(erf) = vpow2.f32 v9;
	v9 =	vld.idx.msk [tilespmem:v16+s26+$0x0], $0xffff  }
0x18b: {  	v16 =	vmul.f32 $2.000000030e-01, v8;
	v11 =	vld.idx.msk [tilespmem:v11+s28+$0x0], $0xffff  }
0x18c: {  	vm0 =	vge.f32 v8, $0.0e+00;
	v15 =	vld.idx.msk [tilespmem:v17+s29+$0x0], $0xffff  }
0x18d: {  	v12 =	vadd.f32 v12, v14;
	v8 =	vsel vm0, v8, v16;
	v10 =	vld.idx.msk [tilespmem:v10+s29+$0x0], $0xffff  }
0x18e: {  	s17 =	sadd.s32 $0xA0, s17;
	v8 =	vmul.f32 $1.442695020e+00, v8;
	v6 =	vadd.f32 v6, v7;
	v13 =	vpop (erf);
	v7 =	vld [tilespmem:s20+$0xFFFFFFF0];
	s20 =	smov.u32 s13;
	s13 =	smov.u32 s18  }
0x18f: {  	s18 =	smov.u32 s7;
	[tilespmem:s17+$0x0] =	vst v13;
	v13 =	vld [tilespmem:s11+$0xFFFFFFF0];
	s11 =	smov.u32 s22;
	s22 =	smov.u32 s16  }
0x190: {  	v5 =	vadd.f32 v5, v6;
	s16 =	smov.u32 s2;
	v14 =	vld [tilespmem:s12+$0x10];
	(erf) = vpow2.f32 v8  }
0x191: {  	v8 =	vadd.f32 v11, v9;
	v6 =	vld [tilespmem:s7+$0x10]  }
0x192: {  	v11 =	vadd.f32 v15, v12;
	vm0 =	vge.f32 v5, $0.0e+00;
	v12 =	vmul.f32 $2.000000030e-01, v5;
	v9 =	vld [tilespmem:s2+$0x10]  }
0x193: {  	v8 =	vadd.f32 v10, v8;
	v15 =	vpop (erf);
	v16 =	vld.idx.msk [tilespmem:v3+s26+$0x0], $0xffff  }
0x194: {  	vm1 =	vge.f32 v11, $0.0e+00;
	v3 =	vmul.f32 $2.000000030e-01, v11;
	v5 =	vsel vm0, v5, v12;
	[tilespmem:s17+$0xFFFFFFB0] =	vst v15;
	v10 =	vld.idx.msk [tilespmem:v2+s29+$0x0], $0xffff;
	v2 =	vmovc v13  }
0x195: {  	v5 =	vmul.f32 $1.442695020e+00, v5;
	v13 =	vmul.f32 $2.000000030e-01, v8;
	v12 =	vld [tilespmem:s12+$0xFFFFFFC0]  }
0x196: {  	vm0 =	vge.f32 v8, $0.0e+00;
	v3 =	vsel vm1, v11, v3;
	v15 =	vld [tilespmem:s7+$0xFFFFFFC0]  }
0x197: {  	v17 =	vmul.f32 $1.442695020e+00, v3;
	v8 =	vsel vm0, v8, v13;
	v11 =	vld [tilespmem:s2+$0xFFFFFFC0];
	(erf) = vpow2.f32 v5  }
0x198: {  	v8 =	vmul.f32 $1.442695020e+00, v8;
	v5 =	vld.idx.msk [tilespmem:v14+s26+$0x0], $0xffff  }
0x199: {  	v6 =	vld.idx.msk [tilespmem:v6+s28+$0x0], $0xffff;
	(erf) = vpow2.f32 v17;
	v3 =	vpop (erf)  }
0x19a: {  	v9 =	vld.idx.msk [tilespmem:v9+s29+$0x0], $0xffff;
	[tilespmem:s15+$0x20] =	vst v3;
	(erf) = vpow2.f32 v8;
	v3 =	vadd.f32 v10, v4  }
0x19b: {  	v4 =	vld [tilespmem:s4+$0x30]  }
0x19c: {  	v10 =	vld [tilespmem:s13+$0x30];
	vm0 =	vge.f32 v3, $0.0e+00;
	v8 =	vmul.f32 $2.000000030e-01, v3  }
0x19d: {  	v12 =	vld.idx.msk [tilespmem:v12+s26+$0x0], $0xffff  }
0x19e: {  	v13 =	vld [tilespmem:s22+$0x30];
	v3 =	vsel vm0, v3, v8  }
0x19f: {  	v5 =	vadd.f32 v6, v5;
	v14 =	vld.idx.msk [tilespmem:v15+s28+$0x0], $0xffff;
	v3 =	vmul.f32 $1.442695020e+00, v3  }
0x1a0: {  	v6 =	vld.idx.msk [tilespmem:v11+s29+$0x0], $0xffff;
	v8 =	vpop (erf)  }
0x1a1: {  	v5 =	vadd.f32 v9, v5;
	[tilespmem:s21+$0xFFFFFFE0] =	vst v8;
	v15 =	vld.idx.msk [tilespmem:v7+s28+$0x0], $0xffff;
	(erf) = vpow2.f32 v3  }
0x1a2: {  	v7 =	vpop (erf);
	v3 =	vld [tilespmem:s14+$0xFFFFFFF0];
	s14 =	smov.u32 s4;
	s4 =	smov.u32 s12  }
.Ltmp1:
0x1a3: {  	v11 =	vmul.f32 $2.000000030e-01, v5;
	[tilespmem:s15+$0xFFFFFFD0] =	vst v7;
	v8 =	vld.idx.msk [tilespmem:v4+s26+$0x0], $0xffff;
	v4 =	vpop (erf);
	(pc) =	sbr.rel @p0 .LBB2_4-.Ltmp1, $4  }
0x1a4: {  	vm0 =	vge.f32 v5, $0.0e+00;
	v9 =	vld.idx.msk [tilespmem:v10+s28+$0x0], $0xffff;
	[tilespmem:s21+$0x40] =	vst v4  }
0x1a5: {  	v4 =	vadd.f32 v14, v12;
	v5 =	vsel vm0, v5, v11;
	v7 =	vld [tilespmem:s14+$0xFFFFFFE0]  }
0x1a6: {  	v11 =	vmul.f32 $1.442695020e+00, v5;
	v10 =	vld.idx.msk [tilespmem:v13+s29+$0x0], $0xffff  }
0x1a7: {  	s2 =	sadd.s32 $0xA0, s2;
	v5 =	vadd.f32 v6, v4;
	v4 =	vadd.f32 v15, v16;
	v6 =	vld [tilespmem:s13+$0xFFFFFFE0]  }
0x1a8: {  	(erf) = vpow2.f32 v11;
	_ =	sdelay $0x1  }
0x1a9: {  	v55 =	vmul.f32 $2.000000030e-01, v5  }
0x1aa: {  	vm0 =	vge.f32 v5, $0.0e+00  }
0x1ab: {  	v5 =	vsel vm0, v5, v55  }
0x1ac: {  	v5 =	vmul.f32 $1.442695020e+00, v5;
	_ =	sdelay $0x1  }
0x1ad: {  	(erf) = vpow2.f32 v5  }
0x1ae: {  	v56 =	vpop (erf)  }
0x1af: {  	v57 =	vpop (erf)  }
0x1b0: {  	[tilespmem:s17+$0x10] =	vst v57  }
0x1b1: {  	v11 =	vld [tilespmem:s4+$0x20]  }
0x1b2: {  	v12 =	vld [tilespmem:s18+$0x20];
	_ =	sdelay $0x1  }
0x1b3: {  	v13 =	vld [tilespmem:s16+$0x20];
	_ =	sdelay $0x1  }
0x1b4: {  	v14 =	vpop (erf)  }
0x1b5: {  	[tilespmem:s17+$0xFFFFFFC0] =	vst v14  }
0x1b6: {  	v14 =	vld [tilespmem:s4+$0xFFFFFFD0]  }
0x1b7: {  	v11 =	vld.idx.msk [tilespmem:v11+s26+$0x0], $0xffff  }
0x1b8: {  	v12 =	vld.idx.msk [tilespmem:v12+s28+$0x0], $0xffff  }
0x1b9: {  	v58 =	vld [tilespmem:s18+$0xFFFFFFD0]  }
0x1ba: {  	v8 =	vadd.f32 v9, v8;
	v13 =	vld.idx.msk [tilespmem:v13+s29+$0x0], $0xffff  }
0x1bb: {  	v59 =	vld [tilespmem:s22+$0xFFFFFFE0]  }
0x1bc: {  	v8 =	vadd.f32 v10, v8;
	v15 =	vld [tilespmem:s16+$0xFFFFFFD0]  }
0x1bd: {  	v11 =	vadd.f32 v12, v11  }
0x1be: {  	v16 =	vmul.f32 $2.000000030e-01, v8  }
0x1bf: {  	v7 =	vld.idx.msk [tilespmem:v7+s26+$0x0], $0xffff;
	vm12 =	vge.f32 v8, $0.0e+00;
	v11 =	vadd.f32 v13, v11  }
0x1c0: {  	v6 =	vld.idx.msk [tilespmem:v6+s28+$0x0], $0xffff;
	v8 =	vsel vm12, v8, v16  }
0x1c1: {  	v8 =	vmul.f32 $1.442695020e+00, v8;
	v60 =	vld.idx.msk [tilespmem:v14+s26+$0x0], $0xffff;
	v13 =	vmul.f32 $2.000000030e-01, v11  }
0x1c2: {  	v61 =	vld.idx.msk [tilespmem:v58+s28+$0x0], $0xffff;
	vm13 =	vge.f32 v11, $0.0e+00  }
0x1c3: {  	v62 =	vld.idx.msk [tilespmem:v59+s29+$0x0], $0xffff;
	(erf) = vpow2.f32 v8;
	v63 =	vsel vm13, v11, v13  }
0x1c4: {  	v13 =	vld.idx.msk [tilespmem:v15+s29+$0x0], $0xffff;
	v10 =	vmul.f32 $1.442695020e+00, v63;
	_ =	sdelay $0x1  }
0x1c5: {  	v6 =	vadd.f32 v6, v7;
	(erf) = vpow2.f32 v10  }
0x1c6: {  	v14 =	vadd.f32 v61, v60  }
0x1c7: {  	v6 =	vadd.f32 v62, v6  }
0x1c8: {  	v7 =	vadd.f32 v13, v14  }
0x1c9: {  	v15 =	vmul.f32 $2.000000030e-01, v6  }
0x1ca: {  	vm14 =	vge.f32 v6, $0.0e+00;
	v17 =	vmul.f32 $2.000000030e-01, v7  }
0x1cb: {  	v16 =	vpop (erf);
	v6 =	vsel vm14, v6, v15;
	vm1 =	vge.f32 v7, $0.0e+00  }
0x1cc: {  	[tilespmem:s15+$0x30] =	vst v16;
	v6 =	vmul.f32 $1.442695020e+00, v6;
	v7 =	vsel vm1, v7, v17  }
0x1cd: {  	v18 =	vld [tilespmem:s14+$0x40];
	v7 =	vmul.f32 $1.442695020e+00, v7  }
0x1ce: {  	v9 =	vld [tilespmem:s13+$0x40];
	(erf) = vpow2.f32 v6;
	v20 =	vpop (erf)  }
0x1cf: {  	v19 =	vld [tilespmem:s22+$0x40];
	(erf) = vpow2.f32 v7;
	[tilespmem:s17+$0x20] =	vst v20  }
0x1d0: {  	v6 =	vld [tilespmem:s4+$0x30]  }
0x1d1: {  	v21 =	vld [tilespmem:s18+$0x30];
	_ =	sdelay $0x1  }
0x1d2: {  	v2 =	vld.idx.msk [tilespmem:v2+s29+$0x0], $0xffff  }
0x1d3: {  	v22 =	vld [tilespmem:s16+$0x30]  }
0x1d4: {  	v8 =	vld.idx.msk [tilespmem:v18+s26+$0x0], $0xffff  }
0x1d5: {  	v9 =	vld.idx.msk [tilespmem:v9+s28+$0x0], $0xffff  }
0x1d6: {  	v10 =	vld.idx.msk [tilespmem:v19+s29+$0x0], $0xffff;
	v23 =	vpop (erf)  }
0x1d7: {  	v24 =	vpop (erf);
	v6 =	vld.idx.msk [tilespmem:v6+s26+$0x0], $0xffff  }
0x1d8: {  	[tilespmem:s17+$0xFFFFFFD0] =	vst v24;
	v7 =	vld.idx.msk [tilespmem:v21+s28+$0x0], $0xffff  }
0x1d9: {  	v13 =	vld [tilespmem:s4+$0xFFFFFFE0]  }
0x1da: {  	v8 =	vadd.f32 v9, v8;
	v25 =	vld [tilespmem:s18+$0xFFFFFFE0]  }
0x1db: {  	v11 =	vld.idx.msk [tilespmem:v22+s29+$0x0], $0xffff  }
0x1dc: {  	v8 =	vadd.f32 v10, v8;
	v26 =	vld [tilespmem:s16+$0xFFFFFFE0]  }
0x1dd: {  	v2 =	vadd.f32 v2, v4  }
0x1de: {  	v27 =	vmul.f32 $2.000000030e-01, v8;
	v6 =	vadd.f32 v7, v6  }
0x1df: {  	v28 =	vmul.f32 $2.000000030e-01, v2;
	vm15 =	vge.f32 v8, $0.0e+00  }
0x1e0: {  	vm4 =	vge.f32 v2, $0.0e+00;
	v4 =	vsel vm15, v8, v27;
	v6 =	vadd.f32 v11, v6  }
0x1e1: {  	v2 =	vsel vm4, v2, v28;
	v4 =	vmul.f32 $1.442695020e+00, v4;
	v30 =	vld.idx.msk [tilespmem:v13+s26+$0x0], $0xffff  }
0x1e2: {  	v2 =	vmul.f32 $1.442695020e+00, v2;
	v29 =	vmul.f32 $2.000000030e-01, v6;
	v31 =	vld.idx.msk [tilespmem:v25+s28+$0x0], $0xffff  }
0x1e3: {  	(erf) = vpow2.f32 v4;
	vm5 =	vge.f32 v6, $0.0e+00  }
0x1e4: {  	(erf) = vpow2.f32 v2;
	v2 =	vld.idx.msk [tilespmem:v26+s29+$0x0], $0xffff;
	v6 =	vsel vm5, v6, v29  }
0x1e5: {  	v32 =	vmul.f32 $1.442695020e+00, v6;
	_ =	sdelay $0x1  }
0x1e6: {  	(erf) = vpow2.f32 v32;
	v33 =	vadd.f32 v31, v30;
	_ =	sdelay $0x1  }
0x1e7: {  	v2 =	vadd.f32 v2, v33;
	_ =	sdelay $0x1  }
0x1e8: {  	v4 =	vmul.f32 $2.000000030e-01, v2  }
0x1e9: {  	v38 =	vld [tilespmem:s11+$0xFFFFFFF0];
	vm6 =	vge.f32 v2, $0.0e+00  }
0x1ea: {  	v2 =	vsel vm6, v2, v4  }
0x1eb: {  	[tilespmem:s15+$0xFFFFFFE0] =	vst v23;
	v34 =	vpop (erf);
	v2 =	vmul.f32 $1.442695020e+00, v2  }
0x1ec: {  	v39 =	vld [tilespmem:s14+$0xFFFFFFF0];
	v36 =	vpop (erf)  }
0x1ed: {  	v37 =	vpop (erf);
	(erf) = vpow2.f32 v2;
	_ =	sdelay $0x1  }
0x1ee: {  	v35 =	vld [tilespmem:s20+$0xFFFFFFF0]  }
0x1ef: {  	v3 =	vld.idx.msk [tilespmem:v3+s26+$0x0], $0xffff  }
0x1f0: {  	v9 =	vld.idx.msk [tilespmem:v38+s29+$0x0], $0xffff  }
0x1f1: {  	v42 =	vld [tilespmem:s13+$0xFFFFFFF0]  }
0x1f2: {  	v44 =	vld [tilespmem:s22+$0xFFFFFFF0]  }
0x1f3: {  	v10 =	vld.idx.msk [tilespmem:v39+s26+$0x0], $0xffff;
	[tilespmem:s17+$0x30] =	vst v37  }
0x1f4: {  	v4 =	vld [tilespmem:s4+$0x40]  }
0x1f5: {  	v2 =	vld [tilespmem:s18+$0x40];
	v41 =	vpop (erf)  }
0x1f6: {  	v40 =	vld [tilespmem:s16+$0x40];
	[tilespmem:s17+$0xFFFFFFE0] =	vst v41  }
0x1f7: {  	v12 =	vld [tilespmem:s4+$0xFFFFFFF0]  }
0x1f8: {  	v43 =	vld [tilespmem:s18+$0xFFFFFFF0]  }
0x1f9: {  	v7 =	vld.idx.msk [tilespmem:v35+s28+$0x0], $0xffff  }
0x1fa: {  	v45 =	vld [tilespmem:s16+$0xFFFFFFF0]  }
0x1fb: {  	v13 =	vld.idx.msk [tilespmem:v42+s28+$0x0], $0xffff  }
0x1fc: {  	v4 =	vld.idx.msk [tilespmem:v4+s26+$0x0], $0xffff  }
0x1fd: {  	v2 =	vld.idx.msk [tilespmem:v2+s28+$0x0], $0xffff  }
0x1fe: {  	v11 =	vld.idx.msk [tilespmem:v40+s29+$0x0], $0xffff  }
0x1ff: {  	v12 =	vld.idx.msk [tilespmem:v12+s26+$0x0], $0xffff  }
0x200: {  	v14 =	vld.idx.msk [tilespmem:v43+s28+$0x0], $0xffff  }
0x201: {  	v46 =	vld.idx.msk [tilespmem:v44+s29+$0x0], $0xffff;
	v3 =	vadd.f32 v7, v3  }
0x202: {  	v2 =	vadd.f32 v2, v4;
	v47 =	vld.idx.msk [tilespmem:v45+s29+$0x0], $0xffff  }
0x203: {  	v3 =	vadd.f32 v9, v3  }
0x204: {  	v48 =	vadd.f32 v13, v10;
	v2 =	vadd.f32 v11, v2  }
0x205: {  	v50 =	vadd.f32 v14, v12  }
0x206: {  	v51 =	vmul.f32 $2.000000030e-01, v3;
	v4 =	vadd.f32 v46, v48;
	v49 =	vmul.f32 $2.000000030e-01, v2  }
0x207: {  	vm8 =	vge.f32 v3, $0.0e+00;
	vm7 =	vge.f32 v2, $0.0e+00;
	v9 =	vadd.f32 v47, v50  }
0x208: {  	v3 =	vsel vm8, v3, v51;
	v52 =	vmul.f32 $2.000000030e-01, v4;
	v2 =	vsel vm7, v2, v49  }
0x209: {  	vm9 =	vge.f32 v4, $0.0e+00;
	v2 =	vmul.f32 $1.442695020e+00, v2;
	v53 =	vmul.f32 $2.000000030e-01, v9  }
0x20a: {  	v3 =	vmul.f32 $1.442695020e+00, v3;
	v4 =	vsel vm9, v4, v52;
	vm10 =	vge.f32 v9, $0.0e+00  }
0x20b: {  	(erf) = vpow2.f32 v2;
	v2 =	vmul.f32 $1.442695020e+00, v4;
	v54 =	vsel vm10, v9, v53  }
0x20c: {  	(erf) = vpow2.f32 v3;
	v3 =	vmul.f32 $1.442695020e+00, v54  }
0x20d: {  	(erf) = vpow2.f32 v2  }
0x20e: {  	(erf) = vpow2.f32 v3;
	_ =	sdelay $0x3  }
0x20f: {  	[tilespmem:s9+$0xFFFFFFF0] =	vst v56  }
0x210: {  	[tilespmem:s15+$0x40] =	vst v34  }
0x211: {  	[tilespmem:s10+$0xFFFFFFF0] =	vst v36;
	v2 =	vpop (erf)  }
0x212: {  	[tilespmem:s17+$0x40] =	vst v2;
	v2 =	vpop (erf)  }
0x213: {  	[tilespmem:s21+$0xFFFFFFF0] =	vst v2;
	v2 =	vpop (erf)  }
0x214: {  	[tilespmem:s15+$0xFFFFFFF0] =	vst v2;
	v2 =	vpop (erf)  }
0x215: {  	[tilespmem:s17+$0xFFFFFFF0] =	vst v2  }
0x216: {  	v2 =	vld [tilespmem:$0x26C0]  }
0x217: {  	v3 =	vld [tilespmem:$0x4DD0];
	_ =	sdelay $0x1  }
0x218: {  	v55 =	vld [tilespmem:$0x74E0];
	_ =	sdelay $0x4  }
0x219: {  	v2 =	vld.idx.msk [tilespmem:v2+s26+$0x0], $0xffff  }
0x21a: {  	v3 =	vld.idx.msk [tilespmem:v3+s28+$0x0], $0xffff;
	_ =	sdelay $0x1  }
0x21b: {  	v4 =	vld.idx.msk [tilespmem:v55+s29+$0x0], $0xffff;
	_ =	sdelay $0x2  }
0x21c: {  	v2 =	vadd.f32 v3, v2;
	_ =	sdelay $0x1  }
0x21d: {  	v2 =	vadd.f32 v4, v2;
	_ =	sdelay $0x1  }
0x21e: {  	v3 =	vmul.f32 $2.000000030e-01, v2  }
0x21f: {  	vm11 =	vge.f32 v2, $0.0e+00  }
0x220: {  	v2 =	vsel vm11, v2, v3  }
0x221: {  	v2 =	vmul.f32 $1.442695020e+00, v2;
	_ =	sdelay $0x1  }
0x222: {  	(erf) = vpow2.f32 v2;
	_ =	sdelay $0x2  }
0x223: {  	v2 =	vld [tilespmem:$0x26D0]  }
0x224: {  	v3 =	vld [tilespmem:$0x4DE0];
	_ =	sdelay $0x1  }
0x225: {  	v56 =	vld [tilespmem:$0x74F0];
	_ =	sdelay $0x2  }
0x226: {  	v57 =	vpop (erf)  }
0x227: {  	[tilespmem:$0xEA20] =	vst v57  }
0x228: {  	v2 =	vld.idx.msk [tilespmem:v2+s26+$0x0], $0xffff  }
0x229: {  	v3 =	vld.idx.msk [tilespmem:v3+s28+$0x0], $0xffff;
	_ =	sdelay $0x1  }
0x22a: {  	v4 =	vld.idx.msk [tilespmem:v56+s29+$0x0], $0xffff;
	_ =	sdelay $0x2  }
0x22b: {  	v2 =	vadd.f32 v3, v2;
	_ =	sdelay $0x1  }
0x22c: {  	v2 =	vadd.f32 v4, v2;
	_ =	sdelay $0x1  }
0x22d: {  	v3 =	vmul.f32 $2.000000030e-01, v2  }
0x22e: {  	vm12 =	vge.f32 v2, $0.0e+00  }
0x22f: {  	v2 =	vsel vm12, v2, v3  }
0x230: {  	v2 =	vmul.f32 $1.442695020e+00, v2;
	_ =	sdelay $0x1  }
0x231: {  	(erf) = vpow2.f32 v2;
	_ =	sdelay $0x2  }
0x232: {  	v2 =	vld [tilespmem:$0x26E0]  }
0x233: {  	v3 =	vld [tilespmem:$0x4DF0];
	_ =	sdelay $0x1  }
0x234: {  	v58 =	vld [tilespmem:$0x7500];
	_ =	sdelay $0x2  }
0x235: {  	v59 =	vpop (erf)  }
0x236: {  	[tilespmem:$0xEA30] =	vst v59  }
0x237: {  	v2 =	vld.idx.msk [tilespmem:v2+s26+$0x0], $0xffff  }
0x238: {  	v3 =	vld.idx.msk [tilespmem:v3+s28+$0x0], $0xffff;
	_ =	sdelay $0x1  }
0x239: {  	v4 =	vld.idx.msk [tilespmem:v58+s29+$0x0], $0xffff;
	_ =	sdelay $0x2  }
0x23a: {  	v2 =	vadd.f32 v3, v2;
	_ =	sdelay $0x1  }
0x23b: {  	v2 =	vadd.f32 v4, v2;
	_ =	sdelay $0x1  }
0x23c: {  	v3 =	vmul.f32 $2.000000030e-01, v2  }
0x23d: {  	vm13 =	vge.f32 v2, $0.0e+00  }
0x23e: {  	v2 =	vsel vm13, v2, v3  }
0x23f: {  	v2 =	vmul.f32 $1.442695020e+00, v2;
	_ =	sdelay $0x1  }
0x240: {  	(erf) = vpow2.f32 v2;
	_ =	sdelay $0x2  }
0x241: {  	v2 =	vld [tilespmem:$0x26F0]  }
0x242: {  	v3 =	vld [tilespmem:$0x4E00];
	_ =	sdelay $0x1  }
0x243: {  	v60 =	vld [tilespmem:$0x7510];
	_ =	sdelay $0x2  }
0x244: {  	v61 =	vpop (erf)  }
0x245: {  	[tilespmem:$0xEA40] =	vst v61  }
0x246: {  	v2 =	vld.idx.msk [tilespmem:v2+s26+$0x0], $0xffff  }
0x247: {  	v3 =	vld.idx.msk [tilespmem:v3+s28+$0x0], $0xffff;
	_ =	sdelay $0x1  }
0x248: {  	v4 =	vld.idx.msk [tilespmem:v60+s29+$0x0], $0xffff;
	_ =	sdelay $0x2  }
0x249: {  	v2 =	vadd.f32 v3, v2;
	_ =	sdelay $0x1  }
0x24a: {  	v2 =	vadd.f32 v4, v2;
	_ =	sdelay $0x1  }
0x24b: {  	v3 =	vmul.f32 $2.000000030e-01, v2  }
0x24c: {  	vm14 =	vge.f32 v2, $0.0e+00  }
0x24d: {  	v2 =	vsel vm14, v2, v3  }
0x24e: {  	v2 =	vmul.f32 $1.442695020e+00, v2;
	_ =	sdelay $0x1  }
0x24f: {  	(erf) = vpow2.f32 v2;
	_ =	sdelay $0x2  }
0x250: {  	v2 =	vld [tilespmem:$0x2700]  }
0x251: {  	v3 =	vld [tilespmem:$0x4E10];
	_ =	sdelay $0x1  }
0x252: {  	v62 =	vld [tilespmem:$0x7520];
	_ =	sdelay $0x2  }
0x253: {  	v63 =	vpop (erf)  }
0x254: {  	[tilespmem:$0xEA50] =	vst v63  }
0x255: {  	v2 =	vld.idx.msk [tilespmem:v2+s26+$0x0], $0xffff  }
0x256: {  	v3 =	vld.idx.msk [tilespmem:v3+s28+$0x0], $0xffff;
	_ =	sdelay $0x1  }
0x257: {  	v4 =	vld.idx.msk [tilespmem:v62+s29+$0x0], $0xffff;
	_ =	sdelay $0x2  }
0x258: {  	v2 =	vadd.f32 v3, v2;
	_ =	sdelay $0x1  }
0x259: {  	v2 =	vadd.f32 v4, v2;
	_ =	sdelay $0x1  }
0x25a: {  	v3 =	vmul.f32 $2.000000030e-01, v2  }
0x25b: {  	vm15 =	vge.f32 v2, $0.0e+00  }
0x25c: {  	v2 =	vsel vm15, v2, v3  }
0x25d: {  	v2 =	vmul.f32 $1.442695020e+00, v2;
	_ =	sdelay $0x1  }
0x25e: {  	(erf) = vpow2.f32 v2;
	_ =	sdelay $0x8  }
0x25f: {  	v2 =	vpop (erf)  }
0x260: {  	[tilespmem:$0xEA60] =	vst v2  }
0x261: {  	[bflag:$0x0] =	sbarrier.arrive $0xFFFF  }
0x262: {  	s16 =	rddreg [dreg:$0x2]  }
0x263: {  	s17 =	rddreg [dreg:$0xd]  }
0x264: {  	s9 =	simm.s32 $0x0;
	s18 =	rddreg [dreg:$0xe]  }
0x265: {  	[tilespmem:s30], [sflag:$0x1] =	stream.indirect.gather [hbm4b:s16+s31], $0x50, s9, s31, $0xb8;
	[tilespmem:$0x1F8C0] =	vst v63  }
0x266: {  	s10 =	simm.s32 $0x0;
	s19 =	rddreg [dreg:$0xf]  }
0x267: {  	[tilespmem:s1], [sflag:$0x2] =	stream.indirect.gather [hbm4b:s16+s31], $0x50, s31, s31, $0xb8;
	[tilespmem:$0x1F8C0] =	vst v63  }
.LBB2_6:
0x268: {  	s13 =	smul.u32 $0x3, s10;
	v10 =	vmov s9  }
0x269: {  	s2 =	simm.s32 $0x1;
	s4 =	simm.s32 $0x2;
	s14 =	simm.s32 $0x3;
	v10 =	vshrl.u32 v10, $0x3  }
0x26a: {  	s7 =	simm.s32 $0x5;
	s20 =	simm.s32 $0x6;
	v11 =	vmov s2;
	v12 =	vmov s4;
	v13 =	vmov s14  }
0x26b: {  	s21 =	simm.s32 $0x7;
	v15 =	vmov s7;
	v16 =	vmov s20;
	v2 =	vmov s13  }
0x26c: {  	v17 =	vmov s21;
	v10 =	vshll.u32 v10, v1;
	v3 =	vmul.u32 $0x50, v2  }
0x26d: {  	v11 =	vshrl.u32 v11, $0x3;
	v12 =	vshrl.u32 v12, $0x3;
	s20 =	sadd.s32 $0x2, s13;
	v15 =	vshrl.u32 v15, $0x3  }
0x26e: {  	v16 =	vshrl.u32 v16, $0x3;
	s11 =	smul.u32 $0x50, s20;
	v11 =	vshll.u32 v11, v1;
	v10 =	vadd.s32 v3, v10  }
0x26f: {  	v12 =	vshll.u32 v12, v1;
	v4 =	vor.u32 $0x1, v3;
	v10 =	vbroadcast v10, $0x0  }
0x270: {  	v15 =	vshll.u32 v15, v1;
	v5 =	vor.u32 $0x2, v3;
	[tilespmem:s24], [sflag:$0x3] =	stream.indirect.gather [hbm4b:s16+s31], $0x50, s11, s31, $0xb8;
	v11 =	vadd.s32 v11, v4;
	[tilespmem:$0x1F8C0] =	vst v63  }
0x271: {  	v8 =	vor.u32 $0x5, v3;
	v12 =	vadd.s32 v12, v5;
	_ =	swait.ge [sflag:s25], $0x1900;
	v11 =	vbroadcast v11, $0x0  }
0x272: {  	v17 =	vshrl.u32 v17, $0x3;
	v15 =	vadd.s32 v15, v8;
	v12 =	vbroadcast v12, $0x0;
	[sflag:s25] =	ssyncset.done $0x0  }
0x273: {  	s14 =	simm.s32 $0xEBB0;
	v16 =	vshll.u32 v16, v1;
	v9 =	vor.u32 $0x6, v3;
	v15 =	vbroadcast v15, $0x0;
	[sflag:s25] =	ssyncadd.s32 $0xFFFFE700  }
0x274: {  	v17 =	vshll.u32 v17, v1;
	v2 =	vor.u32 $0x7, v3;
	v16 =	vadd.s32 v16, v9;
	v20 =	vld [tilespmem:s14+$0xFFFFFED0]  }
0x275: {  	v18 =	vld.idx.msk [tilespmem:v10+s0+$0x0], $0xffff;
	v10 =	vbroadcast v16, $0x0;
	v16 =	vadd.s32 v17, v2  }
0x276: {  	v21 =	vld [tilespmem:s14+$0xFFFFFEE0];
	v16 =	vbroadcast v16, $0x0  }
0x277: {  	v17 =	vld.idx.msk [tilespmem:v11+s0+$0x0], $0xffff  }
0x278: {  	s15 =	simm.s32 $0x4;
	v19 =	vld.idx.msk [tilespmem:v12+s0+$0x0], $0xffff  }
0x279: {  	v14 =	vmov s15;
	v13 =	vshrl.u32 v13, $0x3;
	v12 =	vld.idx.msk [tilespmem:v15+s0+$0x0], $0xffff  }
0x27a: {  	v14 =	vshrl.u32 v14, $0x3;
	v13 =	vshll.u32 v13, v1;
	v6 =	vor.u32 $0x3, v3;
	v15 =	vld [tilespmem:s14+$0x130]  }
0x27b: {  	v14 =	vshll.u32 v14, v1;
	v7 =	vor.u32 $0x4, v3;
	v13 =	vadd.s32 v13, v6;
	v11 =	vld.idx.msk [tilespmem:v10+s0+$0x0], $0xffff  }
0x27c: {  	v14 =	vadd.s32 v14, v7;
	v13 =	vbroadcast v13, $0x0;
	v10 =	vld.idx.msk [tilespmem:v16+s0+$0x0], $0xffff  }
0x27d: {  	v14 =	vbroadcast v14, $0x0;
	v16 =	vld [tilespmem:s14+$0xFFFFFEC0]  }
0x27e: {  	v22 =	vld [tilespmem:s14+$0xFFFFFEF0]  }
0x27f: {  	v23 =	vld [tilespmem:s14+$0xFFFFFF00]  }
0x280: {  	v24 =	vld [tilespmem:s14+$0xFFFFFF10]  }
0x281: {  	v25 =	vld [tilespmem:s14+$0xFFFFFF20];
	v15 =	vmul.f32 v15, v10  }
0x282: {  	v13 =	vld.idx.msk [tilespmem:v13+s0+$0x0], $0xffff;
	v16 =	vmul.f32 v16, v18  }
0x283: {  	v14 =	vld.idx.msk [tilespmem:v14+s0+$0x0], $0xffff;
	v20 =	vmul.f32 v20, v18;
	[tilespmem:s14+$0x130] =	vst v15  }
0x284: {  	[tilespmem:s14+$0xFFFFFEC0] =	vst v16;
	v15 =	vmul.f32 v21, v18;
	v16 =	vld [tilespmem:s14+$0xFFFFFF30]  }
0x285: {  	[tilespmem:s14+$0xFFFFFED0] =	vst v20;
	v20 =	vmul.f32 v22, v18;
	v21 =	vld [tilespmem:s14+$0xFFFFFF40]  }
0x286: {  	[tilespmem:s14+$0xFFFFFEE0] =	vst v15;
	v15 =	vmul.f32 v23, v18;
	v18 =	vld [tilespmem:s14+$0xFFFFFF50]  }
0x287: {  	v22 =	vld [tilespmem:s14+$0xFFFFFF60];
	[tilespmem:s14+$0xFFFFFEF0] =	vst v20;
	v20 =	vmul.f32 v24, v17  }
0x288: {  	v23 =	vld [tilespmem:s14+$0xFFFFFF70];
	[tilespmem:s14+$0xFFFFFF00] =	vst v15;
	v15 =	vmul.f32 v25, v17  }
0x289: {  	[tilespmem:s14+$0xFFFFFF10] =	vst v20;
	v20 =	vld [tilespmem:s14+$0xFFFFFF80];
	v16 =	vmul.f32 v16, v17  }
0x28a: {  	[tilespmem:s14+$0xFFFFFF20] =	vst v15;
	v15 =	vmul.f32 v21, v17;
	v21 =	vld [tilespmem:s14+$0xFFFFFF90]  }
0x28b: {  	[tilespmem:s14+$0xFFFFFF30] =	vst v16;
	v16 =	vmul.f32 v18, v17;
	v17 =	vld [tilespmem:s14+$0xFFFFFFA0]  }
0x28c: {  	v18 =	vld [tilespmem:s14+$0xFFFFFFB0];
	[tilespmem:s14+$0xFFFFFF40] =	vst v15;
	v15 =	vmul.f32 v22, v19  }
0x28d: {  	v22 =	vld [tilespmem:s14+$0xFFFFFFC0];
	[tilespmem:s14+$0xFFFFFF50] =	vst v16;
	v16 =	vmul.f32 v23, v19  }
0x28e: {  	[tilespmem:s14+$0xFFFFFF60] =	vst v15;
	v15 =	vmul.f32 v20, v19;
	v20 =	vld [tilespmem:s14+$0xFFFFFFD0]  }
0x28f: {  	[tilespmem:s14+$0xFFFFFF70] =	vst v16;
	v16 =	vmul.f32 v21, v19;
	v21 =	vld [tilespmem:s14+$0xFFFFFFE0]  }
0x290: {  	s15 =	simm.s32 $0xC;
	[tilespmem:s14+$0xFFFFFF80] =	vst v15;
	v15 =	vmul.f32 v17, v19;
	v17 =	vld [tilespmem:s14+$0xFFFFFFF0]  }
0x291: {  	s7 =	simm.s32 $0xA;
	s21 =	simm.s32 $0xD;
	v26 =	vmov s15;
	[tilespmem:s14+$0xFFFFFF90] =	vst v16;
	v16 =	vmul.f32 v18, v13;
	v18 =	vld [tilespmem:s14+$0x0]  }
0x292: {  	s22 =	simm.s32 $0x8;
	s12 =	simm.s32 $0xB;
	v27 =	vmov s21;
	v24 =	vmov s7;
	[tilespmem:s14+$0xFFFFFFA0] =	vst v15;
	v15 =	vmul.f32 v22, v13;
	v22 =	vld [tilespmem:s14+$0x10]  }
0x293: {  	s4 =	simm.s32 $0x9;
	v25 =	vmov s12;
	v19 =	vmov s22;
	[tilespmem:s14+$0xFFFFFFB0] =	vst v16;
	v16 =	vmul.f32 v20, v13;
	v20 =	vld [tilespmem:s14+$0x20]  }
0x294: {  	v23 =	vmov s4;
	s22 =	simm.s32 $0xE;
	v19 =	vshrl.u32 v19, $0x3;
	[tilespmem:s14+$0xFFFFFFC0] =	vst v15;
	v15 =	vmul.f32 v21, v13;
	v21 =	vld [tilespmem:s14+$0x30]  }
0x295: {  	v28 =	vmov s22;
	v19 =	vshll.u32 v19, v1;
	[tilespmem:s14+$0xFFFFFFD0] =	vst v16;
	v13 =	vmul.f32 v17, v13;
	v16 =	vld [tilespmem:s14+$0x40]  }
0x296: {  	v19 =	vadd.s32 v3, v19;
	v17 =	vshrl.u32 v23, $0x3;
	[tilespmem:s14+$0xFFFFFFE0] =	vst v15;
	v15 =	vmul.f32 v18, v14;
	v18 =	vld [tilespmem:s14+$0x50]  }
0x297: {  	v23 =	vshrl.u32 v24, $0x3;
	v24 =	vshrl.u32 v25, $0x3;
	[tilespmem:s14+$0xFFFFFFF0] =	vst v13;
	v13 =	vmul.f32 v22, v14;
	v22 =	vld [tilespmem:s14+$0x60]  }
0x298: {  	v25 =	vshrl.u32 v26, $0x3;
	v26 =	vshrl.u32 v27, $0x3;
	[tilespmem:s14+$0x0] =	vst v15;
	v15 =	vmul.f32 v20, v14;
	v20 =	vld [tilespmem:s14+$0x70]  }
0x299: {  	v27 =	vshrl.u32 v28, $0x3;
	v17 =	vshll.u32 v17, v1;
	[tilespmem:s14+$0x10] =	vst v13;
	v13 =	vmul.f32 v21, v14;
	v21 =	vld [tilespmem:s14+$0x80]  }
0x29a: {  	v63 =	vld [tilespmem:s14+$0x90];
	v23 =	vshll.u32 v23, v1;
	v24 =	vshll.u32 v24, v1;
	[tilespmem:s14+$0x20] =	vst v15;
	v14 =	vmul.f32 v16, v14  }
0x29b: {  	v16 =	vshll.u32 v25, v1;
	v25 =	vshll.u32 v26, v1;
	v26 =	vld [tilespmem:s14+$0xA0];
	[tilespmem:s14+$0x30] =	vst v13;
	v15 =	vmul.f32 v18, v12  }
0x29c: {  	v27 =	vshll.u32 v27, v1;
	v17 =	vadd.s32 v17, v4;
	[tilespmem:s14+$0x40] =	vst v14;
	v18 =	vmul.f32 v22, v12;
	v14 =	vld [tilespmem:s14+$0xB0]  }
0x29d: {  	v13 =	vbroadcast v19, $0x0;
	v19 =	vadd.s32 v23, v5;
	[tilespmem:s14+$0x50] =	vst v15;
	v23 =	vmul.f32 v20, v12;
	v15 =	vld [tilespmem:s14+$0xC0]  }
0x29e: {  	v24 =	vadd.s32 v24, v6;
	v20 =	vadd.s32 v16, v7;
	v16 =	vld [tilespmem:s14+$0xD0];
	[tilespmem:s14+$0x60] =	vst v18;
	v29 =	vmul.f32 v21, v12  }
0x29f: {  	v22 =	vadd.s32 v25, v8;
	v18 =	vbroadcast v17, $0x0;
	v21 =	vmul.f32 v63, v12;
	v12 =	vld [tilespmem:s14+$0xE0];
	[tilespmem:s14+$0x70] =	vst v23  }
0x2a0: {  	s2 =	simm.s32 $0x10;
	s4 =	simm.s32 $0xF;
	v19 =	vbroadcast v19, $0x0;
	v17 =	vld [tilespmem:s14+$0xF0];
	v23 =	vadd.s32 v27, v9;
	v25 =	vmul.f32 v26, v11;
	[tilespmem:s14+$0x80] =	vst v29  }
.LBB2_7:
0x2a1: {  	p0 =	slt.u32 s2, $0x48;
	v24 =	vbroadcast v24, $0x0;
	v26 =	vmov s4;
	[tilespmem:s14+$0x90] =	vst v21;
	v14 =	vmul.f32 v14, v11;
	v21 =	vld [tilespmem:s14+$0x100]  }
0x2a2: {  	v20 =	vbroadcast v20, $0x0;
	v26 =	vshrl.u32 v26, $0x3;
	[tilespmem:s14+$0xA0] =	vst v25;
	v15 =	vmul.f32 v15, v11;
	v25 =	vld [tilespmem:s14+$0x110]  }
0x2a3: {  	v22 =	vbroadcast v22, $0x0;
	v26 =	vshll.u32 v26, v1;
	[tilespmem:s14+$0xB0] =	vst v14;
	v14 =	vmul.f32 v16, v11;
	v16 =	vld [tilespmem:s14+$0x120]  }
0x2a4: {  	v23 =	vbroadcast v23, $0x0;
	v27 =	vld.idx.msk [tilespmem:v13+s0+$0x0], $0xffff;
	v13 =	vadd.s32 v26, v2;
	[tilespmem:s14+$0xC0] =	vst v15;
	v11 =	vmul.f32 v12, v11  }
0x2a5: {  	v15 =	vld.idx.msk [tilespmem:v18+s0+$0x0], $0xffff;
	v18 =	vbroadcast v13, $0x0;
	[tilespmem:s14+$0xD0] =	vst v14;
	v12 =	vmul.f32 v17, v10  }
0x2a6: {  	v14 =	vld.idx.msk [tilespmem:v19+s0+$0x0], $0xffff;
	[tilespmem:s14+$0xE0] =	vst v11;
	v11 =	vmul.f32 v21, v10  }
0x2a7: {  	v17 =	vld.idx.msk [tilespmem:v24+s0+$0x0], $0xffff;
	[tilespmem:s14+$0xF0] =	vst v12;
	v19 =	vmul.f32 v25, v10  }
0x2a8: {  	v13 =	vld.idx.msk [tilespmem:v20+s0+$0x0], $0xffff;
	[tilespmem:s14+$0x100] =	vst v11;
	v10 =	vmul.f32 v16, v10  }
0x2a9: {  	v12 =	vld.idx.msk [tilespmem:v22+s0+$0x0], $0xffff;
	[tilespmem:s14+$0x110] =	vst v19  }
0x2aa: {  	v11 =	vld.idx.msk [tilespmem:v23+s0+$0x0], $0xffff;
	[tilespmem:s14+$0x120] =	vst v10  }
0x2ab: {  	s14 =	sadd.s32 $0x280, s14;
	v10 =	vld.idx.msk [tilespmem:v18+s0+$0x0], $0xffff  }
0x2ac: {  	v16 =	vld [tilespmem:s14+$0x130]  }
0x2ad: {  	v18 =	vld [tilespmem:s14+$0xFFFFFEC0]  }
0x2ae: {  	v19 =	vld [tilespmem:s14+$0xFFFFFED0]  }
0x2af: {  	v20 =	vld [tilespmem:s14+$0xFFFFFEE0]  }
0x2b0: {  	v21 =	vld [tilespmem:s14+$0xFFFFFEF0]  }
0x2b1: {  	v22 =	vld [tilespmem:s14+$0xFFFFFF00];
	v16 =	vmul.f32 v16, v10  }
0x2b2: {  	v18 =	vmul.f32 v18, v27;
	v23 =	vld [tilespmem:s14+$0xFFFFFF10]  }
0x2b3: {  	v19 =	vmul.f32 v19, v27;
	v24 =	vld [tilespmem:s14+$0xFFFFFF20];
	[tilespmem:s14+$0x130] =	vst v16  }
0x2b4: {  	[tilespmem:s14+$0xFFFFFEC0] =	vst v18;
	v16 =	vmul.f32 v20, v27;
	v18 =	vld [tilespmem:s14+$0xFFFFFF30]  }
0x2b5: {  	[tilespmem:s14+$0xFFFFFED0] =	vst v19;
	v19 =	vmul.f32 v21, v27;
	v20 =	vld [tilespmem:s14+$0xFFFFFF40]  }
0x2b6: {  	[tilespmem:s14+$0xFFFFFEE0] =	vst v16;
	v16 =	vmul.f32 v22, v27;
	v21 =	vld [tilespmem:s14+$0xFFFFFF50]  }
0x2b7: {  	[tilespmem:s14+$0xFFFFFEF0] =	vst v19;
	v19 =	vmul.f32 v23, v15;
	v22 =	vld [tilespmem:s14+$0xFFFFFF60]  }
0x2b8: {  	[tilespmem:s14+$0xFFFFFF00] =	vst v16;
	v16 =	vmul.f32 v24, v15;
	v23 =	vld [tilespmem:s14+$0xFFFFFF70]  }
0x2b9: {  	[tilespmem:s14+$0xFFFFFF10] =	vst v19;
	v18 =	vmul.f32 v18, v15;
	v19 =	vld [tilespmem:s14+$0xFFFFFF80]  }
0x2ba: {  	[tilespmem:s14+$0xFFFFFF20] =	vst v16;
	v16 =	vmul.f32 v20, v15;
	v20 =	vld [tilespmem:s14+$0xFFFFFF90]  }
0x2bb: {  	[tilespmem:s14+$0xFFFFFF30] =	vst v18;
	v15 =	vmul.f32 v21, v15;
	v18 =	vld [tilespmem:s14+$0xFFFFFFA0]  }
0x2bc: {  	[tilespmem:s14+$0xFFFFFF40] =	vst v16;
	v16 =	vmul.f32 v22, v14;
	v21 =	vld [tilespmem:s14+$0xFFFFFFB0]  }
0x2bd: {  	[tilespmem:s14+$0xFFFFFF50] =	vst v15;
	v15 =	vmul.f32 v23, v14;
	v22 =	vld [tilespmem:s14+$0xFFFFFFC0]  }
0x2be: {  	[tilespmem:s14+$0xFFFFFF60] =	vst v16;
	v16 =	vmul.f32 v19, v14;
	v19 =	vld [tilespmem:s14+$0xFFFFFFD0]  }
0x2bf: {  	[tilespmem:s14+$0xFFFFFF70] =	vst v15;
	v15 =	vmul.f32 v20, v14;
	v20 =	vld [tilespmem:s14+$0xFFFFFFE0]  }
0x2c0: {  	[tilespmem:s14+$0xFFFFFF80] =	vst v16;
	v14 =	vmul.f32 v18, v14;
	v16 =	vld [tilespmem:s14+$0xFFFFFFF0]  }
0x2c1: {  	s4 =	sadd.s32 $0x1, s2;
	v18 =	vmov s2;
	[tilespmem:s14+$0xFFFFFF90] =	vst v15;
	v15 =	vmul.f32 v21, v17;
	v21 =	vld [tilespmem:s14+$0x0]  }
0x2c2: {  	s7 =	sadd.s32 $0x3, s2;
	v23 =	vmov s4;
	s4 =	sadd.s32 $0x2, s2;
	v18 =	vshrl.u32 v18, $0x3;
	[tilespmem:s14+$0xFFFFFFA0] =	vst v14;
	v14 =	vmul.f32 v22, v17;
	v22 =	vld [tilespmem:s14+$0x10]  }
0x2c3: {  	v25 =	vmov s7;
	s7 =	sadd.s32 $0x5, s2;
	v24 =	vmov s4;
	s4 =	sadd.s32 $0x4, s2;
	[tilespmem:s14+$0xFFFFFFB0] =	vst v15;
	v15 =	vmul.f32 v19, v17;
	v19 =	vld [tilespmem:s14+$0x20]  }
0x2c4: {  	v27 =	vmov s7;
	v26 =	vmov s4;
	s4 =	sadd.s32 $0x6, s2;
	[tilespmem:s14+$0xFFFFFFC0] =	vst v14;
	v14 =	vmul.f32 v20, v17;
	v20 =	vld [tilespmem:s14+$0x30]  }
0x2c5: {  	v28 =	vmov s4;
	v18 =	vshll.u32 v18, v1;
	[tilespmem:s14+$0xFFFFFFD0] =	vst v15;
	v15 =	vmul.f32 v16, v17;
	v16 =	vld [tilespmem:s14+$0x40]  }
0x2c6: {  	v17 =	vshrl.u32 v23, $0x3;
	v23 =	vshrl.u32 v24, $0x3;
	[tilespmem:s14+$0xFFFFFFE0] =	vst v14;
	v14 =	vmul.f32 v21, v13;
	v21 =	vld [tilespmem:s14+$0x50]  }
0x2c7: {  	v24 =	vshrl.u32 v25, $0x3;
	v25 =	vshrl.u32 v26, $0x3;
	[tilespmem:s14+$0xFFFFFFF0] =	vst v15;
	v15 =	vmul.f32 v22, v13;
	v22 =	vld [tilespmem:s14+$0x60]  }
0x2c8: {  	v26 =	vshrl.u32 v27, $0x3;
	v27 =	vshrl.u32 v28, $0x3;
	[tilespmem:s14+$0x0] =	vst v14;
	v14 =	vmul.f32 v19, v13;
	v19 =	vld [tilespmem:s14+$0x70]  }
0x2c9: {  	v18 =	vadd.s32 v3, v18;
	v17 =	vshll.u32 v17, v1;
	[tilespmem:s14+$0x10] =	vst v15;
	v15 =	vmul.f32 v20, v13;
	v28 =	vld [tilespmem:s14+$0x80]  }
0x2ca: {  	v20 =	vshll.u32 v23, v1;
	v23 =	vshll.u32 v24, v1;
	[tilespmem:s14+$0x20] =	vst v14;
	v14 =	vmul.f32 v16, v13;
	v29 =	vld [tilespmem:s14+$0x90]  }
0x2cb: {  	v16 =	vshll.u32 v25, v1;
	v25 =	vshll.u32 v26, v1;
	[tilespmem:s14+$0x30] =	vst v15;
	v15 =	vmul.f32 v21, v12;
	v26 =	vld [tilespmem:s14+$0xA0]  }
.Ltmp2:
0x2cc: {  	v27 =	vshll.u32 v27, v1;
	v13 =	vbroadcast v18, $0x0;
	[tilespmem:s14+$0x40] =	vst v14;
	v18 =	vmul.f32 v22, v12;
	v14 =	vld [tilespmem:s14+$0xB0];
	(pc) =	sbr.rel @p0 .LBB2_7-.Ltmp2, $4  }
0x2cd: {  	v17 =	vadd.s32 v17, v4;
	v30 =	vadd.s32 v20, v5;
	[tilespmem:s14+$0x50] =	vst v15;
	v19 =	vmul.f32 v19, v12;
	v15 =	vld [tilespmem:s14+$0xC0]  }
0x2ce: {  	v24 =	vadd.s32 v23, v6;
	v20 =	vadd.s32 v16, v7;
	[tilespmem:s14+$0x60] =	vst v18;
	v28 =	vmul.f32 v28, v12;
	v16 =	vld [tilespmem:s14+$0xD0]  }
0x2cf: {  	v22 =	vadd.s32 v25, v8;
	v18 =	vbroadcast v17, $0x0;
	[tilespmem:s14+$0x70] =	vst v19;
	v21 =	vmul.f32 v29, v12;
	v12 =	vld [tilespmem:s14+$0xE0]  }
0x2d0: {  	s4 =	sadd.s32 $0x7, s2;
	s2 =	sadd.s32 $0x8, s2;
	v23 =	vadd.s32 v27, v9;
	v19 =	vbroadcast v30, $0x0;
	[tilespmem:s14+$0x80] =	vst v28;
	v25 =	vmul.f32 v26, v11;
	v17 =	vld [tilespmem:s14+$0xF0]  }
0x2d1: {  	_ = 	snop  }
0x2d2: {  	v5 =	vld [tilespmem:s14+$0x100]  }
0x2d3: {  	v7 =	vld [tilespmem:s14+$0x110]  }
0x2d4: {  	v9 =	vld [tilespmem:s14+$0x120]  }
0x2d5: {  	v4 =	vmov s4;
	v13 =	vld.idx.msk [tilespmem:v13+s0+$0x0], $0xffff;
	v14 =	vmul.f32 v14, v11  }
0x2d6: {  	v6 =	vbroadcast v20, $0x0;
	v20 =	vbroadcast v23, $0x0;
	s2 =	sadd.s32 $0x280, s14;
	v4 =	vshrl.u32 v4, $0x3;
	v19 =	vld.idx.msk [tilespmem:v19+s0+$0x0], $0xffff  }
0x2d7: {  	v4 =	vshll.u32 v4, v1;
	[tilespmem:s14+$0xB0] =	vst v14;
	v14 =	vmul.f32 v16, v11;
	v16 =	vld [tilespmem:s2+$0xFFFFFED0]  }
0x2d8: {  	v3 =	vbroadcast v24, $0x0;
	v15 =	vmul.f32 v15, v11;
	v2 =	vadd.s32 v4, v2;
	v4 =	vld.idx.msk [tilespmem:v18+s0+$0x0], $0xffff  }
0x2d9: {  	v11 =	vmul.f32 v12, v11;
	v12 =	vld [tilespmem:s2+$0xFFFFFEE0];
	v18 =	vbroadcast v2, $0x0  }
0x2da: {  	[tilespmem:s14+$0xC0] =	vst v15;
	v15 =	vld [tilespmem:s2+$0xFFFFFEF0]  }
0x2db: {  	[tilespmem:s14+$0xD0] =	vst v14;
	v14 =	vmul.f32 v17, v10;
	v17 =	vld [tilespmem:s2+$0xFFFFFF40]  }
0x2dc: {  	v2 =	vld.idx.msk [tilespmem:v20+s0+$0x0], $0xffff  }
0x2dd: {  	[tilespmem:s14+$0x90] =	vst v21;
	v20 =	vld [tilespmem:s2+$0xFFFFFEC0]  }
0x2de: {  	v8 =	vbroadcast v22, $0x0;
	[tilespmem:s14+$0xA0] =	vst v25;
	v5 =	vmul.f32 v5, v10;
	v22 =	vld.idx.msk [tilespmem:v3+s0+$0x0], $0xffff  }
0x2df: {  	[tilespmem:s14+$0xE0] =	vst v11;
	v3 =	vld.idx.msk [tilespmem:v18+s0+$0x0], $0xffff  }
0x2e0: {  	[tilespmem:s14+$0x100] =	vst v5;
	v5 =	vmul.f32 v9, v10;
	v18 =	vld [tilespmem:s2+$0x130]  }
0x2e1: {  	v11 =	vld [tilespmem:s2+$0xFFFFFF00];
	v7 =	vmul.f32 v7, v10;
	[tilespmem:s14+$0xF0] =	vst v14  }
0x2e2: {  	v6 =	vld.idx.msk [tilespmem:v6+s0+$0x0], $0xffff;
	[tilespmem:s14+$0x120] =	vst v5;
	v5 =	vmul.f32 v20, v13  }
0x2e3: {  	v9 =	vld [tilespmem:s2+$0xFFFFFF20];
	[tilespmem:s14+$0x110] =	vst v7;
	v16 =	vmul.f32 v16, v13  }
0x2e4: {  	v10 =	vld [tilespmem:s2+$0xFFFFFF30];
	[tilespmem:s2+$0xFFFFFEC0] =	vst v5;
	v5 =	vmul.f32 v12, v13  }
0x2e5: {  	v8 =	vld.idx.msk [tilespmem:v8+s0+$0x0], $0xffff;
	[tilespmem:s2+$0xFFFFFED0] =	vst v16;
	v7 =	vmul.f32 v18, v3  }
0x2e6: {  	v14 =	vld [tilespmem:s2+$0xFFFFFF10];
	[tilespmem:s2+$0xFFFFFEE0] =	vst v5;
	v5 =	vmul.f32 v11, v13  }
0x2e7: {  	v15 =	vmul.f32 v15, v13;
	v12 =	vld [tilespmem:s2+$0xFFFFFF60];
	[tilespmem:s2+$0x130] =	vst v7  }
0x2e8: {  	v7 =	vld [tilespmem:s2+$0xFFFFFF50];
	[tilespmem:s2+$0xFFFFFF00] =	vst v5;
	v5 =	vmul.f32 v9, v4  }
0x2e9: {  	[tilespmem:s2+$0xFFFFFEF0] =	vst v15;
	v10 =	vmul.f32 v10, v4;
	v11 =	vld [tilespmem:s2+$0xFFFFFF80]  }
0x2ea: {  	v16 =	vld [tilespmem:s2+$0xFFFFFF70];
	[tilespmem:s2+$0xFFFFFF20] =	vst v5;
	v5 =	vmul.f32 v17, v4  }
0x2eb: {  	[tilespmem:s2+$0xFFFFFF30] =	vst v10;
	v13 =	vmul.f32 v14, v4;
	v9 =	vld [tilespmem:s2+$0xFFFFFFA0]  }
0x2ec: {  	v14 =	vld [tilespmem:s2+$0xFFFFFF90];
	[tilespmem:s2+$0xFFFFFF40] =	vst v5;
	v5 =	vmul.f32 v12, v19  }
0x2ed: {  	v15 =	vld [tilespmem:s2+$0xFFFFFFC0];
	[tilespmem:s2+$0xFFFFFF10] =	vst v13;
	v4 =	vmul.f32 v7, v4  }
0x2ee: {  	v13 =	vld [tilespmem:s2+$0xFFFFFFB0];
	[tilespmem:s2+$0xFFFFFF60] =	vst v5;
	v5 =	vmul.f32 v11, v19  }
0x2ef: {  	v10 =	vld [tilespmem:s2+$0xFFFFFFE0];
	[tilespmem:s2+$0xFFFFFF50] =	vst v4;
	v4 =	vmul.f32 v16, v19  }
0x2f0: {  	v7 =	vld [tilespmem:s2+$0xFFFFFFD0];
	[tilespmem:s2+$0xFFFFFF80] =	vst v5;
	v5 =	vmul.f32 v9, v19  }
0x2f1: {  	v11 =	vld [tilespmem:s2+$0x0];
	[tilespmem:s2+$0xFFFFFF70] =	vst v4;
	v4 =	vmul.f32 v14, v19  }
0x2f2: {  	v12 =	vld [tilespmem:s2+$0xFFFFFFF0];
	[tilespmem:s2+$0xFFFFFFA0] =	vst v5;
	v5 =	vmul.f32 v15, v22  }
0x2f3: {  	v9 =	vld [tilespmem:s2+$0x20];
	[tilespmem:s2+$0xFFFFFF90] =	vst v4;
	v4 =	vmul.f32 v13, v22  }
0x2f4: {  	v14 =	vld [tilespmem:s2+$0x10];
	[tilespmem:s2+$0xFFFFFFC0] =	vst v5;
	v5 =	vmul.f32 v10, v22  }
0x2f5: {  	v15 =	vld [tilespmem:s2+$0x40];
	[tilespmem:s2+$0xFFFFFFB0] =	vst v4;
	v4 =	vmul.f32 v7, v22  }
0x2f6: {  	v13 =	vld [tilespmem:s2+$0x30];
	[tilespmem:s2+$0xFFFFFFE0] =	vst v5;
	v5 =	vmul.f32 v11, v6  }
0x2f7: {  	v10 =	vld [tilespmem:s2+$0x60];
	[tilespmem:s2+$0xFFFFFFD0] =	vst v4;
	v4 =	vmul.f32 v12, v22  }
0x2f8: {  	v7 =	vld [tilespmem:s2+$0x50];
	[tilespmem:s2+$0x0] =	vst v5;
	v5 =	vmul.f32 v9, v6  }
0x2f9: {  	v11 =	vld [tilespmem:s2+$0x80];
	[tilespmem:s2+$0xFFFFFFF0] =	vst v4;
	v4 =	vmul.f32 v14, v6  }
0x2fa: {  	v12 =	vld [tilespmem:s2+$0x70];
	[tilespmem:s2+$0x20] =	vst v5;
	v5 =	vmul.f32 v15, v6  }
0x2fb: {  	v9 =	vld [tilespmem:s2+$0xA0];
	[tilespmem:s2+$0x10] =	vst v4;
	v4 =	vmul.f32 v13, v6  }
0x2fc: {  	v14 =	vld [tilespmem:s2+$0x90];
	[tilespmem:s2+$0x40] =	vst v5;
	v5 =	vmul.f32 v10, v8  }
0x2fd: {  	v10 =	vld [tilespmem:s2+$0xE0];
	[tilespmem:s2+$0x30] =	vst v4;
	v4 =	vmul.f32 v7, v8  }
0x2fe: {  	v6 =	vld [tilespmem:s2+$0xC0];
	[tilespmem:s2+$0x60] =	vst v5;
	v5 =	vmul.f32 v11, v8  }
0x2ff: {  	v7 =	vld [tilespmem:s2+$0xD0];
	[tilespmem:s2+$0x50] =	vst v4;
	v4 =	vmul.f32 v12, v8  }
0x300: {  	v13 =	vld [tilespmem:s2+$0xB0];
	[tilespmem:s2+$0x80] =	vst v5;
	v5 =	vmul.f32 v9, v2  }
0x301: {  	v11 =	vld [tilespmem:s2+$0x100];
	[tilespmem:s2+$0x70] =	vst v4;
	v4 =	vmul.f32 v14, v8  }
0x302: {  	v12 =	vld [tilespmem:s2+$0xF0];
	v10 =	vmul.f32 v10, v2;
	[tilespmem:s2+$0xA0] =	vst v5  }
0x303: {  	v9 =	vld [tilespmem:s2+$0x120];
	v5 =	vmul.f32 v6, v2;
	[tilespmem:s2+$0x90] =	vst v4  }
0x304: {  	s21 =	simm.s32 $0x5;
	v8 =	vld [tilespmem:s2+$0x110];
	v6 =	vmul.f32 v7, v2;
	[tilespmem:s2+$0xE0] =	vst v10  }
0x305: {  	v16 =	vmov s21;
	v4 =	vmul.f32 v13, v2;
	[tilespmem:s2+$0xC0] =	vst v5  }
0x306: {  	s14 =	sadd.s32 $0x1, s13;
	s13 =	simm.s32 $0x3;
	v16 =	vshrl.u32 v16, $0x3;
	v11 =	vmul.f32 v11, v3;
	[tilespmem:s2+$0xD0] =	vst v6  }
0x307: {  	v16 =	vshll.u32 v16, v1;
	v15 =	vmov s13;
	v12 =	vmul.f32 v12, v3;
	[tilespmem:s2+$0xB0] =	vst v4  }
0x308: {  	s22 =	simm.s32 $0x0;
	s12 =	smul.u32 $0x3C0, s10;
	v15 =	vshrl.u32 v15, $0x3;
	v7 =	vmov s14;
	v14 =	vmul.f32 v9, v3;
	[tilespmem:s2+$0x100] =	vst v11  }
0x309: {  	s7 =	simm.s32 $0x1;
	v2 =	vmul.u32 $0x50, v7;
	v10 =	vmov s22;
	v13 =	vmul.f32 v8, v3;
	[tilespmem:s2+$0xF0] =	vst v12  }
0x30a: {  	s13 =	sshra.s32 s12, $0x2;
	v15 =	vshll.u32 v15, v1;
	v10 =	vshrl.u32 v10, $0x3;
	v12 =	vmov s7;
	s7 =	simm.s32 $0x2;
	[tilespmem:s2+$0x120] =	vst v14  }
0x30b: {  	v4 =	vor.u32 $0x2, v2;
	v5 =	vor.u32 $0x3, v2;
	v11 =	vmov s7;
	s7 =	sadd.s32 $0x2710, s13;
	[tilespmem:s2+$0x110] =	vst v13  }
0x30c: {  	v10 =	vshll.u32 v10, v1;
	v3 =	vor.u32 $0x1, v2;
	v12 =	vshrl.u32 v12, $0x3;
	[spmem:s3] =	stream.indirect.scatter.add.f32 [tilespmem:s30], [sflag:$0x4], $0x50, s7, s31, $0xb8;
	[tilespmem:$0x1F8C0] =	vst v63  }
0x30d: {  	v10 =	vadd.s32 v2, v10;
	v11 =	vshrl.u32 v11, $0x3;
	v12 =	vshll.u32 v12, v1;
	_ =	swait.ge [sflag:s23], $0x1900  }
0x30e: {  	s15 =	simm.s32 $0x4;
	v10 =	vbroadcast v10, $0x0;
	v11 =	vshll.u32 v11, v1;
	v12 =	vadd.s32 v12, v3;
	[sflag:s23] =	ssyncset.done $0x0  }
0x30f: {  	s12 =	sadd.s32 $0xF0, s13;
	s22 =	simm.s32 $0x6;
	v8 =	vor.u32 $0x5, v2;
	v11 =	vadd.s32 v11, v4;
	v12 =	vbroadcast v12, $0x0;
	[sflag:s23] =	ssyncadd.s32 $0xFFFFE700  }
0x310: {  	v15 =	vadd.s32 v15, v5;
	v14 =	vmov s22;
	v11 =	vbroadcast v11, $0x0;
	[tilespmem:s30], [sflag:$0x1] =	stream.indirect.gather [hbm4b:s16+s31], $0x50, s12, s31, $0xb8;
	[tilespmem:$0x1F8C0] =	vst v63  }
0x311: {  	v15 =	vbroadcast v15, $0x0;
	v16 =	vadd.s32 v16, v8;
	v13 =	vmov s15;
	s15 =	simm.s32 $0x7;
	_ =	swait.ge [sflag:s5], $0x1900  }
0x312: {  	v14 =	vshrl.u32 v14, $0x3;
	v16 =	vbroadcast v16, $0x0;
	v17 =	vmov s15;
	[sflag:s5] =	ssyncset.done $0x0  }
0x313: {  	v9 =	vor.u32 $0x6, v2;
	v14 =	vshll.u32 v14, v1;
	v17 =	vshrl.u32 v17, $0x3;
	[sflag:s5] =	ssyncadd.s32 $0xFFFFE700  }
0x314: {  	v6 =	vor.u32 $0x7, v2;
	v14 =	vadd.s32 v14, v9;
	v17 =	vshll.u32 v17, v1;
	v18 =	vld.idx.msk [tilespmem:v10+s0+$0x0], $0xffff  }
0x315: {  	v10 =	vbroadcast v14, $0x0;
	v14 =	vadd.s32 v17, v6;
	v17 =	vld.idx.msk [tilespmem:v12+s0+$0x0], $0xffff  }
0x316: {  	v19 =	vld.idx.msk [tilespmem:v11+s0+$0x0], $0xffff;
	v14 =	vbroadcast v14, $0x0  }
0x317: {  	v15 =	vld.idx.msk [tilespmem:v15+s0+$0x0], $0xffff  }
0x318: {  	s15 =	simm.s32 $0x104B0;
	v12 =	vld.idx.msk [tilespmem:v16+s0+$0x0], $0xffff  }
0x319: {  	v16 =	vld [tilespmem:s15+$0xFFFFFEC0]  }
0x31a: {  	v13 =	vshrl.u32 v13, $0x3;
	v20 =	vld [tilespmem:s15+$0xFFFFFED0]  }
0x31b: {  	v7 =	vor.u32 $0x4, v2;
	v13 =	vshll.u32 v13, v1;
	v11 =	vld.idx.msk [tilespmem:v10+s0+$0x0], $0xffff  }
0x31c: {  	v13 =	vadd.s32 v13, v7;
	v10 =	vld.idx.msk [tilespmem:v14+s0+$0x0], $0xffff  }
0x31d: {  	v13 =	vbroadcast v13, $0x0;
	v14 =	vld [tilespmem:s15+$0x130]  }
0x31e: {  	v21 =	vld [tilespmem:s15+$0xFFFFFEE0]  }
0x31f: {  	v22 =	vld [tilespmem:s15+$0xFFFFFEF0]  }
0x320: {  	v23 =	vld [tilespmem:s15+$0xFFFFFF00]  }
0x321: {  	v24 =	vld [tilespmem:s15+$0xFFFFFF10];
	v16 =	vmul.f32 v16, v18  }
0x322: {  	v25 =	vld [tilespmem:s15+$0xFFFFFF20];
	v14 =	vmul.f32 v14, v10  }
0x323: {  	v13 =	vld.idx.msk [tilespmem:v13+s0+$0x0], $0xffff;
	v20 =	vmul.f32 v20, v18;
	[tilespmem:s15+$0xFFFFFEC0] =	vst v16  }
0x324: {  	v16 =	vld [tilespmem:s15+$0xFFFFFF30];
	[tilespmem:s15+$0x130] =	vst v14;
	v14 =	vmul.f32 v21, v18  }
0x325: {  	[tilespmem:s15+$0xFFFFFED0] =	vst v20;
	v20 =	vmul.f32 v22, v18;
	v21 =	vld [tilespmem:s15+$0xFFFFFF40]  }
0x326: {  	[tilespmem:s15+$0xFFFFFEE0] =	vst v14;
	v14 =	vmul.f32 v23, v18;
	v18 =	vld [tilespmem:s15+$0xFFFFFF50]  }
0x327: {  	v22 =	vld [tilespmem:s15+$0xFFFFFF60];
	[tilespmem:s15+$0xFFFFFEF0] =	vst v20;
	v20 =	vmul.f32 v24, v17  }
0x328: {  	v23 =	vld [tilespmem:s15+$0xFFFFFF70];
	[tilespmem:s15+$0xFFFFFF00] =	vst v14;
	v14 =	vmul.f32 v25, v17  }
0x329: {  	[tilespmem:s15+$0xFFFFFF10] =	vst v20;
	v20 =	vld [tilespmem:s15+$0xFFFFFF80];
	v16 =	vmul.f32 v16, v17  }
0x32a: {  	[tilespmem:s15+$0xFFFFFF20] =	vst v14;
	v14 =	vmul.f32 v21, v17;
	v21 =	vld [tilespmem:s15+$0xFFFFFF90]  }
0x32b: {  	[tilespmem:s15+$0xFFFFFF30] =	vst v16;
	v16 =	vmul.f32 v18, v17;
	v17 =	vld [tilespmem:s15+$0xFFFFFFA0]  }
0x32c: {  	v18 =	vld [tilespmem:s15+$0xFFFFFFB0];
	[tilespmem:s15+$0xFFFFFF40] =	vst v14;
	v14 =	vmul.f32 v22, v19  }
0x32d: {  	v22 =	vld [tilespmem:s15+$0xFFFFFFC0];
	[tilespmem:s15+$0xFFFFFF50] =	vst v16;
	v16 =	vmul.f32 v23, v19  }
0x32e: {  	[tilespmem:s15+$0xFFFFFF60] =	vst v14;
	v14 =	vmul.f32 v20, v19;
	v20 =	vld [tilespmem:s15+$0xFFFFFFD0]  }
0x32f: {  	[tilespmem:s15+$0xFFFFFF70] =	vst v16;
	v16 =	vmul.f32 v21, v19;
	v21 =	vld [tilespmem:s15+$0xFFFFFFE0]  }
0x330: {  	s12 =	simm.s32 $0xC;
	[tilespmem:s15+$0xFFFFFF80] =	vst v14;
	v14 =	vmul.f32 v17, v19;
	v17 =	vld [tilespmem:s15+$0xFFFFFFF0]  }
0x331: {  	s4 =	simm.s32 $0xA;
	s7 =	simm.s32 $0xB;
	v26 =	vmov s12;
	[tilespmem:s15+$0xFFFFFF90] =	vst v16;
	v16 =	vmul.f32 v18, v15;
	v18 =	vld [tilespmem:s15+$0x0]  }
0x332: {  	s21 =	simm.s32 $0x8;
	s22 =	simm.s32 $0x9;
	v24 =	vmov s4;
	v25 =	vmov s7;
	[tilespmem:s15+$0xFFFFFFA0] =	vst v14;
	v14 =	vmul.f32 v22, v15;
	v22 =	vld [tilespmem:s15+$0x10]  }
0x333: {  	v23 =	vmov s22;
	s22 =	simm.s32 $0xE;
	v19 =	vmov s21;
	[tilespmem:s15+$0xFFFFFFB0] =	vst v16;
	v16 =	vmul.f32 v20, v15;
	v20 =	vld [tilespmem:s15+$0x20]  }
0x334: {  	v28 =	vmov s22;
	s21 =	simm.s32 $0xD;
	v19 =	vshrl.u32 v19, $0x3;
	[tilespmem:s15+$0xFFFFFFC0] =	vst v14;
	v14 =	vmul.f32 v21, v15;
	v21 =	vld [tilespmem:s15+$0x30]  }
0x335: {  	v27 =	vmov s21;
	v19 =	vshll.u32 v19, v1;
	[tilespmem:s15+$0xFFFFFFD0] =	vst v16;
	v15 =	vmul.f32 v17, v15;
	v16 =	vld [tilespmem:s15+$0x40]  }
0x336: {  	v19 =	vadd.s32 v2, v19;
	v17 =	vshrl.u32 v23, $0x3;
	[tilespmem:s15+$0xFFFFFFE0] =	vst v14;
	v14 =	vmul.f32 v18, v13;
	v18 =	vld [tilespmem:s15+$0x50]  }
0x337: {  	v23 =	vshrl.u32 v24, $0x3;
	v24 =	vshrl.u32 v25, $0x3;
	[tilespmem:s15+$0xFFFFFFF0] =	vst v15;
	v15 =	vmul.f32 v22, v13;
	v22 =	vld [tilespmem:s15+$0x60]  }
0x338: {  	v25 =	vshrl.u32 v26, $0x3;
	v26 =	vshrl.u32 v27, $0x3;
	[tilespmem:s15+$0x0] =	vst v14;
	v14 =	vmul.f32 v20, v13;
	v20 =	vld [tilespmem:s15+$0x70]  }
0x339: {  	v27 =	vshrl.u32 v28, $0x3;
	v17 =	vshll.u32 v17, v1;
	[tilespmem:s15+$0x10] =	vst v15;
	v15 =	vmul.f32 v21, v13;
	v21 =	vld [tilespmem:s15+$0x80]  }
0x33a: {  	v63 =	vld [tilespmem:s15+$0x90];
	v23 =	vshll.u32 v23, v1;
	v24 =	vshll.u32 v24, v1;
	[tilespmem:s15+$0x20] =	vst v14;
	v14 =	vmul.f32 v16, v13  }
0x33b: {  	v16 =	vshll.u32 v25, v1;
	v25 =	vshll.u32 v26, v1;
	v26 =	vld [tilespmem:s15+$0xA0];
	[tilespmem:s15+$0x30] =	vst v15;
	v15 =	vmul.f32 v18, v12  }
0x33c: {  	v27 =	vshll.u32 v27, v1;
	v17 =	vadd.s32 v17, v3;
	[tilespmem:s15+$0x40] =	vst v14;
	v18 =	vmul.f32 v22, v12;
	v14 =	vld [tilespmem:s15+$0xB0]  }
0x33d: {  	v13 =	vbroadcast v19, $0x0;
	v19 =	vadd.s32 v23, v4;
	[tilespmem:s15+$0x50] =	vst v15;
	v23 =	vmul.f32 v20, v12;
	v15 =	vld [tilespmem:s15+$0xC0]  }
0x33e: {  	v19 =	vbroadcast v19, $0x0;
	v20 =	vadd.s32 v16, v7;
	v16 =	vld [tilespmem:s15+$0xD0];
	[tilespmem:s15+$0x60] =	vst v18;
	v29 =	vmul.f32 v21, v12  }
0x33f: {  	v24 =	vadd.s32 v24, v5;
	v18 =	vbroadcast v17, $0x0;
	v21 =	vmul.f32 v63, v12;
	v12 =	vld [tilespmem:s15+$0xE0];
	[tilespmem:s15+$0x70] =	vst v23  }
0x340: {  	s2 =	simm.s32 $0x10;
	s4 =	simm.s32 $0xF;
	v22 =	vadd.s32 v25, v8;
	v17 =	vld [tilespmem:s15+$0xF0];
	v23 =	vadd.s32 v27, v9;
	v25 =	vmul.f32 v26, v11;
	[tilespmem:s15+$0x80] =	vst v29  }
.LBB2_9:
0x341: {  	p0 =	slt.u32 s2, $0x48;
	v24 =	vbroadcast v24, $0x0;
	v26 =	vmov s4;
	[tilespmem:s15+$0x90] =	vst v21;
	v14 =	vmul.f32 v14, v11;
	v21 =	vld [tilespmem:s15+$0x100]  }
0x342: {  	v20 =	vbroadcast v20, $0x0;
	v26 =	vshrl.u32 v26, $0x3;
	[tilespmem:s15+$0xA0] =	vst v25;
	v15 =	vmul.f32 v15, v11;
	v25 =	vld [tilespmem:s15+$0x110]  }
0x343: {  	v22 =	vbroadcast v22, $0x0;
	v26 =	vshll.u32 v26, v1;
	[tilespmem:s15+$0xB0] =	vst v14;
	v14 =	vmul.f32 v16, v11;
	v16 =	vld [tilespmem:s15+$0x120]  }
0x344: {  	v23 =	vbroadcast v23, $0x0;
	v27 =	vld.idx.msk [tilespmem:v13+s0+$0x0], $0xffff;
	v13 =	vadd.s32 v26, v6;
	[tilespmem:s15+$0xC0] =	vst v15;
	v11 =	vmul.f32 v12, v11  }
0x345: {  	v15 =	vld.idx.msk [tilespmem:v18+s0+$0x0], $0xffff;
	v18 =	vbroadcast v13, $0x0;
	[tilespmem:s15+$0xD0] =	vst v14;
	v12 =	vmul.f32 v17, v10  }
0x346: {  	v14 =	vld.idx.msk [tilespmem:v19+s0+$0x0], $0xffff;
	[tilespmem:s15+$0xE0] =	vst v11;
	v11 =	vmul.f32 v21, v10  }
0x347: {  	v17 =	vld.idx.msk [tilespmem:v24+s0+$0x0], $0xffff;
	[tilespmem:s15+$0xF0] =	vst v12;
	v19 =	vmul.f32 v25, v10  }
0x348: {  	v13 =	vld.idx.msk [tilespmem:v20+s0+$0x0], $0xffff;
	[tilespmem:s15+$0x100] =	vst v11;
	v10 =	vmul.f32 v16, v10  }
0x349: {  	v12 =	vld.idx.msk [tilespmem:v22+s0+$0x0], $0xffff;
	[tilespmem:s15+$0x110] =	vst v19  }
0x34a: {  	v11 =	vld.idx.msk [tilespmem:v23+s0+$0x0], $0xffff;
	[tilespmem:s15+$0x120] =	vst v10  }
0x34b: {  	s15 =	sadd.s32 $0x280, s15;
	v10 =	vld.idx.msk [tilespmem:v18+s0+$0x0], $0xffff  }
0x34c: {  	v16 =	vld [tilespmem:s15+$0x130]  }
0x34d: {  	v18 =	vld [tilespmem:s15+$0xFFFFFEC0]  }
0x34e: {  	v19 =	vld [tilespmem:s15+$0xFFFFFED0]  }
0x34f: {  	v20 =	vld [tilespmem:s15+$0xFFFFFEE0]  }
0x350: {  	v21 =	vld [tilespmem:s15+$0xFFFFFEF0]  }
0x351: {  	v22 =	vld [tilespmem:s15+$0xFFFFFF00];
	v16 =	vmul.f32 v16, v10  }
0x352: {  	v18 =	vmul.f32 v18, v27;
	v23 =	vld [tilespmem:s15+$0xFFFFFF10]  }
0x353: {  	v19 =	vmul.f32 v19, v27;
	v24 =	vld [tilespmem:s15+$0xFFFFFF20];
	[tilespmem:s15+$0x130] =	vst v16  }
0x354: {  	[tilespmem:s15+$0xFFFFFEC0] =	vst v18;
	v16 =	vmul.f32 v20, v27;
	v18 =	vld [tilespmem:s15+$0xFFFFFF30]  }
0x355: {  	[tilespmem:s15+$0xFFFFFED0] =	vst v19;
	v19 =	vmul.f32 v21, v27;
	v20 =	vld [tilespmem:s15+$0xFFFFFF40]  }
0x356: {  	[tilespmem:s15+$0xFFFFFEE0] =	vst v16;
	v16 =	vmul.f32 v22, v27;
	v21 =	vld [tilespmem:s15+$0xFFFFFF50]  }
0x357: {  	[tilespmem:s15+$0xFFFFFEF0] =	vst v19;
	v19 =	vmul.f32 v23, v15;
	v22 =	vld [tilespmem:s15+$0xFFFFFF60]  }
0x358: {  	[tilespmem:s15+$0xFFFFFF00] =	vst v16;
	v16 =	vmul.f32 v24, v15;
	v23 =	vld [tilespmem:s15+$0xFFFFFF70]  }
0x359: {  	[tilespmem:s15+$0xFFFFFF10] =	vst v19;
	v18 =	vmul.f32 v18, v15;
	v19 =	vld [tilespmem:s15+$0xFFFFFF80]  }
0x35a: {  	[tilespmem:s15+$0xFFFFFF20] =	vst v16;
	v16 =	vmul.f32 v20, v15;
	v20 =	vld [tilespmem:s15+$0xFFFFFF90]  }
0x35b: {  	[tilespmem:s15+$0xFFFFFF30] =	vst v18;
	v15 =	vmul.f32 v21, v15;
	v18 =	vld [tilespmem:s15+$0xFFFFFFA0]  }
0x35c: {  	[tilespmem:s15+$0xFFFFFF40] =	vst v16;
	v16 =	vmul.f32 v22, v14;
	v21 =	vld [tilespmem:s15+$0xFFFFFFB0]  }
0x35d: {  	[tilespmem:s15+$0xFFFFFF50] =	vst v15;
	v15 =	vmul.f32 v23, v14;
	v22 =	vld [tilespmem:s15+$0xFFFFFFC0]  }
0x35e: {  	[tilespmem:s15+$0xFFFFFF60] =	vst v16;
	v16 =	vmul.f32 v19, v14;
	v19 =	vld [tilespmem:s15+$0xFFFFFFD0]  }
0x35f: {  	[tilespmem:s15+$0xFFFFFF70] =	vst v15;
	v15 =	vmul.f32 v20, v14;
	v20 =	vld [tilespmem:s15+$0xFFFFFFE0]  }
0x360: {  	[tilespmem:s15+$0xFFFFFF80] =	vst v16;
	v14 =	vmul.f32 v18, v14;
	v16 =	vld [tilespmem:s15+$0xFFFFFFF0]  }
0x361: {  	s4 =	sadd.s32 $0x1, s2;
	v18 =	vmov s2;
	[tilespmem:s15+$0xFFFFFF90] =	vst v15;
	v15 =	vmul.f32 v21, v17;
	v21 =	vld [tilespmem:s15+$0x0]  }
0x362: {  	s7 =	sadd.s32 $0x3, s2;
	v23 =	vmov s4;
	s4 =	sadd.s32 $0x2, s2;
	v18 =	vshrl.u32 v18, $0x3;
	[tilespmem:s15+$0xFFFFFFA0] =	vst v14;
	v14 =	vmul.f32 v22, v17;
	v22 =	vld [tilespmem:s15+$0x10]  }
0x363: {  	v25 =	vmov s7;
	s7 =	sadd.s32 $0x5, s2;
	v24 =	vmov s4;
	s4 =	sadd.s32 $0x4, s2;
	[tilespmem:s15+$0xFFFFFFB0] =	vst v15;
	v15 =	vmul.f32 v19, v17;
	v19 =	vld [tilespmem:s15+$0x20]  }
0x364: {  	v27 =	vmov s7;
	v26 =	vmov s4;
	s4 =	sadd.s32 $0x6, s2;
	[tilespmem:s15+$0xFFFFFFC0] =	vst v14;
	v14 =	vmul.f32 v20, v17;
	v20 =	vld [tilespmem:s15+$0x30]  }
0x365: {  	v28 =	vmov s4;
	v18 =	vshll.u32 v18, v1;
	[tilespmem:s15+$0xFFFFFFD0] =	vst v15;
	v15 =	vmul.f32 v16, v17;
	v16 =	vld [tilespmem:s15+$0x40]  }
0x366: {  	v17 =	vshrl.u32 v23, $0x3;
	v23 =	vshrl.u32 v24, $0x3;
	[tilespmem:s15+$0xFFFFFFE0] =	vst v14;
	v14 =	vmul.f32 v21, v13;
	v21 =	vld [tilespmem:s15+$0x50]  }
0x367: {  	v24 =	vshrl.u32 v25, $0x3;
	v25 =	vshrl.u32 v26, $0x3;
	[tilespmem:s15+$0xFFFFFFF0] =	vst v15;
	v15 =	vmul.f32 v22, v13;
	v22 =	vld [tilespmem:s15+$0x60]  }
0x368: {  	v26 =	vshrl.u32 v27, $0x3;
	v27 =	vshrl.u32 v28, $0x3;
	[tilespmem:s15+$0x0] =	vst v14;
	v14 =	vmul.f32 v19, v13;
	v19 =	vld [tilespmem:s15+$0x70]  }
0x369: {  	v18 =	vadd.s32 v2, v18;
	v17 =	vshll.u32 v17, v1;
	[tilespmem:s15+$0x10] =	vst v15;
	v15 =	vmul.f32 v20, v13;
	v28 =	vld [tilespmem:s15+$0x80]  }
0x36a: {  	v20 =	vshll.u32 v23, v1;
	v23 =	vshll.u32 v24, v1;
	[tilespmem:s15+$0x20] =	vst v14;
	v14 =	vmul.f32 v16, v13;
	v29 =	vld [tilespmem:s15+$0x90]  }
0x36b: {  	v16 =	vshll.u32 v25, v1;
	v25 =	vshll.u32 v26, v1;
	[tilespmem:s15+$0x30] =	vst v15;
	v15 =	vmul.f32 v21, v12;
	v26 =	vld [tilespmem:s15+$0xA0]  }
.Ltmp3:
0x36c: {  	v27 =	vshll.u32 v27, v1;
	v13 =	vbroadcast v18, $0x0;
	[tilespmem:s15+$0x40] =	vst v14;
	v18 =	vmul.f32 v22, v12;
	v14 =	vld [tilespmem:s15+$0xB0];
	(pc) =	sbr.rel @p0 .LBB2_9-.Ltmp3, $4  }
0x36d: {  	v17 =	vadd.s32 v17, v3;
	v30 =	vadd.s32 v20, v4;
	[tilespmem:s15+$0x50] =	vst v15;
	v19 =	vmul.f32 v19, v12;
	v15 =	vld [tilespmem:s15+$0xC0]  }
0x36e: {  	v24 =	vadd.s32 v23, v5;
	v20 =	vadd.s32 v16, v7;
	[tilespmem:s15+$0x60] =	vst v18;
	v28 =	vmul.f32 v28, v12;
	v16 =	vld [tilespmem:s15+$0xD0]  }
0x36f: {  	v22 =	vadd.s32 v25, v8;
	v18 =	vbroadcast v17, $0x0;
	[tilespmem:s15+$0x70] =	vst v19;
	v21 =	vmul.f32 v29, v12;
	v12 =	vld [tilespmem:s15+$0xE0]  }
0x370: {  	s4 =	sadd.s32 $0x7, s2;
	s2 =	sadd.s32 $0x8, s2;
	v23 =	vadd.s32 v27, v9;
	v19 =	vbroadcast v30, $0x0;
	[tilespmem:s15+$0x80] =	vst v28;
	v25 =	vmul.f32 v26, v11;
	v17 =	vld [tilespmem:s15+$0xF0]  }
0x371: {  	_ = 	snop  }
0x372: {  	v4 =	vld [tilespmem:s15+$0x100]  }
0x373: {  	v7 =	vld [tilespmem:s15+$0x110]  }
0x374: {  	v9 =	vld [tilespmem:s15+$0x120]  }
0x375: {  	v3 =	vmov s4;
	v13 =	vld.idx.msk [tilespmem:v13+s0+$0x0], $0xffff;
	s2 =	sadd.s32 $0x280, s15;
	v14 =	vmul.f32 v14, v11  }
0x376: {  	[tilespmem:s15+$0x90] =	vst v21;
	v3 =	vshrl.u32 v3, $0x3;
	v21 =	vld [tilespmem:s2+$0xFFFFFEC0]  }
0x377: {  	v3 =	vshll.u32 v3, v1;
	[tilespmem:s15+$0xB0] =	vst v14;
	v14 =	vmul.f32 v16, v11;
	v16 =	vld [tilespmem:s2+$0xFFFFFED0]  }
0x378: {  	v2 =	vbroadcast v24, $0x0;
	v5 =	vbroadcast v20, $0x0;
	v3 =	vadd.s32 v3, v6;
	v6 =	vld.idx.msk [tilespmem:v18+s0+$0x0], $0xffff  }
0x379: {  	v20 =	vbroadcast v23, $0x0;
	v15 =	vmul.f32 v15, v11;
	v18 =	vld.idx.msk [tilespmem:v19+s0+$0x0], $0xffff  }
0x37a: {  	v11 =	vmul.f32 v12, v11;
	v12 =	vld [tilespmem:s2+$0xFFFFFEE0]  }
0x37b: {  	[tilespmem:s15+$0xC0] =	vst v15;
	v15 =	vld [tilespmem:s2+$0xFFFFFEF0];
	v3 =	vbroadcast v3, $0x0  }
0x37c: {  	[tilespmem:s15+$0xD0] =	vst v14;
	v14 =	vmul.f32 v17, v10;
	v17 =	vld [tilespmem:s2+$0xFFFFFF40]  }
0x37d: {  	[tilespmem:s15+$0xE0] =	vst v11;
	v4 =	vmul.f32 v4, v10;
	v11 =	vld [tilespmem:s2+$0xFFFFFF00]  }
0x37e: {  	v8 =	vbroadcast v22, $0x0;
	v19 =	vld.idx.msk [tilespmem:v2+s0+$0x0], $0xffff  }
0x37f: {  	v2 =	vld.idx.msk [tilespmem:v20+s0+$0x0], $0xffff;
	[tilespmem:s15+$0x100] =	vst v4;
	v4 =	vmul.f32 v9, v10  }
0x380: {  	[tilespmem:s15+$0xA0] =	vst v25;
	v20 =	vld [tilespmem:s2+$0x130]  }
0x381: {  	[tilespmem:s15+$0x120] =	vst v4;
	v4 =	vmul.f32 v21, v13;
	v3 =	vld.idx.msk [tilespmem:v3+s0+$0x0], $0xffff  }
0x382: {  	v7 =	vmul.f32 v7, v10;
	[tilespmem:s15+$0xF0] =	vst v14;
	v9 =	vld [tilespmem:s2+$0xFFFFFF20]  }
0x383: {  	v5 =	vld.idx.msk [tilespmem:v5+s0+$0x0], $0xffff;
	[tilespmem:s2+$0xFFFFFEC0] =	vst v4;
	v4 =	vmul.f32 v12, v13  }
0x384: {  	v8 =	vld.idx.msk [tilespmem:v8+s0+$0x0], $0xffff;
	[tilespmem:s15+$0x110] =	vst v7;
	v16 =	vmul.f32 v16, v13  }
0x385: {  	v10 =	vld [tilespmem:s2+$0xFFFFFF30];
	[tilespmem:s2+$0xFFFFFEE0] =	vst v4;
	v4 =	vmul.f32 v11, v13  }
0x386: {  	[tilespmem:s2+$0xFFFFFED0] =	vst v16;
	v12 =	vld [tilespmem:s2+$0xFFFFFF60];
	v7 =	vmul.f32 v20, v3  }
0x387: {  	v14 =	vld [tilespmem:s2+$0xFFFFFF10];
	[tilespmem:s2+$0xFFFFFF00] =	vst v4;
	v4 =	vmul.f32 v9, v6  }
0x388: {  	v15 =	vmul.f32 v15, v13;
	v11 =	vld [tilespmem:s2+$0xFFFFFF80];
	[tilespmem:s2+$0x130] =	vst v7  }
0x389: {  	v7 =	vld [tilespmem:s2+$0xFFFFFF50];
	[tilespmem:s2+$0xFFFFFF20] =	vst v4;
	v4 =	vmul.f32 v17, v6  }
0x38a: {  	[tilespmem:s2+$0xFFFFFEF0] =	vst v15;
	v10 =	vmul.f32 v10, v6;
	v9 =	vld [tilespmem:s2+$0xFFFFFFA0]  }
0x38b: {  	v16 =	vld [tilespmem:s2+$0xFFFFFF70];
	[tilespmem:s2+$0xFFFFFF40] =	vst v4;
	v4 =	vmul.f32 v12, v18  }
0x38c: {  	v15 =	vld [tilespmem:s2+$0xFFFFFFC0];
	v13 =	vmul.f32 v14, v6;
	[tilespmem:s2+$0xFFFFFF30] =	vst v10  }
0x38d: {  	v14 =	vld [tilespmem:s2+$0xFFFFFF90];
	[tilespmem:s2+$0xFFFFFF60] =	vst v4;
	v4 =	vmul.f32 v11, v18  }
0x38e: {  	v10 =	vld [tilespmem:s2+$0xFFFFFFE0];
	[tilespmem:s2+$0xFFFFFF10] =	vst v13;
	v6 =	vmul.f32 v7, v6  }
0x38f: {  	v13 =	vld [tilespmem:s2+$0xFFFFFFB0];
	[tilespmem:s2+$0xFFFFFF80] =	vst v4;
	v4 =	vmul.f32 v9, v18  }
0x390: {  	v11 =	vld [tilespmem:s2+$0x0];
	[tilespmem:s2+$0xFFFFFF50] =	vst v6;
	v6 =	vmul.f32 v16, v18  }
0x391: {  	v7 =	vld [tilespmem:s2+$0xFFFFFFD0];
	[tilespmem:s2+$0xFFFFFFA0] =	vst v4;
	v4 =	vmul.f32 v15, v19  }
0x392: {  	v9 =	vld [tilespmem:s2+$0x20];
	[tilespmem:s2+$0xFFFFFF70] =	vst v6;
	v6 =	vmul.f32 v14, v18  }
0x393: {  	v12 =	vld [tilespmem:s2+$0xFFFFFFF0];
	[tilespmem:s2+$0xFFFFFFC0] =	vst v4;
	v4 =	vmul.f32 v10, v19  }
0x394: {  	v15 =	vld [tilespmem:s2+$0x40];
	[tilespmem:s2+$0xFFFFFF90] =	vst v6;
	v6 =	vmul.f32 v13, v19  }
0x395: {  	v14 =	vld [tilespmem:s2+$0x10];
	[tilespmem:s2+$0xFFFFFFE0] =	vst v4;
	v4 =	vmul.f32 v11, v5  }
0x396: {  	v10 =	vld [tilespmem:s2+$0x60];
	[tilespmem:s2+$0xFFFFFFB0] =	vst v6;
	v6 =	vmul.f32 v7, v19  }
0x397: {  	v13 =	vld [tilespmem:s2+$0x30];
	[tilespmem:s2+$0x0] =	vst v4;
	v4 =	vmul.f32 v9, v5  }
0x398: {  	v11 =	vld [tilespmem:s2+$0x80];
	[tilespmem:s2+$0xFFFFFFD0] =	vst v6;
	v6 =	vmul.f32 v12, v19  }
0x399: {  	v7 =	vld [tilespmem:s2+$0x50];
	[tilespmem:s2+$0x20] =	vst v4;
	v4 =	vmul.f32 v15, v5  }
0x39a: {  	v9 =	vld [tilespmem:s2+$0xA0];
	[tilespmem:s2+$0xFFFFFFF0] =	vst v6;
	v6 =	vmul.f32 v14, v5  }
0x39b: {  	v12 =	vld [tilespmem:s2+$0x70];
	[tilespmem:s2+$0x40] =	vst v4;
	v4 =	vmul.f32 v10, v8  }
0x39c: {  	[tilespmem:s2+$0x10] =	vst v6;
	v6 =	vmul.f32 v13, v5;
	v5 =	vld [tilespmem:s2+$0xC0]  }
0x39d: {  	v14 =	vld [tilespmem:s2+$0x90];
	[tilespmem:s2+$0x60] =	vst v4;
	v4 =	vmul.f32 v11, v8  }
0x39e: {  	v11 =	vld [tilespmem:s2+$0x100];
	[tilespmem:s2+$0x30] =	vst v6;
	v6 =	vmul.f32 v7, v8  }
0x39f: {  	v7 =	vld [tilespmem:s2+$0xD0];
	[tilespmem:s2+$0x80] =	vst v4;
	v4 =	vmul.f32 v9, v2  }
0x3a0: {  	v13 =	vld [tilespmem:s2+$0xB0];
	[tilespmem:s2+$0x50] =	vst v6;
	v6 =	vmul.f32 v12, v8  }
0x3a1: {  	s12 =	smul.u32 $0x140, s14;
	s14 =	simm.s32 $0x3;
	v9 =	vld [tilespmem:s2+$0x120];
	[tilespmem:s2+$0xA0] =	vst v4;
	v4 =	vmul.f32 v5, v2  }
0x3a2: {  	v15 =	vmov s14;
	v10 =	vld [tilespmem:s2+$0xE0];
	[tilespmem:s2+$0x70] =	vst v6;
	v6 =	vmul.f32 v14, v8  }
0x3a3: {  	v15 =	vshrl.u32 v15, $0x3;
	v12 =	vld [tilespmem:s2+$0xF0];
	v11 =	vmul.f32 v11, v3;
	[tilespmem:s2+$0xC0] =	vst v4  }
0x3a4: {  	s7 =	simm.s32 $0x1;
	v15 =	vshll.u32 v15, v1;
	v8 =	vld [tilespmem:s2+$0x110];
	v5 =	vmul.f32 v7, v2;
	[tilespmem:s2+$0x90] =	vst v6  }
0x3a5: {  	v14 =	vmov s7;
	s7 =	simm.s32 $0x2;
	v7 =	vmov s20;
	v6 =	vmul.f32 v13, v2;
	[tilespmem:s2+$0x100] =	vst v11  }
0x3a6: {  	s20 =	simm.s32 $0x5;
	v14 =	vshrl.u32 v14, $0x3;
	v13 =	vmul.f32 v9, v3;
	v11 =	vmov s7;
	[tilespmem:s2+$0xD0] =	vst v5  }
0x3a7: {  	v16 =	vmov s20;
	v14 =	vshll.u32 v14, v1;
	[tilespmem:s2+$0xB0] =	vst v6;
	v6 =	vmul.f32 v10, v2  }
0x3a8: {  	s7 =	simm.s32 $0x7;
	v11 =	vshrl.u32 v11, $0x3;
	v16 =	vshrl.u32 v16, $0x3;
	v10 =	vmul.f32 v12, v3;
	[tilespmem:s2+$0x120] =	vst v13  }
0x3a9: {  	s22 =	simm.s32 $0x0;
	s21 =	simm.s32 $0x6;
	v17 =	vmov s7;
	v2 =	vmul.u32 $0x50, v7;
	v12 =	vmul.f32 v8, v3;
	[tilespmem:s2+$0xE0] =	vst v6  }
0x3aa: {  	s12 =	sshra.s32 s12, $0x2;
	v13 =	vmov s21;
	v11 =	vshll.u32 v11, v1;
	[tilespmem:s2+$0xF0] =	vst v10;
	v10 =	vmov s22  }
0x3ab: {  	v16 =	vshll.u32 v16, v1;
	v17 =	vshrl.u32 v17, $0x3;
	s22 =	sadd.s32 $0x2710, s12;
	[tilespmem:s2+$0x110] =	vst v12;
	v10 =	vshrl.u32 v10, $0x3  }
0x3ac: {  	v3 =	vor.u32 $0x1, v2;
	v4 =	vor.u32 $0x2, v2;
	v10 =	vshll.u32 v10, v1;
	[spmem:s3] =	stream.indirect.scatter.add.f32 [tilespmem:s1], [sflag:$0x4], $0x50, s22, s31, $0xb8;
	[tilespmem:$0x1F8C0] =	vst v63  }
0x3ad: {  	s15 =	simm.s32 $0x4;
	v5 =	vor.u32 $0x3, v2;
	v6 =	vor.u32 $0x4, v2;
	_ =	swait.ge [sflag:s23], $0x1900;
	v10 =	vadd.s32 v2, v10  }
0x3ae: {  	v12 =	vmov s15;
	v14 =	vadd.s32 v14, v3;
	[sflag:s23] =	ssyncset.done $0x0;
	v10 =	vbroadcast v10, $0x0  }
0x3af: {  	s4 =	sadd.s32 $0x140, s13;
	v11 =	vadd.s32 v11, v4;
	v12 =	vshrl.u32 v12, $0x3;
	v14 =	vbroadcast v14, $0x0;
	[sflag:s23] =	ssyncadd.s32 $0xFFFFE700  }
0x3b0: {  	v15 =	vadd.s32 v15, v5;
	v11 =	vbroadcast v11, $0x0;
	v12 =	vshll.u32 v12, v1;
	[tilespmem:s1], [sflag:$0x2] =	stream.indirect.gather [hbm4b:s16+s31], $0x50, s4, s31, $0xb8;
	[tilespmem:$0x1F8C0] =	vst v63  }
0x3b1: {  	v7 =	vor.u32 $0x5, v2;
	v15 =	vbroadcast v15, $0x0;
	v12 =	vadd.s32 v12, v6;
	_ =	swait.ge [sflag:s6], $0x1900  }
0x3b2: {  	v13 =	vshrl.u32 v13, $0x3;
	v16 =	vadd.s32 v16, v7;
	v12 =	vbroadcast v12, $0x0;
	[sflag:s6] =	ssyncset.done $0x0  }
0x3b3: {  	v9 =	vor.u32 $0x6, v2;
	v13 =	vshll.u32 v13, v1;
	v16 =	vbroadcast v16, $0x0;
	[sflag:s6] =	ssyncadd.s32 $0xFFFFE700  }
0x3b4: {  	v17 =	vshll.u32 v17, v1;
	v8 =	vor.u32 $0x7, v2;
	v13 =	vadd.s32 v13, v9;
	v18 =	vld.idx.msk [tilespmem:v10+s0+$0x0], $0xffff  }
0x3b5: {  	v10 =	vbroadcast v13, $0x0;
	v13 =	vadd.s32 v17, v8;
	v14 =	vld.idx.msk [tilespmem:v14+s0+$0x0], $0xffff  }
0x3b6: {  	v17 =	vld.idx.msk [tilespmem:v11+s0+$0x0], $0xffff;
	v13 =	vbroadcast v13, $0x0  }
0x3b7: {  	v15 =	vld.idx.msk [tilespmem:v15+s0+$0x0], $0xffff  }
0x3b8: {  	v19 =	vld.idx.msk [tilespmem:v12+s0+$0x0], $0xffff  }
0x3b9: {  	s4 =	simm.s32 $0x11DB0;
	v12 =	vld.idx.msk [tilespmem:v16+s0+$0x0], $0xffff  }
0x3ba: {  	v16 =	vld [tilespmem:s4+$0xFFFFFEC0]  }
0x3bb: {  	v11 =	vld.idx.msk [tilespmem:v10+s0+$0x0], $0xffff  }
0x3bc: {  	v10 =	vld.idx.msk [tilespmem:v13+s0+$0x0], $0xffff  }
0x3bd: {  	v13 =	vld [tilespmem:s4+$0x130]  }
0x3be: {  	v20 =	vld [tilespmem:s4+$0xFFFFFED0]  }
0x3bf: {  	v21 =	vld [tilespmem:s4+$0xFFFFFEE0]  }
0x3c0: {  	v22 =	vld [tilespmem:s4+$0xFFFFFEF0]  }
0x3c1: {  	v23 =	vld [tilespmem:s4+$0xFFFFFF00];
	v16 =	vmul.f32 v16, v18  }
0x3c2: {  	v24 =	vld [tilespmem:s4+$0xFFFFFF10];
	v13 =	vmul.f32 v13, v10  }
0x3c3: {  	v25 =	vld [tilespmem:s4+$0xFFFFFF20];
	v20 =	vmul.f32 v20, v18;
	[tilespmem:s4+$0xFFFFFEC0] =	vst v16  }
0x3c4: {  	v16 =	vld [tilespmem:s4+$0xFFFFFF30];
	[tilespmem:s4+$0x130] =	vst v13;
	v13 =	vmul.f32 v21, v18  }
0x3c5: {  	[tilespmem:s4+$0xFFFFFED0] =	vst v20;
	v20 =	vmul.f32 v22, v18;
	v21 =	vld [tilespmem:s4+$0xFFFFFF40]  }
0x3c6: {  	[tilespmem:s4+$0xFFFFFEE0] =	vst v13;
	v13 =	vmul.f32 v23, v18;
	v18 =	vld [tilespmem:s4+$0xFFFFFF50]  }
0x3c7: {  	v22 =	vld [tilespmem:s4+$0xFFFFFF60];
	[tilespmem:s4+$0xFFFFFEF0] =	vst v20;
	v20 =	vmul.f32 v24, v14  }
0x3c8: {  	v23 =	vld [tilespmem:s4+$0xFFFFFF70];
	[tilespmem:s4+$0xFFFFFF00] =	vst v13;
	v13 =	vmul.f32 v25, v14  }
0x3c9: {  	[tilespmem:s4+$0xFFFFFF10] =	vst v20;
	v20 =	vld [tilespmem:s4+$0xFFFFFF80];
	v16 =	vmul.f32 v16, v14  }
0x3ca: {  	[tilespmem:s4+$0xFFFFFF20] =	vst v13;
	v13 =	vmul.f32 v21, v14;
	v21 =	vld [tilespmem:s4+$0xFFFFFF90]  }
0x3cb: {  	[tilespmem:s4+$0xFFFFFF30] =	vst v16;
	v16 =	vld [tilespmem:s4+$0xFFFFFFA0];
	v14 =	vmul.f32 v18, v14  }
0x3cc: {  	v18 =	vld [tilespmem:s4+$0xFFFFFFB0];
	[tilespmem:s4+$0xFFFFFF40] =	vst v13;
	v13 =	vmul.f32 v22, v17  }
0x3cd: {  	v22 =	vld [tilespmem:s4+$0xFFFFFFC0];
	[tilespmem:s4+$0xFFFFFF50] =	vst v14;
	v14 =	vmul.f32 v23, v17  }
0x3ce: {  	[tilespmem:s4+$0xFFFFFF60] =	vst v13;
	v13 =	vmul.f32 v20, v17;
	v20 =	vld [tilespmem:s4+$0xFFFFFFD0]  }
0x3cf: {  	[tilespmem:s4+$0xFFFFFF70] =	vst v14;
	v14 =	vmul.f32 v21, v17;
	v21 =	vld [tilespmem:s4+$0xFFFFFFE0]  }
0x3d0: {  	s20 =	simm.s32 $0xC;
	[tilespmem:s4+$0xFFFFFF80] =	vst v13;
	v13 =	vmul.f32 v16, v17;
	v16 =	vld [tilespmem:s4+$0xFFFFFFF0]  }
0x3d1: {  	v26 =	vmov s20;
	s21 =	simm.s32 $0xD;
	s22 =	simm.s32 $0xE;
	[tilespmem:s4+$0xFFFFFF90] =	vst v14;
	v14 =	vmul.f32 v18, v15;
	v18 =	vld [tilespmem:s4+$0x0]  }
0x3d2: {  	s14 =	simm.s32 $0xA;
	v27 =	vmov s21;
	s12 =	simm.s32 $0x8;
	v28 =	vmov s22;
	[tilespmem:s4+$0xFFFFFFA0] =	vst v13;
	v13 =	vmul.f32 v22, v15;
	v22 =	vld [tilespmem:s4+$0x10]  }
0x3d3: {  	s15 =	simm.s32 $0xB;
	v24 =	vmov s14;
	v17 =	vmov s12;
	[tilespmem:s4+$0xFFFFFFB0] =	vst v14;
	v14 =	vmul.f32 v20, v15;
	v20 =	vld [tilespmem:s4+$0x20]  }
0x3d4: {  	s13 =	simm.s32 $0x9;
	v25 =	vmov s15;
	v17 =	vshrl.u32 v17, $0x3;
	[tilespmem:s4+$0xFFFFFFC0] =	vst v13;
	v13 =	vmul.f32 v21, v15;
	v21 =	vld [tilespmem:s4+$0x30]  }
0x3d5: {  	v23 =	vmov s13;
	v17 =	vshll.u32 v17, v1;
	[tilespmem:s4+$0xFFFFFFD0] =	vst v14;
	v14 =	vmul.f32 v16, v15;
	v15 =	vld [tilespmem:s4+$0x40]  }
0x3d6: {  	v17 =	vadd.s32 v2, v17;
	v16 =	vshrl.u32 v23, $0x3;
	[tilespmem:s4+$0xFFFFFFE0] =	vst v13;
	v13 =	vmul.f32 v18, v19;
	v18 =	vld [tilespmem:s4+$0x50]  }
0x3d7: {  	v23 =	vshrl.u32 v24, $0x3;
	v24 =	vshrl.u32 v25, $0x3;
	[tilespmem:s4+$0xFFFFFFF0] =	vst v14;
	v14 =	vmul.f32 v22, v19;
	v22 =	vld [tilespmem:s4+$0x60]  }
0x3d8: {  	v25 =	vshrl.u32 v26, $0x3;
	v26 =	vshrl.u32 v27, $0x3;
	[tilespmem:s4+$0x0] =	vst v13;
	v13 =	vmul.f32 v20, v19;
	v20 =	vld [tilespmem:s4+$0x70]  }
0x3d9: {  	v27 =	vshrl.u32 v28, $0x3;
	v16 =	vshll.u32 v16, v1;
	[tilespmem:s4+$0x10] =	vst v14;
	v14 =	vmul.f32 v21, v19;
	v21 =	vld [tilespmem:s4+$0x80]  }
0x3da: {  	v23 =	vshll.u32 v23, v1;
	v24 =	vshll.u32 v24, v1;
	[tilespmem:s4+$0x20] =	vst v13;
	v15 =	vmul.f32 v15, v19;
	v19 =	vld [tilespmem:s4+$0x90]  }
0x3db: {  	v63 =	vld [tilespmem:s4+$0xA0];
	v25 =	vshll.u32 v25, v1;
	v26 =	vshll.u32 v26, v1;
	[tilespmem:s4+$0x30] =	vst v14;
	v18 =	vmul.f32 v18, v12  }
0x3dc: {  	v27 =	vshll.u32 v27, v1;
	v13 =	vbroadcast v17, $0x0;
	v14 =	vld [tilespmem:s4+$0xB0];
	[tilespmem:s4+$0x40] =	vst v15;
	v17 =	vmul.f32 v22, v12  }
0x3dd: {  	v29 =	vadd.s32 v23, v4;
	v24 =	vadd.s32 v24, v5;
	v15 =	vld [tilespmem:s4+$0xC0];
	[tilespmem:s4+$0x50] =	vst v18;
	v18 =	vmul.f32 v20, v12  }
0x3de: {  	v22 =	vadd.s32 v16, v3;
	v16 =	vld [tilespmem:s4+$0xD0];
	v20 =	vadd.s32 v25, v6;
	[tilespmem:s4+$0x60] =	vst v17;
	v25 =	vmul.f32 v21, v12  }
0x3df: {  	v17 =	vbroadcast v22, $0x0;
	v22 =	vadd.s32 v26, v7;
	[tilespmem:s4+$0x70] =	vst v18;
	v23 =	vmul.f32 v19, v12;
	v12 =	vld [tilespmem:s4+$0xE0]  }
0x3e0: {  	s7 =	simm.s32 $0xF;
	s2 =	simm.s32 $0x10;
	v21 =	vadd.s32 v27, v9;
	v19 =	vbroadcast v29, $0x0;
	v18 =	vld [tilespmem:s4+$0xF0];
	[tilespmem:s4+$0x80] =	vst v25;
	v25 =	vmul.f32 v63, v11  }
.LBB2_11:
0x3e1: {  	p0 =	slt.u32 s2, $0x48;
	v24 =	vbroadcast v24, $0x0;
	v26 =	vmov s7;
	[tilespmem:s4+$0x90] =	vst v23;
	v14 =	vmul.f32 v14, v11;
	v23 =	vld [tilespmem:s4+$0x100]  }
0x3e2: {  	v20 =	vbroadcast v20, $0x0;
	v26 =	vshrl.u32 v26, $0x3;
	[tilespmem:s4+$0xA0] =	vst v25;
	v15 =	vmul.f32 v15, v11;
	v25 =	vld [tilespmem:s4+$0x110]  }
0x3e3: {  	v22 =	vbroadcast v22, $0x0;
	v26 =	vshll.u32 v26, v1;
	[tilespmem:s4+$0xB0] =	vst v14;
	v14 =	vmul.f32 v16, v11;
	v16 =	vld [tilespmem:s4+$0x120]  }
0x3e4: {  	v21 =	vbroadcast v21, $0x0;
	v27 =	vld.idx.msk [tilespmem:v13+s0+$0x0], $0xffff;
	v13 =	vadd.s32 v26, v8;
	[tilespmem:s4+$0xC0] =	vst v15;
	v11 =	vmul.f32 v12, v11  }
0x3e5: {  	v15 =	vld.idx.msk [tilespmem:v17+s0+$0x0], $0xffff;
	v17 =	vbroadcast v13, $0x0;
	[tilespmem:s4+$0xD0] =	vst v14;
	v12 =	vmul.f32 v18, v10  }
0x3e6: {  	v14 =	vld.idx.msk [tilespmem:v19+s0+$0x0], $0xffff;
	[tilespmem:s4+$0xE0] =	vst v11;
	v11 =	vmul.f32 v23, v10  }
0x3e7: {  	v18 =	vld.idx.msk [tilespmem:v24+s0+$0x0], $0xffff;
	[tilespmem:s4+$0xF0] =	vst v12;
	v19 =	vmul.f32 v25, v10  }
0x3e8: {  	v13 =	vld.idx.msk [tilespmem:v20+s0+$0x0], $0xffff;
	[tilespmem:s4+$0x100] =	vst v11;
	v10 =	vmul.f32 v16, v10  }
0x3e9: {  	v12 =	vld.idx.msk [tilespmem:v22+s0+$0x0], $0xffff;
	[tilespmem:s4+$0x110] =	vst v19  }
0x3ea: {  	v11 =	vld.idx.msk [tilespmem:v21+s0+$0x0], $0xffff;
	[tilespmem:s4+$0x120] =	vst v10  }
0x3eb: {  	s4 =	sadd.s32 $0x280, s4;
	v10 =	vld.idx.msk [tilespmem:v17+s0+$0x0], $0xffff  }
0x3ec: {  	v16 =	vld [tilespmem:s4+$0x130]  }
0x3ed: {  	v17 =	vld [tilespmem:s4+$0xFFFFFEC0]  }
0x3ee: {  	v19 =	vld [tilespmem:s4+$0xFFFFFED0]  }
0x3ef: {  	v20 =	vld [tilespmem:s4+$0xFFFFFEE0]  }
0x3f0: {  	v21 =	vld [tilespmem:s4+$0xFFFFFEF0]  }
0x3f1: {  	v22 =	vld [tilespmem:s4+$0xFFFFFF00];
	v16 =	vmul.f32 v16, v10  }
0x3f2: {  	v17 =	vmul.f32 v17, v27;
	v23 =	vld [tilespmem:s4+$0xFFFFFF10]  }
0x3f3: {  	v19 =	vmul.f32 v19, v27;
	v24 =	vld [tilespmem:s4+$0xFFFFFF20];
	[tilespmem:s4+$0x130] =	vst v16  }
0x3f4: {  	[tilespmem:s4+$0xFFFFFEC0] =	vst v17;
	v16 =	vmul.f32 v20, v27;
	v17 =	vld [tilespmem:s4+$0xFFFFFF30]  }
0x3f5: {  	[tilespmem:s4+$0xFFFFFED0] =	vst v19;
	v19 =	vmul.f32 v21, v27;
	v20 =	vld [tilespmem:s4+$0xFFFFFF40]  }
0x3f6: {  	[tilespmem:s4+$0xFFFFFEE0] =	vst v16;
	v16 =	vmul.f32 v22, v27;
	v21 =	vld [tilespmem:s4+$0xFFFFFF50]  }
0x3f7: {  	[tilespmem:s4+$0xFFFFFEF0] =	vst v19;
	v19 =	vmul.f32 v23, v15;
	v22 =	vld [tilespmem:s4+$0xFFFFFF60]  }
0x3f8: {  	[tilespmem:s4+$0xFFFFFF00] =	vst v16;
	v16 =	vmul.f32 v24, v15;
	v23 =	vld [tilespmem:s4+$0xFFFFFF70]  }
0x3f9: {  	[tilespmem:s4+$0xFFFFFF10] =	vst v19;
	v17 =	vmul.f32 v17, v15;
	v19 =	vld [tilespmem:s4+$0xFFFFFF80]  }
0x3fa: {  	[tilespmem:s4+$0xFFFFFF20] =	vst v16;
	v16 =	vmul.f32 v20, v15;
	v20 =	vld [tilespmem:s4+$0xFFFFFF90]  }
0x3fb: {  	[tilespmem:s4+$0xFFFFFF30] =	vst v17;
	v15 =	vmul.f32 v21, v15;
	v17 =	vld [tilespmem:s4+$0xFFFFFFA0]  }
0x3fc: {  	[tilespmem:s4+$0xFFFFFF40] =	vst v16;
	v16 =	vmul.f32 v22, v14;
	v21 =	vld [tilespmem:s4+$0xFFFFFFB0]  }
0x3fd: {  	[tilespmem:s4+$0xFFFFFF50] =	vst v15;
	v15 =	vmul.f32 v23, v14;
	v22 =	vld [tilespmem:s4+$0xFFFFFFC0]  }
0x3fe: {  	[tilespmem:s4+$0xFFFFFF60] =	vst v16;
	v16 =	vmul.f32 v19, v14;
	v19 =	vld [tilespmem:s4+$0xFFFFFFD0]  }
0x3ff: {  	[tilespmem:s4+$0xFFFFFF70] =	vst v15;
	v15 =	vmul.f32 v20, v14;
	v20 =	vld [tilespmem:s4+$0xFFFFFFE0]  }
0x400: {  	[tilespmem:s4+$0xFFFFFF80] =	vst v16;
	v14 =	vmul.f32 v17, v14;
	v16 =	vld [tilespmem:s4+$0xFFFFFFF0]  }
0x401: {  	s7 =	sadd.s32 $0x1, s2;
	v17 =	vmov s2;
	[tilespmem:s4+$0xFFFFFF90] =	vst v15;
	v15 =	vmul.f32 v21, v18;
	v21 =	vld [tilespmem:s4+$0x0]  }
0x402: {  	s12 =	sadd.s32 $0x3, s2;
	v23 =	vmov s7;
	s7 =	sadd.s32 $0x2, s2;
	v17 =	vshrl.u32 v17, $0x3;
	[tilespmem:s4+$0xFFFFFFA0] =	vst v14;
	v14 =	vmul.f32 v22, v18;
	v22 =	vld [tilespmem:s4+$0x10]  }
0x403: {  	v25 =	vmov s12;
	s12 =	sadd.s32 $0x5, s2;
	v24 =	vmov s7;
	s7 =	sadd.s32 $0x4, s2;
	[tilespmem:s4+$0xFFFFFFB0] =	vst v15;
	v15 =	vmul.f32 v19, v18;
	v19 =	vld [tilespmem:s4+$0x20]  }
0x404: {  	v27 =	vmov s12;
	v26 =	vmov s7;
	s7 =	sadd.s32 $0x6, s2;
	[tilespmem:s4+$0xFFFFFFC0] =	vst v14;
	v14 =	vmul.f32 v20, v18;
	v20 =	vld [tilespmem:s4+$0x30]  }
0x405: {  	v28 =	vmov s7;
	v17 =	vshll.u32 v17, v1;
	[tilespmem:s4+$0xFFFFFFD0] =	vst v15;
	v15 =	vmul.f32 v16, v18;
	v16 =	vld [tilespmem:s4+$0x40]  }
0x406: {  	v18 =	vshrl.u32 v23, $0x3;
	v23 =	vshrl.u32 v24, $0x3;
	[tilespmem:s4+$0xFFFFFFE0] =	vst v14;
	v14 =	vmul.f32 v21, v13;
	v21 =	vld [tilespmem:s4+$0x50]  }
0x407: {  	v24 =	vshrl.u32 v25, $0x3;
	v25 =	vshrl.u32 v26, $0x3;
	[tilespmem:s4+$0xFFFFFFF0] =	vst v15;
	v15 =	vmul.f32 v22, v13;
	v22 =	vld [tilespmem:s4+$0x60]  }
0x408: {  	v26 =	vshrl.u32 v27, $0x3;
	v27 =	vshrl.u32 v28, $0x3;
	[tilespmem:s4+$0x0] =	vst v14;
	v14 =	vmul.f32 v19, v13;
	v19 =	vld [tilespmem:s4+$0x70]  }
0x409: {  	v17 =	vadd.s32 v2, v17;
	v18 =	vshll.u32 v18, v1;
	[tilespmem:s4+$0x10] =	vst v15;
	v15 =	vmul.f32 v20, v13;
	v28 =	vld [tilespmem:s4+$0x80]  }
0x40a: {  	v20 =	vshll.u32 v23, v1;
	v23 =	vshll.u32 v24, v1;
	[tilespmem:s4+$0x20] =	vst v14;
	v14 =	vmul.f32 v16, v13;
	v29 =	vld [tilespmem:s4+$0x90]  }
0x40b: {  	v16 =	vshll.u32 v25, v1;
	v25 =	vshll.u32 v26, v1;
	[tilespmem:s4+$0x30] =	vst v15;
	v15 =	vmul.f32 v21, v12;
	v26 =	vld [tilespmem:s4+$0xA0]  }
.Ltmp4:
0x40c: {  	v13 =	vbroadcast v17, $0x0;
	v21 =	vshll.u32 v27, v1;
	[tilespmem:s4+$0x40] =	vst v14;
	v17 =	vmul.f32 v22, v12;
	v14 =	vld [tilespmem:s4+$0xB0];
	(pc) =	sbr.rel @p0 .LBB2_11-.Ltmp4, $4  }
0x40d: {  	v18 =	vadd.s32 v18, v3;
	v27 =	vadd.s32 v20, v4;
	[tilespmem:s4+$0x50] =	vst v15;
	v19 =	vmul.f32 v19, v12;
	v15 =	vld [tilespmem:s4+$0xC0]  }
0x40e: {  	v24 =	vadd.s32 v23, v5;
	v20 =	vadd.s32 v16, v6;
	[tilespmem:s4+$0x60] =	vst v17;
	v28 =	vmul.f32 v28, v12;
	v16 =	vld [tilespmem:s4+$0xD0]  }
0x40f: {  	v22 =	vadd.s32 v25, v7;
	v17 =	vbroadcast v18, $0x0;
	[tilespmem:s4+$0x70] =	vst v19;
	v23 =	vmul.f32 v29, v12;
	v12 =	vld [tilespmem:s4+$0xE0]  }
0x410: {  	s7 =	sadd.s32 $0x7, s2;
	s2 =	sadd.s32 $0x8, s2;
	v21 =	vadd.s32 v21, v9;
	v19 =	vbroadcast v27, $0x0;
	[tilespmem:s4+$0x80] =	vst v28;
	v25 =	vmul.f32 v26, v11;
	v18 =	vld [tilespmem:s4+$0xF0]  }
0x411: {  	_ = 	snop  }
0x412: {  	v4 =	vld [tilespmem:s4+$0x100]  }
0x413: {  	v6 =	vld [tilespmem:s4+$0x110]  }
0x414: {  	v3 =	vmov s7;
	v9 =	vld [tilespmem:s4+$0x120]  }
0x415: {  	v46 =	vld.idx.msk [tilespmem:v13+s0+$0x0], $0xffff;
	v3 =	vshrl.u32 v3, $0x3  }
0x416: {  	v2 =	vbroadcast v24, $0x0;
	v17 =	vld.idx.msk [tilespmem:v17+s0+$0x0], $0xffff;
	v3 =	vshll.u32 v3, v1  }
0x417: {  	s2 =	sadd.s32 $0x280, s4;
	v19 =	vld.idx.msk [tilespmem:v19+s0+$0x0], $0xffff;
	v3 =	vadd.s32 v3, v8  }
0x418: {  	v53 =	vld [tilespmem:s2+$0xFFFFFEC0];
	v3 =	vbroadcast v3, $0x0  }
0x419: {  	v54 =	vld [tilespmem:s2+$0xFFFFFED0]  }
0x41a: {  	[tilespmem:s4+$0x90] =	vst v23;
	v49 =	vmul.f32 v15, v11;
	v55 =	vld [tilespmem:s2+$0xFFFFFEE0]  }
0x41b: {  	[tilespmem:s4+$0xA0] =	vst v25;
	v56 =	vld [tilespmem:s2+$0xFFFFFEF0];
	v50 =	vmul.f32 v16, v11  }
0x41c: {  	[tilespmem:s4+$0xC0] =	vst v49;
	v48 =	vld.idx.msk [tilespmem:v2+s0+$0x0], $0xffff;
	v2 =	vmul.f32 v14, v11  }
0x41d: {  	v59 =	vld [tilespmem:s2+$0xFFFFFF10];
	[tilespmem:s4+$0xD0] =	vst v50;
	v52 =	vmul.f32 v18, v10  }
0x41e: {  	[tilespmem:s4+$0xB0] =	vst v2;
	v2 =	vld.idx.msk [tilespmem:v3+s0+$0x0], $0xffff;
	v3 =	vmul.f32 v12, v11  }
0x41f: {  	v57 =	vld [tilespmem:s2+$0xFFFFFF00];
	v6 =	vmul.f32 v6, v10;
	[tilespmem:s4+$0xF0] =	vst v52  }
0x420: {  	v61 =	vld [tilespmem:s2+$0xFFFFFF30];
	[tilespmem:s4+$0xE0] =	vst v3;
	v3 =	vmul.f32 v4, v10  }
0x421: {  	v60 =	vld [tilespmem:s2+$0xFFFFFF20];
	v62 =	vmul.f32 v56, v46;
	[tilespmem:s4+$0x110] =	vst v6  }
0x422: {  	v23 =	vld [tilespmem:s2+$0xFFFFFF90];
	[tilespmem:s4+$0x100] =	vst v3;
	v3 =	vmul.f32 v9, v10  }
0x423: {  	v63 =	vld [tilespmem:s2+$0xFFFFFF40];
	v15 =	vmul.f32 v59, v17;
	[tilespmem:s2+$0xFFFFFEF0] =	vst v62  }
0x424: {  	v7 =	vbroadcast v22, $0x0;
	v18 =	vld [tilespmem:s2+$0xFFFFFF70];
	[tilespmem:s4+$0x120] =	vst v3;
	v3 =	vmul.f32 v53, v46  }
0x425: {  	v47 =	vbroadcast v21, $0x0;
	v22 =	vld [tilespmem:s2+$0xFFFFFF80];
	v21 =	vmul.f32 v61, v17;
	[tilespmem:s2+$0xFFFFFF10] =	vst v15  }
0x426: {  	v5 =	vbroadcast v20, $0x0;
	v26 =	vld [tilespmem:s2+$0xFFFFFFB0];
	[tilespmem:s2+$0xFFFFFEC0] =	vst v3;
	v3 =	vmul.f32 v55, v46  }
0x427: {  	v25 =	vld [tilespmem:s2+$0xFFFFFFA0];
	v30 =	vmul.f32 v23, v19;
	[tilespmem:s2+$0xFFFFFF30] =	vst v21  }
0x428: {  	v29 =	vld [tilespmem:s2+$0xFFFFFFD0];
	[tilespmem:s2+$0xFFFFFEE0] =	vst v3;
	v3 =	vmul.f32 v57, v46  }
0x429: {  	v16 =	vld [tilespmem:s2+$0xFFFFFF60];
	[tilespmem:s2+$0xFFFFFF90] =	vst v30;
	v27 =	vmul.f32 v18, v19  }
0x42a: {  	v32 =	vld [tilespmem:s2+$0xFFFFFFF0];
	[tilespmem:s2+$0xFFFFFF00] =	vst v3;
	v3 =	vmul.f32 v60, v17  }
0x42b: {  	v35 =	vld [tilespmem:s2+$0x10];
	[tilespmem:s2+$0xFFFFFF70] =	vst v27;
	v33 =	vmul.f32 v26, v48  }
0x42c: {  	v5 =	vld.idx.msk [tilespmem:v5+s0+$0x0], $0xffff;
	[tilespmem:s2+$0xFFFFFF20] =	vst v3;
	v3 =	vmul.f32 v63, v17  }
0x42d: {  	v28 =	vld [tilespmem:s2+$0xFFFFFFC0];
	v36 =	vmul.f32 v29, v48;
	[tilespmem:s2+$0xFFFFFFB0] =	vst v33  }
0x42e: {  	v38 =	vld [tilespmem:s2+$0x30];
	[tilespmem:s2+$0xFFFFFF40] =	vst v3;
	v3 =	vmul.f32 v16, v19  }
0x42f: {  	v31 =	vld [tilespmem:s2+$0xFFFFFFE0];
	v39 =	vmul.f32 v32, v48;
	[tilespmem:s2+$0xFFFFFFD0] =	vst v36  }
0x430: {  	v7 =	vld.idx.msk [tilespmem:v7+s0+$0x0], $0xffff;
	[tilespmem:s2+$0xFFFFFF60] =	vst v3;
	v3 =	vmul.f32 v22, v19  }
0x431: {  	v13 =	vld.idx.msk [tilespmem:v47+s0+$0x0], $0xffff;
	v42 =	vmul.f32 v35, v5;
	[tilespmem:s2+$0xFFFFFFF0] =	vst v39  }
0x432: {  	v47 =	vld [tilespmem:s2+$0x90];
	[tilespmem:s2+$0xFFFFFF80] =	vst v3;
	v3 =	vmul.f32 v25, v19  }
0x433: {  	v34 =	vld [tilespmem:s2+$0x0];
	v45 =	vmul.f32 v38, v5;
	[tilespmem:s2+$0x10] =	vst v42  }
0x434: {  	v51 =	vld [tilespmem:s2+$0x130];
	[tilespmem:s2+$0xFFFFFFA0] =	vst v3;
	v3 =	vmul.f32 v28, v48  }
0x435: {  	v37 =	vld [tilespmem:s2+$0x20];
	v4 =	vmul.f32 v54, v46;
	[tilespmem:s2+$0x30] =	vst v45  }
0x436: {  	v12 =	vld [tilespmem:s2+$0xFFFFFF50];
	[tilespmem:s2+$0xFFFFFFC0] =	vst v3;
	v3 =	vmul.f32 v31, v48  }
0x437: {  	v40 =	vld [tilespmem:s2+$0x40];
	v54 =	vmul.f32 v47, v7;
	[tilespmem:s2+$0xFFFFFED0] =	vst v4  }
0x438: {  	v44 =	vld [tilespmem:s2+$0x70];
	[tilespmem:s2+$0xFFFFFFE0] =	vst v3;
	v3 =	vmul.f32 v34, v5  }
0x439: {  	v43 =	vld [tilespmem:s2+$0x60];
	[tilespmem:s2+$0x90] =	vst v54;
	v58 =	vmul.f32 v51, v2  }
0x43a: {  	v56 =	vld [tilespmem:s2+$0xF0];
	[tilespmem:s2+$0x0] =	vst v3;
	v3 =	vmul.f32 v37, v5  }
0x43b: {  	v24 =	vmul.f32 v12, v17;
	[tilespmem:s2+$0x130] =	vst v58;
	v46 =	vld [tilespmem:s2+$0x80]  }
0x43c: {  	v50 =	vld [tilespmem:s2+$0xB0];
	[tilespmem:s2+$0x20] =	vst v3;
	v3 =	vmul.f32 v40, v5  }
0x43d: {  	v49 =	vld [tilespmem:s2+$0xA0];
	v51 =	vmul.f32 v44, v7;
	[tilespmem:s2+$0xFFFFFF50] =	vst v24  }
0x43e: {  	v53 =	vld [tilespmem:s2+$0xD0];
	[tilespmem:s2+$0x40] =	vst v3;
	v3 =	vmul.f32 v43, v7  }
0x43f: {  	v52 =	vld [tilespmem:s2+$0xC0];
	v62 =	vmul.f32 v56, v2;
	[tilespmem:s2+$0x70] =	vst v51  }
0x440: {  	v59 =	vld [tilespmem:s2+$0x110];
	[tilespmem:s2+$0x60] =	vst v3;
	v3 =	vmul.f32 v46, v7  }
0x441: {  	[tilespmem:s2+$0xF0] =	vst v62;
	v55 =	vld [tilespmem:s2+$0xE0];
	v57 =	vmul.f32 v50, v13  }
0x442: {  	v41 =	vld [tilespmem:s2+$0x50];
	[tilespmem:s2+$0x80] =	vst v3;
	v3 =	vmul.f32 v49, v13  }
0x443: {  	v58 =	vld [tilespmem:s2+$0x100];
	[tilespmem:s2+$0xB0] =	vst v57;
	v60 =	vmul.f32 v53, v13  }
0x444: {  	v61 =	vld [tilespmem:s2+$0x120];
	[tilespmem:s2+$0xA0] =	vst v3;
	v3 =	vmul.f32 v52, v13  }
0x445: {  	[tilespmem:s2+$0xD0] =	vst v60;
	v63 =	vmul.f32 v59, v2  }
0x446: {  	[tilespmem:s2+$0xC0] =	vst v3;
	v3 =	vmul.f32 v55, v13  }
0x447: {  	[tilespmem:s2+$0x110] =	vst v63;
	v48 =	vmul.f32 v41, v7  }
0x448: {  	[tilespmem:s2+$0xE0] =	vst v3;
	v3 =	vmul.f32 v58, v2  }
0x449: {  	s10 =	sadd.s32 $0x1, s10;
	[tilespmem:s2+$0x50] =	vst v48;
	v2 =	vmul.f32 v61, v2  }
0x44a: {  	p0 =	sne.s32 s10, $0x29;
	[tilespmem:s2+$0x100] =	vst v3  }
.Ltmp5:
0x44b: {  	s22 =	sadd.s32 $0x2710, s11;
	[tilespmem:s2+$0x120] =	vst v2;
	(pc) =	sbr.rel @p0 .LBB2_6-.Ltmp5, $4  }
0x44c: {  	[spmem:s3] =	stream.indirect.scatter.add.f32 [tilespmem:s24], [sflag:$0x4], $0x50, s22, s31, $0xb8;
	[tilespmem:$0x1F8C0] =	vst v63  }
0x44d: {  	_ =	swait.ge [sflag:s23], $0x1900  }
0x44e: {  	[sflag:s23] =	ssyncset.done $0x0  }
0x44f: {  	[sflag:s23] =	ssyncadd.s32 $0xFFFFE700  }
0x450: {  	s2 =	simm.s32 $0x0;
	s7 =	simm.s32 $0x1  }
0x451: {  	s4 =	simm.s32 $0x2;
	s9 =	simm.s32 $0x3;
	v2 =	vmov s2;
	v3 =	vmov s7  }
0x452: {  	s11 =	simm.s32 $0x6;
	s12 =	simm.s32 $0x7;
	v4 =	vmov s4;
	v5 =	vmov s9;
	v2 =	vshrl.u32 v2, $0x3  }
0x453: {  	s7 =	simm.s32 $0x5;
	v8 =	vmov s11;
	v9 =	vmov s12;
	v2 =	vshll.u32 v2, v1  }
0x454: {  	v7 =	vmov s7;
	v3 =	vshrl.u32 v3, $0x3;
	v2 =	vadd.s32 $0x2670, v2  }
0x455: {  	v4 =	vshrl.u32 v4, $0x3;
	v3 =	vshll.u32 v3, v1;
	v2 =	vbroadcast v2, $0x0  }
0x456: {  	v7 =	vshrl.u32 v7, $0x3;
	v4 =	vshll.u32 v4, v1;
	v3 =	vadd.s32 $0x2671, v3  }
0x457: {  	_ =	swait.ge [sflag:s25], $0x1900;
	v7 =	vshll.u32 v7, v1;
	v4 =	vadd.s32 $0x2672, v4;
	v3 =	vbroadcast v3, $0x0  }
0x458: {  	[sflag:s25] =	ssyncset.done $0x0;
	v8 =	vshrl.u32 v8, $0x3;
	v4 =	vbroadcast v4, $0x0;
	v7 =	vadd.s32 $0x2675, v7  }
0x459: {  	s9 =	simm.s32 $0xEBB0;
	v9 =	vshrl.u32 v9, $0x3;
	[sflag:s25] =	ssyncadd.s32 $0xFFFFE700;
	v8 =	vshll.u32 v8, v1;
	v7 =	vbroadcast v7, $0x0  }
0x45a: {  	v9 =	vshll.u32 v9, v1;
	v12 =	vld [tilespmem:s9+$0xFFFFFED0];
	v8 =	vadd.s32 $0x2676, v8  }
0x45b: {  	v10 =	vld.idx.msk [tilespmem:v2+s0+$0x0], $0xffff;
	v2 =	vbroadcast v8, $0x0;
	v8 =	vadd.s32 $0x2677, v9  }
0x45c: {  	v13 =	vld [tilespmem:s9+$0xFFFFFEE0];
	v8 =	vbroadcast v8, $0x0  }
0x45d: {  	v9 =	vld.idx.msk [tilespmem:v3+s0+$0x0], $0xffff  }
0x45e: {  	s10 =	simm.s32 $0x4;
	v11 =	vld.idx.msk [tilespmem:v4+s0+$0x0], $0xffff  }
0x45f: {  	v6 =	vmov s10;
	v5 =	vshrl.u32 v5, $0x3;
	v4 =	vld.idx.msk [tilespmem:v7+s0+$0x0], $0xffff  }
0x460: {  	v6 =	vshrl.u32 v6, $0x3;
	v5 =	vshll.u32 v5, v1;
	v7 =	vld [tilespmem:s9+$0x130]  }
0x461: {  	v6 =	vshll.u32 v6, v1;
	v5 =	vadd.s32 $0x2673, v5;
	v3 =	vld.idx.msk [tilespmem:v2+s0+$0x0], $0xffff  }
0x462: {  	v6 =	vadd.s32 $0x2674, v6;
	v5 =	vbroadcast v5, $0x0;
	v2 =	vld.idx.msk [tilespmem:v8+s0+$0x0], $0xffff  }
0x463: {  	v6 =	vbroadcast v6, $0x0;
	v8 =	vld [tilespmem:s9+$0xFFFFFEC0]  }
0x464: {  	v14 =	vld [tilespmem:s9+$0xFFFFFEF0]  }
0x465: {  	v15 =	vld [tilespmem:s9+$0xFFFFFF00]  }
0x466: {  	v16 =	vld [tilespmem:s9+$0xFFFFFF10]  }
0x467: {  	v17 =	vld [tilespmem:s9+$0xFFFFFF20];
	v7 =	vmul.f32 v7, v2  }
0x468: {  	v5 =	vld.idx.msk [tilespmem:v5+s0+$0x0], $0xffff;
	v8 =	vmul.f32 v8, v10  }
0x469: {  	v6 =	vld.idx.msk [tilespmem:v6+s0+$0x0], $0xffff;
	v12 =	vmul.f32 v12, v10;
	[tilespmem:s9+$0x130] =	vst v7  }
0x46a: {  	[tilespmem:s9+$0xFFFFFEC0] =	vst v8;
	v7 =	vmul.f32 v13, v10;
	v8 =	vld [tilespmem:s9+$0xFFFFFF30]  }
0x46b: {  	[tilespmem:s9+$0xFFFFFED0] =	vst v12;
	v12 =	vmul.f32 v14, v10;
	v13 =	vld [tilespmem:s9+$0xFFFFFF40]  }
0x46c: {  	[tilespmem:s9+$0xFFFFFEE0] =	vst v7;
	v7 =	vmul.f32 v15, v10;
	v10 =	vld [tilespmem:s9+$0xFFFFFF50]  }
0x46d: {  	v14 =	vld [tilespmem:s9+$0xFFFFFF60];
	[tilespmem:s9+$0xFFFFFEF0] =	vst v12;
	v12 =	vmul.f32 v16, v9  }
0x46e: {  	v15 =	vld [tilespmem:s9+$0xFFFFFF70];
	[tilespmem:s9+$0xFFFFFF00] =	vst v7;
	v7 =	vmul.f32 v17, v9  }
0x46f: {  	[tilespmem:s9+$0xFFFFFF10] =	vst v12;
	v12 =	vld [tilespmem:s9+$0xFFFFFF80];
	v8 =	vmul.f32 v8, v9  }
0x470: {  	[tilespmem:s9+$0xFFFFFF20] =	vst v7;
	v7 =	vmul.f32 v13, v9;
	v13 =	vld [tilespmem:s9+$0xFFFFFF90]  }
0x471: {  	[tilespmem:s9+$0xFFFFFF30] =	vst v8;
	v8 =	vmul.f32 v10, v9;
	v9 =	vld [tilespmem:s9+$0xFFFFFFA0]  }
0x472: {  	v10 =	vld [tilespmem:s9+$0xFFFFFFB0];
	[tilespmem:s9+$0xFFFFFF40] =	vst v7;
	v7 =	vmul.f32 v14, v11  }
0x473: {  	v14 =	vld [tilespmem:s9+$0xFFFFFFC0];
	[tilespmem:s9+$0xFFFFFF50] =	vst v8;
	v8 =	vmul.f32 v15, v11  }
0x474: {  	[tilespmem:s9+$0xFFFFFF60] =	vst v7;
	v7 =	vmul.f32 v12, v11;
	v12 =	vld [tilespmem:s9+$0xFFFFFFD0]  }
0x475: {  	[tilespmem:s9+$0xFFFFFF70] =	vst v8;
	v8 =	vmul.f32 v13, v11;
	v13 =	vld [tilespmem:s9+$0xFFFFFFE0]  }
0x476: {  	[tilespmem:s9+$0xFFFFFF80] =	vst v7;
	v7 =	vmul.f32 v9, v11;
	v9 =	vld [tilespmem:s9+$0xFFFFFFF0]  }
0x477: {  	[tilespmem:s9+$0xFFFFFF90] =	vst v8;
	v8 =	vmul.f32 v10, v5;
	v10 =	vld [tilespmem:s9+$0x0]  }
0x478: {  	s20 =	simm.s32 $0xC;
	s21 =	simm.s32 $0xD;
	[tilespmem:s9+$0xFFFFFFA0] =	vst v7;
	v7 =	vmul.f32 v14, v5;
	v14 =	vld [tilespmem:s9+$0x10]  }
0x479: {  	s13 =	simm.s32 $0x8;
	s22 =	simm.s32 $0xE;
	v18 =	vmov s20;
	v19 =	vmov s21;
	[tilespmem:s9+$0xFFFFFFB0] =	vst v8;
	v8 =	vmul.f32 v12, v5;
	v12 =	vld [tilespmem:s9+$0x20]  }
0x47a: {  	s15 =	simm.s32 $0xA;
	v20 =	vmov s22;
	v11 =	vmov s13;
	[tilespmem:s9+$0xFFFFFFC0] =	vst v7;
	v7 =	vmul.f32 v13, v5;
	v13 =	vld [tilespmem:s9+$0x30]  }
0x47b: {  	s16 =	simm.s32 $0xB;
	v16 =	vmov s15;
	v11 =	vshrl.u32 v11, $0x3;
	[tilespmem:s9+$0xFFFFFFD0] =	vst v8;
	v5 =	vmul.f32 v9, v5;
	v8 =	vld [tilespmem:s9+$0x40]  }
0x47c: {  	s14 =	simm.s32 $0x9;
	v17 =	vmov s16;
	v11 =	vshll.u32 v11, v1;
	[tilespmem:s9+$0xFFFFFFE0] =	vst v7;
	v7 =	vmul.f32 v10, v6;
	v10 =	vld [tilespmem:s9+$0x50]  }
0x47d: {  	v15 =	vmov s14;
	v11 =	vadd.s32 $0x2670, v11;
	[tilespmem:s9+$0xFFFFFFF0] =	vst v5;
	v5 =	vmul.f32 v14, v6;
	v14 =	vld [tilespmem:s9+$0x60]  }
0x47e: {  	v9 =	vshrl.u32 v15, $0x3;
	v15 =	vshrl.u32 v16, $0x3;
	[tilespmem:s9+$0x0] =	vst v7;
	v7 =	vmul.f32 v12, v6;
	v12 =	vld [tilespmem:s9+$0x70]  }
0x47f: {  	v16 =	vshrl.u32 v17, $0x3;
	v17 =	vshrl.u32 v18, $0x3;
	[tilespmem:s9+$0x10] =	vst v5;
	v5 =	vmul.f32 v13, v6;
	v13 =	vld [tilespmem:s9+$0x80]  }
0x480: {  	v18 =	vshrl.u32 v19, $0x3;
	v19 =	vshrl.u32 v20, $0x3;
	[tilespmem:s9+$0x20] =	vst v7;
	v6 =	vmul.f32 v8, v6  }
0x481: {  	v63 =	vld [tilespmem:s9+$0x90];
	v9 =	vshll.u32 v9, v1;
	v15 =	vshll.u32 v15, v1;
	[tilespmem:s9+$0x30] =	vst v5;
	v7 =	vmul.f32 v10, v4  }
0x482: {  	v16 =	vshll.u32 v16, v1;
	v10 =	vld [tilespmem:s9+$0xA0];
	v5 =	vbroadcast v11, $0x0;
	[tilespmem:s9+$0x40] =	vst v6;
	v11 =	vmul.f32 v14, v4  }
0x483: {  	v8 =	vshll.u32 v17, v1;
	v6 =	vld [tilespmem:s9+$0xB0];
	v14 =	vadd.s32 $0x2672, v15;
	[tilespmem:s9+$0x50] =	vst v7;
	v15 =	vmul.f32 v12, v4  }
0x484: {  	v17 =	vshll.u32 v18, v1;
	v18 =	vshll.u32 v19, v1;
	v7 =	vld [tilespmem:s9+$0xC0];
	[tilespmem:s9+$0x60] =	vst v11;
	v19 =	vmul.f32 v13, v4  }
0x485: {  	v9 =	vadd.s32 $0x2671, v9;
	v16 =	vadd.s32 $0x2673, v16;
	v12 =	vadd.s32 $0x2674, v8;
	v8 =	vld [tilespmem:s9+$0xD0];
	[tilespmem:s9+$0x70] =	vst v15  }
0x486: {  	v11 =	vbroadcast v9, $0x0;
	v13 =	vadd.s32 $0x2675, v17;
	v9 =	vld [tilespmem:s9+$0xE0];
	v15 =	vmul.f32 v63, v4;
	[tilespmem:s9+$0x80] =	vst v19  }
0x487: {  	s4 =	simm.s32 $0xF;
	s2 =	simm.s32 $0x10;
	v4 =	vbroadcast v14, $0x0;
	v14 =	vadd.s32 $0x2676, v18;
	v17 =	vmul.f32 v10, v3;
	v10 =	vld [tilespmem:s9+$0xF0];
	s15 =	rddreg [dreg:$0xb]  }
.LBB2_14:
0x488: {  	p0 =	slt.u32 s2, $0x48;
	v16 =	vbroadcast v16, $0x0;
	v18 =	vmov s4;
	[tilespmem:s9+$0x90] =	vst v15;
	v6 =	vmul.f32 v6, v3;
	v15 =	vld [tilespmem:s9+$0x100]  }
0x489: {  	v12 =	vbroadcast v12, $0x0;
	v18 =	vshrl.u32 v18, $0x3;
	[tilespmem:s9+$0xA0] =	vst v17;
	v7 =	vmul.f32 v7, v3;
	v17 =	vld [tilespmem:s9+$0x110]  }
0x48a: {  	v13 =	vbroadcast v13, $0x0;
	v18 =	vshll.u32 v18, v1;
	[tilespmem:s9+$0xB0] =	vst v6;
	v6 =	vmul.f32 v8, v3;
	v8 =	vld [tilespmem:s9+$0x120]  }
0x48b: {  	v14 =	vbroadcast v14, $0x0;
	v19 =	vld.idx.msk [tilespmem:v5+s0+$0x0], $0xffff;
	v5 =	vadd.s32 $0x2677, v18;
	[tilespmem:s9+$0xC0] =	vst v7;
	v3 =	vmul.f32 v9, v3  }
0x48c: {  	v7 =	vld.idx.msk [tilespmem:v11+s0+$0x0], $0xffff;
	v9 =	vbroadcast v5, $0x0;
	[tilespmem:s9+$0xD0] =	vst v6;
	v5 =	vmul.f32 v10, v2  }
0x48d: {  	v6 =	vld.idx.msk [tilespmem:v4+s0+$0x0], $0xffff;
	[tilespmem:s9+$0xE0] =	vst v3;
	v3 =	vmul.f32 v15, v2  }
0x48e: {  	v10 =	vld.idx.msk [tilespmem:v16+s0+$0x0], $0xffff;
	[tilespmem:s9+$0xF0] =	vst v5;
	v11 =	vmul.f32 v17, v2  }
0x48f: {  	v5 =	vld.idx.msk [tilespmem:v12+s0+$0x0], $0xffff;
	[tilespmem:s9+$0x100] =	vst v3;
	v2 =	vmul.f32 v8, v2  }
0x490: {  	v4 =	vld.idx.msk [tilespmem:v13+s0+$0x0], $0xffff;
	[tilespmem:s9+$0x110] =	vst v11  }
0x491: {  	v3 =	vld.idx.msk [tilespmem:v14+s0+$0x0], $0xffff;
	[tilespmem:s9+$0x120] =	vst v2  }
0x492: {  	s9 =	sadd.s32 $0x280, s9;
	v2 =	vld.idx.msk [tilespmem:v9+s0+$0x0], $0xffff  }
0x493: {  	v8 =	vld [tilespmem:s9+$0x130]  }
0x494: {  	v9 =	vld [tilespmem:s9+$0xFFFFFEC0]  }
0x495: {  	v11 =	vld [tilespmem:s9+$0xFFFFFED0]  }
0x496: {  	v12 =	vld [tilespmem:s9+$0xFFFFFEE0]  }
0x497: {  	v13 =	vld [tilespmem:s9+$0xFFFFFEF0]  }
0x498: {  	v14 =	vld [tilespmem:s9+$0xFFFFFF00];
	v8 =	vmul.f32 v8, v2  }
0x499: {  	v9 =	vmul.f32 v9, v19;
	v15 =	vld [tilespmem:s9+$0xFFFFFF10]  }
0x49a: {  	v11 =	vmul.f32 v11, v19;
	v16 =	vld [tilespmem:s9+$0xFFFFFF20];
	[tilespmem:s9+$0x130] =	vst v8  }
0x49b: {  	[tilespmem:s9+$0xFFFFFEC0] =	vst v9;
	v8 =	vmul.f32 v12, v19;
	v9 =	vld [tilespmem:s9+$0xFFFFFF30]  }
0x49c: {  	[tilespmem:s9+$0xFFFFFED0] =	vst v11;
	v11 =	vmul.f32 v13, v19;
	v12 =	vld [tilespmem:s9+$0xFFFFFF40]  }
0x49d: {  	[tilespmem:s9+$0xFFFFFEE0] =	vst v8;
	v8 =	vmul.f32 v14, v19;
	v13 =	vld [tilespmem:s9+$0xFFFFFF50]  }
0x49e: {  	[tilespmem:s9+$0xFFFFFEF0] =	vst v11;
	v11 =	vmul.f32 v15, v7;
	v14 =	vld [tilespmem:s9+$0xFFFFFF60]  }
0x49f: {  	[tilespmem:s9+$0xFFFFFF00] =	vst v8;
	v8 =	vmul.f32 v16, v7;
	v15 =	vld [tilespmem:s9+$0xFFFFFF70]  }
0x4a0: {  	[tilespmem:s9+$0xFFFFFF10] =	vst v11;
	v9 =	vmul.f32 v9, v7;
	v11 =	vld [tilespmem:s9+$0xFFFFFF80]  }
0x4a1: {  	[tilespmem:s9+$0xFFFFFF20] =	vst v8;
	v8 =	vmul.f32 v12, v7;
	v12 =	vld [tilespmem:s9+$0xFFFFFF90]  }
0x4a2: {  	[tilespmem:s9+$0xFFFFFF30] =	vst v9;
	v7 =	vmul.f32 v13, v7;
	v9 =	vld [tilespmem:s9+$0xFFFFFFA0]  }
0x4a3: {  	[tilespmem:s9+$0xFFFFFF40] =	vst v8;
	v8 =	vmul.f32 v14, v6;
	v13 =	vld [tilespmem:s9+$0xFFFFFFB0]  }
0x4a4: {  	[tilespmem:s9+$0xFFFFFF50] =	vst v7;
	v7 =	vmul.f32 v15, v6;
	v14 =	vld [tilespmem:s9+$0xFFFFFFC0]  }
0x4a5: {  	[tilespmem:s9+$0xFFFFFF60] =	vst v8;
	v8 =	vmul.f32 v11, v6;
	v11 =	vld [tilespmem:s9+$0xFFFFFFD0]  }
0x4a6: {  	[tilespmem:s9+$0xFFFFFF70] =	vst v7;
	v7 =	vmul.f32 v12, v6;
	v12 =	vld [tilespmem:s9+$0xFFFFFFE0]  }
0x4a7: {  	[tilespmem:s9+$0xFFFFFF80] =	vst v8;
	v6 =	vmul.f32 v9, v6;
	v8 =	vld [tilespmem:s9+$0xFFFFFFF0]  }
0x4a8: {  	s4 =	sadd.s32 $0x1, s2;
	v9 =	vmov s2;
	[tilespmem:s9+$0xFFFFFF90] =	vst v7;
	v7 =	vmul.f32 v13, v10;
	v13 =	vld [tilespmem:s9+$0x0]  }
0x4a9: {  	s7 =	sadd.s32 $0x3, s2;
	v15 =	vmov s4;
	s4 =	sadd.s32 $0x2, s2;
	v9 =	vshrl.u32 v9, $0x3;
	[tilespmem:s9+$0xFFFFFFA0] =	vst v6;
	v6 =	vmul.f32 v14, v10;
	v14 =	vld [tilespmem:s9+$0x10]  }
0x4aa: {  	v17 =	vmov s7;
	s7 =	sadd.s32 $0x5, s2;
	v16 =	vmov s4;
	s4 =	sadd.s32 $0x4, s2;
	[tilespmem:s9+$0xFFFFFFB0] =	vst v7;
	v7 =	vmul.f32 v11, v10;
	v11 =	vld [tilespmem:s9+$0x20]  }
0x4ab: {  	v19 =	vmov s7;
	v18 =	vmov s4;
	s4 =	sadd.s32 $0x6, s2;
	[tilespmem:s9+$0xFFFFFFC0] =	vst v6;
	v6 =	vmul.f32 v12, v10;
	v12 =	vld [tilespmem:s9+$0x30]  }
0x4ac: {  	v20 =	vmov s4;
	v9 =	vshll.u32 v9, v1;
	[tilespmem:s9+$0xFFFFFFD0] =	vst v7;
	v7 =	vmul.f32 v8, v10;
	v8 =	vld [tilespmem:s9+$0x40]  }
0x4ad: {  	v10 =	vshrl.u32 v15, $0x3;
	v15 =	vshrl.u32 v16, $0x3;
	[tilespmem:s9+$0xFFFFFFE0] =	vst v6;
	v6 =	vmul.f32 v13, v5;
	v13 =	vld [tilespmem:s9+$0x50]  }
0x4ae: {  	v16 =	vshrl.u32 v17, $0x3;
	v17 =	vshrl.u32 v18, $0x3;
	[tilespmem:s9+$0xFFFFFFF0] =	vst v7;
	v7 =	vmul.f32 v14, v5;
	v14 =	vld [tilespmem:s9+$0x60]  }
0x4af: {  	v18 =	vshrl.u32 v19, $0x3;
	v19 =	vshrl.u32 v20, $0x3;
	[tilespmem:s9+$0x0] =	vst v6;
	v6 =	vmul.f32 v11, v5;
	v11 =	vld [tilespmem:s9+$0x70]  }
0x4b0: {  	v9 =	vadd.s32 $0x2670, v9;
	v10 =	vshll.u32 v10, v1;
	[tilespmem:s9+$0x10] =	vst v7;
	v7 =	vmul.f32 v12, v5;
	v20 =	vld [tilespmem:s9+$0x80]  }
0x4b1: {  	v12 =	vshll.u32 v15, v1;
	v15 =	vshll.u32 v16, v1;
	[tilespmem:s9+$0x20] =	vst v6;
	v6 =	vmul.f32 v8, v5;
	v21 =	vld [tilespmem:s9+$0x90]  }
0x4b2: {  	v8 =	vshll.u32 v17, v1;
	v17 =	vshll.u32 v18, v1;
	[tilespmem:s9+$0x30] =	vst v7;
	v7 =	vmul.f32 v13, v4;
	v18 =	vld [tilespmem:s9+$0xA0]  }
.Ltmp6:
0x4b3: {  	v19 =	vshll.u32 v19, v1;
	v5 =	vbroadcast v9, $0x0;
	[tilespmem:s9+$0x40] =	vst v6;
	v9 =	vmul.f32 v14, v4;
	v6 =	vld [tilespmem:s9+$0xB0];
	(pc) =	sbr.rel @p0 .LBB2_14-.Ltmp6, $4  }
0x4b4: {  	v10 =	vadd.s32 $0x2671, v10;
	v14 =	vadd.s32 $0x2672, v12;
	[tilespmem:s9+$0x50] =	vst v7;
	v22 =	vmul.f32 v11, v4;
	v7 =	vld [tilespmem:s9+$0xC0]  }
0x4b5: {  	v16 =	vadd.s32 $0x2673, v15;
	v12 =	vadd.s32 $0x2674, v8;
	[tilespmem:s9+$0x60] =	vst v9;
	v20 =	vmul.f32 v20, v4;
	v8 =	vld [tilespmem:s9+$0xD0]  }
0x4b6: {  	v13 =	vadd.s32 $0x2675, v17;
	v11 =	vbroadcast v10, $0x0;
	[tilespmem:s9+$0x70] =	vst v22;
	v15 =	vmul.f32 v21, v4;
	v9 =	vld [tilespmem:s9+$0xE0]  }
0x4b7: {  	s4 =	sadd.s32 $0x7, s2;
	s2 =	sadd.s32 $0x8, s2;
	v4 =	vbroadcast v14, $0x0;
	v14 =	vadd.s32 $0x2676, v19;
	[tilespmem:s9+$0x80] =	vst v20;
	v17 =	vmul.f32 v18, v3;
	v10 =	vld [tilespmem:s9+$0xF0]  }
0x4b8: {  	_ = 	snop  }
0x4b9: {  	v19 =	vld [tilespmem:s9+$0x100]  }
0x4ba: {  	v20 =	vld [tilespmem:s9+$0x110]  }
0x4bb: {  	v21 =	vld [tilespmem:s9+$0x120]  }
0x4bc: {  	v18 =	vmov s4;
	v22 =	vld.idx.msk [tilespmem:v5+s0+$0x0], $0xffff  }
0x4bd: {  	v16 =	vbroadcast v16, $0x0;
	v11 =	vld.idx.msk [tilespmem:v11+s0+$0x0], $0xffff;
	v6 =	vmul.f32 v6, v3;
	s2 =	sadd.s32 $0x280, s9;
	v18 =	vshrl.u32 v18, $0x3  }
0x4be: {  	v12 =	vbroadcast v12, $0x0;
	v5 =	vbroadcast v14, $0x0;
	[tilespmem:s9+$0x90] =	vst v15;
	v15 =	vld [tilespmem:s2+$0xFFFFFF00];
	v18 =	vshll.u32 v18, v1  }
0x4bf: {  	v7 =	vmul.f32 v7, v3;
	[tilespmem:s9+$0xB0] =	vst v6;
	v6 =	vmul.f32 v8, v3;
	v8 =	vld [tilespmem:s2+$0xFFFFFEC0];
	v14 =	vadd.s32 $0x2677, v18  }
0x4c0: {  	v18 =	vld.idx.msk [tilespmem:v4+s0+$0x0], $0xffff;
	v14 =	vbroadcast v14, $0x0  }
0x4c1: {  	[tilespmem:s9+$0xC0] =	vst v7;
	v7 =	vld [tilespmem:s2+$0xFFFFFED0]  }
0x4c2: {  	v13 =	vbroadcast v13, $0x0;
	v3 =	vmul.f32 v9, v3;
	v9 =	vld [tilespmem:s2+$0xFFFFFEE0]  }
0x4c3: {  	[tilespmem:s9+$0xD0] =	vst v6;
	v6 =	vmul.f32 v10, v2;
	v10 =	vld [tilespmem:s2+$0xFFFFFEF0]  }
0x4c4: {  	v16 =	vld.idx.msk [tilespmem:v16+s0+$0x0], $0xffff  }
0x4c5: {  	[tilespmem:s9+$0xA0] =	vst v17;
	v12 =	vld.idx.msk [tilespmem:v12+s0+$0x0], $0xffff  }
0x4c6: {  	[tilespmem:s9+$0xE0] =	vst v3;
	v3 =	vmul.f32 v19, v2;
	v4 =	vld.idx.msk [tilespmem:v14+s0+$0x0], $0xffff  }
0x4c7: {  	[tilespmem:s9+$0xF0] =	vst v6;
	v6 =	vmul.f32 v20, v2;
	v2 =	vmul.f32 v21, v2;
	v14 =	vld [tilespmem:s2+$0x130]  }
0x4c8: {  	v13 =	vld.idx.msk [tilespmem:v13+s0+$0x0], $0xffff;
	[tilespmem:s9+$0x100] =	vst v3  }
0x4c9: {  	v3 =	vld [tilespmem:s2+$0xFFFFFF10];
	[tilespmem:s9+$0x120] =	vst v2;
	v2 =	vmul.f32 v8, v22  }
0x4ca: {  	v5 =	vld.idx.msk [tilespmem:v5+s0+$0x0], $0xffff;
	[tilespmem:s9+$0x110] =	vst v6;
	v7 =	vmul.f32 v7, v22  }
0x4cb: {  	v8 =	vld [tilespmem:s2+$0xFFFFFF30];
	[tilespmem:s2+$0xFFFFFEC0] =	vst v2;
	v2 =	vmul.f32 v9, v22  }
0x4cc: {  	[tilespmem:s2+$0xFFFFFED0] =	vst v7;
	v6 =	vmul.f32 v14, v4;
	v14 =	vld [tilespmem:s2+$0xFFFFFF20]  }
0x4cd: {  	v9 =	vld [tilespmem:s2+$0xFFFFFF50];
	v7 =	vmul.f32 v10, v22;
	[tilespmem:s2+$0xFFFFFEE0] =	vst v2  }
0x4ce: {  	v3 =	vmul.f32 v3, v11;
	[tilespmem:s2+$0x130] =	vst v6;
	v6 =	vld [tilespmem:s2+$0xFFFFFF40]  }
0x4cf: {  	v2 =	vmul.f32 v15, v22;
	v15 =	vld [tilespmem:s2+$0xFFFFFF70];
	[tilespmem:s2+$0xFFFFFEF0] =	vst v7  }
0x4d0: {  	v10 =	vld [tilespmem:s2+$0xFFFFFF60];
	[tilespmem:s2+$0xFFFFFF10] =	vst v3;
	v3 =	vmul.f32 v8, v11  }
0x4d1: {  	[tilespmem:s2+$0xFFFFFF00] =	vst v2;
	v2 =	vmul.f32 v14, v11;
	v14 =	vld [tilespmem:s2+$0xFFFFFF90]  }
0x4d2: {  	v7 =	vld [tilespmem:s2+$0xFFFFFF80];
	[tilespmem:s2+$0xFFFFFF30] =	vst v3;
	v3 =	vmul.f32 v9, v11  }
0x4d3: {  	[tilespmem:s2+$0xFFFFFF20] =	vst v2;
	v2 =	vmul.f32 v6, v11;
	v6 =	vld [tilespmem:s2+$0xFFFFFFB0]  }
0x4d4: {  	v8 =	vld [tilespmem:s2+$0xFFFFFFA0];
	[tilespmem:s2+$0xFFFFFF50] =	vst v3;
	v3 =	vmul.f32 v15, v18  }
0x4d5: {  	[tilespmem:s2+$0xFFFFFF40] =	vst v2;
	v2 =	vmul.f32 v10, v18;
	v10 =	vld [tilespmem:s2+$0xFFFFFFD0]  }
0x4d6: {  	v9 =	vld [tilespmem:s2+$0xFFFFFFC0];
	[tilespmem:s2+$0xFFFFFF70] =	vst v3;
	v3 =	vmul.f32 v14, v18  }
0x4d7: {  	[tilespmem:s2+$0xFFFFFF60] =	vst v2;
	v2 =	vmul.f32 v7, v18;
	v7 =	vld [tilespmem:s2+$0xFFFFFFF0]  }
0x4d8: {  	v11 =	vld [tilespmem:s2+$0xFFFFFFE0];
	[tilespmem:s2+$0xFFFFFF90] =	vst v3;
	v3 =	vmul.f32 v6, v16  }
0x4d9: {  	[tilespmem:s2+$0xFFFFFF80] =	vst v2;
	v2 =	vmul.f32 v8, v18;
	v8 =	vld [tilespmem:s2+$0x10]  }
0x4da: {  	v14 =	vld [tilespmem:s2+$0x0];
	[tilespmem:s2+$0xFFFFFFB0] =	vst v3;
	v3 =	vmul.f32 v10, v16  }
0x4db: {  	[tilespmem:s2+$0xFFFFFFA0] =	vst v2;
	v2 =	vmul.f32 v9, v16;
	v9 =	vld [tilespmem:s2+$0x30]  }
0x4dc: {  	v6 =	vld [tilespmem:s2+$0x20];
	[tilespmem:s2+$0xFFFFFFD0] =	vst v3;
	v3 =	vmul.f32 v7, v16  }
0x4dd: {  	[tilespmem:s2+$0xFFFFFFC0] =	vst v2;
	v2 =	vmul.f32 v11, v16;
	v11 =	vld [tilespmem:s2+$0x50]  }
0x4de: {  	v10 =	vld [tilespmem:s2+$0x40];
	[tilespmem:s2+$0xFFFFFFF0] =	vst v3;
	v3 =	vmul.f32 v8, v12  }
0x4df: {  	[tilespmem:s2+$0xFFFFFFE0] =	vst v2;
	v2 =	vmul.f32 v14, v12;
	v14 =	vld [tilespmem:s2+$0x70]  }
0x4e0: {  	v7 =	vld [tilespmem:s2+$0x60];
	[tilespmem:s2+$0x10] =	vst v3;
	v3 =	vmul.f32 v9, v12  }
0x4e1: {  	[tilespmem:s2+$0x0] =	vst v2;
	v2 =	vmul.f32 v6, v12;
	v6 =	vld [tilespmem:s2+$0x90]  }
0x4e2: {  	v8 =	vld [tilespmem:s2+$0x80];
	[tilespmem:s2+$0x30] =	vst v3;
	v3 =	vmul.f32 v11, v13  }
0x4e3: {  	[tilespmem:s2+$0x20] =	vst v2;
	v2 =	vmul.f32 v10, v12;
	v10 =	vld [tilespmem:s2+$0xB0]  }
0x4e4: {  	v9 =	vld [tilespmem:s2+$0xA0];
	[tilespmem:s2+$0x50] =	vst v3;
	v3 =	vmul.f32 v14, v13  }
0x4e5: {  	[tilespmem:s2+$0x40] =	vst v2;
	v2 =	vmul.f32 v7, v13;
	v7 =	vld [tilespmem:s2+$0xD0]  }
0x4e6: {  	v11 =	vld [tilespmem:s2+$0xC0];
	[tilespmem:s2+$0x70] =	vst v3;
	v3 =	vmul.f32 v6, v13  }
0x4e7: {  	v12 =	vld [tilespmem:s2+$0xE0];
	[tilespmem:s2+$0x60] =	vst v2;
	v2 =	vmul.f32 v8, v13  }
0x4e8: {  	v6 =	vld [tilespmem:s2+$0x100];
	[tilespmem:s2+$0x90] =	vst v3;
	v3 =	vmul.f32 v10, v5  }
0x4e9: {  	v8 =	vld [tilespmem:s2+$0xF0];
	[tilespmem:s2+$0x80] =	vst v2;
	v2 =	vmul.f32 v9, v5  }
0x4ea: {  	v9 =	vld [tilespmem:s2+$0x110];
	[tilespmem:s2+$0xB0] =	vst v3;
	v3 =	vmul.f32 v7, v5  }
0x4eb: {  	v10 =	vld [tilespmem:s2+$0x120];
	[tilespmem:s2+$0xA0] =	vst v2;
	v2 =	vmul.f32 v11, v5  }
0x4ec: {  	v5 =	vmul.f32 v12, v5;
	[tilespmem:s2+$0xD0] =	vst v3  }
0x4ed: {  	v6 =	vmul.f32 v6, v4;
	[tilespmem:s2+$0xC0] =	vst v2  }
0x4ee: {  	v2 =	vmul.f32 v8, v4;
	[tilespmem:s2+$0xE0] =	vst v5  }
0x4ef: {  	s14 =	simm.s32 $0x0;
	[tilespmem:s2+$0x100] =	vst v6;
	v3 =	vmul.f32 v9, v4  }
0x4f0: {  	s7 =	simm.s32 $0x1;
	v7 =	vmov s14;
	v4 =	vmul.f32 v10, v4;
	[tilespmem:s2+$0xF0] =	vst v2  }
0x4f1: {  	v8 =	vmov s7;
	v2 =	vshrl.u32 v7, $0x3;
	[tilespmem:s2+$0x110] =	vst v3  }
0x4f2: {  	s10 =	simm.s32 $0x4D80;
	v8 =	vshrl.u32 v8, $0x3;
	v2 =	vshll.u32 v2, v1;
	[tilespmem:s2+$0x120] =	vst v4  }
0x4f3: {  	v8 =	vshll.u32 v8, v1;
	v2 =	vadd.s32 $0x26C0, v2;
	[spmem:s3] =	stream.indirect.scatter.add.f32 [tilespmem:s30], [sflag:$0x4], $0x50, s10, s31, $0xb8;
	[tilespmem:$0x1F8C0] =	vst v63  }
0x4f4: {  	s9 =	simm.s32 $0x6;
	v8 =	vadd.s32 $0x26C1, v8;
	_ =	swait.ge [sflag:s23], $0x1900;
	v2 =	vbroadcast v2, $0x0  }
0x4f5: {  	s16 =	simm.s32 $0x2;
	s20 =	simm.s32 $0x3;
	v6 =	vmov s9;
	v8 =	vbroadcast v8, $0x0;
	[sflag:s23] =	ssyncset.done $0x0  }
0x4f6: {  	s22 =	simm.s32 $0x5;
	v5 =	vmov s16;
	v9 =	vmov s20;
	v6 =	vshrl.u32 v6, $0x3;
	[sflag:s23] =	ssyncadd.s32 $0xFFFFE700  }
0x4f7: {  	s11 =	simm.s32 $0x7;
	v10 =	vmov s22;
	v6 =	vshll.u32 v6, v1;
	v3 =	vshrl.u32 v5, $0x3;
	_ =	swait.ge [sflag:s5], $0x1900  }
0x4f8: {  	v5 =	vshrl.u32 v9, $0x3;
	v9 =	vmov s11;
	v3 =	vshll.u32 v3, v1;
	[sflag:s5] =	ssyncset.done $0x0  }
0x4f9: {  	v4 =	vshrl.u32 v10, $0x3;
	v9 =	vshrl.u32 v9, $0x3;
	v3 =	vadd.s32 $0x26C2, v3;
	[sflag:s5] =	ssyncadd.s32 $0xFFFFE700  }
0x4fa: {  	v6 =	vadd.s32 $0x26C6, v6;
	v9 =	vshll.u32 v9, v1;
	v3 =	vbroadcast v3, $0x0;
	v10 =	vld.idx.msk [tilespmem:v2+s0+$0x0], $0xffff  }
0x4fb: {  	s4 =	simm.s32 $0x104B0;
	v2 =	vbroadcast v6, $0x0;
	v6 =	vadd.s32 $0x26C7, v9;
	v8 =	vld.idx.msk [tilespmem:v8+s0+$0x0], $0xffff  }
0x4fc: {  	v11 =	vld [tilespmem:s4+$0xFFFFFEC0];
	v6 =	vbroadcast v6, $0x0  }
0x4fd: {  	s21 =	simm.s32 $0x4;
	v12 =	vld [tilespmem:s4+$0xFFFFFED0]  }
0x4fe: {  	v7 =	vmov s21;
	v13 =	vld [tilespmem:s4+$0xFFFFFEE0]  }
0x4ff: {  	v7 =	vshrl.u32 v7, $0x3;
	v5 =	vshll.u32 v5, v1;
	v14 =	vld [tilespmem:s4+$0xFFFFFEF0]  }
0x500: {  	v7 =	vshll.u32 v7, v1;
	v5 =	vadd.s32 $0x26C3, v5;
	v9 =	vld.idx.msk [tilespmem:v3+s0+$0x0], $0xffff  }
0x501: {  	v4 =	vshll.u32 v4, v1;
	v7 =	vadd.s32 $0x26C4, v7;
	v5 =	vbroadcast v5, $0x0;
	v3 =	vld.idx.msk [tilespmem:v2+s0+$0x0], $0xffff  }
0x502: {  	v4 =	vadd.s32 $0x26C5, v4;
	v7 =	vbroadcast v7, $0x0;
	v2 =	vld.idx.msk [tilespmem:v6+s0+$0x0], $0xffff  }
0x503: {  	v4 =	vbroadcast v4, $0x0;
	v6 =	vld [tilespmem:s4+$0x130]  }
0x504: {  	v15 =	vld [tilespmem:s4+$0xFFFFFF00]  }
0x505: {  	v16 =	vld [tilespmem:s4+$0xFFFFFF10]  }
0x506: {  	v17 =	vld [tilespmem:s4+$0xFFFFFF20]  }
0x507: {  	v5 =	vld.idx.msk [tilespmem:v5+s0+$0x0], $0xffff;
	v11 =	vmul.f32 v11, v10  }
0x508: {  	v7 =	vld.idx.msk [tilespmem:v7+s0+$0x0], $0xffff;
	v6 =	vmul.f32 v6, v2  }
0x509: {  	v4 =	vld.idx.msk [tilespmem:v4+s0+$0x0], $0xffff;
	v12 =	vmul.f32 v12, v10;
	[tilespmem:s4+$0xFFFFFEC0] =	vst v11  }
0x50a: {  	v11 =	vld [tilespmem:s4+$0xFFFFFF30];
	[tilespmem:s4+$0x130] =	vst v6;
	v6 =	vmul.f32 v13, v10  }
0x50b: {  	[tilespmem:s4+$0xFFFFFED0] =	vst v12;
	v12 =	vmul.f32 v14, v10;
	v13 =	vld [tilespmem:s4+$0xFFFFFF40]  }
0x50c: {  	[tilespmem:s4+$0xFFFFFEE0] =	vst v6;
	v6 =	vmul.f32 v15, v10;
	v10 =	vld [tilespmem:s4+$0xFFFFFF50]  }
0x50d: {  	v14 =	vld [tilespmem:s4+$0xFFFFFF60];
	[tilespmem:s4+$0xFFFFFEF0] =	vst v12;
	v12 =	vmul.f32 v16, v8  }
0x50e: {  	v15 =	vld [tilespmem:s4+$0xFFFFFF70];
	[tilespmem:s4+$0xFFFFFF00] =	vst v6;
	v6 =	vmul.f32 v17, v8  }
0x50f: {  	[tilespmem:s4+$0xFFFFFF10] =	vst v12;
	v12 =	vld [tilespmem:s4+$0xFFFFFF80];
	v11 =	vmul.f32 v11, v8  }
0x510: {  	[tilespmem:s4+$0xFFFFFF20] =	vst v6;
	v6 =	vmul.f32 v13, v8;
	v13 =	vld [tilespmem:s4+$0xFFFFFF90]  }
0x511: {  	[tilespmem:s4+$0xFFFFFF30] =	vst v11;
	v8 =	vmul.f32 v10, v8;
	v10 =	vld [tilespmem:s4+$0xFFFFFFA0]  }
0x512: {  	v11 =	vld [tilespmem:s4+$0xFFFFFFB0];
	[tilespmem:s4+$0xFFFFFF40] =	vst v6;
	v6 =	vmul.f32 v14, v9  }
0x513: {  	v14 =	vld [tilespmem:s4+$0xFFFFFFC0];
	[tilespmem:s4+$0xFFFFFF50] =	vst v8;
	v8 =	vmul.f32 v15, v9  }
0x514: {  	[tilespmem:s4+$0xFFFFFF60] =	vst v6;
	v6 =	vmul.f32 v12, v9;
	v12 =	vld [tilespmem:s4+$0xFFFFFFD0]  }
0x515: {  	[tilespmem:s4+$0xFFFFFF70] =	vst v8;
	v8 =	vmul.f32 v13, v9;
	v13 =	vld [tilespmem:s4+$0xFFFFFFE0]  }
0x516: {  	[tilespmem:s4+$0xFFFFFF80] =	vst v6;
	v6 =	vmul.f32 v10, v9;
	v9 =	vld [tilespmem:s4+$0xFFFFFFF0]  }
0x517: {  	[tilespmem:s4+$0xFFFFFF90] =	vst v8;
	v8 =	vmul.f32 v11, v5;
	v11 =	vld [tilespmem:s4+$0x0]  }
0x518: {  	s20 =	simm.s32 $0xC;
	s22 =	simm.s32 $0xE;
	[tilespmem:s4+$0xFFFFFFA0] =	vst v6;
	v6 =	vmul.f32 v14, v5;
	v14 =	vld [tilespmem:s4+$0x10]  }
0x519: {  	s12 =	simm.s32 $0x8;
	s21 =	simm.s32 $0xD;
	v18 =	vmov s20;
	v62 =	vmov s22;
	[tilespmem:s4+$0xFFFFFFB0] =	vst v8;
	v8 =	vmul.f32 v12, v5;
	v12 =	vld [tilespmem:s4+$0x20]  }
0x51a: {  	s14 =	simm.s32 $0xA;
	v19 =	vmov s21;
	v10 =	vmov s12;
	[tilespmem:s4+$0xFFFFFFC0] =	vst v6;
	v6 =	vmul.f32 v13, v5;
	v13 =	vld [tilespmem:s4+$0x30]  }
0x51b: {  	s16 =	simm.s32 $0xB;
	v16 =	vmov s14;
	v10 =	vshrl.u32 v10, $0x3;
	[tilespmem:s4+$0xFFFFFFD0] =	vst v8;
	v5 =	vmul.f32 v9, v5;
	v8 =	vld [tilespmem:s4+$0x40]  }
0x51c: {  	s13 =	simm.s32 $0x9;
	v17 =	vmov s16;
	v10 =	vshll.u32 v10, v1;
	[tilespmem:s4+$0xFFFFFFE0] =	vst v6;
	v6 =	vmul.f32 v11, v7;
	v11 =	vld [tilespmem:s4+$0x50]  }
0x51d: {  	v15 =	vmov s13;
	v10 =	vadd.s32 $0x26C0, v10;
	[tilespmem:s4+$0xFFFFFFF0] =	vst v5;
	v5 =	vmul.f32 v14, v7;
	v14 =	vld [tilespmem:s4+$0x60]  }
0x51e: {  	v9 =	vshrl.u32 v15, $0x3;
	v15 =	vshrl.u32 v16, $0x3;
	[tilespmem:s4+$0x0] =	vst v6;
	v6 =	vmul.f32 v12, v7;
	v12 =	vld [tilespmem:s4+$0x70]  }
0x51f: {  	v16 =	vshrl.u32 v17, $0x3;
	v17 =	vshrl.u32 v18, $0x3;
	[tilespmem:s4+$0x10] =	vst v5;
	v5 =	vmul.f32 v13, v7;
	v13 =	vld [tilespmem:s4+$0x80]  }
0x520: {  	v18 =	vshrl.u32 v19, $0x3;
	v19 =	vshrl.u32 v62, $0x3;
	[tilespmem:s4+$0x20] =	vst v6;
	v6 =	vmul.f32 v8, v7  }
0x521: {  	v63 =	vld [tilespmem:s4+$0x90];
	v9 =	vshll.u32 v9, v1;
	v15 =	vshll.u32 v15, v1;
	[tilespmem:s4+$0x30] =	vst v5;
	v7 =	vmul.f32 v11, v4  }
0x522: {  	v16 =	vshll.u32 v16, v1;
	v11 =	vld [tilespmem:s4+$0xA0];
	v5 =	vbroadcast v10, $0x0;
	[tilespmem:s4+$0x40] =	vst v6;
	v10 =	vmul.f32 v14, v4  }
0x523: {  	v8 =	vshll.u32 v17, v1;
	v6 =	vld [tilespmem:s4+$0xB0];
	v14 =	vadd.s32 $0x26C2, v15;
	[tilespmem:s4+$0x50] =	vst v7;
	v15 =	vmul.f32 v12, v4  }
0x524: {  	v17 =	vshll.u32 v18, v1;
	v18 =	vshll.u32 v19, v1;
	v7 =	vld [tilespmem:s4+$0xC0];
	[tilespmem:s4+$0x60] =	vst v10;
	v19 =	vmul.f32 v13, v4  }
0x525: {  	v9 =	vadd.s32 $0x26C1, v9;
	v16 =	vadd.s32 $0x26C3, v16;
	v12 =	vadd.s32 $0x26C4, v8;
	v8 =	vld [tilespmem:s4+$0xD0];
	[tilespmem:s4+$0x70] =	vst v15  }
0x526: {  	v10 =	vbroadcast v9, $0x0;
	v13 =	vadd.s32 $0x26C5, v17;
	v9 =	vld [tilespmem:s4+$0xE0];
	v15 =	vmul.f32 v63, v4;
	[tilespmem:s4+$0x80] =	vst v19  }
0x527: {  	s7 =	simm.s32 $0xF;
	s2 =	simm.s32 $0x10;
	v4 =	vbroadcast v14, $0x0;
	v14 =	vadd.s32 $0x26C6, v18;
	v17 =	vmul.f32 v11, v3;
	v11 =	vld [tilespmem:s4+$0xF0];
	s16 =	rddreg [dreg:$0xc]  }
.LBB2_16:
0x528: {  	p0 =	slt.u32 s2, $0x48;
	v16 =	vbroadcast v16, $0x0;
	v18 =	vmov s7;
	[tilespmem:s4+$0x90] =	vst v15;
	v6 =	vmul.f32 v6, v3;
	v15 =	vld [tilespmem:s4+$0x100]  }
0x529: {  	v12 =	vbroadcast v12, $0x0;
	v18 =	vshrl.u32 v18, $0x3;
	[tilespmem:s4+$0xA0] =	vst v17;
	v7 =	vmul.f32 v7, v3;
	v17 =	vld [tilespmem:s4+$0x110]  }
0x52a: {  	v13 =	vbroadcast v13, $0x0;
	v18 =	vshll.u32 v18, v1;
	[tilespmem:s4+$0xB0] =	vst v6;
	v6 =	vmul.f32 v8, v3;
	v8 =	vld [tilespmem:s4+$0x120]  }
0x52b: {  	v14 =	vbroadcast v14, $0x0;
	v19 =	vld.idx.msk [tilespmem:v5+s0+$0x0], $0xffff;
	v5 =	vadd.s32 $0x26C7, v18;
	[tilespmem:s4+$0xC0] =	vst v7;
	v3 =	vmul.f32 v9, v3  }
0x52c: {  	v7 =	vld.idx.msk [tilespmem:v10+s0+$0x0], $0xffff;
	v9 =	vbroadcast v5, $0x0;
	[tilespmem:s4+$0xD0] =	vst v6;
	v5 =	vmul.f32 v11, v2  }
0x52d: {  	v6 =	vld.idx.msk [tilespmem:v4+s0+$0x0], $0xffff;
	[tilespmem:s4+$0xE0] =	vst v3;
	v3 =	vmul.f32 v15, v2  }
0x52e: {  	v10 =	vld.idx.msk [tilespmem:v16+s0+$0x0], $0xffff;
	[tilespmem:s4+$0xF0] =	vst v5;
	v11 =	vmul.f32 v17, v2  }
0x52f: {  	v5 =	vld.idx.msk [tilespmem:v12+s0+$0x0], $0xffff;
	[tilespmem:s4+$0x100] =	vst v3;
	v2 =	vmul.f32 v8, v2  }
0x530: {  	v4 =	vld.idx.msk [tilespmem:v13+s0+$0x0], $0xffff;
	[tilespmem:s4+$0x110] =	vst v11  }
0x531: {  	v3 =	vld.idx.msk [tilespmem:v14+s0+$0x0], $0xffff;
	[tilespmem:s4+$0x120] =	vst v2  }
0x532: {  	s4 =	sadd.s32 $0x280, s4;
	v2 =	vld.idx.msk [tilespmem:v9+s0+$0x0], $0xffff  }
0x533: {  	v8 =	vld [tilespmem:s4+$0x130]  }
0x534: {  	v9 =	vld [tilespmem:s4+$0xFFFFFEC0]  }
0x535: {  	v11 =	vld [tilespmem:s4+$0xFFFFFED0]  }
0x536: {  	v12 =	vld [tilespmem:s4+$0xFFFFFEE0]  }
0x537: {  	v13 =	vld [tilespmem:s4+$0xFFFFFEF0]  }
0x538: {  	v14 =	vld [tilespmem:s4+$0xFFFFFF00];
	v8 =	vmul.f32 v8, v2  }
0x539: {  	v9 =	vmul.f32 v9, v19;
	v15 =	vld [tilespmem:s4+$0xFFFFFF10]  }
0x53a: {  	v11 =	vmul.f32 v11, v19;
	v16 =	vld [tilespmem:s4+$0xFFFFFF20];
	[tilespmem:s4+$0x130] =	vst v8  }
0x53b: {  	[tilespmem:s4+$0xFFFFFEC0] =	vst v9;
	v8 =	vmul.f32 v12, v19;
	v9 =	vld [tilespmem:s4+$0xFFFFFF30]  }
0x53c: {  	[tilespmem:s4+$0xFFFFFED0] =	vst v11;
	v11 =	vmul.f32 v13, v19;
	v12 =	vld [tilespmem:s4+$0xFFFFFF40]  }
0x53d: {  	[tilespmem:s4+$0xFFFFFEE0] =	vst v8;
	v8 =	vmul.f32 v14, v19;
	v13 =	vld [tilespmem:s4+$0xFFFFFF50]  }
0x53e: {  	[tilespmem:s4+$0xFFFFFEF0] =	vst v11;
	v11 =	vmul.f32 v15, v7;
	v14 =	vld [tilespmem:s4+$0xFFFFFF60]  }
0x53f: {  	[tilespmem:s4+$0xFFFFFF00] =	vst v8;
	v8 =	vmul.f32 v16, v7;
	v15 =	vld [tilespmem:s4+$0xFFFFFF70]  }
0x540: {  	[tilespmem:s4+$0xFFFFFF10] =	vst v11;
	v9 =	vmul.f32 v9, v7;
	v11 =	vld [tilespmem:s4+$0xFFFFFF80]  }
0x541: {  	[tilespmem:s4+$0xFFFFFF20] =	vst v8;
	v8 =	vmul.f32 v12, v7;
	v12 =	vld [tilespmem:s4+$0xFFFFFF90]  }
0x542: {  	[tilespmem:s4+$0xFFFFFF30] =	vst v9;
	v7 =	vmul.f32 v13, v7;
	v9 =	vld [tilespmem:s4+$0xFFFFFFA0]  }
0x543: {  	[tilespmem:s4+$0xFFFFFF40] =	vst v8;
	v8 =	vmul.f32 v14, v6;
	v13 =	vld [tilespmem:s4+$0xFFFFFFB0]  }
0x544: {  	[tilespmem:s4+$0xFFFFFF50] =	vst v7;
	v7 =	vmul.f32 v15, v6;
	v14 =	vld [tilespmem:s4+$0xFFFFFFC0]  }
0x545: {  	[tilespmem:s4+$0xFFFFFF60] =	vst v8;
	v8 =	vmul.f32 v11, v6;
	v11 =	vld [tilespmem:s4+$0xFFFFFFD0]  }
0x546: {  	[tilespmem:s4+$0xFFFFFF70] =	vst v7;
	v7 =	vmul.f32 v12, v6;
	v12 =	vld [tilespmem:s4+$0xFFFFFFE0]  }
0x547: {  	[tilespmem:s4+$0xFFFFFF80] =	vst v8;
	v6 =	vmul.f32 v9, v6;
	v8 =	vld [tilespmem:s4+$0xFFFFFFF0]  }
0x548: {  	s7 =	sadd.s32 $0x1, s2;
	v9 =	vmov s2;
	[tilespmem:s4+$0xFFFFFF90] =	vst v7;
	v7 =	vmul.f32 v13, v10;
	v13 =	vld [tilespmem:s4+$0x0]  }
0x549: {  	s9 =	sadd.s32 $0x3, s2;
	v15 =	vmov s7;
	s7 =	sadd.s32 $0x2, s2;
	v9 =	vshrl.u32 v9, $0x3;
	[tilespmem:s4+$0xFFFFFFA0] =	vst v6;
	v6 =	vmul.f32 v14, v10;
	v14 =	vld [tilespmem:s4+$0x10]  }
0x54a: {  	v17 =	vmov s9;
	s9 =	sadd.s32 $0x5, s2;
	v16 =	vmov s7;
	s7 =	sadd.s32 $0x4, s2;
	[tilespmem:s4+$0xFFFFFFB0] =	vst v7;
	v7 =	vmul.f32 v11, v10;
	v11 =	vld [tilespmem:s4+$0x20]  }
0x54b: {  	v19 =	vmov s9;
	v18 =	vmov s7;
	s7 =	sadd.s32 $0x6, s2;
	[tilespmem:s4+$0xFFFFFFC0] =	vst v6;
	v6 =	vmul.f32 v12, v10;
	v12 =	vld [tilespmem:s4+$0x30]  }
0x54c: {  	v20 =	vmov s7;
	v9 =	vshll.u32 v9, v1;
	[tilespmem:s4+$0xFFFFFFD0] =	vst v7;
	v7 =	vmul.f32 v8, v10;
	v8 =	vld [tilespmem:s4+$0x40]  }
0x54d: {  	v10 =	vshrl.u32 v15, $0x3;
	v15 =	vshrl.u32 v16, $0x3;
	[tilespmem:s4+$0xFFFFFFE0] =	vst v6;
	v6 =	vmul.f32 v13, v5;
	v13 =	vld [tilespmem:s4+$0x50]  }
0x54e: {  	v16 =	vshrl.u32 v17, $0x3;
	v17 =	vshrl.u32 v18, $0x3;
	[tilespmem:s4+$0xFFFFFFF0] =	vst v7;
	v7 =	vmul.f32 v14, v5;
	v14 =	vld [tilespmem:s4+$0x60]  }
0x54f: {  	v18 =	vshrl.u32 v19, $0x3;
	v19 =	vshrl.u32 v20, $0x3;
	[tilespmem:s4+$0x0] =	vst v6;
	v6 =	vmul.f32 v11, v5;
	v11 =	vld [tilespmem:s4+$0x70]  }
0x550: {  	v9 =	vadd.s32 $0x26C0, v9;
	v10 =	vshll.u32 v10, v1;
	[tilespmem:s4+$0x10] =	vst v7;
	v7 =	vmul.f32 v12, v5;
	v20 =	vld [tilespmem:s4+$0x80]  }
0x551: {  	v12 =	vshll.u32 v15, v1;
	v15 =	vshll.u32 v16, v1;
	[tilespmem:s4+$0x20] =	vst v6;
	v6 =	vmul.f32 v8, v5;
	v21 =	vld [tilespmem:s4+$0x90]  }
0x552: {  	v8 =	vshll.u32 v17, v1;
	v17 =	vshll.u32 v18, v1;
	[tilespmem:s4+$0x30] =	vst v7;
	v7 =	vmul.f32 v13, v4;
	v18 =	vld [tilespmem:s4+$0xA0]  }
.Ltmp7:
0x553: {  	v19 =	vshll.u32 v19, v1;
	v5 =	vbroadcast v9, $0x0;
	[tilespmem:s4+$0x40] =	vst v6;
	v9 =	vmul.f32 v14, v4;
	v6 =	vld [tilespmem:s4+$0xB0];
	(pc) =	sbr.rel @p0 .LBB2_16-.Ltmp7, $4  }
0x554: {  	v10 =	vadd.s32 $0x26C1, v10;
	v14 =	vadd.s32 $0x26C2, v12;
	[tilespmem:s4+$0x50] =	vst v7;
	v11 =	vmul.f32 v11, v4;
	v7 =	vld [tilespmem:s4+$0xC0]  }
0x555: {  	v16 =	vadd.s32 $0x26C3, v15;
	v12 =	vadd.s32 $0x26C4, v8;
	[tilespmem:s4+$0x60] =	vst v9;
	v20 =	vmul.f32 v20, v4;
	v8 =	vld [tilespmem:s4+$0xD0]  }
0x556: {  	v10 =	vbroadcast v10, $0x0;
	v13 =	vadd.s32 $0x26C5, v17;
	[tilespmem:s4+$0x70] =	vst v11;
	v15 =	vmul.f32 v21, v4;
	v9 =	vld [tilespmem:s4+$0xE0]  }
0x557: {  	s7 =	sadd.s32 $0x7, s2;
	s2 =	sadd.s32 $0x8, s2;
	v4 =	vbroadcast v14, $0x0;
	v14 =	vadd.s32 $0x26C6, v19;
	[tilespmem:s4+$0x80] =	vst v20;
	v17 =	vmul.f32 v18, v3;
	v11 =	vld [tilespmem:s4+$0xF0]  }
0x558: {  	_ = 	snop  }
0x559: {  	v19 =	vld [tilespmem:s4+$0x100]  }
0x55a: {  	v20 =	vld [tilespmem:s4+$0x110]  }
0x55b: {  	v21 =	vld [tilespmem:s4+$0x120]  }
0x55c: {  	v5 =	vld.idx.msk [tilespmem:v5+s0+$0x0], $0xffff  }
0x55d: {  	v10 =	vld.idx.msk [tilespmem:v10+s0+$0x0], $0xffff  }
0x55e: {  	s2 =	sadd.s32 $0x280, s4;
	v22 =	vld.idx.msk [tilespmem:v4+s0+$0x0], $0xffff  }
0x55f: {  	v23 =	vld [tilespmem:s2+$0x130]  }
0x560: {  	v18 =	vmov s7;
	v25 =	vld [tilespmem:s2+$0xFFFFFEC0]  }
0x561: {  	[tilespmem:s4+$0x90] =	vst v15;
	v62 =	vmul.f32 v6, v3;
	v18 =	vshrl.u32 v18, $0x3;
	v26 =	vld [tilespmem:s2+$0xFFFFFED0]  }
0x562: {  	[tilespmem:s4+$0xA0] =	vst v17;
	v7 =	vmul.f32 v7, v3;
	v28 =	vld [tilespmem:s2+$0xFFFFFEE0];
	v18 =	vshll.u32 v18, v1  }
0x563: {  	v29 =	vld [tilespmem:s2+$0xFFFFFF00];
	[tilespmem:s4+$0xB0] =	vst v62;
	v8 =	vmul.f32 v8, v3;
	v18 =	vadd.s32 $0x26C7, v18;
	v3 =	vmul.f32 v9, v3  }
0x564: {  	v30 =	vld [tilespmem:s2+$0xFFFFFF10];
	[tilespmem:s4+$0xC0] =	vst v7;
	v18 =	vbroadcast v18, $0x0  }
0x565: {  	v31 =	vld [tilespmem:s2+$0xFFFFFF20];
	v24 =	vmul.f32 v11, v2;
	[tilespmem:s4+$0xE0] =	vst v3;
	v3 =	vmul.f32 v19, v2  }
0x566: {  	v32 =	vld [tilespmem:s2+$0xFFFFFF30];
	[tilespmem:s4+$0xD0] =	vst v8;
	v27 =	vmul.f32 v20, v2;
	v2 =	vmul.f32 v21, v2  }
0x567: {  	v33 =	vld [tilespmem:s2+$0xFFFFFF40];
	[tilespmem:s4+$0x100] =	vst v3  }
0x568: {  	v3 =	vld [tilespmem:s2+$0xFFFFFEF0];
	[tilespmem:s4+$0x120] =	vst v2;
	v2 =	vmul.f32 v25, v5  }
0x569: {  	v34 =	vld [tilespmem:s2+$0xFFFFFF50];
	[tilespmem:s4+$0xF0] =	vst v24  }
0x56a: {  	v35 =	vld [tilespmem:s2+$0xFFFFFF60];
	[tilespmem:s2+$0xFFFFFEC0] =	vst v2;
	v2 =	vmul.f32 v28, v5  }
0x56b: {  	v11 =	vmul.f32 v26, v5;
	[tilespmem:s4+$0x110] =	vst v27;
	v18 =	vld.idx.msk [tilespmem:v18+s0+$0x0], $0xffff  }
0x56c: {  	v36 =	vld [tilespmem:s2+$0xFFFFFF70];
	[tilespmem:s2+$0xFFFFFEE0] =	vst v2;
	v2 =	vmul.f32 v29, v5  }
0x56d: {  	v37 =	vld [tilespmem:s2+$0xFFFFFF80];
	[tilespmem:s2+$0xFFFFFED0] =	vst v11;
	v3 =	vmul.f32 v3, v5  }
0x56e: {  	v16 =	vbroadcast v16, $0x0;
	v38 =	vld [tilespmem:s2+$0xFFFFFF90];
	[tilespmem:s2+$0xFFFFFF00] =	vst v2;
	v2 =	vmul.f32 v31, v10  }
0x56f: {  	v39 =	vld [tilespmem:s2+$0xFFFFFFA0];
	[tilespmem:s2+$0xFFFFFEF0] =	vst v3;
	v3 =	vmul.f32 v30, v10  }
0x570: {  	v40 =	vld [tilespmem:s2+$0xFFFFFFB0];
	v7 =	vmul.f32 v23, v18;
	[tilespmem:s2+$0xFFFFFF20] =	vst v2  }
0x571: {  	v41 =	vld [tilespmem:s2+$0xFFFFFFC0];
	v2 =	vmul.f32 v33, v10;
	[tilespmem:s2+$0xFFFFFF10] =	vst v3  }
0x572: {  	v12 =	vbroadcast v12, $0x0;
	v42 =	vld [tilespmem:s2+$0xFFFFFFD0];
	v3 =	vmul.f32 v32, v10;
	[tilespmem:s2+$0x130] =	vst v7  }
0x573: {  	v43 =	vld [tilespmem:s2+$0xFFFFFFE0];
	[tilespmem:s2+$0xFFFFFF40] =	vst v2;
	v2 =	vmul.f32 v35, v22  }
0x574: {  	v16 =	vld.idx.msk [tilespmem:v16+s0+$0x0], $0xffff;
	[tilespmem:s2+$0xFFFFFF30] =	vst v3;
	v3 =	vmul.f32 v34, v10  }
0x575: {  	v44 =	vld [tilespmem:s2+$0xFFFFFFF0];
	[tilespmem:s2+$0xFFFFFF60] =	vst v2;
	v2 =	vmul.f32 v37, v22  }
0x576: {  	v45 =	vld [tilespmem:s2+$0x0];
	[tilespmem:s2+$0xFFFFFF50] =	vst v3;
	v3 =	vmul.f32 v36, v22  }
0x577: {  	v46 =	vld [tilespmem:s2+$0x10];
	[tilespmem:s2+$0xFFFFFF80] =	vst v2;
	v2 =	vmul.f32 v39, v22  }
0x578: {  	v13 =	vbroadcast v13, $0x0;
	v12 =	vld.idx.msk [tilespmem:v12+s0+$0x0], $0xffff;
	[tilespmem:s2+$0xFFFFFF70] =	vst v3;
	v3 =	vmul.f32 v38, v22  }
0x579: {  	v47 =	vld [tilespmem:s2+$0x20];
	[tilespmem:s2+$0xFFFFFFA0] =	vst v2;
	v2 =	vmul.f32 v41, v16  }
0x57a: {  	v48 =	vld [tilespmem:s2+$0x30];
	[tilespmem:s2+$0xFFFFFF90] =	vst v3;
	v3 =	vmul.f32 v40, v16  }
0x57b: {  	v49 =	vld [tilespmem:s2+$0x40];
	[tilespmem:s2+$0xFFFFFFC0] =	vst v2;
	v2 =	vmul.f32 v43, v16  }
0x57c: {  	v14 =	vbroadcast v14, $0x0;
	v50 =	vld [tilespmem:s2+$0x50];
	[tilespmem:s2+$0xFFFFFFB0] =	vst v3;
	v3 =	vmul.f32 v42, v16  }
0x57d: {  	v51 =	vld [tilespmem:s2+$0x60];
	[tilespmem:s2+$0xFFFFFFE0] =	vst v2;
	v2 =	vmul.f32 v45, v12  }
0x57e: {  	v63 =	vld.idx.msk [tilespmem:v13+s0+$0x0], $0xffff;
	[tilespmem:s2+$0xFFFFFFD0] =	vst v3;
	v3 =	vmul.f32 v44, v16  }
0x57f: {  	v52 =	vld [tilespmem:s2+$0x70];
	[tilespmem:s2+$0x0] =	vst v2;
	v2 =	vmul.f32 v47, v12  }
0x580: {  	v53 =	vld [tilespmem:s2+$0x80];
	[tilespmem:s2+$0xFFFFFFF0] =	vst v3;
	v3 =	vmul.f32 v46, v12  }
0x581: {  	v55 =	vld [tilespmem:s2+$0xA0];
	[tilespmem:s2+$0x20] =	vst v2;
	v2 =	vmul.f32 v49, v12  }
0x582: {  	v13 =	vld.idx.msk [tilespmem:v14+s0+$0x0], $0xffff;
	[tilespmem:s2+$0x10] =	vst v3;
	v3 =	vmul.f32 v48, v12  }
0x583: {  	v54 =	vld [tilespmem:s2+$0x90];
	[tilespmem:s2+$0x40] =	vst v2;
	v2 =	vmul.f32 v51, v63  }
0x584: {  	v57 =	vld [tilespmem:s2+$0xC0];
	[tilespmem:s2+$0x30] =	vst v3;
	v3 =	vmul.f32 v50, v63  }
0x585: {  	v56 =	vld [tilespmem:s2+$0xB0];
	[tilespmem:s2+$0x60] =	vst v2;
	v2 =	vmul.f32 v53, v63  }
0x586: {  	v59 =	vld [tilespmem:s2+$0xE0];
	[tilespmem:s2+$0x50] =	vst v3;
	v3 =	vmul.f32 v52, v63  }
0x587: {  	v58 =	vld [tilespmem:s2+$0xD0];
	[tilespmem:s2+$0x80] =	vst v2;
	v2 =	vmul.f32 v55, v13  }
0x588: {  	v61 =	vld [tilespmem:s2+$0x100];
	[tilespmem:s2+$0x70] =	vst v3;
	v3 =	vmul.f32 v54, v63  }
0x589: {  	v60 =	vld [tilespmem:s2+$0xF0];
	[tilespmem:s2+$0xA0] =	vst v2;
	v2 =	vmul.f32 v57, v13  }
0x58a: {  	v63 =	vld [tilespmem:s2+$0x120];
	[tilespmem:s2+$0x90] =	vst v3;
	v3 =	vmul.f32 v56, v13  }
0x58b: {  	v62 =	vld [tilespmem:s2+$0x110];
	[tilespmem:s2+$0xC0] =	vst v2;
	v2 =	vmul.f32 v59, v13  }
0x58c: {  	[tilespmem:s2+$0xB0] =	vst v3;
	v3 =	vmul.f32 v58, v13  }
0x58d: {  	[tilespmem:s2+$0xE0] =	vst v2;
	v2 =	vmul.f32 v61, v18  }
0x58e: {  	[tilespmem:s2+$0xD0] =	vst v3;
	v3 =	vmul.f32 v60, v18  }
0x58f: {  	[tilespmem:s2+$0x100] =	vst v2;
	v2 =	vmul.f32 v63, v18  }
0x590: {  	[tilespmem:s2+$0xF0] =	vst v3;
	v3 =	vmul.f32 v62, v18  }
0x591: {  	[tilespmem:s2+$0x120] =	vst v2  }
0x592: {  	s20 =	simm.s32 $0x4DD0;
	[tilespmem:s2+$0x110] =	vst v3  }
0x593: {  	[spmem:s3] =	stream.indirect.scatter.add.f32 [tilespmem:s1], [sflag:$0x4], $0x50, s20, s31, $0xb8;
	[tilespmem:$0x1F8C0] =	vst v63  }
0x594: {  	_ =	swait.ge [sflag:s23], $0x1900  }
0x595: {  	[sflag:s23] =	ssyncset.done $0x0  }
0x596: {  	s21 =	stileid.u32;
	[sflag:s23] =	ssyncadd.s32 $0xFFFFE700  }
0x597: {  	s2 =	sshll.u32 s21, $0x6;
	[bflag:$0x0] =	sbarrier.arrive $0xFFFF  }
0x598: {  	s10 =	sshrl.u32 s15, $0x3;
	s9 =	sor.u32 $0x1C04, s2;
	s22 =	rddreg [dreg:$0x13]  }
0x599: {  	[hbm:s22], [sflag:s9] =	dma.local [spmem:s10], $0x186A  }
0x59a: {  	_ =	swait.ge [sflag:s23], $0x186A  }
0x59b: {  	[sflag:s23] =	ssyncset.done $0x0  }
0x59c: {  	[sflag:s23] =	ssyncadd.s32 $0xFFFFE796  }
0x59d: {  	s4 =	simm.s32 $0x140;
	s2 =	simm.s32 $0x0;
	[bflag:$0x0] =	sbarrier.arrive $0xFFFF  }
.LBB2_18:
0x59e: {  	p0 =	sne.s32 s4, $0x62C0;
	[tilespmem:s2+$0xEAB0] =	vst v0;
	s7 =	smov.u32 s4;
	s4 =	sadd.s32 $0x140, s4  }
.Ltmp8:
0x59f: {  	[tilespmem:s2+$0xEAA0] =	vst v0;
	(pc) =	sbr.rel @p0 .LBB2_18-.Ltmp8, $4  }
0x5a0: {  	[tilespmem:s2+$0xEA90] =	vst v0  }
0x5a1: {  	[tilespmem:s2+$0xEA70] =	vst v0  }
0x5a2: {  	[tilespmem:s2+$0xEA80] =	vst v0  }
0x5a3: {  	s2 =	sshra.s32 s7, $0x2  }
0x5a4: {  	[tilespmem:s2+$0xEAB0] =	vst v0  }
0x5a5: {  	[tilespmem:s2+$0xEAA0] =	vst v0  }
0x5a6: {  	[tilespmem:s2+$0xEA90] =	vst v0  }
0x5a7: {  	[tilespmem:s2+$0xEA70] =	vst v0  }
0x5a8: {  	[tilespmem:s2+$0xEA80] =	vst v0  }
0x5a9: {  	[spmem:s15] =	stream.linear.scatter [tilespmem:s30], [sflag:$0x4], $0x1900, $0x38;
	[tilespmem:$0x1F8C0] =	vst v63  }
0x5aa: {  	_ =	swait.ge [sflag:s23], $0x1900  }
0x5ab: {  	[sflag:s23] =	ssyncset.done $0x0  }
0x5ac: {  	[sflag:s23] =	ssyncadd.s32 $0xFFFFE700  }
0x5ad: {  	[spmem:s16] =	stream.linear.scatter [tilespmem:s30], [sflag:$0x4], $0x1900, $0x38;
	[tilespmem:$0x1F8C0] =	vst v63  }
0x5ae: {  	_ =	swait.ge [sflag:s23], $0x1900  }
0x5af: {  	[sflag:s23] =	ssyncset.done $0x0  }
0x5b0: {  	[sflag:s23] =	ssyncadd.s32 $0xFFFFE700  }
0x5b1: {  	[spmem:s17] =	stream.linear.scatter [tilespmem:s30], [sflag:$0x4], $0x1900, $0x38;
	[tilespmem:$0x1F8C0] =	vst v63  }
0x5b2: {  	_ =	swait.ge [sflag:s23], $0x1900  }
0x5b3: {  	[sflag:s23] =	ssyncset.done $0x0  }
0x5b4: {  	[sflag:s23] =	ssyncadd.s32 $0xFFFFE700  }
0x5b5: {  	[spmem:s18] =	stream.linear.scatter [tilespmem:s30], [sflag:$0x4], $0x1900, $0x38;
	[tilespmem:$0x1F8C0] =	vst v63  }
0x5b6: {  	_ =	swait.ge [sflag:s23], $0x1900  }
0x5b7: {  	[sflag:s23] =	ssyncset.done $0x0  }
0x5b8: {  	[sflag:s23] =	ssyncadd.s32 $0xFFFFE700  }
0x5b9: {  	[spmem:s19] =	stream.linear.scatter [tilespmem:s30], [sflag:$0x4], $0x1900, $0x38;
	[tilespmem:$0x1F8C0] =	vst v63  }
0x5ba: {  	_ =	swait.ge [sflag:s23], $0x1900  }
0x5bb: {  	[sflag:s23] =	ssyncset.done $0x0  }
0x5bc: {  	s20 =	rddreg [dreg:$0x10];
	[sflag:s23] =	ssyncadd.s32 $0xFFFFE700  }
0x5bd: {  	[spmem:s20] =	stream.linear.scatter [tilespmem:s30], [sflag:$0x4], $0x1900, $0x38;
	[tilespmem:$0x1F8C0] =	vst v63  }
0x5be: {  	_ =	swait.ge [sflag:s23], $0x1900  }
0x5bf: {  	[sflag:s23] =	ssyncset.done $0x0  }
0x5c0: {  	s21 =	rddreg [dreg:$0x11];
	[sflag:s23] =	ssyncadd.s32 $0xFFFFE700  }
0x5c1: {  	[spmem:s21] =	stream.linear.scatter [tilespmem:s30], [sflag:$0x4], $0x1900, $0x38;
	[tilespmem:$0x1F8C0] =	vst v63  }
0x5c2: {  	_ =	swait.ge [sflag:s23], $0x1900  }
0x5c3: {  	[sflag:s23] =	ssyncset.done $0x0  }
0x5c4: {  	s22 =	rddreg [dreg:$0x12];
	[sflag:s23] =	ssyncadd.s32 $0xFFFFE700  }
0x5c5: {  	[spmem:s22] =	stream.linear.scatter [tilespmem:s30], [sflag:$0x4], $0x1450, $0x38;
	[tilespmem:$0x1F8C0] =	vst v63  }
0x5c6: {  	_ =	swait.ge [sflag:s23], $0x1450  }
0x5c7: {  	[sflag:s23] =	ssyncset.done $0x0  }
0x5c8: {  	[sflag:s23] =	ssyncadd.s32 $0xFFFFEBB0  }
0x5c9: {  	s11 =	simm.s32 $0x0;
	[bflag:$0x0] =	sbarrier.arrive $0xFFFF  }
0x5ca: {  	[tilespmem:s30], [sflag:$0x1] =	stream.indirect.gather [hbm4b:s8+s31], $0x50, s11, s31, $0xb8;
	[tilespmem:$0x1F8C0] =	vst v63  }
0x5cb: {  	s20 =	simm.s32 $0x0  }
0x5cc: {  	[tilespmem:s1], [sflag:$0x2] =	stream.indirect.gather [hbm4b:s8+s31], $0x50, s31, s31, $0xb8;
	[tilespmem:$0x1F8C0] =	vst v63  }
.LBB2_20:
0x5cd: {  	s13 =	smul.u32 $0x3, s20;
	v10 =	vmov s11  }
0x5ce: {  	s2 =	simm.s32 $0x1;
	s4 =	simm.s32 $0x2;
	s21 =	simm.s32 $0x3;
	v10 =	vshrl.u32 v10, $0x3  }
0x5cf: {  	s22 =	simm.s32 $0x4;
	s7 =	simm.s32 $0x5;
	v11 =	vmov s2;
	v12 =	vmov s4;
	v13 =	vmov s21  }
0x5d0: {  	v14 =	vmov s22;
	v15 =	vmov s7;
	v2 =	vmov s13  }
0x5d1: {  	v10 =	vshll.u32 v10, v1;
	v11 =	vshrl.u32 v11, $0x3;
	v12 =	vshrl.u32 v12, $0x3  }
0x5d2: {  	v14 =	vshrl.u32 v14, $0x3;
	v15 =	vshrl.u32 v15, $0x3;
	v3 =	vmul.u32 $0x50, v2  }
0x5d3: {  	s22 =	sadd.s32 $0x2, s13;
	v11 =	vshll.u32 v11, v1;
	v12 =	vshll.u32 v12, v1;
	v14 =	vshll.u32 v14, v1  }
0x5d4: {  	s21 =	smul.u32 $0x50, s22;
	v15 =	vshll.u32 v15, v1;
	v4 =	vor.u32 $0x1, v3;
	v10 =	vadd.s32 v3, v10  }
0x5d5: {  	v5 =	vor.u32 $0x2, v3;
	v10 =	vbroadcast v10, $0x0;
	v11 =	vadd.s32 v11, v4  }
0x5d6: {  	v7 =	vor.u32 $0x4, v3;
	[tilespmem:s24], [sflag:$0x3] =	stream.indirect.gather [hbm4b:s8+s31], $0x50, s21, s31, $0xb8;
	v12 =	vadd.s32 v12, v5;
	v11 =	vbroadcast v11, $0x0;
	[tilespmem:$0x1F8C0] =	vst v63  }
0x5d7: {  	s7 =	simm.s32 $0x6;
	v8 =	vor.u32 $0x5, v3;
	_ =	swait.ge [sflag:s25], $0x1900;
	v14 =	vadd.s32 v14, v7;
	v12 =	vbroadcast v12, $0x0  }
0x5d8: {  	s12 =	simm.s32 $0x7;
	v16 =	vmov s7;
	v15 =	vadd.s32 v15, v8;
	[sflag:s25] =	ssyncset.done $0x0;
	v14 =	vbroadcast v14, $0x0  }
0x5d9: {  	v17 =	vmov s12;
	s4 =	simm.s32 $0xEBB0;
	v16 =	vshrl.u32 v16, $0x3;
	v15 =	vbroadcast v15, $0x0;
	[sflag:s25] =	ssyncadd.s32 $0xFFFFE700  }
0x5da: {  	v17 =	vshrl.u32 v17, $0x3;
	v16 =	vshll.u32 v16, v1;
	v9 =	vor.u32 $0x6, v3;
	v21 =	vld [tilespmem:s4+$0xFFFFFEE0]  }
0x5db: {  	v17 =	vshll.u32 v17, v1;
	v2 =	vor.u32 $0x7, v3;
	v16 =	vadd.s32 v16, v9;
	v18 =	vld.idx.msk [tilespmem:v10+s0+$0x0], $0xffff  }
0x5dc: {  	v10 =	vbroadcast v16, $0x0;
	v16 =	vadd.s32 v17, v2;
	v17 =	vld.idx.msk [tilespmem:v11+s0+$0x0], $0xffff  }
0x5dd: {  	v16 =	vbroadcast v16, $0x0;
	v19 =	vld.idx.msk [tilespmem:v12+s0+$0x0], $0xffff  }
0x5de: {  	v20 =	vld.idx.msk [tilespmem:v14+s0+$0x0], $0xffff  }
0x5df: {  	v12 =	vld.idx.msk [tilespmem:v15+s0+$0x0], $0xffff  }
0x5e0: {  	v13 =	vshrl.u32 v13, $0x3;
	v14 =	vld [tilespmem:s4+$0x120]  }
0x5e1: {  	v13 =	vshll.u32 v13, v1;
	v6 =	vor.u32 $0x3, v3;
	v15 =	vld [tilespmem:s4+$0xFFFFFEC0]  }
0x5e2: {  	v13 =	vadd.s32 v13, v6;
	v11 =	vld.idx.msk [tilespmem:v10+s0+$0x0], $0xffff  }
0x5e3: {  	v13 =	vbroadcast v13, $0x0;
	v10 =	vld.idx.msk [tilespmem:v16+s0+$0x0], $0xffff  }
0x5e4: {  	v16 =	vld [tilespmem:s4+$0xFFFFFED0]  }
0x5e5: {  	v22 =	vld [tilespmem:s4+$0xFFFFFEF0]  }
0x5e6: {  	v23 =	vld [tilespmem:s4+$0xFFFFFF10]  }
0x5e7: {  	v24 =	vld [tilespmem:s4+$0xFFFFFF20];
	v15 =	vmul.f32 v15, v18  }
0x5e8: {  	v25 =	vld [tilespmem:s4+$0xFFFFFF30];
	v14 =	vmul.f32 v14, v10  }
0x5e9: {  	v13 =	vld.idx.msk [tilespmem:v13+s0+$0x0], $0xffff;
	[tilespmem:s4+$0xFFFFFEC0] =	vst v15;
	v16 =	vmul.f32 v16, v18  }
0x5ea: {  	v15 =	vld [tilespmem:s4+$0xFFFFFF40];
	[tilespmem:s4+$0x120] =	vst v14;
	v14 =	vmul.f32 v21, v18  }
0x5eb: {  	[tilespmem:s4+$0xFFFFFED0] =	vst v16;
	v16 =	vmul.f32 v22, v18;
	v18 =	vld [tilespmem:s4+$0xFFFFFF60]  }
0x5ec: {  	v21 =	vld [tilespmem:s4+$0xFFFFFF70];
	[tilespmem:s4+$0xFFFFFEE0] =	vst v14;
	v14 =	vmul.f32 v23, v17  }
0x5ed: {  	v22 =	vld [tilespmem:s4+$0xFFFFFF80];
	[tilespmem:s4+$0xFFFFFEF0] =	vst v16;
	v16 =	vmul.f32 v24, v17  }
0x5ee: {  	s14 =	simm.s32 $0x8;
	v23 =	vld [tilespmem:s4+$0xFFFFFF90];
	[tilespmem:s4+$0xFFFFFF10] =	vst v14;
	v14 =	vmul.f32 v25, v17  }
0x5ef: {  	v15 =	vmul.f32 v15, v17;
	v24 =	vmov s14;
	s14 =	simm.s32 $0xB;
	[tilespmem:s4+$0xFFFFFF20] =	vst v16;
	v16 =	vld [tilespmem:s4+$0xFFFFFFB0]  }
0x5f0: {  	s12 =	simm.s32 $0xA;
	s7 =	simm.s32 $0x9;
	v26 =	vmov s14;
	v17 =	vshrl.u32 v24, $0x3;
	[tilespmem:s4+$0xFFFFFF30] =	vst v14;
	v14 =	vmul.f32 v18, v19;
	v18 =	vld [tilespmem:s4+$0xFFFFFFC0]  }
0x5f1: {  	[tilespmem:s4+$0xFFFFFF40] =	vst v15;
	s14 =	simm.s32 $0xE;
	v24 =	vmov s7;
	v25 =	vmov s12;
	s7 =	simm.s32 $0xC;
	v15 =	vmul.f32 v21, v19;
	v21 =	vld [tilespmem:s4+$0xFFFFFFD0]  }
0x5f2: {  	s12 =	simm.s32 $0xD;
	v29 =	vmov s14;
	v27 =	vmov s7;
	[tilespmem:s4+$0xFFFFFF60] =	vst v14;
	v14 =	vmul.f32 v22, v19;
	v22 =	vld [tilespmem:s4+$0xFFFFFFE0]  }
0x5f3: {  	v28 =	vmov s12;
	v17 =	vshll.u32 v17, v1;
	[tilespmem:s4+$0xFFFFFF70] =	vst v15;
	v15 =	vmul.f32 v23, v19;
	v19 =	vld [tilespmem:s4+$0x0]  }
0x5f4: {  	v62 =	vshrl.u32 v29, $0x3;
	v17 =	vadd.s32 v3, v17;
	[tilespmem:s4+$0xFFFFFF80] =	vst v14;
	v14 =	vmul.f32 v16, v13;
	v16 =	vld [tilespmem:s4+$0x10]  }
0x5f5: {  	v23 =	vshrl.u32 v24, $0x3;
	v24 =	vshrl.u32 v25, $0x3;
	[tilespmem:s4+$0xFFFFFF90] =	vst v15;
	v15 =	vmul.f32 v18, v13;
	v18 =	vld [tilespmem:s4+$0x20]  }
0x5f6: {  	v25 =	vshrl.u32 v26, $0x3;
	v26 =	vshrl.u32 v27, $0x3;
	[tilespmem:s4+$0xFFFFFFB0] =	vst v14;
	v14 =	vmul.f32 v21, v13;
	v21 =	vld [tilespmem:s4+$0x30]  }
0x5f7: {  	v27 =	vshrl.u32 v28, $0x3;
	v28 =	vshll.u32 v62, v1;
	[tilespmem:s4+$0xFFFFFFC0] =	vst v15;
	v13 =	vmul.f32 v22, v13;
	v22 =	vld [tilespmem:s4+$0x50]  }
0x5f8: {  	v63 =	vld [tilespmem:s4+$0x60];
	v23 =	vshll.u32 v23, v1;
	v25 =	vshll.u32 v25, v1;
	v15 =	vmul.f32 v19, v20;
	[tilespmem:s4+$0xFFFFFFD0] =	vst v14  }
0x5f9: {  	v19 =	vshll.u32 v26, v1;
	v26 =	vshll.u32 v27, v1;
	v27 =	vld [tilespmem:s4+$0x70];
	[tilespmem:s4+$0xFFFFFFE0] =	vst v13;
	v13 =	vmul.f32 v16, v20  }
0x5fa: {  	v24 =	vshll.u32 v24, v1;
	v25 =	vadd.s32 v25, v6;
	[tilespmem:s4+$0x0] =	vst v15;
	v15 =	vld [tilespmem:s4+$0x80];
	v16 =	vmul.f32 v18, v20  }
0x5fb: {  	v14 =	vbroadcast v17, $0x0;
	v17 =	vadd.s32 v23, v4;
	[tilespmem:s4+$0x10] =	vst v13;
	v20 =	vmul.f32 v21, v20;
	v13 =	vld [tilespmem:s4+$0xA0]  }
0x5fc: {  	v23 =	vadd.s32 v26, v8;
	v18 =	vadd.s32 v24, v5;
	[tilespmem:s4+$0x20] =	vst v16;
	v30 =	vmul.f32 v22, v12;
	v16 =	vld [tilespmem:s4+$0xB0]  }
0x5fd: {  	v21 =	vadd.s32 v19, v7;
	v19 =	vbroadcast v17, $0x0;
	v17 =	vld [tilespmem:s4+$0xC0];
	v22 =	vmul.f32 v63, v12;
	[tilespmem:s4+$0x30] =	vst v20  }
0x5fe: {  	s2 =	simm.s32 $0x10;
	s7 =	simm.s32 $0xF;
	v24 =	vadd.s32 v28, v9;
	v26 =	vmul.f32 v27, v12;
	v20 =	vbroadcast v18, $0x0;
	v18 =	vld [tilespmem:s4+$0xD0];
	[tilespmem:s4+$0x50] =	vst v30  }
.LBB2_21:
0x5ff: {  	p0 =	slt.u32 s2, $0x48;
	v25 =	vbroadcast v25, $0x0;
	v27 =	vmov s7;
	[tilespmem:s4+$0x60] =	vst v22;
	v12 =	vmul.f32 v15, v12;
	v15 =	vld [tilespmem:s4+$0xF0]  }
0x600: {  	v21 =	vbroadcast v21, $0x0;
	v22 =	vshrl.u32 v27, $0x3;
	[tilespmem:s4+$0x70] =	vst v26;
	v13 =	vmul.f32 v13, v11;
	v26 =	vld [tilespmem:s4+$0x100]  }
0x601: {  	v23 =	vbroadcast v23, $0x0;
	v22 =	vshll.u32 v22, v1;
	[tilespmem:s4+$0x80] =	vst v12;
	v12 =	vmul.f32 v16, v11;
	v16 =	vld [tilespmem:s4+$0x110]  }
0x602: {  	v24 =	vbroadcast v24, $0x0;
	v14 =	vld.idx.msk [tilespmem:v14+s0+$0x0], $0xffff;
	v22 =	vadd.s32 v22, v2;
	[tilespmem:s4+$0xA0] =	vst v13;
	v13 =	vmul.f32 v17, v11  }
0x603: {  	v17 =	vld.idx.msk [tilespmem:v19+s0+$0x0], $0xffff;
	v19 =	vbroadcast v22, $0x0;
	[tilespmem:s4+$0xB0] =	vst v12;
	v11 =	vmul.f32 v18, v11  }
0x604: {  	v18 =	vld.idx.msk [tilespmem:v20+s0+$0x0], $0xffff;
	[tilespmem:s4+$0xC0] =	vst v13;
	v12 =	vmul.f32 v15, v10  }
0x605: {  	v15 =	vld.idx.msk [tilespmem:v25+s0+$0x0], $0xffff;
	[tilespmem:s4+$0xD0] =	vst v11;
	v11 =	vmul.f32 v26, v10  }
0x606: {  	v13 =	vld.idx.msk [tilespmem:v21+s0+$0x0], $0xffff;
	[tilespmem:s4+$0xF0] =	vst v12;
	v10 =	vmul.f32 v16, v10  }
0x607: {  	v12 =	vld.idx.msk [tilespmem:v23+s0+$0x0], $0xffff;
	[tilespmem:s4+$0x100] =	vst v11  }
0x608: {  	v11 =	vld.idx.msk [tilespmem:v24+s0+$0x0], $0xffff;
	[tilespmem:s4+$0x110] =	vst v10  }
0x609: {  	s4 =	sadd.s32 $0x280, s4;
	v10 =	vld.idx.msk [tilespmem:v19+s0+$0x0], $0xffff  }
0x60a: {  	v16 =	vld [tilespmem:s4+$0x120]  }
0x60b: {  	v19 =	vld [tilespmem:s4+$0xFFFFFEC0]  }
0x60c: {  	v20 =	vld [tilespmem:s4+$0xFFFFFED0]  }
0x60d: {  	v21 =	vld [tilespmem:s4+$0xFFFFFEE0]  }
0x60e: {  	v22 =	vld [tilespmem:s4+$0xFFFFFEF0]  }
0x60f: {  	v23 =	vld [tilespmem:s4+$0xFFFFFF10];
	v16 =	vmul.f32 v16, v10  }
0x610: {  	v19 =	vmul.f32 v19, v14;
	v24 =	vld [tilespmem:s4+$0xFFFFFF20]  }
0x611: {  	v20 =	vmul.f32 v20, v14;
	v25 =	vld [tilespmem:s4+$0xFFFFFF30];
	[tilespmem:s4+$0x120] =	vst v16  }
0x612: {  	[tilespmem:s4+$0xFFFFFEC0] =	vst v19;
	v16 =	vmul.f32 v21, v14;
	v19 =	vld [tilespmem:s4+$0xFFFFFF40]  }
0x613: {  	[tilespmem:s4+$0xFFFFFED0] =	vst v20;
	v14 =	vmul.f32 v22, v14;
	v20 =	vld [tilespmem:s4+$0xFFFFFF60]  }
0x614: {  	[tilespmem:s4+$0xFFFFFEE0] =	vst v16;
	v16 =	vmul.f32 v23, v17;
	v21 =	vld [tilespmem:s4+$0xFFFFFF70]  }
0x615: {  	[tilespmem:s4+$0xFFFFFEF0] =	vst v14;
	v14 =	vmul.f32 v24, v17;
	v22 =	vld [tilespmem:s4+$0xFFFFFF80]  }
0x616: {  	[tilespmem:s4+$0xFFFFFF10] =	vst v16;
	v16 =	vmul.f32 v25, v17;
	v23 =	vld [tilespmem:s4+$0xFFFFFF90]  }
0x617: {  	s7 =	sadd.s32 $0x1, s2;
	v24 =	vmov s2;
	[tilespmem:s4+$0xFFFFFF20] =	vst v14;
	v14 =	vmul.f32 v19, v17;
	v17 =	vld [tilespmem:s4+$0xFFFFFFB0]  }
0x618: {  	s12 =	sadd.s32 $0x3, s2;
	v19 =	vshrl.u32 v24, $0x3;
	v24 =	vmov s7;
	s7 =	sadd.s32 $0x2, s2;
	[tilespmem:s4+$0xFFFFFF30] =	vst v16;
	v16 =	vmul.f32 v20, v18;
	v20 =	vld [tilespmem:s4+$0xFFFFFFC0]  }
0x619: {  	v26 =	vmov s12;
	s12 =	sadd.s32 $0x5, s2;
	v25 =	vmov s7;
	s7 =	sadd.s32 $0x4, s2;
	[tilespmem:s4+$0xFFFFFF40] =	vst v14;
	v14 =	vmul.f32 v21, v18;
	v21 =	vld [tilespmem:s4+$0xFFFFFFD0]  }
0x61a: {  	v28 =	vmov s12;
	v27 =	vmov s7;
	s7 =	sadd.s32 $0x6, s2;
	[tilespmem:s4+$0xFFFFFF60] =	vst v16;
	v16 =	vmul.f32 v22, v18;
	v22 =	vld [tilespmem:s4+$0xFFFFFFE0]  }
0x61b: {  	v19 =	vshll.u32 v19, v1;
	v29 =	vmov s7;
	[tilespmem:s4+$0xFFFFFF70] =	vst v14;
	v14 =	vmul.f32 v23, v18;
	v18 =	vld [tilespmem:s4+$0x0]  }
0x61c: {  	v23 =	vshrl.u32 v24, $0x3;
	v24 =	vshrl.u32 v25, $0x3;
	[tilespmem:s4+$0xFFFFFF80] =	vst v16;
	v16 =	vmul.f32 v17, v15;
	v17 =	vld [tilespmem:s4+$0x10]  }
0x61d: {  	v25 =	vshrl.u32 v26, $0x3;
	v26 =	vshrl.u32 v27, $0x3;
	[tilespmem:s4+$0xFFFFFF90] =	vst v14;
	v14 =	vmul.f32 v20, v15;
	v20 =	vld [tilespmem:s4+$0x20]  }
0x61e: {  	v27 =	vshrl.u32 v28, $0x3;
	v28 =	vshrl.u32 v29, $0x3;
	[tilespmem:s4+$0xFFFFFFB0] =	vst v16;
	v16 =	vmul.f32 v21, v15;
	v21 =	vld [tilespmem:s4+$0x30]  }
0x61f: {  	v19 =	vadd.s32 v3, v19;
	v23 =	vshll.u32 v23, v1;
	[tilespmem:s4+$0xFFFFFFC0] =	vst v14;
	v14 =	vmul.f32 v22, v15;
	v22 =	vld [tilespmem:s4+$0x50]  }
0x620: {  	v24 =	vshll.u32 v24, v1;
	v25 =	vshll.u32 v25, v1;
	[tilespmem:s4+$0xFFFFFFD0] =	vst v16;
	v15 =	vmul.f32 v18, v13;
	v18 =	vld [tilespmem:s4+$0x60]  }
0x621: {  	v16 =	vshll.u32 v26, v1;
	v26 =	vshll.u32 v27, v1;
	[tilespmem:s4+$0xFFFFFFE0] =	vst v14;
	v17 =	vmul.f32 v17, v13;
	v27 =	vld [tilespmem:s4+$0x70]  }
.Ltmp9:
0x622: {  	v28 =	vshll.u32 v28, v1;
	v14 =	vbroadcast v19, $0x0;
	[tilespmem:s4+$0x0] =	vst v15;
	v19 =	vmul.f32 v20, v13;
	v15 =	vld [tilespmem:s4+$0x80];
	(pc) =	sbr.rel @p0 .LBB2_21-.Ltmp9, $4  }
0x623: {  	v24 =	vadd.s32 v24, v5;
	v20 =	vadd.s32 v23, v4;
	[tilespmem:s4+$0x10] =	vst v17;
	v17 =	vmul.f32 v21, v13;
	v13 =	vld [tilespmem:s4+$0xA0]  }
0x624: {  	v25 =	vadd.s32 v25, v6;
	v21 =	vadd.s32 v16, v7;
	[tilespmem:s4+$0x20] =	vst v19;
	v29 =	vmul.f32 v22, v12;
	v16 =	vld [tilespmem:s4+$0xB0]  }
0x625: {  	v23 =	vadd.s32 v26, v8;
	v19 =	vbroadcast v20, $0x0;
	[tilespmem:s4+$0x30] =	vst v17;
	v22 =	vmul.f32 v18, v12;
	v17 =	vld [tilespmem:s4+$0xC0]  }
0x626: {  	s7 =	sadd.s32 $0x7, s2;
	s2 =	sadd.s32 $0x8, s2;
	v20 =	vbroadcast v24, $0x0;
	v24 =	vadd.s32 v28, v9;
	[tilespmem:s4+$0x50] =	vst v29;
	v26 =	vmul.f32 v27, v12;
	v18 =	vld [tilespmem:s4+$0xD0]  }
0x627: {  	v4 =	vmov s7  }
0x628: {  	v5 =	vld [tilespmem:s4+$0xF0];
	v4 =	vshrl.u32 v4, $0x3  }
0x629: {  	v7 =	vld [tilespmem:s4+$0x100];
	v4 =	vshll.u32 v4, v1  }
0x62a: {  	v6 =	vbroadcast v21, $0x0;
	v9 =	vld [tilespmem:s4+$0x110];
	v21 =	vbroadcast v24, $0x0;
	v2 =	vadd.s32 v4, v2  }
0x62b: {  	v14 =	vld.idx.msk [tilespmem:v14+s0+$0x0], $0xffff;
	v13 =	vmul.f32 v13, v11;
	v2 =	vbroadcast v2, $0x0  }
0x62c: {  	v4 =	vld.idx.msk [tilespmem:v19+s0+$0x0], $0xffff  }
0x62d: {  	v3 =	vbroadcast v25, $0x0;
	s2 =	sadd.s32 $0x280, s4;
	v19 =	vld.idx.msk [tilespmem:v20+s0+$0x0], $0xffff;
	[tilespmem:s4+$0xA0] =	vst v13;
	v13 =	vmul.f32 v17, v11  }
0x62e: {  	v17 =	vld [tilespmem:s2+$0xFFFFFEE0]  }
0x62f: {  	[tilespmem:s4+$0xC0] =	vst v13;
	v13 =	vld [tilespmem:s2+$0xFFFFFF10]  }
0x630: {  	v20 =	vld.idx.msk [tilespmem:v21+s0+$0x0], $0xffff  }
0x631: {  	v21 =	vld.idx.msk [tilespmem:v2+s0+$0x0], $0xffff  }
0x632: {  	v8 =	vbroadcast v23, $0x0;
	[tilespmem:s4+$0x60] =	vst v22;
	v2 =	vmul.f32 v15, v12;
	v15 =	vld [tilespmem:s2+$0xFFFFFEC0]  }
0x633: {  	[tilespmem:s4+$0x70] =	vst v26;
	v5 =	vmul.f32 v5, v10;
	v3 =	vld.idx.msk [tilespmem:v3+s0+$0x0], $0xffff  }
0x634: {  	[tilespmem:s4+$0x80] =	vst v2;
	v2 =	vmul.f32 v16, v11;
	v16 =	vld [tilespmem:s2+$0xFFFFFED0]  }
0x635: {  	v6 =	vld.idx.msk [tilespmem:v6+s0+$0x0], $0xffff;
	[tilespmem:s4+$0xF0] =	vst v5;
	v5 =	vmul.f32 v9, v10  }
0x636: {  	v12 =	vld [tilespmem:s2+$0x120];
	[tilespmem:s4+$0xB0] =	vst v2;
	v2 =	vmul.f32 v18, v11  }
0x637: {  	[tilespmem:s4+$0x110] =	vst v5;
	v11 =	vld [tilespmem:s2+$0xFFFFFEF0];
	v5 =	vmul.f32 v15, v14  }
0x638: {  	v8 =	vld.idx.msk [tilespmem:v8+s0+$0x0], $0xffff;
	[tilespmem:s4+$0xD0] =	vst v2;
	v2 =	vmul.f32 v7, v10  }
0x639: {  	v7 =	vld [tilespmem:s2+$0xFFFFFF20];
	v15 =	vmul.f32 v16, v14;
	[tilespmem:s2+$0xFFFFFEC0] =	vst v5  }
0x63a: {  	v9 =	vld [tilespmem:s2+$0xFFFFFF30];
	v5 =	vmul.f32 v17, v14;
	[tilespmem:s4+$0x100] =	vst v2  }
0x63b: {  	v10 =	vld [tilespmem:s2+$0xFFFFFF40];
	v2 =	vmul.f32 v12, v21;
	[tilespmem:s2+$0xFFFFFED0] =	vst v15  }
0x63c: {  	v12 =	vld [tilespmem:s2+$0xFFFFFF60];
	v11 =	vmul.f32 v11, v14;
	[tilespmem:s2+$0xFFFFFEE0] =	vst v5  }
0x63d: {  	v5 =	vmul.f32 v13, v4;
	[tilespmem:s2+$0x120] =	vst v2;
	v2 =	vld [tilespmem:s2+$0xFFFFFF70]  }
0x63e: {  	v16 =	vld [tilespmem:s2+$0xFFFFFF80];
	[tilespmem:s2+$0xFFFFFEF0] =	vst v11;
	v7 =	vmul.f32 v7, v4  }
0x63f: {  	v14 =	vld [tilespmem:s2+$0xFFFFFF90];
	[tilespmem:s2+$0xFFFFFF10] =	vst v5;
	v5 =	vmul.f32 v9, v4  }
0x640: {  	v13 =	vld [tilespmem:s2+$0xFFFFFFB0];
	v4 =	vmul.f32 v10, v4;
	[tilespmem:s2+$0xFFFFFF20] =	vst v7  }
0x641: {  	v11 =	vld [tilespmem:s2+$0xFFFFFFC0];
	[tilespmem:s2+$0xFFFFFF30] =	vst v5;
	v5 =	vmul.f32 v12, v19  }
0x642: {  	v9 =	vld [tilespmem:s2+$0xFFFFFFD0];
	[tilespmem:s2+$0xFFFFFF40] =	vst v4;
	v2 =	vmul.f32 v2, v19  }
0x643: {  	v7 =	vld [tilespmem:s2+$0xFFFFFFE0];
	[tilespmem:s2+$0xFFFFFF60] =	vst v5;
	v5 =	vmul.f32 v16, v19  }
0x644: {  	v10 =	vld [tilespmem:s2+$0x0];
	[tilespmem:s2+$0xFFFFFF70] =	vst v2;
	v2 =	vmul.f32 v14, v19  }
0x645: {  	v4 =	vld [tilespmem:s2+$0x10];
	[tilespmem:s2+$0xFFFFFF80] =	vst v5;
	v5 =	vmul.f32 v13, v3  }
0x646: {  	v12 =	vld [tilespmem:s2+$0x20];
	[tilespmem:s2+$0xFFFFFF90] =	vst v2;
	v2 =	vmul.f32 v11, v3  }
0x647: {  	v14 =	vld [tilespmem:s2+$0x30];
	[tilespmem:s2+$0xFFFFFFB0] =	vst v5;
	v5 =	vmul.f32 v9, v3  }
0x648: {  	v13 =	vld [tilespmem:s2+$0x50];
	[tilespmem:s2+$0xFFFFFFC0] =	vst v2;
	v2 =	vmul.f32 v7, v3  }
0x649: {  	v11 =	vld [tilespmem:s2+$0x60];
	[tilespmem:s2+$0xFFFFFFD0] =	vst v5;
	v5 =	vmul.f32 v10, v6  }
0x64a: {  	v9 =	vld [tilespmem:s2+$0x70];
	[tilespmem:s2+$0xFFFFFFE0] =	vst v2;
	v2 =	vmul.f32 v4, v6  }
0x64b: {  	v4 =	vld [tilespmem:s2+$0xB0];
	[tilespmem:s2+$0x0] =	vst v5;
	v5 =	vmul.f32 v12, v6  }
0x64c: {  	v3 =	vld [tilespmem:s2+$0x80];
	[tilespmem:s2+$0x10] =	vst v2;
	v2 =	vmul.f32 v14, v6  }
0x64d: {  	v7 =	vld [tilespmem:s2+$0xA0];
	[tilespmem:s2+$0x20] =	vst v5;
	v5 =	vmul.f32 v13, v8  }
0x64e: {  	v10 =	vld [tilespmem:s2+$0xC0];
	[tilespmem:s2+$0x30] =	vst v2;
	v2 =	vmul.f32 v11, v8  }
0x64f: {  	v12 =	vld [tilespmem:s2+$0xF0];
	[tilespmem:s2+$0x50] =	vst v5;
	v5 =	vmul.f32 v9, v8  }
0x650: {  	v6 =	vld [tilespmem:s2+$0xD0];
	v4 =	vmul.f32 v4, v20;
	[tilespmem:s2+$0x60] =	vst v2  }
0x651: {  	v11 =	vld [tilespmem:s2+$0x100];
	v2 =	vmul.f32 v3, v8;
	[tilespmem:s2+$0x70] =	vst v5  }
0x652: {  	v9 =	vld [tilespmem:s2+$0x110];
	v3 =	vmul.f32 v7, v20;
	[tilespmem:s2+$0xB0] =	vst v4  }
0x653: {  	s14 =	sadd.s32 $0x1, s13;
	s7 =	simm.s32 $0x0;
	s13 =	simm.s32 $0x1;
	v7 =	vmul.f32 v10, v20;
	[tilespmem:s2+$0x80] =	vst v2  }
0x654: {  	v13 =	vmov s7;
	v14 =	vmov s13;
	s13 =	simm.s32 $0x3;
	v10 =	vmul.f32 v12, v21;
	[tilespmem:s2+$0xA0] =	vst v3  }
0x655: {  	v15 =	vmov s13;
	v14 =	vshrl.u32 v14, $0x3;
	v6 =	vmul.f32 v6, v20;
	[tilespmem:s2+$0xC0] =	vst v7  }
0x656: {  	s12 =	smul.u32 $0x3C0, s20;
	s7 =	simm.s32 $0x2;
	v15 =	vshrl.u32 v15, $0x3;
	v5 =	vmov s14;
	[tilespmem:s2+$0xF0] =	vst v10;
	v11 =	vmul.f32 v11, v21  }
0x657: {  	v2 =	vmul.u32 $0x50, v5;
	v10 =	vmov s7;
	s7 =	simm.s32 $0x5;
	v12 =	vmul.f32 v9, v21;
	[tilespmem:s2+$0xD0] =	vst v6  }
0x658: {  	s13 =	sshra.s32 s12, $0x2;
	v14 =	vshll.u32 v14, v1;
	v15 =	vshll.u32 v15, v1;
	v16 =	vmov s7;
	[tilespmem:s2+$0x100] =	vst v11  }
0x659: {  	s7 =	sadd.s32 $0x2710, s13;
	v10 =	vshrl.u32 v10, $0x3;
	v3 =	vor.u32 $0x1, v2;
	v11 =	vshrl.u32 v13, $0x3;
	[tilespmem:s2+$0x110] =	vst v12  }
0x65a: {  	v4 =	vor.u32 $0x2, v2;
	v5 =	vor.u32 $0x3, v2;
	v11 =	vshll.u32 v11, v1;
	[spmem:s3] =	stream.indirect.scatter.add.f32 [tilespmem:s30], [sflag:$0x4], $0x50, s7, s31, $0xb8;
	[tilespmem:$0x1F8C0] =	vst v63  }
0x65b: {  	v8 =	vor.u32 $0x5, v2;
	v9 =	vor.u32 $0x6, v2;
	_ =	swait.ge [sflag:s23], $0x1900;
	v11 =	vadd.s32 v2, v11  }
0x65c: {  	s12 =	simm.s32 $0x6;
	v10 =	vshll.u32 v10, v1;
	v14 =	vadd.s32 v14, v3;
	[sflag:s23] =	ssyncset.done $0x0;
	v11 =	vbroadcast v11, $0x0  }
0x65d: {  	s4 =	simm.s32 $0x4;
	v12 =	vmov s12;
	s12 =	sadd.s32 $0xF0, s13;
	v10 =	vadd.s32 v10, v4;
	v14 =	vbroadcast v14, $0x0;
	[sflag:s23] =	ssyncadd.s32 $0xFFFFE700  }
0x65e: {  	v6 =	vor.u32 $0x7, v2;
	v15 =	vadd.s32 v15, v5;
	v10 =	vbroadcast v10, $0x0;
	[tilespmem:s30], [sflag:$0x1] =	stream.indirect.gather [hbm4b:s8+s31], $0x50, s12, s31, $0xb8;
	[tilespmem:$0x1F8C0] =	vst v63  }
0x65f: {  	v16 =	vshrl.u32 v16, $0x3;
	v13 =	vmov s4;
	s4 =	simm.s32 $0x7;
	v15 =	vbroadcast v15, $0x0;
	_ =	swait.ge [sflag:s5], $0x1900  }
0x660: {  	v16 =	vshll.u32 v16, v1;
	v12 =	vshrl.u32 v12, $0x3;
	v17 =	vmov s4;
	[sflag:s5] =	ssyncset.done $0x0  }
0x661: {  	v16 =	vadd.s32 v16, v8;
	v12 =	vshll.u32 v12, v1;
	v17 =	vshrl.u32 v17, $0x3;
	[sflag:s5] =	ssyncadd.s32 $0xFFFFE700  }
0x662: {  	v16 =	vbroadcast v16, $0x0;
	v12 =	vadd.s32 v12, v9;
	v17 =	vshll.u32 v17, v1;
	v18 =	vld.idx.msk [tilespmem:v11+s0+$0x0], $0xffff  }
0x663: {  	v11 =	vbroadcast v12, $0x0;
	v12 =	vadd.s32 v17, v6;
	v14 =	vld.idx.msk [tilespmem:v14+s0+$0x0], $0xffff  }
0x664: {  	v19 =	vld.idx.msk [tilespmem:v10+s0+$0x0], $0xffff;
	v17 =	vbroadcast v12, $0x0  }
0x665: {  	s4 =	simm.s32 $0x104B0;
	v15 =	vld.idx.msk [tilespmem:v15+s0+$0x0], $0xffff  }
0x666: {  	v20 =	vld [tilespmem:s4+$0xFFFFFED0]  }
0x667: {  	v13 =	vshrl.u32 v13, $0x3;
	v21 =	vld [tilespmem:s4+$0xFFFFFEE0]  }
0x668: {  	v7 =	vor.u32 $0x4, v2;
	v13 =	vshll.u32 v13, v1;
	v12 =	vld.idx.msk [tilespmem:v16+s0+$0x0], $0xffff  }
0x669: {  	v13 =	vadd.s32 v13, v7;
	v16 =	vld [tilespmem:s4+$0x120]  }
0x66a: {  	v13 =	vbroadcast v13, $0x0;
	v10 =	vld.idx.msk [tilespmem:v17+s0+$0x0], $0xffff  }
0x66b: {  	v17 =	vld [tilespmem:s4+$0xFFFFFEC0]  }
0x66c: {  	v22 =	vld [tilespmem:s4+$0xFFFFFEF0]  }
0x66d: {  	v23 =	vld [tilespmem:s4+$0xFFFFFF10]  }
0x66e: {  	v24 =	vld [tilespmem:s4+$0xFFFFFF20]  }
0x66f: {  	v25 =	vld [tilespmem:s4+$0xFFFFFF30];
	v16 =	vmul.f32 v16, v10  }
0x670: {  	v13 =	vld.idx.msk [tilespmem:v13+s0+$0x0], $0xffff;
	v17 =	vmul.f32 v17, v18  }
0x671: {  	v20 =	vmul.f32 v20, v18;
	v11 =	vld.idx.msk [tilespmem:v11+s0+$0x0], $0xffff;
	[tilespmem:s4+$0x120] =	vst v16  }
0x672: {  	[tilespmem:s4+$0xFFFFFEC0] =	vst v17;
	v16 =	vmul.f32 v21, v18;
	v17 =	vld [tilespmem:s4+$0xFFFFFF40]  }
0x673: {  	[tilespmem:s4+$0xFFFFFED0] =	vst v20;
	v20 =	vld [tilespmem:s4+$0xFFFFFF60];
	v18 =	vmul.f32 v22, v18  }
0x674: {  	v21 =	vld [tilespmem:s4+$0xFFFFFF70];
	[tilespmem:s4+$0xFFFFFEE0] =	vst v16;
	v16 =	vmul.f32 v23, v14  }
0x675: {  	v22 =	vld [tilespmem:s4+$0xFFFFFF80];
	[tilespmem:s4+$0xFFFFFEF0] =	vst v18;
	v18 =	vmul.f32 v24, v14  }
0x676: {  	s7 =	simm.s32 $0x8;
	v23 =	vld [tilespmem:s4+$0xFFFFFF90];
	[tilespmem:s4+$0xFFFFFF10] =	vst v16;
	v16 =	vmul.f32 v25, v14  }
0x677: {  	s12 =	simm.s32 $0x9;
	v24 =	vmov s7;
	[tilespmem:s4+$0xFFFFFF20] =	vst v18;
	v14 =	vmul.f32 v17, v14;
	v17 =	vld [tilespmem:s4+$0xFFFFFFB0]  }
0x678: {  	s7 =	simm.s32 $0xA;
	v18 =	vshrl.u32 v24, $0x3;
	v24 =	vmov s12;
	s12 =	simm.s32 $0xB;
	[tilespmem:s4+$0xFFFFFF30] =	vst v16;
	v16 =	vmul.f32 v20, v19;
	v20 =	vld [tilespmem:s4+$0xFFFFFFC0]  }
0x679: {  	v25 =	vmov s7;
	s7 =	simm.s32 $0xC;
	v26 =	vmov s12;
	s12 =	simm.s32 $0xD;
	[tilespmem:s4+$0xFFFFFF40] =	vst v14;
	v14 =	vmul.f32 v21, v19;
	v21 =	vld [tilespmem:s4+$0xFFFFFFD0]  }
0x67a: {  	v27 =	vmov s7;
	v28 =	vmov s12;
	s12 =	simm.s32 $0xE;
	[tilespmem:s4+$0xFFFFFF60] =	vst v16;
	v16 =	vmul.f32 v22, v19;
	v22 =	vld [tilespmem:s4+$0xFFFFFFE0]  }
0x67b: {  	v18 =	vshll.u32 v18, v1;
	v29 =	vmov s12;
	[tilespmem:s4+$0xFFFFFF70] =	vst v14;
	v14 =	vmul.f32 v23, v19;
	v19 =	vld [tilespmem:s4+$0x0]  }
0x67c: {  	v18 =	vadd.s32 v2, v18;
	v61 =	vshrl.u32 v29, $0x3;
	[tilespmem:s4+$0xFFFFFF80] =	vst v16;
	v16 =	vmul.f32 v17, v15;
	v17 =	vld [tilespmem:s4+$0x10]  }
0x67d: {  	v23 =	vshrl.u32 v24, $0x3;
	v24 =	vshrl.u32 v25, $0x3;
	[tilespmem:s4+$0xFFFFFF90] =	vst v14;
	v14 =	vmul.f32 v20, v15;
	v20 =	vld [tilespmem:s4+$0x20]  }
0x67e: {  	v25 =	vshrl.u32 v26, $0x3;
	v26 =	vshrl.u32 v27, $0x3;
	[tilespmem:s4+$0xFFFFFFB0] =	vst v16;
	v16 =	vmul.f32 v21, v15;
	v21 =	vld [tilespmem:s4+$0x30]  }
0x67f: {  	v27 =	vshrl.u32 v28, $0x3;
	v23 =	vshll.u32 v23, v1;
	[tilespmem:s4+$0xFFFFFFC0] =	vst v14;
	v14 =	vmul.f32 v22, v15;
	v22 =	vld [tilespmem:s4+$0x50]  }
0x680: {  	v62 =	vld [tilespmem:s4+$0x60];
	v24 =	vshll.u32 v24, v1;
	v25 =	vshll.u32 v25, v1;
	[tilespmem:s4+$0xFFFFFFD0] =	vst v16;
	v15 =	vmul.f32 v19, v13  }
0x681: {  	v16 =	vshll.u32 v26, v1;
	v26 =	vshll.u32 v27, v1;
	v27 =	vld [tilespmem:s4+$0x70];
	[tilespmem:s4+$0xFFFFFFE0] =	vst v14;
	v17 =	vmul.f32 v17, v13  }
0x682: {  	v24 =	vadd.s32 v24, v4;
	v25 =	vadd.s32 v25, v5;
	[tilespmem:s4+$0x0] =	vst v15;
	v19 =	vmul.f32 v20, v13;
	v15 =	vld [tilespmem:s4+$0x80]  }
0x683: {  	v14 =	vbroadcast v18, $0x0;
	v18 =	vshll.u32 v61, v1;
	[tilespmem:s4+$0x10] =	vst v17;
	v17 =	vmul.f32 v21, v13;
	v13 =	vld [tilespmem:s4+$0xA0]  }
0x684: {  	v20 =	vadd.s32 v23, v3;
	v21 =	vadd.s32 v16, v7;
	v16 =	vld [tilespmem:s4+$0xB0];
	[tilespmem:s4+$0x20] =	vst v19;
	v63 =	vmul.f32 v22, v12  }
0x685: {  	v23 =	vadd.s32 v26, v8;
	v19 =	vbroadcast v20, $0x0;
	v22 =	vmul.f32 v62, v12;
	[tilespmem:s4+$0x30] =	vst v17;
	v17 =	vld [tilespmem:s4+$0xC0]  }
0x686: {  	s2 =	simm.s32 $0x10;
	s7 =	simm.s32 $0xF;
	v20 =	vbroadcast v24, $0x0;
	v24 =	vadd.s32 v18, v9;
	v18 =	vld [tilespmem:s4+$0xD0];
	v26 =	vmul.f32 v27, v12;
	[tilespmem:s4+$0x50] =	vst v63  }
.LBB2_23:
0x687: {  	p0 =	slt.u32 s2, $0x48;
	v25 =	vbroadcast v25, $0x0;
	v27 =	vmov s7;
	[tilespmem:s4+$0x60] =	vst v22;
	v12 =	vmul.f32 v15, v12;
	v15 =	vld [tilespmem:s4+$0xF0]  }
0x688: {  	v21 =	vbroadcast v21, $0x0;
	v22 =	vshrl.u32 v27, $0x3;
	[tilespmem:s4+$0x70] =	vst v26;
	v13 =	vmul.f32 v13, v11;
	v26 =	vld [tilespmem:s4+$0x100]  }
0x689: {  	v23 =	vbroadcast v23, $0x0;
	v22 =	vshll.u32 v22, v1;
	[tilespmem:s4+$0x80] =	vst v12;
	v12 =	vmul.f32 v16, v11;
	v16 =	vld [tilespmem:s4+$0x110]  }
0x68a: {  	v24 =	vbroadcast v24, $0x0;
	v14 =	vld.idx.msk [tilespmem:v14+s0+$0x0], $0xffff;
	v22 =	vadd.s32 v22, v6;
	[tilespmem:s4+$0xA0] =	vst v13;
	v13 =	vmul.f32 v17, v11  }
0x68b: {  	v17 =	vld.idx.msk [tilespmem:v19+s0+$0x0], $0xffff;
	v19 =	vbroadcast v22, $0x0;
	[tilespmem:s4+$0xB0] =	vst v12;
	v11 =	vmul.f32 v18, v11  }
0x68c: {  	v18 =	vld.idx.msk [tilespmem:v20+s0+$0x0], $0xffff;
	[tilespmem:s4+$0xC0] =	vst v13;
	v12 =	vmul.f32 v15, v10  }
0x68d: {  	v15 =	vld.idx.msk [tilespmem:v25+s0+$0x0], $0xffff;
	[tilespmem:s4+$0xD0] =	vst v11;
	v11 =	vmul.f32 v26, v10  }
0x68e: {  	v13 =	vld.idx.msk [tilespmem:v21+s0+$0x0], $0xffff;
	[tilespmem:s4+$0xF0] =	vst v12;
	v10 =	vmul.f32 v16, v10  }
0x68f: {  	v12 =	vld.idx.msk [tilespmem:v23+s0+$0x0], $0xffff;
	[tilespmem:s4+$0x100] =	vst v11  }
0x690: {  	v11 =	vld.idx.msk [tilespmem:v24+s0+$0x0], $0xffff;
	[tilespmem:s4+$0x110] =	vst v10  }
0x691: {  	s4 =	sadd.s32 $0x280, s4;
	v10 =	vld.idx.msk [tilespmem:v19+s0+$0x0], $0xffff  }
0x692: {  	v16 =	vld [tilespmem:s4+$0x120]  }
0x693: {  	v19 =	vld [tilespmem:s4+$0xFFFFFEC0]  }
0x694: {  	v20 =	vld [tilespmem:s4+$0xFFFFFED0]  }
0x695: {  	v21 =	vld [tilespmem:s4+$0xFFFFFEE0]  }
0x696: {  	v22 =	vld [tilespmem:s4+$0xFFFFFEF0]  }
0x697: {  	v23 =	vld [tilespmem:s4+$0xFFFFFF10];
	v16 =	vmul.f32 v16, v10  }
0x698: {  	v19 =	vmul.f32 v19, v14;
	v24 =	vld [tilespmem:s4+$0xFFFFFF20]  }
0x699: {  	v20 =	vmul.f32 v20, v14;
	v25 =	vld [tilespmem:s4+$0xFFFFFF30];
	[tilespmem:s4+$0x120] =	vst v16  }
0x69a: {  	[tilespmem:s4+$0xFFFFFEC0] =	vst v19;
	v16 =	vmul.f32 v21, v14;
	v19 =	vld [tilespmem:s4+$0xFFFFFF40]  }
0x69b: {  	[tilespmem:s4+$0xFFFFFED0] =	vst v20;
	v14 =	vmul.f32 v22, v14;
	v20 =	vld [tilespmem:s4+$0xFFFFFF60]  }
0x69c: {  	[tilespmem:s4+$0xFFFFFEE0] =	vst v16;
	v16 =	vmul.f32 v23, v17;
	v21 =	vld [tilespmem:s4+$0xFFFFFF70]  }
0x69d: {  	[tilespmem:s4+$0xFFFFFEF0] =	vst v14;
	v14 =	vmul.f32 v24, v17;
	v22 =	vld [tilespmem:s4+$0xFFFFFF80]  }
0x69e: {  	[tilespmem:s4+$0xFFFFFF10] =	vst v16;
	v16 =	vmul.f32 v25, v17;
	v23 =	vld [tilespmem:s4+$0xFFFFFF90]  }
0x69f: {  	s7 =	sadd.s32 $0x1, s2;
	v24 =	vmov s2;
	[tilespmem:s4+$0xFFFFFF20] =	vst v14;
	v14 =	vmul.f32 v19, v17;
	v17 =	vld [tilespmem:s4+$0xFFFFFFB0]  }
0x6a0: {  	s12 =	sadd.s32 $0x3, s2;
	v19 =	vshrl.u32 v24, $0x3;
	v24 =	vmov s7;
	s7 =	sadd.s32 $0x2, s2;
	[tilespmem:s4+$0xFFFFFF30] =	vst v16;
	v16 =	vmul.f32 v20, v18;
	v20 =	vld [tilespmem:s4+$0xFFFFFFC0]  }
0x6a1: {  	v26 =	vmov s12;
	s12 =	sadd.s32 $0x5, s2;
	v25 =	vmov s7;
	s7 =	sadd.s32 $0x4, s2;
	[tilespmem:s4+$0xFFFFFF40] =	vst v14;
	v14 =	vmul.f32 v21, v18;
	v21 =	vld [tilespmem:s4+$0xFFFFFFD0]  }
0x6a2: {  	v28 =	vmov s12;
	v27 =	vmov s7;
	s7 =	sadd.s32 $0x6, s2;
	[tilespmem:s4+$0xFFFFFF60] =	vst v16;
	v16 =	vmul.f32 v22, v18;
	v22 =	vld [tilespmem:s4+$0xFFFFFFE0]  }
0x6a3: {  	v19 =	vshll.u32 v19, v1;
	v29 =	vmov s7;
	[tilespmem:s4+$0xFFFFFF70] =	vst v14;
	v14 =	vmul.f32 v23, v18;
	v18 =	vld [tilespmem:s4+$0x0]  }
0x6a4: {  	v23 =	vshrl.u32 v24, $0x3;
	v24 =	vshrl.u32 v25, $0x3;
	[tilespmem:s4+$0xFFFFFF80] =	vst v16;
	v16 =	vmul.f32 v17, v15;
	v17 =	vld [tilespmem:s4+$0x10]  }
0x6a5: {  	v25 =	vshrl.u32 v26, $0x3;
	v26 =	vshrl.u32 v27, $0x3;
	[tilespmem:s4+$0xFFFFFF90] =	vst v14;
	v14 =	vmul.f32 v20, v15;
	v20 =	vld [tilespmem:s4+$0x20]  }
0x6a6: {  	v27 =	vshrl.u32 v28, $0x3;
	v28 =	vshrl.u32 v29, $0x3;
	[tilespmem:s4+$0xFFFFFFB0] =	vst v16;
	v16 =	vmul.f32 v21, v15;
	v21 =	vld [tilespmem:s4+$0x30]  }
0x6a7: {  	v19 =	vadd.s32 v2, v19;
	v23 =	vshll.u32 v23, v1;
	[tilespmem:s4+$0xFFFFFFC0] =	vst v14;
	v14 =	vmul.f32 v22, v15;
	v22 =	vld [tilespmem:s4+$0x50]  }
0x6a8: {  	v24 =	vshll.u32 v24, v1;
	v25 =	vshll.u32 v25, v1;
	[tilespmem:s4+$0xFFFFFFD0] =	vst v16;
	v15 =	vmul.f32 v18, v13;
	v18 =	vld [tilespmem:s4+$0x60]  }
0x6a9: {  	v16 =	vshll.u32 v26, v1;
	v26 =	vshll.u32 v27, v1;
	[tilespmem:s4+$0xFFFFFFE0] =	vst v14;
	v17 =	vmul.f32 v17, v13;
	v27 =	vld [tilespmem:s4+$0x70]  }
.Ltmp10:
0x6aa: {  	v28 =	vshll.u32 v28, v1;
	v14 =	vbroadcast v19, $0x0;
	[tilespmem:s4+$0x0] =	vst v15;
	v19 =	vmul.f32 v20, v13;
	v15 =	vld [tilespmem:s4+$0x80];
	(pc) =	sbr.rel @p0 .LBB2_23-.Ltmp10, $4  }
0x6ab: {  	v24 =	vadd.s32 v24, v4;
	v20 =	vadd.s32 v23, v3;
	[tilespmem:s4+$0x10] =	vst v17;
	v17 =	vmul.f32 v21, v13;
	v13 =	vld [tilespmem:s4+$0xA0]  }
0x6ac: {  	v25 =	vadd.s32 v25, v5;
	v21 =	vadd.s32 v16, v7;
	[tilespmem:s4+$0x20] =	vst v19;
	v29 =	vmul.f32 v22, v12;
	v16 =	vld [tilespmem:s4+$0xB0]  }
0x6ad: {  	v23 =	vadd.s32 v26, v8;
	v19 =	vbroadcast v20, $0x0;
	[tilespmem:s4+$0x30] =	vst v17;
	v22 =	vmul.f32 v18, v12;
	v17 =	vld [tilespmem:s4+$0xC0]  }
0x6ae: {  	s7 =	sadd.s32 $0x7, s2;
	s2 =	sadd.s32 $0x8, s2;
	v20 =	vbroadcast v24, $0x0;
	v24 =	vadd.s32 v28, v9;
	[tilespmem:s4+$0x50] =	vst v29;
	v26 =	vmul.f32 v27, v12;
	v18 =	vld [tilespmem:s4+$0xD0]  }
0x6af: {  	_ = 	snop  }
0x6b0: {  	v4 =	vld [tilespmem:s4+$0xF0]  }
0x6b1: {  	v7 =	vld [tilespmem:s4+$0x100]  }
0x6b2: {  	v9 =	vld [tilespmem:s4+$0x110]  }
0x6b3: {  	v3 =	vmov s7;
	v14 =	vld.idx.msk [tilespmem:v14+s0+$0x0], $0xffff;
	s2 =	sadd.s32 $0x280, s4;
	v12 =	vmul.f32 v15, v12  }
0x6b4: {  	v2 =	vbroadcast v25, $0x0;
	v3 =	vshrl.u32 v3, $0x3;
	v15 =	vld [tilespmem:s2+$0x120]  }
0x6b5: {  	v5 =	vbroadcast v21, $0x0;
	v3 =	vshll.u32 v3, v1;
	[tilespmem:s4+$0x80] =	vst v12;
	v12 =	vmul.f32 v16, v11;
	v16 =	vld [tilespmem:s2+$0xFFFFFED0]  }
0x6b6: {  	v21 =	vbroadcast v24, $0x0;
	v13 =	vmul.f32 v13, v11;
	v3 =	vadd.s32 v3, v6;
	v6 =	vld.idx.msk [tilespmem:v19+s0+$0x0], $0xffff  }
0x6b7: {  	v19 =	vld.idx.msk [tilespmem:v20+s0+$0x0], $0xffff  }
0x6b8: {  	[tilespmem:s4+$0xA0] =	vst v13;
	v13 =	vmul.f32 v17, v11;
	v17 =	vld [tilespmem:s2+$0xFFFFFEE0]  }
0x6b9: {  	v8 =	vbroadcast v23, $0x0;
	[tilespmem:s4+$0xB0] =	vst v12;
	v12 =	vld [tilespmem:s2+$0xFFFFFEF0]  }
0x6ba: {  	v3 =	vbroadcast v3, $0x0;
	[tilespmem:s4+$0xC0] =	vst v13;
	v13 =	vld [tilespmem:s2+$0xFFFFFF10]  }
0x6bb: {  	v2 =	vld.idx.msk [tilespmem:v2+s0+$0x0], $0xffff  }
0x6bc: {  	v20 =	vld.idx.msk [tilespmem:v21+s0+$0x0], $0xffff  }
0x6bd: {  	v21 =	vld [tilespmem:s2+$0xFFFFFEC0]  }
0x6be: {  	[tilespmem:s4+$0x60] =	vst v22;
	v4 =	vmul.f32 v4, v10;
	v5 =	vld.idx.msk [tilespmem:v5+s0+$0x0], $0xffff  }
0x6bf: {  	[tilespmem:s4+$0x70] =	vst v26;
	v11 =	vmul.f32 v18, v11;
	v8 =	vld.idx.msk [tilespmem:v8+s0+$0x0], $0xffff  }
0x6c0: {  	[tilespmem:s4+$0xF0] =	vst v4;
	v4 =	vmul.f32 v9, v10;
	v3 =	vld.idx.msk [tilespmem:v3+s0+$0x0], $0xffff  }
0x6c1: {  	[tilespmem:s4+$0xD0] =	vst v11;
	v11 =	vld [tilespmem:s2+$0xFFFFFF20];
	v12 =	vmul.f32 v12, v14  }
0x6c2: {  	v9 =	vld [tilespmem:s2+$0xFFFFFF30];
	[tilespmem:s4+$0x110] =	vst v4;
	v4 =	vmul.f32 v21, v14  }
0x6c3: {  	v7 =	vmul.f32 v7, v10;
	v10 =	vld [tilespmem:s2+$0xFFFFFF40];
	[tilespmem:s2+$0xFFFFFEF0] =	vst v12  }
0x6c4: {  	v12 =	vld [tilespmem:s2+$0xFFFFFFC0];
	[tilespmem:s2+$0xFFFFFEC0] =	vst v4;
	v4 =	vmul.f32 v17, v14  }
0x6c5: {  	[tilespmem:s4+$0x100] =	vst v7;
	v17 =	vld [tilespmem:s2+$0xFFFFFF80];
	v7 =	vmul.f32 v15, v3  }
0x6c6: {  	v11 =	vmul.f32 v11, v6;
	v15 =	vld [tilespmem:s2+$0xFFFFFF60];
	[tilespmem:s2+$0xFFFFFEE0] =	vst v4  }
0x6c7: {  	v4 =	vmul.f32 v13, v6;
	[tilespmem:s2+$0x120] =	vst v7;
	v7 =	vld [tilespmem:s2+$0xFFFFFF70]  }
0x6c8: {  	v16 =	vmul.f32 v16, v14;
	v14 =	vld [tilespmem:s2+$0xFFFFFF90];
	[tilespmem:s2+$0xFFFFFF20] =	vst v11  }
0x6c9: {  	v11 =	vld [tilespmem:s2+$0x0];
	[tilespmem:s2+$0xFFFFFF10] =	vst v4;
	v4 =	vmul.f32 v9, v6  }
0x6ca: {  	[tilespmem:s2+$0xFFFFFED0] =	vst v16;
	v13 =	vld [tilespmem:s2+$0xFFFFFFB0];
	v6 =	vmul.f32 v10, v6  }
0x6cb: {  	v9 =	vld [tilespmem:s2+$0xFFFFFFD0];
	[tilespmem:s2+$0xFFFFFF30] =	vst v4;
	v4 =	vmul.f32 v15, v19  }
0x6cc: {  	v10 =	vld [tilespmem:s2+$0xFFFFFFE0];
	[tilespmem:s2+$0xFFFFFF40] =	vst v6;
	v6 =	vmul.f32 v7, v19  }
0x6cd: {  	v15 =	vld [tilespmem:s2+$0x20];
	[tilespmem:s2+$0xFFFFFF60] =	vst v4;
	v4 =	vmul.f32 v17, v19  }
0x6ce: {  	v7 =	vld [tilespmem:s2+$0x10];
	[tilespmem:s2+$0xFFFFFF70] =	vst v6;
	v6 =	vmul.f32 v14, v19  }
0x6cf: {  	v14 =	vld [tilespmem:s2+$0x30];
	[tilespmem:s2+$0xFFFFFF80] =	vst v4;
	v4 =	vmul.f32 v13, v2  }
0x6d0: {  	v13 =	vld [tilespmem:s2+$0x50];
	[tilespmem:s2+$0xFFFFFF90] =	vst v6;
	v6 =	vmul.f32 v12, v2  }
0x6d1: {  	v12 =	vld [tilespmem:s2+$0x60];
	[tilespmem:s2+$0xFFFFFFB0] =	vst v4;
	v4 =	vmul.f32 v9, v2  }
0x6d2: {  	v9 =	vld [tilespmem:s2+$0x70];
	v2 =	vmul.f32 v10, v2;
	[tilespmem:s2+$0xFFFFFFC0] =	vst v6  }
0x6d3: {  	v10 =	vld [tilespmem:s2+$0xA0];
	[tilespmem:s2+$0xFFFFFFD0] =	vst v4;
	v4 =	vmul.f32 v11, v5  }
0x6d4: {  	v6 =	vld [tilespmem:s2+$0x80];
	[tilespmem:s2+$0xFFFFFFE0] =	vst v2;
	v2 =	vmul.f32 v7, v5  }
0x6d5: {  	v7 =	vld [tilespmem:s2+$0xB0];
	[tilespmem:s2+$0x0] =	vst v4;
	v4 =	vmul.f32 v15, v5  }
0x6d6: {  	v11 =	vld [tilespmem:s2+$0xC0];
	[tilespmem:s2+$0x10] =	vst v2;
	v2 =	vmul.f32 v14, v5  }
0x6d7: {  	v5 =	vld [tilespmem:s2+$0xD0];
	[tilespmem:s2+$0x20] =	vst v4;
	v4 =	vmul.f32 v13, v8  }
0x6d8: {  	v13 =	vld [tilespmem:s2+$0xF0];
	[tilespmem:s2+$0x30] =	vst v2;
	v2 =	vmul.f32 v12, v8  }
0x6d9: {  	v12 =	vld [tilespmem:s2+$0x100];
	[tilespmem:s2+$0x50] =	vst v4;
	v4 =	vmul.f32 v9, v8  }
0x6da: {  	[tilespmem:s2+$0x60] =	vst v2;
	v2 =	vmul.f32 v6, v8  }
0x6db: {  	v6 =	vmul.f32 v7, v20;
	v7 =	vmov s22;
	s22 =	simm.s32 $0x1;
	[tilespmem:s2+$0x70] =	vst v4  }
0x6dc: {  	v9 =	vld [tilespmem:s2+$0x110];
	v8 =	vmul.f32 v11, v20;
	v14 =	vmov s22;
	s22 =	simm.s32 $0x3;
	v4 =	vmul.f32 v10, v20;
	[tilespmem:s2+$0x80] =	vst v2  }
0x6dd: {  	v10 =	vmul.f32 v5, v20;
	v2 =	vmul.u32 $0x50, v7;
	[tilespmem:s2+$0xB0] =	vst v6;
	v15 =	vmov s22  }
0x6de: {  	[tilespmem:s2+$0xC0] =	vst v8;
	v14 =	vshrl.u32 v14, $0x3;
	v11 =	vmul.f32 v13, v3;
	v12 =	vmul.f32 v12, v3  }
0x6df: {  	v15 =	vshrl.u32 v15, $0x3;
	v14 =	vshll.u32 v14, v1;
	[tilespmem:s2+$0xA0] =	vst v4;
	v4 =	vor.u32 $0x2, v2  }
0x6e0: {  	s7 =	simm.s32 $0x0;
	s12 =	smul.u32 $0x140, s14;
	v5 =	vor.u32 $0x3, v2;
	v6 =	vor.u32 $0x4, v2;
	v7 =	vor.u32 $0x5, v2;
	[tilespmem:s2+$0xD0] =	vst v10  }
0x6e1: {  	s14 =	simm.s32 $0x2;
	v10 =	vmov s7;
	v15 =	vshll.u32 v15, v1;
	v13 =	vmul.f32 v9, v3;
	[tilespmem:s2+$0xF0] =	vst v11  }
0x6e2: {  	s12 =	sshra.s32 s12, $0x2;
	s7 =	simm.s32 $0x4;
	v3 =	vor.u32 $0x1, v2;
	v9 =	vor.u32 $0x6, v2;
	v11 =	vmov s14;
	[tilespmem:s2+$0x100] =	vst v12  }
0x6e3: {  	s14 =	simm.s32 $0x5;
	v10 =	vshrl.u32 v10, $0x3;
	v12 =	vmov s7;
	s7 =	sadd.s32 $0x2710, s12;
	v15 =	vadd.s32 v15, v5;
	[tilespmem:s2+$0x110] =	vst v13  }
0x6e4: {  	v16 =	vmov s14;
	v10 =	vshll.u32 v10, v1;
	v11 =	vshrl.u32 v11, $0x3;
	[spmem:s3] =	stream.indirect.scatter.add.f32 [tilespmem:s1], [sflag:$0x4], $0x50, s7, s31, $0xb8;
	[tilespmem:$0x1F8C0] =	vst v63  }
0x6e5: {  	v12 =	vshrl.u32 v12, $0x3;
	v14 =	vadd.s32 v14, v3;
	v10 =	vadd.s32 v2, v10;
	_ =	swait.ge [sflag:s23], $0x1900  }
0x6e6: {  	s12 =	sadd.s32 $0x140, s13;
	s13 =	simm.s32 $0x7;
	v15 =	vbroadcast v15, $0x0;
	v11 =	vshll.u32 v11, v1;
	v10 =	vbroadcast v10, $0x0;
	[sflag:s23] =	ssyncset.done $0x0  }
0x6e7: {  	s22 =	simm.s32 $0x6;
	v17 =	vmov s13;
	v14 =	vbroadcast v14, $0x0;
	v11 =	vadd.s32 v11, v4;
	[sflag:s23] =	ssyncadd.s32 $0xFFFFE700  }
0x6e8: {  	v16 =	vshrl.u32 v16, $0x3;
	v12 =	vshll.u32 v12, v1;
	v11 =	vbroadcast v11, $0x0;
	[tilespmem:s1], [sflag:$0x2] =	stream.indirect.gather [hbm4b:s8+s31], $0x50, s12, s31, $0xb8;
	[tilespmem:$0x1F8C0] =	vst v63  }
0x6e9: {  	v13 =	vmov s22;
	v16 =	vshll.u32 v16, v1;
	v12 =	vadd.s32 v12, v6;
	_ =	swait.ge [sflag:s6], $0x1900  }
0x6ea: {  	v13 =	vshrl.u32 v13, $0x3;
	v16 =	vadd.s32 v16, v7;
	v12 =	vbroadcast v12, $0x0;
	[sflag:s6] =	ssyncset.done $0x0  }
0x6eb: {  	v17 =	vshrl.u32 v17, $0x3;
	v13 =	vshll.u32 v13, v1;
	v16 =	vbroadcast v16, $0x0;
	[sflag:s6] =	ssyncadd.s32 $0xFFFFE700  }
0x6ec: {  	v8 =	vor.u32 $0x7, v2;
	v17 =	vshll.u32 v17, v1;
	v13 =	vadd.s32 v13, v9;
	v18 =	vld.idx.msk [tilespmem:v10+s0+$0x0], $0xffff  }
0x6ed: {  	v10 =	vbroadcast v13, $0x0;
	v13 =	vadd.s32 v17, v8;
	v14 =	vld.idx.msk [tilespmem:v14+s0+$0x0], $0xffff  }
0x6ee: {  	v17 =	vld.idx.msk [tilespmem:v11+s0+$0x0], $0xffff;
	v13 =	vbroadcast v13, $0x0  }
0x6ef: {  	v15 =	vld.idx.msk [tilespmem:v15+s0+$0x0], $0xffff  }
0x6f0: {  	v19 =	vld.idx.msk [tilespmem:v12+s0+$0x0], $0xffff  }
0x6f1: {  	s4 =	simm.s32 $0x11DB0;
	v12 =	vld.idx.msk [tilespmem:v16+s0+$0x0], $0xffff  }
0x6f2: {  	v16 =	vld [tilespmem:s4+$0xFFFFFEC0]  }
0x6f3: {  	v11 =	vld.idx.msk [tilespmem:v10+s0+$0x0], $0xffff  }
0x6f4: {  	v10 =	vld.idx.msk [tilespmem:v13+s0+$0x0], $0xffff  }
0x6f5: {  	v13 =	vld [tilespmem:s4+$0x120]  }
0x6f6: {  	v20 =	vld [tilespmem:s4+$0xFFFFFED0]  }
0x6f7: {  	v21 =	vld [tilespmem:s4+$0xFFFFFEE0]  }
0x6f8: {  	v22 =	vld [tilespmem:s4+$0xFFFFFEF0]  }
0x6f9: {  	v23 =	vld [tilespmem:s4+$0xFFFFFF10];
	v16 =	vmul.f32 v16, v18  }
0x6fa: {  	v24 =	vld [tilespmem:s4+$0xFFFFFF20];
	v13 =	vmul.f32 v13, v10  }
0x6fb: {  	v25 =	vld [tilespmem:s4+$0xFFFFFF30];
	v20 =	vmul.f32 v20, v18;
	[tilespmem:s4+$0xFFFFFEC0] =	vst v16  }
0x6fc: {  	v16 =	vld [tilespmem:s4+$0xFFFFFF40];
	[tilespmem:s4+$0x120] =	vst v13;
	v13 =	vmul.f32 v21, v18  }
0x6fd: {  	[tilespmem:s4+$0xFFFFFED0] =	vst v20;
	v20 =	vld [tilespmem:s4+$0xFFFFFF60];
	v18 =	vmul.f32 v22, v18  }
0x6fe: {  	v21 =	vld [tilespmem:s4+$0xFFFFFF70];
	[tilespmem:s4+$0xFFFFFEE0] =	vst v13;
	v13 =	vmul.f32 v23, v14  }
0x6ff: {  	v22 =	vld [tilespmem:s4+$0xFFFFFF80];
	[tilespmem:s4+$0xFFFFFEF0] =	vst v18;
	v18 =	vmul.f32 v24, v14  }
0x700: {  	s13 =	simm.s32 $0xC;
	v23 =	vld [tilespmem:s4+$0xFFFFFF90];
	[tilespmem:s4+$0xFFFFFF10] =	vst v13;
	v13 =	vmul.f32 v25, v14  }
0x701: {  	s14 =	simm.s32 $0x8;
	v27 =	vmov s13;
	s12 =	simm.s32 $0xB;
	[tilespmem:s4+$0xFFFFFF20] =	vst v18;
	v14 =	vmul.f32 v16, v14;
	v16 =	vld [tilespmem:s4+$0xFFFFFFB0]  }
0x702: {  	v26 =	vmov s12;
	v24 =	vmov s14;
	s14 =	simm.s32 $0xD;
	[tilespmem:s4+$0xFFFFFF30] =	vst v13;
	v13 =	vmul.f32 v20, v17;
	v20 =	vld [tilespmem:s4+$0xFFFFFFC0]  }
0x703: {  	s22 =	simm.s32 $0x9;
	s7 =	simm.s32 $0xA;
	v28 =	vmov s14;
	v18 =	vshrl.u32 v24, $0x3;
	[tilespmem:s4+$0xFFFFFF40] =	vst v14;
	v14 =	vmul.f32 v21, v17;
	v21 =	vld [tilespmem:s4+$0xFFFFFFD0]  }
0x704: {  	v24 =	vmov s22;
	v25 =	vmov s7;
	s22 =	simm.s32 $0xE;
	[tilespmem:s4+$0xFFFFFF60] =	vst v13;
	v13 =	vmul.f32 v22, v17;
	v22 =	vld [tilespmem:s4+$0xFFFFFFE0]  }
0x705: {  	v18 =	vshll.u32 v18, v1;
	v29 =	vmov s22;
	[tilespmem:s4+$0xFFFFFF70] =	vst v14;
	v14 =	vmul.f32 v23, v17;
	v17 =	vld [tilespmem:s4+$0x0]  }
0x706: {  	v62 =	vshrl.u32 v29, $0x3;
	v18 =	vadd.s32 v2, v18;
	[tilespmem:s4+$0xFFFFFF80] =	vst v13;
	v13 =	vmul.f32 v16, v15;
	v16 =	vld [tilespmem:s4+$0x10]  }
0x707: {  	v23 =	vshrl.u32 v24, $0x3;
	v24 =	vshrl.u32 v25, $0x3;
	[tilespmem:s4+$0xFFFFFF90] =	vst v14;
	v14 =	vmul.f32 v20, v15;
	v20 =	vld [tilespmem:s4+$0x20]  }
0x708: {  	v25 =	vshrl.u32 v26, $0x3;
	v26 =	vshrl.u32 v27, $0x3;
	[tilespmem:s4+$0xFFFFFFB0] =	vst v13;
	v13 =	vmul.f32 v21, v15;
	v21 =	vld [tilespmem:s4+$0x30]  }
0x709: {  	v27 =	vshrl.u32 v28, $0x3;
	v28 =	vshll.u32 v62, v1;
	[tilespmem:s4+$0xFFFFFFC0] =	vst v14;
	v14 =	vmul.f32 v22, v15;
	v22 =	vld [tilespmem:s4+$0x50]  }
0x70a: {  	v23 =	vshll.u32 v23, v1;
	v24 =	vshll.u32 v24, v1;
	[tilespmem:s4+$0xFFFFFFD0] =	vst v13;
	v13 =	vmul.f32 v17, v19;
	v17 =	vld [tilespmem:s4+$0x60]  }
0x70b: {  	v63 =	vld [tilespmem:s4+$0x70];
	v25 =	vshll.u32 v25, v1;
	v26 =	vshll.u32 v26, v1;
	[tilespmem:s4+$0xFFFFFFE0] =	vst v14;
	v16 =	vmul.f32 v16, v19  }
0x70c: {  	v27 =	vshll.u32 v27, v1;
	v15 =	vld [tilespmem:s4+$0x80];
	v14 =	vbroadcast v18, $0x0;
	[tilespmem:s4+$0x0] =	vst v13;
	v18 =	vmul.f32 v20, v19  }
0x70d: {  	v30 =	vadd.s32 v24, v4;
	v25 =	vadd.s32 v25, v5;
	v13 =	vld [tilespmem:s4+$0xA0];
	[tilespmem:s4+$0x10] =	vst v16;
	v19 =	vmul.f32 v21, v19  }
0x70e: {  	v20 =	vadd.s32 v23, v3;
	v21 =	vadd.s32 v26, v6;
	v16 =	vld [tilespmem:s4+$0xB0];
	[tilespmem:s4+$0x20] =	vst v18;
	v26 =	vmul.f32 v22, v12  }
0x70f: {  	v23 =	vadd.s32 v27, v7;
	v18 =	vbroadcast v20, $0x0;
	[tilespmem:s4+$0x30] =	vst v19;
	v24 =	vmul.f32 v17, v12;
	v17 =	vld [tilespmem:s4+$0xC0]  }
0x710: {  	s2 =	simm.s32 $0x10;
	s7 =	simm.s32 $0xF;
	v20 =	vbroadcast v30, $0x0;
	v22 =	vadd.s32 v28, v9;
	v19 =	vld [tilespmem:s4+$0xD0];
	[tilespmem:s4+$0x50] =	vst v26;
	v26 =	vmul.f32 v63, v12  }
.LBB2_25:
0x711: {  	p0 =	slt.u32 s2, $0x48;
	v25 =	vbroadcast v25, $0x0;
	v27 =	vmov s7;
	[tilespmem:s4+$0x60] =	vst v24;
	v12 =	vmul.f32 v15, v12;
	v15 =	vld [tilespmem:s4+$0xF0]  }
0x712: {  	v21 =	vbroadcast v21, $0x0;
	v24 =	vshrl.u32 v27, $0x3;
	[tilespmem:s4+$0x70] =	vst v26;
	v13 =	vmul.f32 v13, v11;
	v26 =	vld [tilespmem:s4+$0x100]  }
0x713: {  	v23 =	vbroadcast v23, $0x0;
	v24 =	vshll.u32 v24, v1;
	[tilespmem:s4+$0x80] =	vst v12;
	v12 =	vmul.f32 v16, v11;
	v16 =	vld [tilespmem:s4+$0x110]  }
0x714: {  	v22 =	vbroadcast v22, $0x0;
	v14 =	vld.idx.msk [tilespmem:v14+s0+$0x0], $0xffff;
	v24 =	vadd.s32 v24, v8;
	[tilespmem:s4+$0xA0] =	vst v13;
	v13 =	vmul.f32 v17, v11  }
0x715: {  	v17 =	vld.idx.msk [tilespmem:v18+s0+$0x0], $0xffff;
	v18 =	vbroadcast v24, $0x0;
	[tilespmem:s4+$0xB0] =	vst v12;
	v11 =	vmul.f32 v19, v11  }
0x716: {  	v19 =	vld.idx.msk [tilespmem:v20+s0+$0x0], $0xffff;
	[tilespmem:s4+$0xC0] =	vst v13;
	v12 =	vmul.f32 v15, v10  }
0x717: {  	v15 =	vld.idx.msk [tilespmem:v25+s0+$0x0], $0xffff;
	[tilespmem:s4+$0xD0] =	vst v11;
	v11 =	vmul.f32 v26, v10  }
0x718: {  	v13 =	vld.idx.msk [tilespmem:v21+s0+$0x0], $0xffff;
	[tilespmem:s4+$0xF0] =	vst v12;
	v10 =	vmul.f32 v16, v10  }
0x719: {  	v12 =	vld.idx.msk [tilespmem:v23+s0+$0x0], $0xffff;
	[tilespmem:s4+$0x100] =	vst v11  }
0x71a: {  	v11 =	vld.idx.msk [tilespmem:v22+s0+$0x0], $0xffff;
	[tilespmem:s4+$0x110] =	vst v10  }
0x71b: {  	s4 =	sadd.s32 $0x280, s4;
	v10 =	vld.idx.msk [tilespmem:v18+s0+$0x0], $0xffff  }
0x71c: {  	v16 =	vld [tilespmem:s4+$0x120]  }
0x71d: {  	v18 =	vld [tilespmem:s4+$0xFFFFFEC0]  }
0x71e: {  	v20 =	vld [tilespmem:s4+$0xFFFFFED0]  }
0x71f: {  	v21 =	vld [tilespmem:s4+$0xFFFFFEE0]  }
0x720: {  	v22 =	vld [tilespmem:s4+$0xFFFFFEF0]  }
0x721: {  	v23 =	vld [tilespmem:s4+$0xFFFFFF10];
	v16 =	vmul.f32 v16, v10  }
0x722: {  	v18 =	vmul.f32 v18, v14;
	v24 =	vld [tilespmem:s4+$0xFFFFFF20]  }
0x723: {  	v20 =	vmul.f32 v20, v14;
	v25 =	vld [tilespmem:s4+$0xFFFFFF30];
	[tilespmem:s4+$0x120] =	vst v16  }
0x724: {  	[tilespmem:s4+$0xFFFFFEC0] =	vst v18;
	v16 =	vmul.f32 v21, v14;
	v18 =	vld [tilespmem:s4+$0xFFFFFF40]  }
0x725: {  	[tilespmem:s4+$0xFFFFFED0] =	vst v20;
	v14 =	vmul.f32 v22, v14;
	v20 =	vld [tilespmem:s4+$0xFFFFFF60]  }
0x726: {  	[tilespmem:s4+$0xFFFFFEE0] =	vst v16;
	v16 =	vmul.f32 v23, v17;
	v21 =	vld [tilespmem:s4+$0xFFFFFF70]  }
0x727: {  	[tilespmem:s4+$0xFFFFFEF0] =	vst v14;
	v14 =	vmul.f32 v24, v17;
	v22 =	vld [tilespmem:s4+$0xFFFFFF80]  }
0x728: {  	[tilespmem:s4+$0xFFFFFF10] =	vst v16;
	v16 =	vmul.f32 v25, v17;
	v23 =	vld [tilespmem:s4+$0xFFFFFF90]  }
0x729: {  	s7 =	sadd.s32 $0x1, s2;
	v24 =	vmov s2;
	[tilespmem:s4+$0xFFFFFF20] =	vst v14;
	v14 =	vmul.f32 v18, v17;
	v17 =	vld [tilespmem:s4+$0xFFFFFFB0]  }
0x72a: {  	s12 =	sadd.s32 $0x3, s2;
	v18 =	vshrl.u32 v24, $0x3;
	v24 =	vmov s7;
	s7 =	sadd.s32 $0x2, s2;
	[tilespmem:s4+$0xFFFFFF30] =	vst v16;
	v16 =	vmul.f32 v20, v19;
	v20 =	vld [tilespmem:s4+$0xFFFFFFC0]  }
0x72b: {  	v26 =	vmov s12;
	s12 =	sadd.s32 $0x5, s2;
	v25 =	vmov s7;
	s7 =	sadd.s32 $0x4, s2;
	[tilespmem:s4+$0xFFFFFF40] =	vst v14;
	v14 =	vmul.f32 v21, v19;
	v21 =	vld [tilespmem:s4+$0xFFFFFFD0]  }
0x72c: {  	v28 =	vmov s12;
	v27 =	vmov s7;
	s7 =	sadd.s32 $0x6, s2;
	[tilespmem:s4+$0xFFFFFF60] =	vst v16;
	v16 =	vmul.f32 v22, v19;
	v22 =	vld [tilespmem:s4+$0xFFFFFFE0]  }
0x72d: {  	v18 =	vshll.u32 v18, v1;
	v29 =	vmov s7;
	[tilespmem:s4+$0xFFFFFF70] =	vst v14;
	v14 =	vmul.f32 v23, v19;
	v19 =	vld [tilespmem:s4+$0x0]  }
0x72e: {  	v23 =	vshrl.u32 v24, $0x3;
	v24 =	vshrl.u32 v25, $0x3;
	[tilespmem:s4+$0xFFFFFF80] =	vst v16;
	v16 =	vmul.f32 v17, v15;
	v17 =	vld [tilespmem:s4+$0x10]  }
0x72f: {  	v25 =	vshrl.u32 v26, $0x3;
	v26 =	vshrl.u32 v27, $0x3;
	[tilespmem:s4+$0xFFFFFF90] =	vst v14;
	v14 =	vmul.f32 v20, v15;
	v20 =	vld [tilespmem:s4+$0x20]  }
0x730: {  	v27 =	vshrl.u32 v28, $0x3;
	v28 =	vshrl.u32 v29, $0x3;
	[tilespmem:s4+$0xFFFFFFB0] =	vst v16;
	v16 =	vmul.f32 v21, v15;
	v21 =	vld [tilespmem:s4+$0x30]  }
0x731: {  	v18 =	vadd.s32 v2, v18;
	v23 =	vshll.u32 v23, v1;
	[tilespmem:s4+$0xFFFFFFC0] =	vst v14;
	v14 =	vmul.f32 v22, v15;
	v22 =	vld [tilespmem:s4+$0x50]  }
0x732: {  	v24 =	vshll.u32 v24, v1;
	v25 =	vshll.u32 v25, v1;
	[tilespmem:s4+$0xFFFFFFD0] =	vst v16;
	v15 =	vmul.f32 v19, v13;
	v19 =	vld [tilespmem:s4+$0x60]  }
0x733: {  	v16 =	vshll.u32 v26, v1;
	v26 =	vshll.u32 v27, v1;
	[tilespmem:s4+$0xFFFFFFE0] =	vst v14;
	v17 =	vmul.f32 v17, v13;
	v27 =	vld [tilespmem:s4+$0x70]  }
.Ltmp11:
0x734: {  	v28 =	vshll.u32 v28, v1;
	v14 =	vbroadcast v18, $0x0;
	[tilespmem:s4+$0x0] =	vst v15;
	v18 =	vmul.f32 v20, v13;
	v15 =	vld [tilespmem:s4+$0x80];
	(pc) =	sbr.rel @p0 .LBB2_25-.Ltmp11, $4  }
0x735: {  	v29 =	vadd.s32 v24, v4;
	v20 =	vadd.s32 v23, v3;
	[tilespmem:s4+$0x10] =	vst v17;
	v17 =	vmul.f32 v21, v13;
	v13 =	vld [tilespmem:s4+$0xA0]  }
0x736: {  	v25 =	vadd.s32 v25, v5;
	v21 =	vadd.s32 v16, v6;
	[tilespmem:s4+$0x20] =	vst v18;
	v30 =	vmul.f32 v22, v12;
	v16 =	vld [tilespmem:s4+$0xB0]  }
0x737: {  	v23 =	vadd.s32 v26, v7;
	v18 =	vbroadcast v20, $0x0;
	[tilespmem:s4+$0x30] =	vst v17;
	v24 =	vmul.f32 v19, v12;
	v17 =	vld [tilespmem:s4+$0xC0]  }
0x738: {  	s7 =	sadd.s32 $0x7, s2;
	s2 =	sadd.s32 $0x8, s2;
	v20 =	vbroadcast v29, $0x0;
	v22 =	vadd.s32 v28, v9;
	[tilespmem:s4+$0x50] =	vst v30;
	v26 =	vmul.f32 v27, v12;
	v19 =	vld [tilespmem:s4+$0xD0]  }
0x739: {  	_ = 	snop  }
0x73a: {  	v4 =	vld [tilespmem:s4+$0xF0]  }
0x73b: {  	v6 =	vld [tilespmem:s4+$0x100]  }
0x73c: {  	v9 =	vld [tilespmem:s4+$0x110]  }
0x73d: {  	v50 =	vld.idx.msk [tilespmem:v14+s0+$0x0], $0xffff  }
0x73e: {  	v18 =	vld.idx.msk [tilespmem:v18+s0+$0x0], $0xffff  }
0x73f: {  	s2 =	sadd.s32 $0x280, s4;
	v20 =	vld.idx.msk [tilespmem:v20+s0+$0x0], $0xffff  }
0x740: {  	v54 =	vld [tilespmem:s2+$0x120]  }
0x741: {  	v56 =	vld [tilespmem:s2+$0xFFFFFEC0]  }
0x742: {  	v57 =	vld [tilespmem:s2+$0xFFFFFED0]  }
0x743: {  	[tilespmem:s4+$0x60] =	vst v24;
	v12 =	vmul.f32 v15, v12;
	v58 =	vld [tilespmem:s2+$0xFFFFFEE0]  }
0x744: {  	[tilespmem:s4+$0x70] =	vst v26;
	v13 =	vmul.f32 v13, v11;
	v60 =	vld [tilespmem:s2+$0xFFFFFEF0]  }
0x745: {  	v61 =	vld [tilespmem:s2+$0xFFFFFF10];
	[tilespmem:s4+$0x80] =	vst v12;
	v52 =	vmul.f32 v16, v11  }
0x746: {  	v5 =	vbroadcast v21, $0x0;
	v21 =	vld [tilespmem:s2+$0xFFFFFF30];
	[tilespmem:s4+$0xA0] =	vst v13;
	v53 =	vmul.f32 v17, v11  }
0x747: {  	v7 =	vbroadcast v23, $0x0;
	v23 =	vld [tilespmem:s2+$0xFFFFFF40];
	[tilespmem:s4+$0xB0] =	vst v52;
	v55 =	vmul.f32 v19, v11  }
0x748: {  	v24 =	vld [tilespmem:s2+$0xFFFFFF60];
	[tilespmem:s4+$0xC0] =	vst v53;
	v4 =	vmul.f32 v4, v10  }
0x749: {  	v26 =	vld [tilespmem:s2+$0xFFFFFF70];
	v6 =	vmul.f32 v6, v10;
	[tilespmem:s4+$0xD0] =	vst v55  }
0x74a: {  	v28 =	vld [tilespmem:s2+$0xFFFFFF80];
	v59 =	vmul.f32 v9, v10;
	[tilespmem:s4+$0xF0] =	vst v4  }
0x74b: {  	v3 =	vmov s7;
	v30 =	vld [tilespmem:s2+$0xFFFFFF90];
	v63 =	vmul.f32 v56, v50;
	[tilespmem:s4+$0x100] =	vst v6  }
0x74c: {  	v2 =	vbroadcast v25, $0x0;
	v3 =	vshrl.u32 v3, $0x3;
	v32 =	vld [tilespmem:s2+$0xFFFFFFB0];
	v13 =	vmul.f32 v57, v50;
	[tilespmem:s4+$0x110] =	vst v59  }
0x74d: {  	v51 =	vbroadcast v22, $0x0;
	v34 =	vld [tilespmem:s2+$0xFFFFFFC0];
	v3 =	vshll.u32 v3, v1;
	v22 =	vmul.f32 v58, v50;
	[tilespmem:s2+$0xFFFFFEC0] =	vst v63  }
0x74e: {  	v35 =	vld [tilespmem:s2+$0xFFFFFFD0];
	v3 =	vadd.s32 v3, v8;
	v8 =	vmul.f32 v60, v50;
	[tilespmem:s2+$0xFFFFFED0] =	vst v13  }
0x74f: {  	v37 =	vld [tilespmem:s2+$0xFFFFFFE0];
	v25 =	vmul.f32 v61, v18;
	[tilespmem:s2+$0xFFFFFEE0] =	vst v22  }
0x750: {  	v39 =	vld [tilespmem:s2+$0x0];
	v29 =	vmul.f32 v21, v18;
	[tilespmem:s2+$0xFFFFFEF0] =	vst v8  }
0x751: {  	v19 =	vld [tilespmem:s2+$0xFFFFFF20];
	v31 =	vmul.f32 v23, v18;
	[tilespmem:s2+$0xFFFFFF10] =	vst v25  }
0x752: {  	v2 =	vld.idx.msk [tilespmem:v2+s0+$0x0], $0xffff;
	v33 =	vmul.f32 v24, v20;
	[tilespmem:s2+$0xFFFFFF30] =	vst v29  }
0x753: {  	v41 =	vld [tilespmem:s2+$0x10];
	v36 =	vmul.f32 v28, v20;
	[tilespmem:s2+$0xFFFFFF40] =	vst v31  }
0x754: {  	v43 =	vld [tilespmem:s2+$0x20];
	v38 =	vmul.f32 v30, v20;
	[tilespmem:s2+$0xFFFFFF60] =	vst v33  }
0x755: {  	v45 =	vld [tilespmem:s2+$0x30];
	v3 =	vbroadcast v3, $0x0;
	v6 =	vmul.f32 v26, v20;
	[tilespmem:s2+$0xFFFFFF80] =	vst v36  }
0x756: {  	v5 =	vld.idx.msk [tilespmem:v5+s0+$0x0], $0xffff;
	[tilespmem:s2+$0xFFFFFF90] =	vst v38;
	v27 =	vmul.f32 v19, v18  }
0x757: {  	v46 =	vld [tilespmem:s2+$0x50];
	[tilespmem:s2+$0xFFFFFF70] =	vst v6;
	v40 =	vmul.f32 v32, v2  }
0x758: {  	v48 =	vld [tilespmem:s2+$0x60];
	[tilespmem:s2+$0xFFFFFF20] =	vst v27;
	v42 =	vmul.f32 v34, v2  }
0x759: {  	v7 =	vld.idx.msk [tilespmem:v7+s0+$0x0], $0xffff;
	v44 =	vmul.f32 v35, v2;
	[tilespmem:s2+$0xFFFFFFB0] =	vst v40  }
0x75a: {  	v49 =	vld [tilespmem:s2+$0x70];
	v2 =	vmul.f32 v37, v2;
	[tilespmem:s2+$0xFFFFFFC0] =	vst v42  }
0x75b: {  	v3 =	vld.idx.msk [tilespmem:v3+s0+$0x0], $0xffff;
	v47 =	vmul.f32 v39, v5;
	[tilespmem:s2+$0xFFFFFFD0] =	vst v44  }
0x75c: {  	v52 =	vld [tilespmem:s2+$0xA0];
	v50 =	vmul.f32 v43, v5;
	[tilespmem:s2+$0xFFFFFFE0] =	vst v2  }
0x75d: {  	v14 =	vld.idx.msk [tilespmem:v51+s0+$0x0], $0xffff;
	v2 =	vmul.f32 v41, v5;
	[tilespmem:s2+$0x0] =	vst v47  }
0x75e: {  	v51 =	vld [tilespmem:s2+$0x80];
	v53 =	vmul.f32 v46, v7;
	[tilespmem:s2+$0x20] =	vst v50  }
0x75f: {  	[tilespmem:s2+$0x10] =	vst v2;
	v2 =	vmul.f32 v45, v5  }
0x760: {  	v56 =	vmul.f32 v49, v7;
	[tilespmem:s2+$0x50] =	vst v53;
	v62 =	vmul.f32 v54, v3;
	v54 =	vld [tilespmem:s2+$0xB0]  }
0x761: {  	v58 =	vld [tilespmem:s2+$0xF0];
	[tilespmem:s2+$0x30] =	vst v2;
	v2 =	vmul.f32 v48, v7  }
0x762: {  	v57 =	vld [tilespmem:s2+$0xD0];
	v59 =	vmul.f32 v52, v14;
	[tilespmem:s2+$0x70] =	vst v56  }
0x763: {  	v55 =	vld [tilespmem:s2+$0xC0];
	[tilespmem:s2+$0x60] =	vst v2;
	v2 =	vmul.f32 v51, v7  }
0x764: {  	v60 =	vld [tilespmem:s2+$0x100];
	[tilespmem:s2+$0xA0] =	vst v59  }
0x765: {  	v61 =	vld [tilespmem:s2+$0x110];
	[tilespmem:s2+$0x80] =	vst v2;
	v2 =	vmul.f32 v54, v14  }
0x766: {  	v63 =	vmul.f32 v58, v3;
	[tilespmem:s2+$0x120] =	vst v62  }
0x767: {  	[tilespmem:s2+$0xB0] =	vst v2;
	v2 =	vmul.f32 v57, v14  }
0x768: {  	v62 =	vmul.f32 v55, v14;
	[tilespmem:s2+$0xF0] =	vst v63  }
0x769: {  	[tilespmem:s2+$0xD0] =	vst v2;
	v2 =	vmul.f32 v60, v3  }
0x76a: {  	s20 =	sadd.s32 $0x1, s20;
	[tilespmem:s2+$0xC0] =	vst v62;
	v3 =	vmul.f32 v61, v3  }
0x76b: {  	p0 =	sne.s32 s20, $0x29;
	[tilespmem:s2+$0x100] =	vst v2  }
.Ltmp12:
0x76c: {  	s22 =	sadd.s32 $0x2710, s21;
	[tilespmem:s2+$0x110] =	vst v3;
	(pc) =	sbr.rel @p0 .LBB2_20-.Ltmp12, $4  }
0x76d: {  	[spmem:s3] =	stream.indirect.scatter.add.f32 [tilespmem:s24], [sflag:$0x4], $0x50, s22, s31, $0xb8;
	[tilespmem:$0x1F8C0] =	vst v63  }
0x76e: {  	_ =	swait.ge [sflag:s23], $0x1900  }
0x76f: {  	[sflag:s23] =	ssyncset.done $0x0  }
0x770: {  	[sflag:s23] =	ssyncadd.s32 $0xFFFFE700  }
0x771: {  	s2 =	simm.s32 $0x0  }
0x772: {  	s20 =	simm.s32 $0x1;
	s4 =	simm.s32 $0x2;
	s22 =	simm.s32 $0x4;
	v2 =	vmov s2  }
0x773: {  	s7 =	simm.s32 $0x5;
	v3 =	vmov s20;
	v4 =	vmov s4;
	v6 =	vmov s22  }
0x774: {  	v7 =	vmov s7;
	v2 =	vshrl.u32 v2, $0x3;
	v3 =	vshrl.u32 v3, $0x3  }
0x775: {  	v4 =	vshrl.u32 v4, $0x3;
	v6 =	vshrl.u32 v6, $0x3;
	v2 =	vshll.u32 v2, v1  }
0x776: {  	v7 =	vshrl.u32 v7, $0x3;
	v3 =	vshll.u32 v3, v1;
	v2 =	vadd.s32 $0x2670, v2  }
0x777: {  	v4 =	vshll.u32 v4, v1;
	v3 =	vadd.s32 $0x2671, v3;
	v2 =	vbroadcast v2, $0x0  }
0x778: {  	v6 =	vshll.u32 v6, v1;
	v4 =	vadd.s32 $0x2672, v4;
	v3 =	vbroadcast v3, $0x0  }
0x779: {  	_ =	swait.ge [sflag:s25], $0x1900;
	s4 =	simm.s32 $0x6;
	v7 =	vshll.u32 v7, v1;
	v6 =	vadd.s32 $0x2674, v6;
	v4 =	vbroadcast v4, $0x0  }
0x77a: {  	s7 =	simm.s32 $0x7;
	[sflag:s25] =	ssyncset.done $0x0;
	v8 =	vmov s4;
	v7 =	vadd.s32 $0x2675, v7;
	v6 =	vbroadcast v6, $0x0  }
0x77b: {  	v9 =	vmov s7;
	[sflag:s25] =	ssyncadd.s32 $0xFFFFE700;
	s4 =	simm.s32 $0xEBB0;
	v8 =	vshrl.u32 v8, $0x3;
	v7 =	vbroadcast v7, $0x0  }
0x77c: {  	v9 =	vshrl.u32 v9, $0x3;
	v13 =	vld [tilespmem:s4+$0xFFFFFEE0];
	v8 =	vshll.u32 v8, v1  }
0x77d: {  	v9 =	vshll.u32 v9, v1;
	v8 =	vadd.s32 $0x2676, v8;
	v10 =	vld.idx.msk [tilespmem:v2+s0+$0x0], $0xffff  }
0x77e: {  	v2 =	vbroadcast v8, $0x0;
	v8 =	vadd.s32 $0x2677, v9;
	v9 =	vld.idx.msk [tilespmem:v3+s0+$0x0], $0xffff  }
0x77f: {  	v11 =	vld.idx.msk [tilespmem:v4+s0+$0x0], $0xffff;
	v8 =	vbroadcast v8, $0x0  }
0x780: {  	s21 =	simm.s32 $0x3;
	v12 =	vld.idx.msk [tilespmem:v6+s0+$0x0], $0xffff  }
0x781: {  	v5 =	vmov s21;
	v4 =	vld.idx.msk [tilespmem:v7+s0+$0x0], $0xffff  }
0x782: {  	v5 =	vshrl.u32 v5, $0x3;
	v6 =	vld [tilespmem:s4+$0x120]  }
0x783: {  	v5 =	vshll.u32 v5, v1;
	v7 =	vld [tilespmem:s4+$0xFFFFFEC0]  }
0x784: {  	v5 =	vadd.s32 $0x2673, v5;
	v3 =	vld.idx.msk [tilespmem:v2+s0+$0x0], $0xffff  }
0x785: {  	v5 =	vbroadcast v5, $0x0;
	v2 =	vld.idx.msk [tilespmem:v8+s0+$0x0], $0xffff  }
0x786: {  	v8 =	vld [tilespmem:s4+$0xFFFFFED0]  }
0x787: {  	v14 =	vld [tilespmem:s4+$0xFFFFFEF0]  }
0x788: {  	v15 =	vld [tilespmem:s4+$0xFFFFFF10]  }
0x789: {  	v16 =	vld [tilespmem:s4+$0xFFFFFF20];
	v7 =	vmul.f32 v7, v10  }
0x78a: {  	v17 =	vld [tilespmem:s4+$0xFFFFFF30];
	v6 =	vmul.f32 v6, v2  }
0x78b: {  	v5 =	vld.idx.msk [tilespmem:v5+s0+$0x0], $0xffff;
	[tilespmem:s4+$0xFFFFFEC0] =	vst v7;
	v8 =	vmul.f32 v8, v10  }
0x78c: {  	v7 =	vld [tilespmem:s4+$0xFFFFFF40];
	[tilespmem:s4+$0x120] =	vst v6;
	v6 =	vmul.f32 v13, v10  }
0x78d: {  	[tilespmem:s4+$0xFFFFFED0] =	vst v8;
	v8 =	vmul.f32 v14, v10;
	v10 =	vld [tilespmem:s4+$0xFFFFFF60]  }
0x78e: {  	v13 =	vld [tilespmem:s4+$0xFFFFFF70];
	[tilespmem:s4+$0xFFFFFEE0] =	vst v6;
	v6 =	vmul.f32 v15, v9  }
0x78f: {  	v14 =	vld [tilespmem:s4+$0xFFFFFF80];
	[tilespmem:s4+$0xFFFFFEF0] =	vst v8;
	v8 =	vmul.f32 v16, v9  }
0x790: {  	s14 =	simm.s32 $0xB;
	v15 =	vld [tilespmem:s4+$0xFFFFFF90];
	[tilespmem:s4+$0xFFFFFF10] =	vst v6;
	v6 =	vmul.f32 v17, v9  }
0x791: {  	v18 =	vmov s14;
	s20 =	simm.s32 $0xC;
	s21 =	simm.s32 $0xD;
	v7 =	vmul.f32 v7, v9;
	[tilespmem:s4+$0xFFFFFF20] =	vst v8;
	v8 =	vld [tilespmem:s4+$0xFFFFFFB0]  }
0x792: {  	s11 =	simm.s32 $0x8;
	s22 =	simm.s32 $0xE;
	v19 =	vmov s20;
	v20 =	vmov s21;
	[tilespmem:s4+$0xFFFFFF30] =	vst v6;
	v6 =	vmul.f32 v10, v11;
	v10 =	vld [tilespmem:s4+$0xFFFFFFC0]  }
0x793: {  	s12 =	simm.s32 $0x9;
	v21 =	vmov s22;
	[tilespmem:s4+$0xFFFFFF40] =	vst v7;
	v16 =	vmov s11;
	v7 =	vmul.f32 v13, v11;
	v13 =	vld [tilespmem:s4+$0xFFFFFFD0]  }
0x794: {  	s13 =	simm.s32 $0xA;
	v9 =	vshrl.u32 v16, $0x3;
	v16 =	vmov s12;
	[tilespmem:s4+$0xFFFFFF60] =	vst v6;
	v6 =	vmul.f32 v14, v11;
	v14 =	vld [tilespmem:s4+$0xFFFFFFE0]  }
0x795: {  	v17 =	vmov s13;
	v9 =	vshll.u32 v9, v1;
	[tilespmem:s4+$0xFFFFFF70] =	vst v7;
	v7 =	vmul.f32 v15, v11;
	v11 =	vld [tilespmem:s4+$0x0]  }
0x796: {  	v9 =	vadd.s32 $0x2670, v9;
	v15 =	vshrl.u32 v16, $0x3;
	[tilespmem:s4+$0xFFFFFF80] =	vst v6;
	v6 =	vmul.f32 v8, v5;
	v8 =	vld [tilespmem:s4+$0x10]  }
0x797: {  	v16 =	vshrl.u32 v17, $0x3;
	v17 =	vshrl.u32 v18, $0x3;
	[tilespmem:s4+$0xFFFFFF90] =	vst v7;
	v7 =	vmul.f32 v10, v5;
	v10 =	vld [tilespmem:s4+$0x20]  }
0x798: {  	v18 =	vshrl.u32 v19, $0x3;
	v19 =	vshrl.u32 v20, $0x3;
	[tilespmem:s4+$0xFFFFFFB0] =	vst v6;
	v6 =	vmul.f32 v13, v5;
	v13 =	vld [tilespmem:s4+$0x30]  }
0x799: {  	v20 =	vshrl.u32 v21, $0x3;
	v15 =	vshll.u32 v15, v1;
	[tilespmem:s4+$0xFFFFFFC0] =	vst v7;
	v5 =	vmul.f32 v14, v5;
	v14 =	vld [tilespmem:s4+$0x50]  }
0x79a: {  	v63 =	vld [tilespmem:s4+$0x60];
	v16 =	vshll.u32 v16, v1;
	v17 =	vshll.u32 v17, v1;
	v7 =	vmul.f32 v11, v12;
	[tilespmem:s4+$0xFFFFFFD0] =	vst v6  }
0x79b: {  	v11 =	vshll.u32 v18, v1;
	v18 =	vshll.u32 v19, v1;
	v19 =	vld [tilespmem:s4+$0x70];
	[tilespmem:s4+$0xFFFFFFE0] =	vst v5;
	v5 =	vmul.f32 v8, v12  }
0x79c: {  	v20 =	vshll.u32 v20, v1;
	v17 =	vadd.s32 $0x2673, v17;
	[tilespmem:s4+$0x0] =	vst v7;
	v7 =	vld [tilespmem:s4+$0x80];
	v8 =	vmul.f32 v10, v12  }
0x79d: {  	v6 =	vbroadcast v9, $0x0;
	v9 =	vadd.s32 $0x2671, v15;
	[tilespmem:s4+$0x10] =	vst v5;
	v12 =	vmul.f32 v13, v12;
	v5 =	vld [tilespmem:s4+$0xA0]  }
0x79e: {  	v15 =	vadd.s32 $0x2676, v20;
	v10 =	vadd.s32 $0x2672, v16;
	[tilespmem:s4+$0x20] =	vst v8;
	v22 =	vmul.f32 v14, v4;
	v8 =	vld [tilespmem:s4+$0xB0]  }
0x79f: {  	v16 =	vmul.f32 v63, v4;
	v13 =	vadd.s32 $0x2674, v11;
	v11 =	vbroadcast v9, $0x0;
	v9 =	vld [tilespmem:s4+$0xC0];
	[tilespmem:s4+$0x30] =	vst v12  }
0x7a0: {  	s2 =	simm.s32 $0x10;
	s7 =	simm.s32 $0xF;
	v14 =	vadd.s32 $0x2675, v18;
	v18 =	vmul.f32 v19, v4;
	v12 =	vbroadcast v10, $0x0;
	v10 =	vld [tilespmem:s4+$0xD0];
	[tilespmem:s4+$0x50] =	vst v22  }
.LBB2_28:
0x7a1: {  	p0 =	slt.u32 s2, $0x48;
	v17 =	vbroadcast v17, $0x0;
	v19 =	vmov s7;
	[tilespmem:s4+$0x60] =	vst v16;
	v4 =	vmul.f32 v7, v4;
	v7 =	vld [tilespmem:s4+$0xF0]  }
0x7a2: {  	v13 =	vbroadcast v13, $0x0;
	v16 =	vshrl.u32 v19, $0x3;
	[tilespmem:s4+$0x70] =	vst v18;
	v5 =	vmul.f32 v5, v3;
	v18 =	vld [tilespmem:s4+$0x100]  }
0x7a3: {  	v14 =	vbroadcast v14, $0x0;
	v16 =	vshll.u32 v16, v1;
	[tilespmem:s4+$0x80] =	vst v4;
	v4 =	vmul.f32 v8, v3;
	v8 =	vld [tilespmem:s4+$0x110]  }
0x7a4: {  	v15 =	vbroadcast v15, $0x0;
	v6 =	vld.idx.msk [tilespmem:v6+s0+$0x0], $0xffff;
	v16 =	vadd.s32 $0x2677, v16;
	[tilespmem:s4+$0xA0] =	vst v5;
	v5 =	vmul.f32 v9, v3  }
0x7a5: {  	v9 =	vld.idx.msk [tilespmem:v11+s0+$0x0], $0xffff;
	v11 =	vbroadcast v16, $0x0;
	[tilespmem:s4+$0xB0] =	vst v4;
	v3 =	vmul.f32 v10, v3  }
0x7a6: {  	v10 =	vld.idx.msk [tilespmem:v12+s0+$0x0], $0xffff;
	[tilespmem:s4+$0xC0] =	vst v5;
	v4 =	vmul.f32 v7, v2  }
0x7a7: {  	v7 =	vld.idx.msk [tilespmem:v17+s0+$0x0], $0xffff;
	[tilespmem:s4+$0xD0] =	vst v3;
	v3 =	vmul.f32 v18, v2  }
0x7a8: {  	v5 =	vld.idx.msk [tilespmem:v13+s0+$0x0], $0xffff;
	[tilespmem:s4+$0xF0] =	vst v4;
	v2 =	vmul.f32 v8, v2  }
0x7a9: {  	v4 =	vld.idx.msk [tilespmem:v14+s0+$0x0], $0xffff;
	[tilespmem:s4+$0x100] =	vst v3  }
0x7aa: {  	v3 =	vld.idx.msk [tilespmem:v15+s0+$0x0], $0xffff;
	[tilespmem:s4+$0x110] =	vst v2  }
0x7ab: {  	s4 =	sadd.s32 $0x280, s4;
	v2 =	vld.idx.msk [tilespmem:v11+s0+$0x0], $0xffff  }
0x7ac: {  	v8 =	vld [tilespmem:s4+$0x120]  }
0x7ad: {  	v11 =	vld [tilespmem:s4+$0xFFFFFEC0]  }
0x7ae: {  	v12 =	vld [tilespmem:s4+$0xFFFFFED0]  }
0x7af: {  	v13 =	vld [tilespmem:s4+$0xFFFFFEE0]  }
0x7b0: {  	v14 =	vld [tilespmem:s4+$0xFFFFFEF0]  }
0x7b1: {  	v15 =	vld [tilespmem:s4+$0xFFFFFF10];
	v8 =	vmul.f32 v8, v2  }
0x7b2: {  	v11 =	vmul.f32 v11, v6;
	v16 =	vld [tilespmem:s4+$0xFFFFFF20]  }
0x7b3: {  	v12 =	vmul.f32 v12, v6;
	v17 =	vld [tilespmem:s4+$0xFFFFFF30];
	[tilespmem:s4+$0x120] =	vst v8  }
0x7b4: {  	[tilespmem:s4+$0xFFFFFEC0] =	vst v11;
	v8 =	vmul.f32 v13, v6;
	v11 =	vld [tilespmem:s4+$0xFFFFFF40]  }
0x7b5: {  	[tilespmem:s4+$0xFFFFFED0] =	vst v12;
	v6 =	vmul.f32 v14, v6;
	v12 =	vld [tilespmem:s4+$0xFFFFFF60]  }
0x7b6: {  	[tilespmem:s4+$0xFFFFFEE0] =	vst v8;
	v8 =	vmul.f32 v15, v9;
	v13 =	vld [tilespmem:s4+$0xFFFFFF70]  }
0x7b7: {  	[tilespmem:s4+$0xFFFFFEF0] =	vst v6;
	v6 =	vmul.f32 v16, v9;
	v14 =	vld [tilespmem:s4+$0xFFFFFF80]  }
0x7b8: {  	[tilespmem:s4+$0xFFFFFF10] =	vst v8;
	v8 =	vmul.f32 v17, v9;
	v15 =	vld [tilespmem:s4+$0xFFFFFF90]  }
0x7b9: {  	s7 =	sadd.s32 $0x1, s2;
	v16 =	vmov s2;
	[tilespmem:s4+$0xFFFFFF20] =	vst v6;
	v6 =	vmul.f32 v11, v9;
	v9 =	vld [tilespmem:s4+$0xFFFFFFB0]  }
0x7ba: {  	s11 =	sadd.s32 $0x3, s2;
	v11 =	vshrl.u32 v16, $0x3;
	v16 =	vmov s7;
	s7 =	sadd.s32 $0x2, s2;
	[tilespmem:s4+$0xFFFFFF30] =	vst v8;
	v8 =	vmul.f32 v12, v10;
	v12 =	vld [tilespmem:s4+$0xFFFFFFC0]  }
0x7bb: {  	v18 =	vmov s11;
	s11 =	sadd.s32 $0x5, s2;
	v17 =	vmov s7;
	s7 =	sadd.s32 $0x4, s2;
	[tilespmem:s4+$0xFFFFFF40] =	vst v6;
	v6 =	vmul.f32 v13, v10;
	v13 =	vld [tilespmem:s4+$0xFFFFFFD0]  }
0x7bc: {  	v20 =	vmov s11;
	v19 =	vmov s7;
	s7 =	sadd.s32 $0x6, s2;
	[tilespmem:s4+$0xFFFFFF60] =	vst v8;
	v8 =	vmul.f32 v14, v10;
	v14 =	vld [tilespmem:s4+$0xFFFFFFE0]  }
0x7bd: {  	v11 =	vshll.u32 v11, v1;
	v21 =	vmov s7;
	[tilespmem:s4+$0xFFFFFF70] =	vst v6;
	v6 =	vmul.f32 v15, v10;
	v10 =	vld [tilespmem:s4+$0x0]  }
0x7be: {  	v15 =	vshrl.u32 v16, $0x3;
	v16 =	vshrl.u32 v17, $0x3;
	[tilespmem:s4+$0xFFFFFF80] =	vst v8;
	v8 =	vmul.f32 v9, v7;
	v9 =	vld [tilespmem:s4+$0x10]  }
0x7bf: {  	v17 =	vshrl.u32 v18, $0x3;
	v18 =	vshrl.u32 v19, $0x3;
	[tilespmem:s4+$0xFFFFFF90] =	vst v6;
	v6 =	vmul.f32 v12, v7;
	v12 =	vld [tilespmem:s4+$0x20]  }
0x7c0: {  	v19 =	vshrl.u32 v20, $0x3;
	v20 =	vshrl.u32 v21, $0x3;
	[tilespmem:s4+$0xFFFFFFB0] =	vst v8;
	v8 =	vmul.f32 v13, v7;
	v13 =	vld [tilespmem:s4+$0x30]  }
0x7c1: {  	v11 =	vadd.s32 $0x2670, v11;
	v15 =	vshll.u32 v15, v1;
	[tilespmem:s4+$0xFFFFFFC0] =	vst v6;
	v6 =	vmul.f32 v14, v7;
	v14 =	vld [tilespmem:s4+$0x50]  }
0x7c2: {  	v16 =	vshll.u32 v16, v1;
	v17 =	vshll.u32 v17, v1;
	[tilespmem:s4+$0xFFFFFFD0] =	vst v8;
	v7 =	vmul.f32 v10, v5;
	v10 =	vld [tilespmem:s4+$0x60]  }
0x7c3: {  	v8 =	vshll.u32 v18, v1;
	v18 =	vshll.u32 v19, v1;
	[tilespmem:s4+$0xFFFFFFE0] =	vst v6;
	v9 =	vmul.f32 v9, v5;
	v19 =	vld [tilespmem:s4+$0x70]  }
.Ltmp13:
0x7c4: {  	v20 =	vshll.u32 v20, v1;
	v6 =	vbroadcast v11, $0x0;
	[tilespmem:s4+$0x0] =	vst v7;
	v11 =	vmul.f32 v12, v5;
	v7 =	vld [tilespmem:s4+$0x80];
	(pc) =	sbr.rel @p0 .LBB2_28-.Ltmp13, $4  }
0x7c5: {  	v12 =	vadd.s32 $0x2671, v15;
	v15 =	vadd.s32 $0x2672, v16;
	[tilespmem:s4+$0x10] =	vst v9;
	v9 =	vmul.f32 v13, v5;
	v5 =	vld [tilespmem:s4+$0xA0]  }
0x7c6: {  	v17 =	vadd.s32 $0x2673, v17;
	v13 =	vadd.s32 $0x2674, v8;
	[tilespmem:s4+$0x20] =	vst v11;
	v21 =	vmul.f32 v14, v4;
	v8 =	vld [tilespmem:s4+$0xB0]  }
0x7c7: {  	v11 =	vbroadcast v12, $0x0;
	v14 =	vadd.s32 $0x2675, v18;
	[tilespmem:s4+$0x30] =	vst v9;
	v16 =	vmul.f32 v10, v4;
	v9 =	vld [tilespmem:s4+$0xC0]  }
0x7c8: {  	s7 =	sadd.s32 $0x7, s2;
	s2 =	sadd.s32 $0x8, s2;
	v12 =	vbroadcast v15, $0x0;
	v15 =	vadd.s32 $0x2676, v20;
	[tilespmem:s4+$0x50] =	vst v21;
	v18 =	vmul.f32 v19, v4;
	v10 =	vld [tilespmem:s4+$0xD0]  }
0x7c9: {  	_ = 	snop  }
0x7ca: {  	v20 =	vld [tilespmem:s4+$0xF0]  }
0x7cb: {  	v21 =	vld [tilespmem:s4+$0x100]  }
0x7cc: {  	v22 =	vld [tilespmem:s4+$0x110]  }
0x7cd: {  	v6 =	vld.idx.msk [tilespmem:v6+s0+$0x0], $0xffff  }
0x7ce: {  	v19 =	vmov s7;
	v11 =	vld.idx.msk [tilespmem:v11+s0+$0x0], $0xffff  }
0x7cf: {  	s2 =	sadd.s32 $0x280, s4;
	v19 =	vshrl.u32 v19, $0x3;
	v12 =	vld.idx.msk [tilespmem:v12+s0+$0x0], $0xffff  }
0x7d0: {  	v17 =	vbroadcast v17, $0x0;
	[tilespmem:s4+$0x60] =	vst v16;
	v4 =	vmul.f32 v7, v4;
	v16 =	vld [tilespmem:s2+$0x120];
	v19 =	vshll.u32 v19, v1  }
0x7d1: {  	v13 =	vbroadcast v13, $0x0;
	[tilespmem:s4+$0x70] =	vst v18;
	v5 =	vmul.f32 v5, v3;
	v18 =	vld [tilespmem:s2+$0xFFFFFF10];
	v19 =	vadd.s32 $0x2677, v19  }
0x7d2: {  	[tilespmem:s4+$0x80] =	vst v4;
	v4 =	vmul.f32 v8, v3;
	v8 =	vld [tilespmem:s2+$0xFFFFFEC0];
	v19 =	vbroadcast v19, $0x0  }
0x7d3: {  	v14 =	vbroadcast v14, $0x0;
	[tilespmem:s4+$0xA0] =	vst v5;
	v5 =	vmul.f32 v9, v3;
	v9 =	vld [tilespmem:s2+$0xFFFFFED0]  }
0x7d4: {  	[tilespmem:s4+$0xB0] =	vst v4;
	v4 =	vld [tilespmem:s2+$0xFFFFFEE0]  }
0x7d5: {  	v15 =	vbroadcast v15, $0x0;
	v3 =	vmul.f32 v10, v3;
	v10 =	vld [tilespmem:s2+$0xFFFFFEF0]  }
0x7d6: {  	v17 =	vld.idx.msk [tilespmem:v17+s0+$0x0], $0xffff  }
0x7d7: {  	[tilespmem:s4+$0xC0] =	vst v5;
	v5 =	vmul.f32 v20, v2;
	v13 =	vld.idx.msk [tilespmem:v13+s0+$0x0], $0xffff  }
0x7d8: {  	[tilespmem:s4+$0xD0] =	vst v3;
	v3 =	vmul.f32 v21, v2;
	v2 =	vmul.f32 v22, v2;
	v7 =	vld.idx.msk [tilespmem:v19+s0+$0x0], $0xffff  }
0x7d9: {  	v14 =	vld.idx.msk [tilespmem:v14+s0+$0x0], $0xffff;
	[tilespmem:s4+$0xF0] =	vst v5  }
0x7da: {  	v5 =	vld [tilespmem:s2+$0xFFFFFF20];
	[tilespmem:s4+$0x110] =	vst v2;
	v2 =	vmul.f32 v8, v6  }
0x7db: {  	v15 =	vld.idx.msk [tilespmem:v15+s0+$0x0], $0xffff;
	[tilespmem:s4+$0x100] =	vst v3;
	v9 =	vmul.f32 v9, v6  }
0x7dc: {  	v8 =	vld [tilespmem:s2+$0xFFFFFF40];
	[tilespmem:s2+$0xFFFFFEC0] =	vst v2;
	v2 =	vmul.f32 v4, v6  }
0x7dd: {  	[tilespmem:s2+$0xFFFFFED0] =	vst v9;
	v3 =	vmul.f32 v16, v7;
	v16 =	vld [tilespmem:s2+$0xFFFFFF30]  }
0x7de: {  	v4 =	vld [tilespmem:s2+$0xFFFFFF70];
	v6 =	vmul.f32 v10, v6;
	[tilespmem:s2+$0xFFFFFEE0] =	vst v2  }
0x7df: {  	v5 =	vmul.f32 v5, v11;
	[tilespmem:s2+$0x120] =	vst v3;
	v3 =	vld [tilespmem:s2+$0xFFFFFF60]  }
0x7e0: {  	v10 =	vld [tilespmem:s2+$0xFFFFFF90];
	v2 =	vmul.f32 v18, v11;
	[tilespmem:s2+$0xFFFFFEF0] =	vst v6  }
0x7e1: {  	v9 =	vld [tilespmem:s2+$0xFFFFFF80];
	[tilespmem:s2+$0xFFFFFF20] =	vst v5;
	v5 =	vmul.f32 v8, v11  }
0x7e2: {  	[tilespmem:s2+$0xFFFFFF10] =	vst v2;
	v2 =	vmul.f32 v16, v11;
	v16 =	vld [tilespmem:s2+$0xFFFFFFC0]  }
0x7e3: {  	v6 =	vld [tilespmem:s2+$0xFFFFFFB0];
	v4 =	vmul.f32 v4, v12;
	[tilespmem:s2+$0xFFFFFF40] =	vst v5  }
0x7e4: {  	[tilespmem:s2+$0xFFFFFF30] =	vst v2;
	v2 =	vmul.f32 v3, v12;
	v3 =	vld [tilespmem:s2+$0xFFFFFFE0]  }
0x7e5: {  	v8 =	vld [tilespmem:s2+$0xFFFFFFD0];
	[tilespmem:s2+$0xFFFFFF70] =	vst v4;
	v4 =	vmul.f32 v10, v12  }
0x7e6: {  	[tilespmem:s2+$0xFFFFFF60] =	vst v2;
	v2 =	vmul.f32 v9, v12;
	v9 =	vld [tilespmem:s2+$0x10]  }
0x7e7: {  	v5 =	vld [tilespmem:s2+$0x0];
	[tilespmem:s2+$0xFFFFFF90] =	vst v4;
	v4 =	vmul.f32 v16, v17  }
0x7e8: {  	[tilespmem:s2+$0xFFFFFF80] =	vst v2;
	v2 =	vmul.f32 v6, v17;
	v6 =	vld [tilespmem:s2+$0x30]  }
0x7e9: {  	v10 =	vld [tilespmem:s2+$0x20];
	[tilespmem:s2+$0xFFFFFFC0] =	vst v4;
	v3 =	vmul.f32 v3, v17  }
0x7ea: {  	[tilespmem:s2+$0xFFFFFFB0] =	vst v2;
	v2 =	vmul.f32 v8, v17;
	v8 =	vld [tilespmem:s2+$0x60]  }
0x7eb: {  	v11 =	vld [tilespmem:s2+$0x50];
	[tilespmem:s2+$0xFFFFFFE0] =	vst v3;
	v3 =	vmul.f32 v9, v13  }
0x7ec: {  	[tilespmem:s2+$0xFFFFFFD0] =	vst v2;
	v2 =	vmul.f32 v5, v13;
	v5 =	vld [tilespmem:s2+$0x80]  }
0x7ed: {  	v4 =	vld [tilespmem:s2+$0x70];
	[tilespmem:s2+$0x10] =	vst v3;
	v3 =	vmul.f32 v6, v13  }
0x7ee: {  	v6 =	vld [tilespmem:s2+$0xC0];
	[tilespmem:s2+$0x0] =	vst v2;
	v2 =	vmul.f32 v10, v13  }
0x7ef: {  	v10 =	vld [tilespmem:s2+$0xB0];
	[tilespmem:s2+$0x30] =	vst v3;
	v3 =	vmul.f32 v8, v14  }
0x7f0: {  	v9 =	vld [tilespmem:s2+$0xA0];
	[tilespmem:s2+$0x20] =	vst v2;
	v2 =	vmul.f32 v11, v14  }
0x7f1: {  	v8 =	vld [tilespmem:s2+$0xF0];
	[tilespmem:s2+$0x60] =	vst v3;
	v3 =	vmul.f32 v5, v14  }
0x7f2: {  	v11 =	vld [tilespmem:s2+$0xD0];
	[tilespmem:s2+$0x50] =	vst v2;
	v2 =	vmul.f32 v4, v14  }
0x7f3: {  	v5 =	vld [tilespmem:s2+$0x110];
	v6 =	vmul.f32 v6, v15;
	[tilespmem:s2+$0x80] =	vst v3  }
0x7f4: {  	v4 =	vld [tilespmem:s2+$0x100];
	v3 =	vmul.f32 v10, v15;
	[tilespmem:s2+$0x70] =	vst v2  }
0x7f5: {  	v2 =	vmul.f32 v9, v15;
	[tilespmem:s2+$0xC0] =	vst v6  }
0x7f6: {  	s21 =	simm.s32 $0x5;
	v8 =	vmul.f32 v8, v7;
	[tilespmem:s2+$0xB0] =	vst v3  }
0x7f7: {  	s12 =	simm.s32 $0x1;
	s13 =	simm.s32 $0x2;
	v10 =	vmov s21;
	[tilespmem:s2+$0xA0] =	vst v2;
	v2 =	vmul.f32 v11, v15  }
0x7f8: {  	s11 =	simm.s32 $0x0;
	v9 =	vmov s12;
	v6 =	vmov s13;
	v5 =	vmul.f32 v5, v7;
	[tilespmem:s2+$0xF0] =	vst v8  }
0x7f9: {  	s14 =	simm.s32 $0x3;
	s22 =	simm.s32 $0x6;
	v9 =	vshrl.u32 v9, $0x3;
	v3 =	vmul.f32 v4, v7;
	v4 =	vmov s11;
	[tilespmem:s2+$0xD0] =	vst v2  }
0x7fa: {  	v8 =	vmov s22;
	v7 =	vmov s14;
	v2 =	vshrl.u32 v4, $0x3;
	[tilespmem:s2+$0x110] =	vst v5  }
0x7fb: {  	s20 =	simm.s32 $0x4;
	s4 =	simm.s32 $0x4D80;
	v2 =	vshll.u32 v2, v1;
	[tilespmem:s2+$0x100] =	vst v3;
	v3 =	vshrl.u32 v6, $0x3;
	v6 =	vshrl.u32 v7, $0x3  }
0x7fc: {  	v7 =	vshrl.u32 v8, $0x3;
	v8 =	vshll.u32 v9, v1;
	v2 =	vadd.s32 $0x26C0, v2;
	[spmem:s3] =	stream.indirect.scatter.add.f32 [tilespmem:s30], [sflag:$0x4], $0x50, s4, s31, $0xb8;
	[tilespmem:$0x1F8C0] =	vst v63  }
0x7fd: {  	v4 =	vmov s20;
	v8 =	vadd.s32 $0x26C1, v8;
	_ =	swait.ge [sflag:s23], $0x1900;
	v2 =	vbroadcast v2, $0x0  }
0x7fe: {  	v4 =	vshrl.u32 v4, $0x3;
	v3 =	vshll.u32 v3, v1;
	v8 =	vbroadcast v8, $0x0;
	[sflag:s23] =	ssyncset.done $0x0  }
0x7ff: {  	v5 =	vshrl.u32 v10, $0x3;
	v4 =	vshll.u32 v4, v1;
	v3 =	vadd.s32 $0x26C2, v3;
	[sflag:s23] =	ssyncadd.s32 $0xFFFFE700  }
0x800: {  	s7 =	simm.s32 $0x7;
	v5 =	vshll.u32 v5, v1;
	v4 =	vadd.s32 $0x26C4, v4;
	v3 =	vbroadcast v3, $0x0;
	_ =	swait.ge [sflag:s5], $0x1900  }
0x801: {  	v9 =	vmov s7;
	v5 =	vadd.s32 $0x26C5, v5;
	v4 =	vbroadcast v4, $0x0;
	[sflag:s5] =	ssyncset.done $0x0  }
0x802: {  	v7 =	vshll.u32 v7, v1;
	v9 =	vshrl.u32 v9, $0x3;
	v5 =	vbroadcast v5, $0x0;
	[sflag:s5] =	ssyncadd.s32 $0xFFFFE700  }
0x803: {  	v7 =	vadd.s32 $0x26C6, v7;
	v9 =	vshll.u32 v9, v1;
	v10 =	vld.idx.msk [tilespmem:v2+s0+$0x0], $0xffff  }
0x804: {  	s4 =	simm.s32 $0x104B0;
	v2 =	vbroadcast v7, $0x0;
	v7 =	vadd.s32 $0x26C7, v9;
	v8 =	vld.idx.msk [tilespmem:v8+s0+$0x0], $0xffff  }
0x805: {  	v12 =	vld [tilespmem:s4+$0xFFFFFED0];
	v7 =	vbroadcast v7, $0x0  }
0x806: {  	v9 =	vld.idx.msk [tilespmem:v3+s0+$0x0], $0xffff  }
0x807: {  	v11 =	vld.idx.msk [tilespmem:v4+s0+$0x0], $0xffff  }
0x808: {  	v4 =	vld.idx.msk [tilespmem:v5+s0+$0x0], $0xffff  }
0x809: {  	v5 =	vld [tilespmem:s4+$0x120]  }
0x80a: {  	v6 =	vshll.u32 v6, v1;
	v3 =	vld.idx.msk [tilespmem:v2+s0+$0x0], $0xffff  }
0x80b: {  	v6 =	vadd.s32 $0x26C3, v6;
	v2 =	vld.idx.msk [tilespmem:v7+s0+$0x0], $0xffff  }
0x80c: {  	v6 =	vbroadcast v6, $0x0;
	v7 =	vld [tilespmem:s4+$0xFFFFFEC0]  }
0x80d: {  	v13 =	vld [tilespmem:s4+$0xFFFFFEE0]  }
0x80e: {  	v14 =	vld [tilespmem:s4+$0xFFFFFEF0]  }
0x80f: {  	v15 =	vld [tilespmem:s4+$0xFFFFFF10]  }
0x810: {  	v16 =	vld [tilespmem:s4+$0xFFFFFF20];
	v5 =	vmul.f32 v5, v2  }
0x811: {  	v17 =	vld [tilespmem:s4+$0xFFFFFF30];
	v7 =	vmul.f32 v7, v10  }
0x812: {  	v6 =	vld.idx.msk [tilespmem:v6+s0+$0x0], $0xffff;
	v12 =	vmul.f32 v12, v10;
	[tilespmem:s4+$0x120] =	vst v5  }
0x813: {  	[tilespmem:s4+$0xFFFFFEC0] =	vst v7;
	v5 =	vmul.f32 v13, v10;
	v7 =	vld [tilespmem:s4+$0xFFFFFF40]  }
0x814: {  	[tilespmem:s4+$0xFFFFFED0] =	vst v12;
	v12 =	vld [tilespmem:s4+$0xFFFFFF60];
	v10 =	vmul.f32 v14, v10  }
0x815: {  	v13 =	vld [tilespmem:s4+$0xFFFFFF70];
	[tilespmem:s4+$0xFFFFFEE0] =	vst v5;
	v5 =	vmul.f32 v15, v8  }
0x816: {  	v14 =	vld [tilespmem:s4+$0xFFFFFF80];
	[tilespmem:s4+$0xFFFFFEF0] =	vst v10;
	v10 =	vmul.f32 v16, v8  }
0x817: {  	s21 =	simm.s32 $0xD;
	v15 =	vld [tilespmem:s4+$0xFFFFFF90];
	[tilespmem:s4+$0xFFFFFF10] =	vst v5;
	v5 =	vmul.f32 v17, v8  }
0x818: {  	v20 =	vmov s21;
	s22 =	simm.s32 $0xE;
	s14 =	simm.s32 $0xB;
	[tilespmem:s4+$0xFFFFFF20] =	vst v10;
	v7 =	vmul.f32 v7, v8;
	v8 =	vld [tilespmem:s4+$0xFFFFFFB0]  }
0x819: {  	s11 =	simm.s32 $0x8;
	v62 =	vmov s22;
	v18 =	vmov s14;
	s20 =	simm.s32 $0xC;
	[tilespmem:s4+$0xFFFFFF30] =	vst v5;
	v5 =	vmul.f32 v12, v9;
	v12 =	vld [tilespmem:s4+$0xFFFFFFC0]  }
0x81a: {  	s12 =	simm.s32 $0x9;
	v19 =	vmov s20;
	v16 =	vmov s11;
	[tilespmem:s4+$0xFFFFFF40] =	vst v7;
	v7 =	vmul.f32 v13, v9;
	v13 =	vld [tilespmem:s4+$0xFFFFFFD0]  }
0x81b: {  	s13 =	simm.s32 $0xA;
	v10 =	vshrl.u32 v16, $0x3;
	v16 =	vmov s12;
	[tilespmem:s4+$0xFFFFFF60] =	vst v5;
	v5 =	vmul.f32 v14, v9;
	v14 =	vld [tilespmem:s4+$0xFFFFFFE0]  }
0x81c: {  	v17 =	vmov s13;
	v10 =	vshll.u32 v10, v1;
	[tilespmem:s4+$0xFFFFFF70] =	vst v7;
	v7 =	vmul.f32 v15, v9;
	v9 =	vld [tilespmem:s4+$0x0]  }
0x81d: {  	v10 =	vadd.s32 $0x26C0, v10;
	v15 =	vshrl.u32 v16, $0x3;
	[tilespmem:s4+$0xFFFFFF80] =	vst v5;
	v5 =	vmul.f32 v8, v6;
	v8 =	vld [tilespmem:s4+$0x10]  }
0x81e: {  	v16 =	vshrl.u32 v17, $0x3;
	v17 =	vshrl.u32 v18, $0x3;
	[tilespmem:s4+$0xFFFFFF90] =	vst v7;
	v7 =	vmul.f32 v12, v6;
	v12 =	vld [tilespmem:s4+$0x20]  }
0x81f: {  	v18 =	vshrl.u32 v19, $0x3;
	v19 =	vshrl.u32 v20, $0x3;
	[tilespmem:s4+$0xFFFFFFB0] =	vst v5;
	v5 =	vmul.f32 v13, v6;
	v13 =	vld [tilespmem:s4+$0x30]  }
0x820: {  	v20 =	vshrl.u32 v62, $0x3;
	v15 =	vshll.u32 v15, v1;
	[tilespmem:s4+$0xFFFFFFC0] =	vst v7;
	v6 =	vmul.f32 v14, v6;
	v14 =	vld [tilespmem:s4+$0x50]  }
0x821: {  	v16 =	vshll.u32 v16, v1;
	v17 =	vshll.u32 v17, v1;
	[tilespmem:s4+$0xFFFFFFD0] =	vst v5;
	v5 =	vmul.f32 v9, v11;
	v9 =	vld [tilespmem:s4+$0x60]  }
0x822: {  	v63 =	vld [tilespmem:s4+$0x70];
	v18 =	vshll.u32 v18, v1;
	v19 =	vshll.u32 v19, v1;
	[tilespmem:s4+$0xFFFFFFE0] =	vst v6;
	v8 =	vmul.f32 v8, v11  }
0x823: {  	v20 =	vshll.u32 v20, v1;
	v7 =	vld [tilespmem:s4+$0x80];
	v6 =	vbroadcast v10, $0x0;
	[tilespmem:s4+$0x0] =	vst v5;
	v10 =	vmul.f32 v12, v11  }
0x824: {  	v17 =	vadd.s32 $0x26C3, v17;
	v12 =	vadd.s32 $0x26C1, v15;
	v5 =	vld [tilespmem:s4+$0xA0];
	[tilespmem:s4+$0x10] =	vst v8;
	v11 =	vmul.f32 v13, v11  }
0x825: {  	v15 =	vadd.s32 $0x26C2, v16;
	v13 =	vadd.s32 $0x26C4, v18;
	v8 =	vld [tilespmem:s4+$0xB0];
	[tilespmem:s4+$0x20] =	vst v10;
	v18 =	vmul.f32 v14, v4  }
0x826: {  	v10 =	vbroadcast v12, $0x0;
	v14 =	vadd.s32 $0x26C5, v19;
	[tilespmem:s4+$0x30] =	vst v11;
	v16 =	vmul.f32 v9, v4;
	v9 =	vld [tilespmem:s4+$0xC0]  }
0x827: {  	s7 =	simm.s32 $0xF;
	s2 =	simm.s32 $0x10;
	v12 =	vbroadcast v15, $0x0;
	v15 =	vadd.s32 $0x26C6, v20;
	v11 =	vld [tilespmem:s4+$0xD0];
	[tilespmem:s4+$0x50] =	vst v18;
	v18 =	vmul.f32 v63, v4  }
.LBB2_30:
0x828: {  	p0 =	slt.u32 s2, $0x48;
	v17 =	vbroadcast v17, $0x0;
	v19 =	vmov s7;
	[tilespmem:s4+$0x60] =	vst v16;
	v4 =	vmul.f32 v7, v4;
	v7 =	vld [tilespmem:s4+$0xF0]  }
0x829: {  	v13 =	vbroadcast v13, $0x0;
	v16 =	vshrl.u32 v19, $0x3;
	[tilespmem:s4+$0x70] =	vst v18;
	v5 =	vmul.f32 v5, v3;
	v18 =	vld [tilespmem:s4+$0x100]  }
0x82a: {  	v14 =	vbroadcast v14, $0x0;
	v16 =	vshll.u32 v16, v1;
	[tilespmem:s4+$0x80] =	vst v4;
	v4 =	vmul.f32 v8, v3;
	v8 =	vld [tilespmem:s4+$0x110]  }
0x82b: {  	v15 =	vbroadcast v15, $0x0;
	v6 =	vld.idx.msk [tilespmem:v6+s0+$0x0], $0xffff;
	v16 =	vadd.s32 $0x26C7, v16;
	[tilespmem:s4+$0xA0] =	vst v5;
	v5 =	vmul.f32 v9, v3  }
0x82c: {  	v9 =	vld.idx.msk [tilespmem:v10+s0+$0x0], $0xffff;
	v10 =	vbroadcast v16, $0x0;
	[tilespmem:s4+$0xB0] =	vst v4;
	v3 =	vmul.f32 v11, v3  }
0x82d: {  	v11 =	vld.idx.msk [tilespmem:v12+s0+$0x0], $0xffff;
	[tilespmem:s4+$0xC0] =	vst v5;
	v4 =	vmul.f32 v7, v2  }
0x82e: {  	v7 =	vld.idx.msk [tilespmem:v17+s0+$0x0], $0xffff;
	[tilespmem:s4+$0xD0] =	vst v3;
	v3 =	vmul.f32 v18, v2  }
0x82f: {  	v5 =	vld.idx.msk [tilespmem:v13+s0+$0x0], $0xffff;
	[tilespmem:s4+$0xF0] =	vst v4;
	v2 =	vmul.f32 v8, v2  }
0x830: {  	v4 =	vld.idx.msk [tilespmem:v14+s0+$0x0], $0xffff;
	[tilespmem:s4+$0x100] =	vst v3  }
0x831: {  	v3 =	vld.idx.msk [tilespmem:v15+s0+$0x0], $0xffff;
	[tilespmem:s4+$0x110] =	vst v2  }
0x832: {  	s4 =	sadd.s32 $0x280, s4;
	v2 =	vld.idx.msk [tilespmem:v10+s0+$0x0], $0xffff  }
0x833: {  	v8 =	vld [tilespmem:s4+$0x120]  }
0x834: {  	v10 =	vld [tilespmem:s4+$0xFFFFFEC0]  }
0x835: {  	v12 =	vld [tilespmem:s4+$0xFFFFFED0]  }
0x836: {  	v13 =	vld [tilespmem:s4+$0xFFFFFEE0]  }
0x837: {  	v14 =	vld [tilespmem:s4+$0xFFFFFEF0]  }
0x838: {  	v15 =	vld [tilespmem:s4+$0xFFFFFF10];
	v8 =	vmul.f32 v8, v2  }
0x839: {  	v10 =	vmul.f32 v10, v6;
	v16 =	vld [tilespmem:s4+$0xFFFFFF20]  }
0x83a: {  	v12 =	vmul.f32 v12, v6;
	v17 =	vld [tilespmem:s4+$0xFFFFFF30];
	[tilespmem:s4+$0x120] =	vst v8  }
0x83b: {  	[tilespmem:s4+$0xFFFFFEC0] =	vst v10;
	v8 =	vmul.f32 v13, v6;
	v10 =	vld [tilespmem:s4+$0xFFFFFF40]  }
0x83c: {  	[tilespmem:s4+$0xFFFFFED0] =	vst v12;
	v6 =	vmul.f32 v14, v6;
	v12 =	vld [tilespmem:s4+$0xFFFFFF60]  }
0x83d: {  	[tilespmem:s4+$0xFFFFFEE0] =	vst v8;
	v8 =	vmul.f32 v15, v9;
	v13 =	vld [tilespmem:s4+$0xFFFFFF70]  }
0x83e: {  	[tilespmem:s4+$0xFFFFFEF0] =	vst v6;
	v6 =	vmul.f32 v16, v9;
	v14 =	vld [tilespmem:s4+$0xFFFFFF80]  }
0x83f: {  	[tilespmem:s4+$0xFFFFFF10] =	vst v8;
	v8 =	vmul.f32 v17, v9;
	v15 =	vld [tilespmem:s4+$0xFFFFFF90]  }
0x840: {  	s7 =	sadd.s32 $0x1, s2;
	v16 =	vmov s2;
	[tilespmem:s4+$0xFFFFFF20] =	vst v6;
	v6 =	vmul.f32 v10, v9;
	v9 =	vld [tilespmem:s4+$0xFFFFFFB0]  }
0x841: {  	s11 =	sadd.s32 $0x3, s2;
	v10 =	vshrl.u32 v16, $0x3;
	v16 =	vmov s7;
	s7 =	sadd.s32 $0x2, s2;
	[tilespmem:s4+$0xFFFFFF30] =	vst v8;
	v8 =	vmul.f32 v12, v11;
	v12 =	vld [tilespmem:s4+$0xFFFFFFC0]  }
0x842: {  	v18 =	vmov s11;
	s11 =	sadd.s32 $0x5, s2;
	v17 =	vmov s7;
	s7 =	sadd.s32 $0x4, s2;
	[tilespmem:s4+$0xFFFFFF40] =	vst v6;
	v6 =	vmul.f32 v13, v11;
	v13 =	vld [tilespmem:s4+$0xFFFFFFD0]  }
0x843: {  	v20 =	vmov s11;
	v19 =	vmov s7;
	s7 =	sadd.s32 $0x6, s2;
	[tilespmem:s4+$0xFFFFFF60] =	vst v8;
	v8 =	vmul.f32 v14, v11;
	v14 =	vld [tilespmem:s4+$0xFFFFFFE0]  }
0x844: {  	v10 =	vshll.u32 v10, v1;
	v21 =	vmov s7;
	[tilespmem:s4+$0xFFFFFF70] =	vst v6;
	v6 =	vmul.f32 v15, v11;
	v11 =	vld [tilespmem:s4+$0x0]  }
0x845: {  	v15 =	vshrl.u32 v16, $0x3;
	v16 =	vshrl.u32 v17, $0x3;
	[tilespmem:s4+$0xFFFFFF80] =	vst v8;
	v8 =	vmul.f32 v9, v7;
	v9 =	vld [tilespmem:s4+$0x10]  }
0x846: {  	v17 =	vshrl.u32 v18, $0x3;
	v18 =	vshrl.u32 v19, $0x3;
	[tilespmem:s4+$0xFFFFFF90] =	vst v6;
	v6 =	vmul.f32 v12, v7;
	v12 =	vld [tilespmem:s4+$0x20]  }
0x847: {  	v19 =	vshrl.u32 v20, $0x3;
	v20 =	vshrl.u32 v21, $0x3;
	[tilespmem:s4+$0xFFFFFFB0] =	vst v8;
	v8 =	vmul.f32 v13, v7;
	v13 =	vld [tilespmem:s4+$0x30]  }
0x848: {  	v10 =	vadd.s32 $0x26C0, v10;
	v15 =	vshll.u32 v15, v1;
	[tilespmem:s4+$0xFFFFFFC0] =	vst v6;
	v6 =	vmul.f32 v14, v7;
	v14 =	vld [tilespmem:s4+$0x50]  }
0x849: {  	v16 =	vshll.u32 v16, v1;
	v17 =	vshll.u32 v17, v1;
	[tilespmem:s4+$0xFFFFFFD0] =	vst v8;
	v7 =	vmul.f32 v11, v5;
	v11 =	vld [tilespmem:s4+$0x60]  }
0x84a: {  	v8 =	vshll.u32 v18, v1;
	v18 =	vshll.u32 v19, v1;
	[tilespmem:s4+$0xFFFFFFE0] =	vst v6;
	v9 =	vmul.f32 v9, v5;
	v19 =	vld [tilespmem:s4+$0x70]  }
.Ltmp14:
0x84b: {  	v20 =	vshll.u32 v20, v1;
	v6 =	vbroadcast v10, $0x0;
	[tilespmem:s4+$0x0] =	vst v7;
	v10 =	vmul.f32 v12, v5;
	v7 =	vld [tilespmem:s4+$0x80];
	(pc) =	sbr.rel @p0 .LBB2_30-.Ltmp14, $4  }
0x84c: {  	v12 =	vadd.s32 $0x26C1, v15;
	v15 =	vadd.s32 $0x26C2, v16;
	[tilespmem:s4+$0x10] =	vst v9;
	v9 =	vmul.f32 v13, v5;
	v5 =	vld [tilespmem:s4+$0xA0]  }
0x84d: {  	v17 =	vadd.s32 $0x26C3, v17;
	v13 =	vadd.s32 $0x26C4, v8;
	[tilespmem:s4+$0x20] =	vst v10;
	v21 =	vmul.f32 v14, v4;
	v8 =	vld [tilespmem:s4+$0xB0]  }
0x84e: {  	v10 =	vbroadcast v12, $0x0;
	v14 =	vadd.s32 $0x26C5, v18;
	[tilespmem:s4+$0x30] =	vst v9;
	v16 =	vmul.f32 v11, v4;
	v9 =	vld [tilespmem:s4+$0xC0]  }
0x84f: {  	s7 =	sadd.s32 $0x7, s2;
	s2 =	sadd.s32 $0x8, s2;
	v12 =	vbroadcast v15, $0x0;
	v15 =	vadd.s32 $0x26C6, v20;
	[tilespmem:s4+$0x50] =	vst v21;
	v18 =	vmul.f32 v19, v4;
	v11 =	vld [tilespmem:s4+$0xD0]  }
0x850: {  	_ = 	snop  }
0x851: {  	v20 =	vld [tilespmem:s4+$0xF0]  }
0x852: {  	v21 =	vld [tilespmem:s4+$0x100]  }
0x853: {  	v22 =	vld [tilespmem:s4+$0x110]  }
0x854: {  	v6 =	vld.idx.msk [tilespmem:v6+s0+$0x0], $0xffff  }
0x855: {  	v10 =	vld.idx.msk [tilespmem:v10+s0+$0x0], $0xffff  }
0x856: {  	s2 =	sadd.s32 $0x280, s4;
	v12 =	vld.idx.msk [tilespmem:v12+s0+$0x0], $0xffff  }
0x857: {  	v32 =	vld [tilespmem:s2+$0x120]  }
0x858: {  	v33 =	vld [tilespmem:s2+$0xFFFFFEC0]  }
0x859: {  	[tilespmem:s4+$0x60] =	vst v16;
	v4 =	vmul.f32 v7, v4;
	v35 =	vld [tilespmem:s2+$0xFFFFFED0]  }
0x85a: {  	v19 =	vmov s7;
	[tilespmem:s4+$0x70] =	vst v18;
	v5 =	vmul.f32 v5, v3;
	v36 =	vld [tilespmem:s2+$0xFFFFFEE0]  }
0x85b: {  	v19 =	vshrl.u32 v19, $0x3;
	v37 =	vld [tilespmem:s2+$0xFFFFFEF0];
	[tilespmem:s4+$0x80] =	vst v4;
	v29 =	vmul.f32 v8, v3  }
0x85c: {  	v38 =	vld [tilespmem:s2+$0xFFFFFF20];
	v19 =	vshll.u32 v19, v1;
	[tilespmem:s4+$0xA0] =	vst v5;
	v31 =	vmul.f32 v9, v3  }
0x85d: {  	v39 =	vld [tilespmem:s2+$0xFFFFFF30];
	v19 =	vadd.s32 $0x26C7, v19;
	[tilespmem:s4+$0xB0] =	vst v29;
	v3 =	vmul.f32 v11, v3  }
0x85e: {  	v40 =	vld [tilespmem:s2+$0xFFFFFF40];
	v19 =	vbroadcast v19, $0x0;
	[tilespmem:s4+$0xC0] =	vst v31;
	v34 =	vmul.f32 v20, v2  }
0x85f: {  	v41 =	vld [tilespmem:s2+$0xFFFFFF60];
	[tilespmem:s4+$0xD0] =	vst v3;
	v3 =	vmul.f32 v21, v2  }
0x860: {  	v42 =	vld [tilespmem:s2+$0xFFFFFF80];
	v2 =	vmul.f32 v22, v2;
	[tilespmem:s4+$0xF0] =	vst v34  }
0x861: {  	v11 =	vmul.f32 v35, v6;
	[tilespmem:s4+$0x100] =	vst v3;
	v3 =	vld [tilespmem:s2+$0xFFFFFF10]  }
0x862: {  	v43 =	vld [tilespmem:s2+$0xFFFFFF90];
	[tilespmem:s4+$0x110] =	vst v2;
	v2 =	vmul.f32 v33, v6  }
0x863: {  	v17 =	vbroadcast v17, $0x0;
	v45 =	vld [tilespmem:s2+$0xFFFFFFB0];
	v5 =	vmul.f32 v37, v6;
	[tilespmem:s2+$0xFFFFFED0] =	vst v11  }
0x864: {  	v30 =	vld.idx.msk [tilespmem:v19+s0+$0x0], $0xffff;
	[tilespmem:s2+$0xFFFFFEC0] =	vst v2;
	v2 =	vmul.f32 v36, v6  }
0x865: {  	v46 =	vld [tilespmem:s2+$0xFFFFFFC0];
	v4 =	vmul.f32 v38, v10;
	[tilespmem:s2+$0xFFFFFEF0] =	vst v5  }
0x866: {  	[tilespmem:s2+$0xFFFFFEE0] =	vst v2;
	v2 =	vmul.f32 v3, v10;
	v3 =	vld [tilespmem:s2+$0xFFFFFF70]  }
0x867: {  	v13 =	vbroadcast v13, $0x0;
	v47 =	vld [tilespmem:s2+$0xFFFFFFD0];
	v44 =	vmul.f32 v40, v10;
	[tilespmem:s2+$0xFFFFFF20] =	vst v4  }
0x868: {  	v48 =	vld [tilespmem:s2+$0xFFFFFFE0];
	[tilespmem:s2+$0xFFFFFF10] =	vst v2;
	v2 =	vmul.f32 v39, v10  }
0x869: {  	v17 =	vld.idx.msk [tilespmem:v17+s0+$0x0], $0xffff;
	[tilespmem:s2+$0xFFFFFF40] =	vst v44;
	v9 =	vmul.f32 v32, v30  }
0x86a: {  	v49 =	vld [tilespmem:s2+$0x0];
	[tilespmem:s2+$0xFFFFFF30] =	vst v2;
	v2 =	vmul.f32 v41, v12  }
0x86b: {  	v14 =	vbroadcast v14, $0x0;
	v50 =	vld [tilespmem:s2+$0x10];
	[tilespmem:s2+$0x120] =	vst v9;
	v3 =	vmul.f32 v3, v12  }
0x86c: {  	v51 =	vld [tilespmem:s2+$0x20];
	[tilespmem:s2+$0xFFFFFF60] =	vst v2;
	v2 =	vmul.f32 v42, v12  }
0x86d: {  	v13 =	vld.idx.msk [tilespmem:v13+s0+$0x0], $0xffff;
	[tilespmem:s2+$0xFFFFFF70] =	vst v3;
	v3 =	vmul.f32 v43, v12  }
0x86e: {  	v52 =	vld [tilespmem:s2+$0x30];
	[tilespmem:s2+$0xFFFFFF80] =	vst v2;
	v2 =	vmul.f32 v45, v17  }
0x86f: {  	v15 =	vbroadcast v15, $0x0;
	v53 =	vld [tilespmem:s2+$0x50];
	[tilespmem:s2+$0xFFFFFF90] =	vst v3;
	v3 =	vmul.f32 v46, v17  }
0x870: {  	v54 =	vld [tilespmem:s2+$0x60];
	[tilespmem:s2+$0xFFFFFFB0] =	vst v2;
	v2 =	vmul.f32 v47, v17  }
0x871: {  	v27 =	vld.idx.msk [tilespmem:v14+s0+$0x0], $0xffff;
	[tilespmem:s2+$0xFFFFFFC0] =	vst v3;
	v3 =	vmul.f32 v48, v17  }
0x872: {  	v55 =	vld [tilespmem:s2+$0x70];
	[tilespmem:s2+$0xFFFFFFD0] =	vst v2;
	v2 =	vmul.f32 v49, v13  }
0x873: {  	v56 =	vld [tilespmem:s2+$0x80];
	[tilespmem:s2+$0xFFFFFFE0] =	vst v3;
	v3 =	vmul.f32 v50, v13  }
0x874: {  	v57 =	vld [tilespmem:s2+$0xA0];
	[tilespmem:s2+$0x0] =	vst v2;
	v2 =	vmul.f32 v51, v13  }
0x875: {  	v28 =	vld.idx.msk [tilespmem:v15+s0+$0x0], $0xffff;
	[tilespmem:s2+$0x10] =	vst v3;
	v3 =	vmul.f32 v52, v13  }
0x876: {  	v58 =	vld [tilespmem:s2+$0xB0];
	[tilespmem:s2+$0x20] =	vst v2;
	v2 =	vmul.f32 v53, v27  }
0x877: {  	v59 =	vld [tilespmem:s2+$0xC0];
	[tilespmem:s2+$0x30] =	vst v3;
	v3 =	vmul.f32 v54, v27  }
0x878: {  	v60 =	vld [tilespmem:s2+$0xD0];
	[tilespmem:s2+$0x50] =	vst v2;
	v2 =	vmul.f32 v55, v27  }
0x879: {  	v61 =	vld [tilespmem:s2+$0xF0];
	[tilespmem:s2+$0x60] =	vst v3;
	v3 =	vmul.f32 v56, v27  }
0x87a: {  	v62 =	vld [tilespmem:s2+$0x100];
	[tilespmem:s2+$0x70] =	vst v2;
	v2 =	vmul.f32 v57, v28  }
0x87b: {  	v63 =	vld [tilespmem:s2+$0x110];
	[tilespmem:s2+$0x80] =	vst v3;
	v3 =	vmul.f32 v58, v28  }
0x87c: {  	[tilespmem:s2+$0xA0] =	vst v2;
	v2 =	vmul.f32 v59, v28  }
0x87d: {  	[tilespmem:s2+$0xB0] =	vst v3;
	v3 =	vmul.f32 v60, v28  }
0x87e: {  	[tilespmem:s2+$0xC0] =	vst v2;
	v2 =	vmul.f32 v61, v30  }
0x87f: {  	[tilespmem:s2+$0xD0] =	vst v3;
	v3 =	vmul.f32 v62, v30  }
0x880: {  	[tilespmem:s2+$0xF0] =	vst v2;
	v2 =	vmul.f32 v63, v30  }
0x881: {  	[tilespmem:s2+$0x100] =	vst v3  }
0x882: {  	s14 =	simm.s32 $0x4DD0;
	[tilespmem:s2+$0x110] =	vst v2  }
0x883: {  	[spmem:s3] =	stream.indirect.scatter.add.f32 [tilespmem:s1], [sflag:$0x4], $0x50, s14, s31, $0xb8;
	[tilespmem:$0x1F8C0] =	vst v63  }
0x884: {  	_ =	swait.ge [sflag:s23], $0x1900  }
0x885: {  	[sflag:s23] =	ssyncset.done $0x0  }
0x886: {  	[sflag:s23] =	ssyncadd.s32 $0xFFFFE700  }
0x887: {  	[bflag:$0x0] =	sbarrier.arrive $0xFFFF  }
0x888: {  	s20 =	rddreg [dreg:$0x14]  }
0x889: {  	[hbm:s20], [sflag:s9] =	dma.local [spmem:s10], $0x186A  }
0x88a: {  	_ =	swait.ge [sflag:s23], $0x186A  }
0x88b: {  	s21 =	rddreg [dreg:$0x16]  }
0x88c: {  	s22 =	rddreg [dreg:$0x15];
	s4 =	sadd.s32 $0x1, s21  }
0x88d: {  	p0 =	sne.s32 s4, s22  }
.Ltmp15:
0x88e: {  	_ = 	snop;
	(pc) =	sbr.rel @p0 .LBB2_1-.Ltmp15, $3  }
0x88f: {  	_ =	sdelay $0x1  }
0x890: {  	[sflag:s23] =	ssyncset.done $0x0  }
0x891: {  	[sflag:s23] =	ssyncadd.s32 $0xFFFFE796  }
0x892: {  	_ =	sfence.sel $0x180000  }
0x893: {  	[bflag:$0x0] =	sbarrier.arrive $0xFFFF  }
0x894: {  	_ =	strace $0x90000047  }
0x895: {  	s0 =	stileid.u32;
	[bflag:$0x2] =	sbarrier.arrive $0xFFFF  }
0x896: {  	p0 =	sne.s32 s0, $0x0;
	s0 =	rddreg [dreg:$0x4]  }
0x897: {  	s0 =	sadd.s32 @!p0 $0x100000, s0  }
0x898: {  	[sflag:s0] =	ssyncadd.tile.s32 @!p0 $0x1;
	_ =	shalt  }
.Lfunc_end2:
_tile_overlayer_lowered:
.L_overlay_start_2:
0x899: {  	(tag) =	ssettag $0x2  }
0x89a: {  	s0 =	rddreg [dreg:$0x0];
	s2 =	stileid.u32  }
0x89b: {  	s1 =	rddreg [dreg:$0x1];
	p0 =	sne.s32 s2, $0x0  }
0x89c: {  	s3 =	rddreg [dreg:$0x2];
	[bflag:$0x3] =	sbarrier.arrive $0xFFFF;
	s2 =	simm.s32 @!p0 $0x1C04  }
0x89d: {  	[timem:s3], [sflag:s2] =	dma.local @!p0 [hbm:s0], s1  }
0x89e: {  	s0 =	simm.s32 @!p0 $0x4  }
0x89f: {  	_ =	swait.ge @!p0 [sflag:s0], s1  }
0x8a0: {  	s1 =	ssub.s32 @!p0 $0x0, s1;
	[sflag:s0] =	ssyncset.done @!p0 $0x0  }
0x8a1: {  	[sflag:s0] =	ssyncadd.s32 @!p0 s1  }
0x8a2: {  	[bflag:$0x3] =	sbarrier.arrive $0xFFFF  }
0x8a3: {  	_ =	shalt  }

</sc_bundles>
